<compile_context>
chip_gen: v7x
topology: tpu7x:2x2x1
jax: 0.10.2.dev20260603
libtpu: 0.0.44.dev20260713+nightly
codegen_flags: <defaults>
</compile_context>

<pallas_src>
import functools

import jax
import jax.numpy as jnp
from jax import lax
from jax.experimental import pallas as pl
from jax.experimental.pallas import tpu as pltpu
from jax.experimental.pallas import tpu_sc as plsc



def _fps_body(npoint, xs_ref, ys_ref, zs_ref, ox_ref, oy_ref, oz_ref,
              opc_ref, dist_ref):
    B, N = xs_ref.shape
    xs = xs_ref[...]
    ys = ys_ref[...]
    zs = zs_ref[...]
    lanes = lax.broadcasted_iota(jnp.int32, (B, N), 1)
    out_lanes = lax.broadcasted_iota(jnp.int32, (B, npoint), 1)
    dist_ref[...] = jnp.full((B, N), 1e10, jnp.float32)

    def step(i, far):
        onehot = lanes == far
        cx = jnp.sum(jnp.where(onehot, xs, 0.0), axis=1, keepdims=True)
        cy = jnp.sum(jnp.where(onehot, ys, 0.0), axis=1, keepdims=True)
        cz = jnp.sum(jnp.where(onehot, zs, 0.0), axis=1, keepdims=True)
        dx = xs - cx
        dy = ys - cy
        dz = zs - cz
        d = (dx * dx + dy * dy) + dz * dz
        dist = jnp.minimum(dist_ref[...], d)
        dist_ref[...] = dist
        m = jnp.max(dist, axis=1, keepdims=True)
        far_new = jnp.min(jnp.where(dist == m, lanes, N), axis=1,
                          keepdims=True).astype(jnp.int32)
        sel = out_lanes == i
        ox_ref[...] = jnp.where(sel, cx, ox_ref[...])
        oy_ref[...] = jnp.where(sel, cy, oy_ref[...])
        oz_ref[...] = jnp.where(sel, cz, oz_ref[...])
        opc_ref[...] = jnp.where(sel, (cx * cx + cy * cy) + cz * cz,
                                 opc_ref[...])
        return far_new

    lax.fori_loop(0, npoint, step, jnp.zeros((B, 1), jnp.int32))


def _fps(xs, ys, zs, npoint):
    B, N = xs.shape
    out = jax.ShapeDtypeStruct((B, npoint), jnp.float32)
    return pl.pallas_call(
        functools.partial(_fps_body, npoint),
        out_shape=[out, out, out, out],
        scratch_shapes=[pltpu.VMEM((B, N), jnp.float32)],
    )(xs, ys, zs)



_SC_MESH = dict(core_axis_name="c", subcore_axis_name="s")


def _bq1_body(N, S, ks, r2s, sps, xs_h, ys_h, zs_h, cx_h, cy_h, cz_h, pc_h,
              g1_h, g2_h, g3_h,
              xs_v, ys_v, zs_v, px_v, cxs_v, cys_v, czs_v, pcs_v,
              i1_v, i2_v, i3_v, t1_v, t2_v, t3_v):
    k1, k2, k3 = ks
    sp1, sp2, sp3 = sps
    r21, r22, r23 = r2s
    w = lax.axis_index("s") * 2 + lax.axis_index("c")
    b = w // 4
    q = w % 4
    S_sub = S // 4
    s0 = q * S_sub
    pltpu.sync_copy(xs_h.at[pl.ds(b * N, N)], xs_v)
    pltpu.sync_copy(ys_h.at[pl.ds(b * N, N)], ys_v)
    pltpu.sync_copy(zs_h.at[pl.ds(b * N, N)], zs_v)
    pltpu.sync_copy(cx_h.at[pl.ds(b * S + s0, S_sub)], cxs_v)
    pltpu.sync_copy(cy_h.at[pl.ds(b * S + s0, S_sub)], cys_v)
    pltpu.sync_copy(cz_h.at[pl.ds(b * S + s0, S_sub)], czs_v)
    pltpu.sync_copy(pc_h.at[pl.ds(b * S + s0, S_sub)], pcs_v)
    iota = lax.iota(jnp.int32, 16)

    def px_step(t, _):
        sl = pl.ds(t * 16, 16)
        xv = xs_v[sl]
        yv = ys_v[sl]
        zv = zs_v[sl]
        px_v[sl] = (xv * xv + yv * yv) + zv * zv
        return 0

    lax.fori_loop(0, N // 16, px_step, 0)

    def scal(ref, i):
        chv = ref[pl.ds((i // 16) * 16, 16)]
        return jnp.sum(jnp.where(iota == i % 16, chv,
                                 jnp.zeros((16,), chv.dtype)))

    def row_fn(rl, _):
        cx_s = scal(cxs_v, rl)
        cy_s = scal(cys_v, rl)
        cz_s = scal(czs_v, rl)
        pc_s = scal(pcs_v, rl)

        def chunk(t, cnts):
            c1, c2, c3 = cnts
            sl = pl.ds(t * 16, 16)
            xv = xs_v[sl]
            yv = ys_v[sl]
            zv = zs_v[sl]
            pxv = px_v[sl]
            dot = (cx_s * xv + cy_s * yv) + cz_s * zv
            d = (pc_s + pxv) - 2.0 * dot
            nvec = t * 16 + iota

            def one(r2, kk, buf, cnt):
                m = d <= r2
                ci = jnp.cumsum(m.astype(jnp.int32))
                pos = cnt + ci - 1
                wr = m & (pos < kk)
                plsc.store_scatter(buf, [jnp.maximum(pos, 0)], nvec, mask=wr)
                return cnt + jnp.sum(m.astype(jnp.int32))

            c1 = one(r21, k1, i1_v, c1)
            c2 = one(r22, k2, i2_v, c2)
            c3 = one(r23, k3, i3_v, c3)
            return (c1, c2, c3)

        zero = jnp.array(0, jnp.int32)
        c1, c2, c3 = lax.fori_loop(0, N // 16, chunk, (zero, zero, zero))
        sg = s0 + rl

        def emit(kk, sp, cnt, buf, tile_v, out_h):
            first = scal(buf, 0)
            spk = sp * kk
            rmod = sg % sp

            def fill(ch, _):
                slot = ch * 16 + iota
                cur = buf[pl.ds(ch * 16, 16)]
                vals = jnp.where(slot < cnt, cur, first)
                gx = plsc.load_gather(xs_v, [vals])
                gy = plsc.load_gather(ys_v, [vals])
                gz = plsc.load_gather(zs_v, [vals])
                base = rmod * kk + slot
                plsc.store_scatter(tile_v, [base], gx - cx_s)
                plsc.store_scatter(tile_v, [base + spk], gy - cy_s)
                plsc.store_scatter(tile_v, [base + 2 * spk], gz - cz_s)
                plsc.store_scatter(tile_v, [base + 3 * spk], gx)
                plsc.store_scatter(tile_v, [base + 4 * spk], gy)
                plsc.store_scatter(tile_v, [base + 5 * spk], gz)
                return 0

            lax.fori_loop(0, kk // 16, fill, 0)

            @pl.when(rmod == sp - 1)
            def _():
                tile = sg // sp
                pltpu.sync_copy(
                    tile_v,
                    out_h.at[pl.ds((b * (S // sp) + tile) * 6 * spk, 6 * spk)])

        emit(k1, sp1, c1, i1_v, t1_v, g1_h)
        emit(k2, sp2, c2, i2_v, t2_v, g2_h)
        emit(k3, sp3, c3, i3_v, t3_v, g3_h)
        return 0

    lax.fori_loop(0, S_sub, row_fn, 0)


def _ball_group1(xs, ys, zs, cx, cy, cz, pc, ks, radii, sps):
    B, N = xs.shape
    S = cx.shape[1]
    r2s = tuple(float(r) * float(r) for r in radii)
    kern = pl.kernel(
        functools.partial(_bq1_body, N, S, ks, r2s, sps),
        out_type=[jax.ShapeDtypeStruct((B * S * k * 6,), jnp.float32)
                  for k in ks],
        mesh=plsc.VectorSubcoreMesh(**_SC_MESH),
        compiler_params=pltpu.CompilerParams(needs_layout_passes=False),
        scratch_types=[
            pltpu.VMEM((N,), jnp.float32), pltpu.VMEM((N,), jnp.float32),
            pltpu.VMEM((N,), jnp.float32), pltpu.VMEM((N,), jnp.float32),
            pltpu.VMEM((S // 4,), jnp.float32),
            pltpu.VMEM((S // 4,), jnp.float32),
            pltpu.VMEM((S // 4,), jnp.float32),
            pltpu.VMEM((S // 4,), jnp.float32),
            pltpu.VMEM((ks[0],), jnp.int32),
            pltpu.VMEM((ks[1],), jnp.int32),
            pltpu.VMEM((ks[2],), jnp.int32),
            pltpu.VMEM((6 * sps[0] * ks[0],), jnp.float32),
            pltpu.VMEM((6 * sps[1] * ks[1],), jnp.float32),
            pltpu.VMEM((6 * sps[2] * ks[2],), jnp.float32),
        ],
    )
    outs = kern(xs.reshape(-1), ys.reshape(-1), zs.reshape(-1),
                cx.reshape(-1), cy.reshape(-1), cz.reshape(-1),
                pc.reshape(-1))
    return list(outs)


def _bq2_body(N, S, ks, r2s, xs_h, ys_h, zs_h, cx_h, cy_h, cz_h, pc_h,
              o1_h, o2_h, o3_h,
              xs_v, ys_v, zs_v, px_v, cxs_v, cys_v, czs_v, pcs_v,
              i1_v, i2_v, i3_v):
    k1, k2, k3 = ks
    r21, r22, r23 = r2s
    w = lax.axis_index("s") * 2 + lax.axis_index("c")
    b = w // 4
    q = w % 4
    S_sub = S // 4
    s0 = q * S_sub
    pltpu.sync_copy(xs_h.at[pl.ds(b * N, N)], xs_v)
    pltpu.sync_copy(ys_h.at[pl.ds(b * N, N)], ys_v)
    pltpu.sync_copy(zs_h.at[pl.ds(b * N, N)], zs_v)
    pltpu.sync_copy(cx_h.at[pl.ds(b * S + s0, S_sub)], cxs_v)
    pltpu.sync_copy(cy_h.at[pl.ds(b * S + s0, S_sub)], cys_v)
    pltpu.sync_copy(cz_h.at[pl.ds(b * S + s0, S_sub)], czs_v)
    pltpu.sync_copy(pc_h.at[pl.ds(b * S + s0, S_sub)], pcs_v)
    iota = lax.iota(jnp.int32, 16)

    def px_step(t, _):
        sl = pl.ds(t * 16, 16)
        xv = xs_v[sl]
        yv = ys_v[sl]
        zv = zs_v[sl]
        px_v[sl] = (xv * xv + yv * yv) + zv * zv
        return 0

    lax.fori_loop(0, N // 16, px_step, 0)

    def scal(ref, i):
        chv = ref[pl.ds((i // 16) * 16, 16)]
        return jnp.sum(jnp.where(iota == i % 16, chv,
                                 jnp.zeros((16,), chv.dtype)))

    def row_fn(rl, _):
        cx_s = scal(cxs_v, rl)
        cy_s = scal(cys_v, rl)
        cz_s = scal(czs_v, rl)
        pc_s = scal(pcs_v, rl)

        def chunk(t, cnts):
            c1, c2, c3 = cnts
            sl = pl.ds(t * 16, 16)
            xv = xs_v[sl]
            yv = ys_v[sl]
            zv = zs_v[sl]
            pxv = px_v[sl]
            dot = (cx_s * xv + cy_s * yv) + cz_s * zv
            d = (pc_s + pxv) - 2.0 * dot
            nvec = t * 16 + iota

            def one(r2, kk, buf, cnt):
                m = d <= r2
                ci = jnp.cumsum(m.astype(jnp.int32))
                pos = cnt + ci - 1
                wr = m & (pos < kk)
                plsc.store_scatter(buf, [jnp.maximum(pos, 0)], nvec,
                                   mask=wr)
                return cnt + jnp.sum(m.astype(jnp.int32))

            c1 = one(r21, k1, i1_v, c1)
            c2 = one(r22, k2, i2_v, c2)
            c3 = one(r23, k3, i3_v, c3)
            return (c1, c2, c3)

        zero = jnp.array(0, jnp.int32)
        c1, c2, c3 = lax.fori_loop(0, N // 16, chunk, (zero, zero, zero))
        sg = s0 + rl

        def emit(kk, cnt, buf, out_h):
            first = scal(buf, 0)

            def fill(ch, _):
                slot = ch * 16 + iota
                cur = buf[pl.ds(ch * 16, 16)]
                buf[pl.ds(ch * 16, 16)] = jnp.where(slot < cnt, cur, first)
                return 0

            lax.fori_loop(0, kk // 16, fill, 0)
            pltpu.sync_copy(buf, out_h.at[pl.ds((b * S + sg) * kk, kk)])

        emit(k1, c1, i1_v, o1_h)
        emit(k2, c2, i2_v, o2_h)
        emit(k3, c3, i3_v, o3_h)
        return 0

    lax.fori_loop(0, S_sub, row_fn, 0)


def _ball_query2(xs, ys, zs, cx, cy, cz, pc, ks, radii):
    B, N = xs.shape
    S = cx.shape[1]
    r2s = tuple(float(r) * float(r) for r in radii)
    kern = pl.kernel(
        functools.partial(_bq2_body, N, S, ks, r2s),
        out_type=[jax.ShapeDtypeStruct((B * S * k,), jnp.int32) for k in ks],
        mesh=plsc.VectorSubcoreMesh(**_SC_MESH),
        compiler_params=pltpu.CompilerParams(needs_layout_passes=False),
        scratch_types=[
            pltpu.VMEM((N,), jnp.float32), pltpu.VMEM((N,), jnp.float32),
            pltpu.VMEM((N,), jnp.float32), pltpu.VMEM((N,), jnp.float32),
            pltpu.VMEM((S // 4,), jnp.float32),
            pltpu.VMEM((S // 4,), jnp.float32),
            pltpu.VMEM((S // 4,), jnp.float32),
            pltpu.VMEM((S // 4,), jnp.float32),
            pltpu.VMEM((ks[0],), jnp.int32),
            pltpu.VMEM((ks[1],), jnp.int32),
            pltpu.VMEM((ks[2],), jnp.int32),
        ],
    )
    outs = kern(xs.reshape(-1), ys.reshape(-1), zs.reshape(-1),
                cx.reshape(-1), cy.reshape(-1), cz.reshape(-1),
                pc.reshape(-1))
    return [o.reshape(B, S * k) for o, k in zip(outs, ks)]



def _mlp1_body(K, sp, g_ref, w1_ref, b1_ref, w2_ref, b2_ref, w3_ref, b3_ref,
               out_ref):
    rows = sp * K
    g6 = g_ref[...].reshape(6, rows)
    h = jnp.maximum(jnp.dot(w1_ref[...], g6) + b1_ref[...], 0.0)
    h = jnp.maximum(jnp.dot(w2_ref[...], h) + b2_ref[...], 0.0)
    h = jnp.maximum(jnp.dot(w3_ref[...], h) + b3_ref[...], 0.0)
    c3 = h.shape[0]
    ht = jnp.transpose(h)
    out_ref[...] = jnp.max(ht.reshape(sp, K, c3), axis=1)[None]


def _mlp1(g, params, K, sp):
    B = 8
    S = g.shape[0] // (B * K * 6)
    (w1, b1), (w2, b2), (w3, b3) = params
    c3 = w3.shape[0]
    grid = (B, S // sp)
    gv = g.reshape(B, S // sp, 6, sp * K)
    return pl.pallas_call(
        functools.partial(_mlp1_body, K, sp),
        grid=grid,
        in_specs=[
            pl.BlockSpec((1, 1, 6, sp * K), lambda b, i: (b, i, 0, 0)),
            pl.BlockSpec(w1.shape, lambda b, i: (0, 0)),
            pl.BlockSpec((b1.shape[0], 1), lambda b, i: (0, 0)),
            pl.BlockSpec(w2.shape, lambda b, i: (0, 0)),
            pl.BlockSpec((b2.shape[0], 1), lambda b, i: (0, 0)),
            pl.BlockSpec(w3.shape, lambda b, i: (0, 0)),
            pl.BlockSpec((b3.shape[0], 1), lambda b, i: (0, 0)),
        ],
        out_specs=pl.BlockSpec((1, sp, c3), lambda b, i: (b, i, 0)),
        out_shape=jax.ShapeDtypeStruct((B, S, c3), jnp.float32),
    )(gv, w1, b1[:, None], w2, b2[:, None], w3, b3[:, None])



def _pre1_body(f_ref, w_ref, b_ref, out_ref):
    out_ref[...] = (jnp.dot(f_ref[...][0], w_ref[...]) + b_ref[...])[None]


def _pre1(f1, w, b):
    B, S, C = f1.shape
    Co = w.shape[1]
    return pl.pallas_call(
        _pre1_body,
        grid=(B,),
        in_specs=[
            pl.BlockSpec((1, S, C), lambda b: (b, 0, 0)),
            pl.BlockSpec((C, Co), lambda b: (0, 0)),
            pl.BlockSpec((Co,), lambda b: (0,)),
        ],
        out_specs=pl.BlockSpec((1, S, Co), lambda b: (b, 0, 0)),
        out_shape=jax.ShapeDtypeStruct((B, S, Co), jnp.float32),
    )(f1, w, b)



def _mlp2_body(K, sp, S1, idx_ref, pre_ref, xyz_ref, c_ref, w1x_ref,
               w2_ref, b2_ref, w3_ref, b3_ref, out_ref):
    rows = sp * K
    idxr = idx_ref[...].reshape(1, rows)
    gt = (lax.broadcasted_iota(jnp.int32, (S1, rows), 0) == idxr
          ).astype(jnp.float32)
    dn = (((0,), (0,)), ((), ()))
    gpre = lax.dot_general(gt, pre_ref[...][0], dimension_numbers=dn)
    gxyz = lax.dot_general(gt, xyz_ref[...][0], dimension_numbers=dn)
    cc = c_ref[...].reshape(sp, 1, 3)
    dxyz = (gxyz.reshape(sp, K, 3) - cc).reshape(rows, 3)
    h = jnp.maximum(gpre + jnp.dot(dxyz, w1x_ref[...]), 0.0)
    h = jnp.maximum(jnp.dot(h, w2_ref[...]) + b2_ref[...], 0.0)
    h = jnp.maximum(jnp.dot(h, w3_ref[...]) + b3_ref[...], 0.0)
    c3 = h.shape[-1]
    out_ref[...] = jnp.max(h.reshape(sp, K, c3), axis=1)[None]


def _mlp2(idx, pre, xyz1, crows, params, K, sp):
    B, S1, C1 = pre.shape
    S = idx.shape[1] // K
    (w1, _), (w2, b2), (w3, b3) = params
    w1x = w1[:, :3]
    c3 = w3.shape[0]
    grid = (B, S // sp)
    iv = idx.reshape(B, S // sp, 8, sp * K // 8)
    return pl.pallas_call(
        functools.partial(_mlp2_body, K, sp, S1),
        grid=grid,
        in_specs=[
            pl.BlockSpec((1, 1, 8, sp * K // 8), lambda b, i: (b, i, 0, 0)),
            pl.BlockSpec((1, S1, C1), lambda b, i: (b, 0, 0)),
            pl.BlockSpec((1, S1, 3), lambda b, i: (b, 0, 0)),
            pl.BlockSpec((1, sp, 3), lambda b, i: (b, i, 0)),
            pl.BlockSpec((3, w1x.shape[0]), lambda b, i: (0, 0)),
            pl.BlockSpec(w2.T.shape, lambda b, i: (0, 0)),
            pl.BlockSpec(b2.shape, lambda b, i: (0,)),
            pl.BlockSpec(w3.T.shape, lambda b, i: (0, 0)),
            pl.BlockSpec(b3.shape, lambda b, i: (0,)),
        ],
        out_specs=pl.BlockSpec((1, sp, c3), lambda b, i: (b, i, 0)),
        out_shape=jax.ShapeDtypeStruct((B, S, c3), jnp.float32),
    )(iv, pre, xyz1, crows, w1x.T, w2.T, b2, w3.T, b3)



def _sa3_body(g_ref, w1_ref, b1_ref, w2_ref, b2_ref, w3_ref, b3_ref, out_ref):
    g = g_ref[...][0]
    h = jnp.maximum(jnp.dot(g, w1_ref[...]) + b1_ref[...], 0.0)
    h = jnp.maximum(jnp.dot(h, w2_ref[...]) + b2_ref[...], 0.0)
    h = jnp.maximum(jnp.dot(h, w3_ref[...]) + b3_ref[...], 0.0)
    out_ref[...] = jnp.max(h, axis=0).reshape(1, 1, -1)


def _sa3(g, params):
    B, S, C = g.shape
    (w1, b1), (w2, b2), (w3, b3) = params
    c3 = w3.shape[0]
    return pl.pallas_call(
        _sa3_body,
        grid=(B,),
        in_specs=[
            pl.BlockSpec((1, S, C), lambda b: (b, 0, 0)),
            pl.BlockSpec(w1.T.shape, lambda b: (0, 0)),
            pl.BlockSpec(b1.shape, lambda b: (0,)),
            pl.BlockSpec(w2.T.shape, lambda b: (0, 0)),
            pl.BlockSpec(b2.shape, lambda b: (0,)),
            pl.BlockSpec(w3.T.shape, lambda b: (0, 0)),
            pl.BlockSpec(b3.shape, lambda b: (0,)),
        ],
        out_specs=pl.BlockSpec((1, 1, c3), lambda b: (b, 0, 0)),
        out_shape=jax.ShapeDtypeStruct((B, 1, c3), jnp.float32),
    )(g, w1.T, b1, w2.T, b2, w3.T, b3).reshape(B, c3)


def _head_body(f_ref, w1_ref, b1_ref, w2_ref, b2_ref, w3_ref, b3_ref, out_ref):
    f = f_ref[...]
    f = jnp.maximum(jnp.dot(f, w1_ref[...]) + b1_ref[...], 0.0)
    f = jnp.maximum(jnp.dot(f, w2_ref[...]) + b2_ref[...], 0.0)
    f = jnp.dot(f, w3_ref[...]) + b3_ref[...]
    out_ref[...] = jax.nn.log_softmax(f, axis=-1)


def _head(feat, params):
    (w1, b1), (w2, b2), (w3, b3) = params
    return pl.pallas_call(
        _head_body,
        out_shape=jax.ShapeDtypeStruct((feat.shape[0], w3.shape[0]),
                                       jnp.float32),
    )(feat, w1.T, b1, w2.T, b2, w3.T, b3)



def kernel(x, sa1_params, sa2_params, sa3_params, head_params):
    B = x.shape[0]
    xs, ys, zs = x[:, 0, :], x[:, 1, :], x[:, 2, :]

    k1 = (16, 32, 128)
    r1 = (0.1, 0.2, 0.4)
    cx1, cy1, cz1, pc1 = _fps(xs, ys, zs, 512)
    sp1 = (64, 32, 16)
    halves = []
    for h in range(2):
        sl = slice(h * 256, (h + 1) * 256)
        g1a, g1b, g1c = _ball_group1(xs, ys, zs, cx1[:, sl], cy1[:, sl],
                                     cz1[:, sl], pc1[:, sl], k1, r1, sp1)
        f1a = _mlp1(g1a, sa1_params[0], 16, 64)
        f1b = _mlp1(g1b, sa1_params[1], 32, 32)
        f1c = _mlp1(g1c, sa1_params[2], 128, 16)
        halves.append(jnp.concatenate([f1a, f1b, f1c], axis=-1))
    f1 = jnp.concatenate(halves, axis=1)

    k2 = (32, 64, 128)
    r2 = (0.2, 0.4, 0.8)
    cx2, cy2, cz2, pc2 = _fps(cx1, cy1, cz1, 128)
    i2a, i2b, i2c = _ball_query2(cx1, cy1, cz1, cx2, cy2, cz2, pc2, k2, r2)
    w1f = jnp.concatenate([p[0][0][:, 3:] for p in sa2_params], axis=0)
    b1f = jnp.concatenate([p[0][1] for p in sa2_params], axis=0)
    pre1 = _pre1(f1, w1f.T, b1f)
    xyz1 = jnp.stack([cx1, cy1, cz1], axis=-1)
    xyz2 = jnp.stack([cx2, cy2, cz2], axis=-1)
    offs = [0, 64, 192]
    widths = [64, 128, 128]
    f2s = []
    for i, (idx, K, st) in enumerate(zip([i2a, i2b, i2c], k2, [32, 16, 8])):
        pre_i = lax.slice_in_dim(pre1, offs[i], offs[i] + widths[i], axis=2)
        f2s.append(_mlp2(idx, pre_i, xyz1, xyz2, sa2_params[i], K, st))
    f2 = jnp.concatenate(f2s, axis=-1)

    g3 = jnp.concatenate([xyz2, f2], axis=-1)
    f3 = _sa3(g3, sa3_params)
    return _head(f3, head_params)

# --- scband reference (transcript-rebuilt; emitter-appended) ---
"""Pipeline reference for scband-point-net2-cls-msg-21182778704780 (READ-ONLY COPY).

The authoritative reference and input builder live on the scoring server;
editing this copy changes nothing except your own understanding.
"""

import jax, jax.numpy as jnp
import numpy as np

N_CLASS = 40

def make_mlp(key, channels):
    params = []
    for cin, cout in zip(channels[:-1], channels[1:]):
        key, k1 = jax.random.split(key)
        W = jax.random.normal(k1, (cout, cin), dtype=jnp.float32) * (1.0 / np.sqrt(cin))
        b = jnp.zeros((cout,), dtype=jnp.float32)
        params.append([W, b])
    return key, params

def setup_inputs(seed: int = 0):
    key = jax.random.key(seed)
    key, kx = jax.random.split(key)
    x = jax.random.uniform(kx, (8, 3, 4096), dtype=jnp.float32)
    sa1_params = []
    for ch in [[6, 32, 32, 64], [6, 64, 64, 128], [6, 64, 96, 128]]:
        key, p = make_mlp(key, ch)
        sa1_params.append(p)
    sa2_params = []
    for ch in [[323, 64, 64, 128], [323, 128, 128, 256], [323, 128, 128, 256]]:
        key, p = make_mlp(key, ch)
        sa2_params.append(p)
    key, sa3_params = make_mlp(key, [643, 256, 512, 1024])
    key, head_params = make_mlp(key, [1024, 512, 256, N_CLASS])
    return {'x': x, 'sa1_params': sa1_params, 'sa2_params': sa2_params, 'sa3_params': sa3_params, 'head_params': head_params}

def square_distance(src, dst):
    return (jnp.sum(src ** 2, -1)[:, :, None] + jnp.sum(dst ** 2, -1)[:, None, :]
            - 2.0 * jnp.einsum('bnc,bmc->bnm', src, dst))

def index_points(points, idx):
    B = points.shape[0]
    batch = jnp.arange(B).reshape((B,) + (1,) * (idx.ndim - 1))
    return points[batch, idx]

def farthest_point_sample(xyz, npoint):
    B, N, _ = xyz.shape
    centroids = []
    distance = jnp.full((B, N), 1e10, dtype=jnp.float32)
    farthest = jnp.zeros((B,), dtype=jnp.int32)
    for _ in range(npoint):
        centroids.append(farthest)
        centroid = xyz[jnp.arange(B), farthest][:, None, :]
        dist = jnp.sum((xyz - centroid) ** 2, axis=-1)
        distance = jnp.minimum(distance, dist)
        farthest = jnp.argmax(distance, axis=-1).astype(jnp.int32)
    return jnp.stack(centroids, axis=1)

def query_ball_point(radius, k, xyz, new_xyz):
    B, N, _ = xyz.shape
    S = new_xyz.shape[1]
    sqrdists = square_distance(new_xyz, xyz)
    group_idx = jnp.broadcast_to(jnp.arange(N, dtype=jnp.int32), (B, S, N))
    group_idx = jnp.where(sqrdists > radius * radius, N, group_idx)
    group_idx = jnp.sort(group_idx, axis=-1)[:, :, :k]
    group_first = group_idx[:, :, :1]
    group_idx = jnp.where(group_idx == N, group_first, group_idx)
    return group_idx

def conv_mlp(feats, params):
    for W, b in params:
        feats = jnp.einsum('bskc,oc->bsko', feats, W) + b
        feats = jax.nn.relu(feats)
    return feats

def sa_msg(xyz, feats, n_group, k_list, r_list, params_list):
    fps_idx = farthest_point_sample(xyz, n_group)
    new_xyz = index_points(xyz, fps_idx)
    outs = []
    for k, r, params in zip(k_list, r_list, params_list):
        idx = query_ball_point(r, k, xyz, new_xyz)
        grouped_xyz = index_points(xyz, idx) - new_xyz[:, :, None, :]
        grouped = jnp.concatenate([grouped_xyz, index_points(feats, idx)], axis=-1)
        h = conv_mlp(grouped, params)
        outs.append(jnp.max(h, axis=2))
    return new_xyz, jnp.concatenate(outs, axis=-1)

def sa_group_all(xyz, feats, params):
    grouped = jnp.concatenate([xyz, feats], axis=-1)[:, None, :, :]
    h = conv_mlp(grouped, params)
    return jnp.max(h, axis=2)

def forward_core(x, sa1_params, sa2_params, sa3_params, head_params):
    pts = jnp.transpose(x, (0, 2, 1))
    xyz1, f1 = sa_msg(pts, pts, 512, [16, 32, 128], [0.1, 0.2, 0.4], sa1_params)
    xyz2, f2 = sa_msg(xyz1, f1, 128, [32, 64, 128], [0.2, 0.4, 0.8], sa2_params)
    f3 = sa_group_all(xyz2, f2, sa3_params)
    feat = f3.reshape(-1, 1024)
    n_layers = len(head_params)
    for i, (W, b) in enumerate(head_params):
        feat = feat @ W.T + b
        if i < n_layers - 1:
            feat = jax.nn.relu(feat)
    return jax.nn.log_softmax(feat, axis=-1)

def reference(x, sa1_params, sa2_params, sa3_params, head_params):
    return forward_core(x, sa1_params, sa2_params, sa3_params, head_params)

if __name__ == "__main__":
    import jax
    _d = setup_inputs()
    print(jax.jit(kernel)(*tuple(_d.values())))

</pallas_src>

<mosaic_0001>
#map = affine_map<(d0, d1) -> (0)>
module attributes {stable_mosaic.version = 14 : i64} {
  func.func @_bq1_body(%arg0: i32, %arg1: i32, %arg2: memref<32768xf32, #tpu.memory_space<hbm>>, %arg3: memref<32768xf32, #tpu.memory_space<hbm>>, %arg4: memref<32768xf32, #tpu.memory_space<hbm>>, %arg5: memref<2048xf32, #tpu.memory_space<hbm>>, %arg6: memref<2048xf32, #tpu.memory_space<hbm>>, %arg7: memref<2048xf32, #tpu.memory_space<hbm>>, %arg8: memref<2048xf32, #tpu.memory_space<hbm>>, %arg9: memref<196608xf32, #tpu.memory_space<hbm>>, %arg10: memref<393216xf32, #tpu.memory_space<hbm>>, %arg11: memref<1572864xf32, #tpu.memory_space<hbm>>, %arg12: memref<4096xf32, #tpu.memory_space<vmem>>, %arg13: memref<4096xf32, #tpu.memory_space<vmem>>, %arg14: memref<4096xf32, #tpu.memory_space<vmem>>, %arg15: memref<4096xf32, #tpu.memory_space<vmem>>, %arg16: memref<64xf32, #tpu.memory_space<vmem>>, %arg17: memref<64xf32, #tpu.memory_space<vmem>>, %arg18: memref<64xf32, #tpu.memory_space<vmem>>, %arg19: memref<64xf32, #tpu.memory_space<vmem>>, %arg20: memref<16xi32, #tpu.memory_space<vmem>>, %arg21: memref<32xi32, #tpu.memory_space<vmem>>, %arg22: memref<128xi32, #tpu.memory_space<vmem>>, %arg23: memref<6144xf32, #tpu.memory_space<vmem>>, %arg24: memref<6144xf32, #tpu.memory_space<vmem>>, %arg25: memref<12288xf32, #tpu.memory_space<vmem>>) attributes {dimension_semantics = [#tpu.dimension_semantics<core_parallel>, #tpu.dimension_semantics<subcore_parallel>], iteration_bounds = array<i64: 2, 16>, scalar_prefetch = 0 : i64, scratch_operands = 14 : i64, tpu.core_type = #tpu.core_type<sc_vector_subcore>, window_params = [{transform_indices = #map}, {transform_indices = #map}, {transform_indices = #map}, {transform_indices = #map}, {transform_indices = #map}, {transform_indices = #map}, {transform_indices = #map}, {transform_indices = #map}, {transform_indices = #map}, {transform_indices = #map}]} {
    %mul3A = arith.constant 2 : i32
    %mul3A_0 = arith.muli %arg1, %mul3A : i32
    %add3A = arith.addi %mul3A_0, %arg0 : i32
    %jit3A = arith.constant 4 : i32
    %div3A = arith.divsi %add3A, %jit3A : i32
    %sign3A = arith.constant 0 : i32
    %sign3A_1 = arith.cmpi sgt, %add3A, %sign3A : i32
    %sign3A_2 = arith.extui %sign3A_1 : i1 to i32
    %sign3A_3 = arith.constant 0 : i32
    %sign3A_4 = arith.cmpi slt, %add3A, %sign3A_3 : i32
    %sign3A_5 = arith.extui %sign3A_4 : i1 to i32
    %sign3A_6 = arith.subi %sign3A_2, %sign3A_5 : i32
    %sign3A_7 = arith.constant 0 : i32
    %sign3A_8 = arith.cmpi sgt, %jit3A, %sign3A_7 : i32
    %sign3A_9 = arith.extui %sign3A_8 : i1 to i32
    %sign3A_10 = arith.constant 0 : i32
    %sign3A_11 = arith.cmpi slt, %jit3A, %sign3A_10 : i32
    %sign3A_12 = arith.extui %sign3A_11 : i1 to i32
    %sign3A_13 = arith.subi %sign3A_9, %sign3A_12 : i32
    %ne3A = arith.cmpi ne, %sign3A_6, %sign3A_13 : i32
    %rem3A = arith.remsi %add3A, %jit3A : i32
    %ne3A_14 = arith.constant 0 : i32
    %ne3A_15 = arith.cmpi ne, %rem3A, %ne3A_14 : i32
    %and3A = arith.andi %ne3A, %ne3A_15 : i1
    %sub3A = arith.constant 1 : i32
    %sub3A_16 = arith.subi %div3A, %sub3A : i32
    %select_n3A = arith.select %and3A, %sub3A_16, %div3A : i32
    %jit3A_17 = arith.constant 4 : i32
    %eq3A = arith.constant 0 : i32
    %eq3A_18 = arith.cmpi eq, %jit3A_17, %eq3A : i32
    %jit3A_19 = arith.constant 1 : i32
    %select_n3A_20 = arith.select %eq3A_18, %jit3A_19, %jit3A_17 : i32
    %rem3A_21 = arith.remsi %add3A, %select_n3A_20 : i32
    %ne3A_22 = arith.constant 0 : i32
    %ne3A_23 = arith.cmpi ne, %rem3A_21, %ne3A_22 : i32
    %lt3A = arith.constant 0 : i32
    %lt3A_24 = arith.cmpi slt, %rem3A_21, %lt3A : i32
    %lt3A_25 = arith.constant 0 : i32
    %lt3A_26 = arith.cmpi slt, %select_n3A_20, %lt3A_25 : i32
    %ne3A_27 = arith.xori %lt3A_24, %lt3A_26 : i1
    %and3A_28 = arith.andi %ne3A_27, %ne3A_23 : i1
    %add3A_29 = arith.addi %rem3A_21, %select_n3A_20 : i32
    %select_n3A_30 = arith.select %and3A_28, %add3A_29, %rem3A_21 : i32
    %mul3A_31 = arith.constant 64 : i32
    %mul3A_32 = arith.muli %select_n3A_30, %mul3A_31 : i32
    %mul3A_33 = arith.constant 4096 : i32
    %mul3A_34 = arith.muli %select_n3A, %mul3A_33 : i32
    "tpu.region"() ({
      %run_scoped3A = tpu.sem_alloc : memref<!tpu.dma_semaphore, #tpu.memory_space<semaphore_mem>>
      %dma_start3A = tpu.memref_slice %arg2[%mul3A_34] : memref<32768xf32, #tpu.memory_space<hbm>> -> memref<4096xf32, #tpu.memory_space<hbm>>
      %dma_start3A_64 = tpu.memref_slice %arg2[%mul3A_34] : memref<32768xf32, #tpu.memory_space<hbm>> -> memref<4096xf32, #tpu.memory_space<hbm>>
      tpu.enqueue_dma source(%dma_start3A_64 : memref<4096xf32, #tpu.memory_space<hbm>>) target(%arg12 : memref<4096xf32, #tpu.memory_space<vmem>>) target_semaphore(%run_scoped3A : memref<!tpu.dma_semaphore, #tpu.memory_space<semaphore_mem>>)
      %dma_wait3A = tpu.memref_slice %arg2[%mul3A_34] : memref<32768xf32, #tpu.memory_space<hbm>> -> memref<4096xf32, #tpu.memory_space<hbm>>
      %dma_wait3A_65 = tpu.memref_slice %arg2[%mul3A_34] : memref<32768xf32, #tpu.memory_space<hbm>> -> memref<4096xf32, #tpu.memory_space<hbm>>
      tpu.wait_dma2 semaphore(%run_scoped3A : memref<!tpu.dma_semaphore, #tpu.memory_space<semaphore_mem>>) src(%dma_wait3A_65 : memref<4096xf32, #tpu.memory_space<hbm>>) dst(%arg12 : memref<4096xf32, #tpu.memory_space<vmem>>)
      tpu.yield
    }) : () -> ()
    %mul3A_35 = arith.constant 4096 : i32
    %mul3A_36 = arith.muli %select_n3A, %mul3A_35 : i32
    "tpu.region"() ({
      %run_scoped3A = tpu.sem_alloc : memref<!tpu.dma_semaphore, #tpu.memory_space<semaphore_mem>>
      %dma_start3A = tpu.memref_slice %arg3[%mul3A_36] : memref<32768xf32, #tpu.memory_space<hbm>> -> memref<4096xf32, #tpu.memory_space<hbm>>
      %dma_start3A_64 = tpu.memref_slice %arg3[%mul3A_36] : memref<32768xf32, #tpu.memory_space<hbm>> -> memref<4096xf32, #tpu.memory_space<hbm>>
      tpu.enqueue_dma source(%dma_start3A_64 : memref<4096xf32, #tpu.memory_space<hbm>>) target(%arg13 : memref<4096xf32, #tpu.memory_space<vmem>>) target_semaphore(%run_scoped3A : memref<!tpu.dma_semaphore, #tpu.memory_space<semaphore_mem>>)
      %dma_wait3A = tpu.memref_slice %arg3[%mul3A_36] : memref<32768xf32, #tpu.memory_space<hbm>> -> memref<4096xf32, #tpu.memory_space<hbm>>
      %dma_wait3A_65 = tpu.memref_slice %arg3[%mul3A_36] : memref<32768xf32, #tpu.memory_space<hbm>> -> memref<4096xf32, #tpu.memory_space<hbm>>
      tpu.wait_dma2 semaphore(%run_scoped3A : memref<!tpu.dma_semaphore, #tpu.memory_space<semaphore_mem>>) src(%dma_wait3A_65 : memref<4096xf32, #tpu.memory_space<hbm>>) dst(%arg13 : memref<4096xf32, #tpu.memory_space<vmem>>)
      tpu.yield
    }) : () -> ()
    %mul3A_37 = arith.constant 4096 : i32
    %mul3A_38 = arith.muli %select_n3A, %mul3A_37 : i32
    "tpu.region"() ({
      %run_scoped3A = tpu.sem_alloc : memref<!tpu.dma_semaphore, #tpu.memory_space<semaphore_mem>>
      %dma_start3A = tpu.memref_slice %arg4[%mul3A_38] : memref<32768xf32, #tpu.memory_space<hbm>> -> memref<4096xf32, #tpu.memory_space<hbm>>
      %dma_start3A_64 = tpu.memref_slice %arg4[%mul3A_38] : memref<32768xf32, #tpu.memory_space<hbm>> -> memref<4096xf32, #tpu.memory_space<hbm>>
      tpu.enqueue_dma source(%dma_start3A_64 : memref<4096xf32, #tpu.memory_space<hbm>>) target(%arg14 : memref<4096xf32, #tpu.memory_space<vmem>>) target_semaphore(%run_scoped3A : memref<!tpu.dma_semaphore, #tpu.memory_space<semaphore_mem>>)
      %dma_wait3A = tpu.memref_slice %arg4[%mul3A_38] : memref<32768xf32, #tpu.memory_space<hbm>> -> memref<4096xf32, #tpu.memory_space<hbm>>
      %dma_wait3A_65 = tpu.memref_slice %arg4[%mul3A_38] : memref<32768xf32, #tpu.memory_space<hbm>> -> memref<4096xf32, #tpu.memory_space<hbm>>
      tpu.wait_dma2 semaphore(%run_scoped3A : memref<!tpu.dma_semaphore, #tpu.memory_space<semaphore_mem>>) src(%dma_wait3A_65 : memref<4096xf32, #tpu.memory_space<hbm>>) dst(%arg14 : memref<4096xf32, #tpu.memory_space<vmem>>)
      tpu.yield
    }) : () -> ()
    %mul3A_39 = arith.constant 256 : i32
    %mul3A_40 = arith.muli %select_n3A, %mul3A_39 : i32
    %add3A_41 = arith.addi %mul3A_40, %mul3A_32 : i32
    "tpu.region"() ({
      %run_scoped3A = tpu.sem_alloc : memref<!tpu.dma_semaphore, #tpu.memory_space<semaphore_mem>>
      %dma_start3A = tpu.memref_slice %arg5[%add3A_41] : memref<2048xf32, #tpu.memory_space<hbm>> -> memref<64xf32, #tpu.memory_space<hbm>>
      %dma_start3A_64 = tpu.memref_slice %arg5[%add3A_41] : memref<2048xf32, #tpu.memory_space<hbm>> -> memref<64xf32, #tpu.memory_space<hbm>>
      tpu.enqueue_dma source(%dma_start3A_64 : memref<64xf32, #tpu.memory_space<hbm>>) target(%arg16 : memref<64xf32, #tpu.memory_space<vmem>>) target_semaphore(%run_scoped3A : memref<!tpu.dma_semaphore, #tpu.memory_space<semaphore_mem>>)
      %dma_wait3A = tpu.memref_slice %arg5[%add3A_41] : memref<2048xf32, #tpu.memory_space<hbm>> -> memref<64xf32, #tpu.memory_space<hbm>>
      %dma_wait3A_65 = tpu.memref_slice %arg5[%add3A_41] : memref<2048xf32, #tpu.memory_space<hbm>> -> memref<64xf32, #tpu.memory_space<hbm>>
      tpu.wait_dma2 semaphore(%run_scoped3A : memref<!tpu.dma_semaphore, #tpu.memory_space<semaphore_mem>>) src(%dma_wait3A_65 : memref<64xf32, #tpu.memory_space<hbm>>) dst(%arg16 : memref<64xf32, #tpu.memory_space<vmem>>)
      tpu.yield
    }) : () -> ()
    %mul3A_42 = arith.constant 256 : i32
    %mul3A_43 = arith.muli %select_n3A, %mul3A_42 : i32
    %add3A_44 = arith.addi %mul3A_43, %mul3A_32 : i32
    "tpu.region"() ({
      %run_scoped3A = tpu.sem_alloc : memref<!tpu.dma_semaphore, #tpu.memory_space<semaphore_mem>>
      %dma_start3A = tpu.memref_slice %arg6[%add3A_44] : memref<2048xf32, #tpu.memory_space<hbm>> -> memref<64xf32, #tpu.memory_space<hbm>>
      %dma_start3A_64 = tpu.memref_slice %arg6[%add3A_44] : memref<2048xf32, #tpu.memory_space<hbm>> -> memref<64xf32, #tpu.memory_space<hbm>>
      tpu.enqueue_dma source(%dma_start3A_64 : memref<64xf32, #tpu.memory_space<hbm>>) target(%arg17 : memref<64xf32, #tpu.memory_space<vmem>>) target_semaphore(%run_scoped3A : memref<!tpu.dma_semaphore, #tpu.memory_space<semaphore_mem>>)
      %dma_wait3A = tpu.memref_slice %arg6[%add3A_44] : memref<2048xf32, #tpu.memory_space<hbm>> -> memref<64xf32, #tpu.memory_space<hbm>>
      %dma_wait3A_65 = tpu.memref_slice %arg6[%add3A_44] : memref<2048xf32, #tpu.memory_space<hbm>> -> memref<64xf32, #tpu.memory_space<hbm>>
      tpu.wait_dma2 semaphore(%run_scoped3A : memref<!tpu.dma_semaphore, #tpu.memory_space<semaphore_mem>>) src(%dma_wait3A_65 : memref<64xf32, #tpu.memory_space<hbm>>) dst(%arg17 : memref<64xf32, #tpu.memory_space<vmem>>)
      tpu.yield
    }) : () -> ()
    %mul3A_45 = arith.constant 256 : i32
    %mul3A_46 = arith.muli %select_n3A, %mul3A_45 : i32
    %add3A_47 = arith.addi %mul3A_46, %mul3A_32 : i32
    "tpu.region"() ({
      %run_scoped3A = tpu.sem_alloc : memref<!tpu.dma_semaphore, #tpu.memory_space<semaphore_mem>>
      %dma_start3A = tpu.memref_slice %arg7[%add3A_47] : memref<2048xf32, #tpu.memory_space<hbm>> -> memref<64xf32, #tpu.memory_space<hbm>>
      %dma_start3A_64 = tpu.memref_slice %arg7[%add3A_47] : memref<2048xf32, #tpu.memory_space<hbm>> -> memref<64xf32, #tpu.memory_space<hbm>>
      tpu.enqueue_dma source(%dma_start3A_64 : memref<64xf32, #tpu.memory_space<hbm>>) target(%arg18 : memref<64xf32, #tpu.memory_space<vmem>>) target_semaphore(%run_scoped3A : memref<!tpu.dma_semaphore, #tpu.memory_space<semaphore_mem>>)
      %dma_wait3A = tpu.memref_slice %arg7[%add3A_47] : memref<2048xf32, #tpu.memory_space<hbm>> -> memref<64xf32, #tpu.memory_space<hbm>>
      %dma_wait3A_65 = tpu.memref_slice %arg7[%add3A_47] : memref<2048xf32, #tpu.memory_space<hbm>> -> memref<64xf32, #tpu.memory_space<hbm>>
      tpu.wait_dma2 semaphore(%run_scoped3A : memref<!tpu.dma_semaphore, #tpu.memory_space<semaphore_mem>>) src(%dma_wait3A_65 : memref<64xf32, #tpu.memory_space<hbm>>) dst(%arg18 : memref<64xf32, #tpu.memory_space<vmem>>)
      tpu.yield
    }) : () -> ()
    %mul3A_48 = arith.constant 256 : i32
    %mul3A_49 = arith.muli %select_n3A, %mul3A_48 : i32
    %add3A_50 = arith.addi %mul3A_49, %mul3A_32 : i32
    "tpu.region"() ({
      %run_scoped3A = tpu.sem_alloc : memref<!tpu.dma_semaphore, #tpu.memory_space<semaphore_mem>>
      %dma_start3A = tpu.memref_slice %arg8[%add3A_50] : memref<2048xf32, #tpu.memory_space<hbm>> -> memref<64xf32, #tpu.memory_space<hbm>>
      %dma_start3A_64 = tpu.memref_slice %arg8[%add3A_50] : memref<2048xf32, #tpu.memory_space<hbm>> -> memref<64xf32, #tpu.memory_space<hbm>>
      tpu.enqueue_dma source(%dma_start3A_64 : memref<64xf32, #tpu.memory_space<hbm>>) target(%arg19 : memref<64xf32, #tpu.memory_space<vmem>>) target_semaphore(%run_scoped3A : memref<!tpu.dma_semaphore, #tpu.memory_space<semaphore_mem>>)
      %dma_wait3A = tpu.memref_slice %arg8[%add3A_50] : memref<2048xf32, #tpu.memory_space<hbm>> -> memref<64xf32, #tpu.memory_space<hbm>>
      %dma_wait3A_65 = tpu.memref_slice %arg8[%add3A_50] : memref<2048xf32, #tpu.memory_space<hbm>> -> memref<64xf32, #tpu.memory_space<hbm>>
      tpu.wait_dma2 semaphore(%run_scoped3A : memref<!tpu.dma_semaphore, #tpu.memory_space<semaphore_mem>>) src(%dma_wait3A_65 : memref<64xf32, #tpu.memory_space<hbm>>) dst(%arg19 : memref<64xf32, #tpu.memory_space<vmem>>)
      tpu.yield
    }) : () -> ()
    %iota3A = tpu.iota {dimensions = array<i32: 0>} : vector<16xi32>
    %scan3A = arith.constant 0 : i32
    %scan3A_51 = arith.constant 0 : i32
    %scan3A_52 = arith.constant 256 : i32
    %scan3A_53 = arith.addi %scan3A_51, %scan3A_52 : i32
    %scan3A_54 = arith.constant 1 : i32
    %scan3A_55 = scf.for %scan3A_64 = %scan3A_51 to %scan3A_53 step %scan3A_54 iter_args(%scan3A_65 = %scan3A) -> (i32)  : i32 {
      %mul3A_66 = arith.constant 16 : i32
      %mul3A_67 = arith.muli %scan3A_64, %mul3A_66 : i32
      %get3A = arith.index_cast %mul3A_67 : i32 to index
      %get3A_68 = tpu.vector_load %arg12[%get3A] {strides = array<i32>} : memref<4096xf32, #tpu.memory_space<vmem>>, vector<16xf32>,
      %get3A_69 = arith.index_cast %mul3A_67 : i32 to index
      %get3A_70 = tpu.vector_load %arg13[%get3A_69] {strides = array<i32>} : memref<4096xf32, #tpu.memory_space<vmem>>, vector<16xf32>,
      %get3A_71 = arith.index_cast %mul3A_67 : i32 to index
      %get3A_72 = tpu.vector_load %arg14[%get3A_71] {strides = array<i32>} : memref<4096xf32, #tpu.memory_space<vmem>>, vector<16xf32>,
      %mul3A_73 = arith.mulf %get3A_68, %get3A_68 : vector<16xf32>
      %mul3A_74 = arith.mulf %get3A_70, %get3A_70 : vector<16xf32>
      %add3A_75 = arith.addf %mul3A_73, %mul3A_74 : vector<16xf32>
      %mul3A_76 = arith.mulf %get3A_72, %get3A_72 : vector<16xf32>
      %add3A_77 = arith.addf %add3A_75, %mul3A_76 : vector<16xf32>
      %swap3A = arith.index_cast %mul3A_67 : i32 to index
      %swap3A_78 = tpu.vector_load %arg15[%swap3A] {strides = array<i32>} : memref<4096xf32, #tpu.memory_space<vmem>>, vector<16xf32>,
      tpu.vector_store %arg15[%swap3A], %add3A_77 {strides = array<i32>} : memref<4096xf32, #tpu.memory_space<vmem>>, vector<16xf32>,
      %scan3A_79 = arith.constant 0 : i32
      scf.yield %scan3A_79 : i32
    }
    %scan3A_56 = arith.constant 256 : i32
    %scan3A_57 = arith.constant 0 : i32
    %scan3A_58 = arith.constant 0 : i32
    %scan3A_59 = arith.constant 64 : i32
    %scan3A_60 = arith.addi %scan3A_58, %scan3A_59 : i32
    %scan3A_61 = arith.constant 1 : i32
    %scan3A_62 = scf.for %scan3A_64 = %scan3A_58 to %scan3A_60 step %scan3A_61 iter_args(%scan3A_65 = %scan3A_57) -> (i32)  : i32 {
      %jit3A_66 = arith.constant 16 : i32
      %div3A_67 = arith.divsi %scan3A_64, %jit3A_66 : i32
      %sign3A_68 = arith.constant 0 : i32
      %sign3A_69 = arith.cmpi sgt, %scan3A_64, %sign3A_68 : i32
      %sign3A_70 = arith.extui %sign3A_69 : i1 to i32
      %sign3A_71 = arith.constant 0 : i32
      %sign3A_72 = arith.cmpi slt, %scan3A_64, %sign3A_71 : i32
      %sign3A_73 = arith.extui %sign3A_72 : i1 to i32
      %sign3A_74 = arith.subi %sign3A_70, %sign3A_73 : i32
      %sign3A_75 = arith.constant 0 : i32
      %sign3A_76 = arith.cmpi sgt, %jit3A_66, %sign3A_75 : i32
      %sign3A_77 = arith.extui %sign3A_76 : i1 to i32
      %sign3A_78 = arith.constant 0 : i32
      %sign3A_79 = arith.cmpi slt, %jit3A_66, %sign3A_78 : i32
      %sign3A_80 = arith.extui %sign3A_79 : i1 to i32
      %sign3A_81 = arith.subi %sign3A_77, %sign3A_80 : i32
      %ne3A_82 = arith.cmpi ne, %sign3A_74, %sign3A_81 : i32
      %rem3A_83 = arith.remsi %scan3A_64, %jit3A_66 : i32
      %ne3A_84 = arith.constant 0 : i32
      %ne3A_85 = arith.cmpi ne, %rem3A_83, %ne3A_84 : i32
      %and3A_86 = arith.andi %ne3A_82, %ne3A_85 : i1
      %sub3A_87 = arith.constant 1 : i32
      %sub3A_88 = arith.subi %div3A_67, %sub3A_87 : i32
      %select_n3A_89 = arith.select %and3A_86, %sub3A_88, %div3A_67 : i32
      %mul3A_90 = arith.constant 16 : i32
      %mul3A_91 = arith.muli %select_n3A_89, %mul3A_90 : i32
      %get3A = arith.index_cast %mul3A_91 : i32 to index
      %get3A_92 = tpu.vector_load %arg16[%get3A] {strides = array<i32>} : memref<64xf32, #tpu.memory_space<vmem>>, vector<16xf32>,
      %jit3A_93 = arith.constant 16 : i32
      %eq3A_94 = arith.constant 0 : i32
      %eq3A_95 = arith.cmpi eq, %jit3A_93, %eq3A_94 : i32
      %jit3A_96 = arith.constant 1 : i32
      %select_n3A_97 = arith.select %eq3A_95, %jit3A_96, %jit3A_93 : i32
      %rem3A_98 = arith.remsi %scan3A_64, %select_n3A_97 : i32
      %ne3A_99 = arith.constant 0 : i32
      %ne3A_100 = arith.cmpi ne, %rem3A_98, %ne3A_99 : i32
      %lt3A_101 = arith.constant 0 : i32
      %lt3A_102 = arith.cmpi slt, %rem3A_98, %lt3A_101 : i32
      %lt3A_103 = arith.constant 0 : i32
      %lt3A_104 = arith.cmpi slt, %select_n3A_97, %lt3A_103 : i32
      %ne3A_105 = arith.xori %lt3A_102, %lt3A_104 : i1
      %and3A_106 = arith.andi %ne3A_105, %ne3A_100 : i1
      %add3A_107 = arith.addi %rem3A_98, %select_n3A_97 : i32
      %select_n3A_108 = arith.select %and3A_106, %add3A_107, %rem3A_98 : i32
      %eq3A_109 = vector.broadcast %select_n3A_108 : i32 to vector<16xi32>
      %eq3A_110 = arith.cmpi eq, %iota3A, %eq3A_109 : vector<16xi32>
      %broadcast_in_dim3A = arith.constant 0.000000e+00 : f32
      %broadcast_in_dim3A_111 = vector.broadcast %broadcast_in_dim3A : f32 to vector<16xf32>
      %select_n3A_112 = arith.select %eq3A_110, %get3A_92, %broadcast_in_dim3A_111 : vector<16xi1>, vector<16xf32>
      %reduce_sum3A = arith.constant true
      %reduce_sum3A_113 = vector.broadcast %reduce_sum3A : i1 to vector<16xi1>
      %reduce_sum3A_114 = tpu.scan <sum>, %select_n3A_112 masked %reduce_sum3A_113 : vector<16xf32>, vector<16xi1> -> vector<16xf32>
      %reduce_sum3A_115 = vector.extract %reduce_sum3A_114[15] : f32 from vector<16xf32>
      %jit3A_116 = arith.constant 16 : i32
      %div3A_117 = arith.divsi %scan3A_64, %jit3A_116 : i32
      %sign3A_118 = arith.constant 0 : i32
      %sign3A_119 = arith.cmpi sgt, %scan3A_64, %sign3A_118 : i32
      %sign3A_120 = arith.extui %sign3A_119 : i1 to i32
      %sign3A_121 = arith.constant 0 : i32
      %sign3A_122 = arith.cmpi slt, %scan3A_64, %sign3A_121 : i32
      %sign3A_123 = arith.extui %sign3A_122 : i1 to i32
      %sign3A_124 = arith.subi %sign3A_120, %sign3A_123 : i32
      %sign3A_125 = arith.constant 0 : i32
      %sign3A_126 = arith.cmpi sgt, %jit3A_116, %sign3A_125 : i32
      %sign3A_127 = arith.extui %sign3A_126 : i1 to i32
      %sign3A_128 = arith.constant 0 : i32
      %sign3A_129 = arith.cmpi slt, %jit3A_116, %sign3A_128 : i32
      %sign3A_130 = arith.extui %sign3A_129 : i1 to i32
      %sign3A_131 = arith.subi %sign3A_127, %sign3A_130 : i32
      %ne3A_132 = arith.cmpi ne, %sign3A_124, %sign3A_131 : i32
      %rem3A_133 = arith.remsi %scan3A_64, %jit3A_116 : i32
      %ne3A_134 = arith.constant 0 : i32
      %ne3A_135 = arith.cmpi ne, %rem3A_133, %ne3A_134 : i32
      %and3A_136 = arith.andi %ne3A_132, %ne3A_135 : i1
      %sub3A_137 = arith.constant 1 : i32
      %sub3A_138 = arith.subi %div3A_117, %sub3A_137 : i32
      %select_n3A_139 = arith.select %and3A_136, %sub3A_138, %div3A_117 : i32
      %mul3A_140 = arith.constant 16 : i32
      %mul3A_141 = arith.muli %select_n3A_139, %mul3A_140 : i32
      %get3A_142 = arith.index_cast %mul3A_141 : i32 to index
      %get3A_143 = tpu.vector_load %arg17[%get3A_142] {strides = array<i32>} : memref<64xf32, #tpu.memory_space<vmem>>, vector<16xf32>,
      %jit3A_144 = arith.constant 16 : i32
      %eq3A_145 = arith.constant 0 : i32
      %eq3A_146 = arith.cmpi eq, %jit3A_144, %eq3A_145 : i32
      %jit3A_147 = arith.constant 1 : i32
      %select_n3A_148 = arith.select %eq3A_146, %jit3A_147, %jit3A_144 : i32
      %rem3A_149 = arith.remsi %scan3A_64, %select_n3A_148 : i32
      %ne3A_150 = arith.constant 0 : i32
      %ne3A_151 = arith.cmpi ne, %rem3A_149, %ne3A_150 : i32
      %lt3A_152 = arith.constant 0 : i32
      %lt3A_153 = arith.cmpi slt, %rem3A_149, %lt3A_152 : i32
      %lt3A_154 = arith.constant 0 : i32
      %lt3A_155 = arith.cmpi slt, %select_n3A_148, %lt3A_154 : i32
      %ne3A_156 = arith.xori %lt3A_153, %lt3A_155 : i1
      %and3A_157 = arith.andi %ne3A_156, %ne3A_151 : i1
      %add3A_158 = arith.addi %rem3A_149, %select_n3A_148 : i32
      %select_n3A_159 = arith.select %and3A_157, %add3A_158, %rem3A_149 : i32
      %eq3A_160 = vector.broadcast %select_n3A_159 : i32 to vector<16xi32>
      %eq3A_161 = arith.cmpi eq, %iota3A, %eq3A_160 : vector<16xi32>
      %broadcast_in_dim3A_162 = arith.constant 0.000000e+00 : f32
      %broadcast_in_dim3A_163 = vector.broadcast %broadcast_in_dim3A_162 : f32 to vector<16xf32>
      %select_n3A_164 = arith.select %eq3A_161, %get3A_143, %broadcast_in_dim3A_163 : vector<16xi1>, vector<16xf32>
      %reduce_sum3A_165 = arith.constant true
      %reduce_sum3A_166 = vector.broadcast %reduce_sum3A_165 : i1 to vector<16xi1>
      %reduce_sum3A_167 = tpu.scan <sum>, %select_n3A_164 masked %reduce_sum3A_166 : vector<16xf32>, vector<16xi1> -> vector<16xf32>
      %reduce_sum3A_168 = vector.extract %reduce_sum3A_167[15] : f32 from vector<16xf32>
      %jit3A_169 = arith.constant 16 : i32
      %div3A_170 = arith.divsi %scan3A_64, %jit3A_169 : i32
      %sign3A_171 = arith.constant 0 : i32
      %sign3A_172 = arith.cmpi sgt, %scan3A_64, %sign3A_171 : i32
      %sign3A_173 = arith.extui %sign3A_172 : i1 to i32
      %sign3A_174 = arith.constant 0 : i32
      %sign3A_175 = arith.cmpi slt, %scan3A_64, %sign3A_174 : i32
      %sign3A_176 = arith.extui %sign3A_175 : i1 to i32
      %sign3A_177 = arith.subi %sign3A_173, %sign3A_176 : i32
      %sign3A_178 = arith.constant 0 : i32
      %sign3A_179 = arith.cmpi sgt, %jit3A_169, %sign3A_178 : i32
      %sign3A_180 = arith.extui %sign3A_179 : i1 to i32
      %sign3A_181 = arith.constant 0 : i32
      %sign3A_182 = arith.cmpi slt, %jit3A_169, %sign3A_181 : i32
      %sign3A_183 = arith.extui %sign3A_182 : i1 to i32
      %sign3A_184 = arith.subi %sign3A_180, %sign3A_183 : i32
      %ne3A_185 = arith.cmpi ne, %sign3A_177, %sign3A_184 : i32
      %rem3A_186 = arith.remsi %scan3A_64, %jit3A_169 : i32
      %ne3A_187 = arith.constant 0 : i32
      %ne3A_188 = arith.cmpi ne, %rem3A_186, %ne3A_187 : i32
      %and3A_189 = arith.andi %ne3A_185, %ne3A_188 : i1
      %sub3A_190 = arith.constant 1 : i32
      %sub3A_191 = arith.subi %div3A_170, %sub3A_190 : i32
      %select_n3A_192 = arith.select %and3A_189, %sub3A_191, %div3A_170 : i32
      %mul3A_193 = arith.constant 16 : i32
      %mul3A_194 = arith.muli %select_n3A_192, %mul3A_193 : i32
      %get3A_195 = arith.index_cast %mul3A_194 : i32 to index
      %get3A_196 = tpu.vector_load %arg18[%get3A_195] {strides = array<i32>} : memref<64xf32, #tpu.memory_space<vmem>>, vector<16xf32>,
      %jit3A_197 = arith.constant 16 : i32
      %eq3A_198 = arith.constant 0 : i32
      %eq3A_199 = arith.cmpi eq, %jit3A_197, %eq3A_198 : i32
      %jit3A_200 = arith.constant 1 : i32
      %select_n3A_201 = arith.select %eq3A_199, %jit3A_200, %jit3A_197 : i32
      %rem3A_202 = arith.remsi %scan3A_64, %select_n3A_201 : i32
      %ne3A_203 = arith.constant 0 : i32
      %ne3A_204 = arith.cmpi ne, %rem3A_202, %ne3A_203 : i32
      %lt3A_205 = arith.constant 0 : i32
      %lt3A_206 = arith.cmpi slt, %rem3A_202, %lt3A_205 : i32
      %lt3A_207 = arith.constant 0 : i32
      %lt3A_208 = arith.cmpi slt, %select_n3A_201, %lt3A_207 : i32
      %ne3A_209 = arith.xori %lt3A_206, %lt3A_208 : i1
      %and3A_210 = arith.andi %ne3A_209, %ne3A_204 : i1
      %add3A_211 = arith.addi %rem3A_202, %select_n3A_201 : i32
      %select_n3A_212 = arith.select %and3A_210, %add3A_211, %rem3A_202 : i32
      %eq3A_213 = vector.broadcast %select_n3A_212 : i32 to vector<16xi32>
      %eq3A_214 = arith.cmpi eq, %iota3A, %eq3A_213 : vector<16xi32>
      %broadcast_in_dim3A_215 = arith.constant 0.000000e+00 : f32
      %broadcast_in_dim3A_216 = vector.broadcast %broadcast_in_dim3A_215 : f32 to vector<16xf32>
      %select_n3A_217 = arith.select %eq3A_214, %get3A_196, %broadcast_in_dim3A_216 : vector<16xi1>, vector<16xf32>
      %reduce_sum3A_218 = arith.constant true
      %reduce_sum3A_219 = vector.broadcast %reduce_sum3A_218 : i1 to vector<16xi1>
      %reduce_sum3A_220 = tpu.scan <sum>, %select_n3A_217 masked %reduce_sum3A_219 : vector<16xf32>, vector<16xi1> -> vector<16xf32>
      %reduce_sum3A_221 = vector.extract %reduce_sum3A_220[15] : f32 from vector<16xf32>
      %jit3A_222 = arith.constant 16 : i32
      %div3A_223 = arith.divsi %scan3A_64, %jit3A_222 : i32
      %sign3A_224 = arith.constant 0 : i32
      %sign3A_225 = arith.cmpi sgt, %scan3A_64, %sign3A_224 : i32
      %sign3A_226 = arith.extui %sign3A_225 : i1 to i32
      %sign3A_227 = arith.constant 0 : i32
      %sign3A_228 = arith.cmpi slt, %scan3A_64, %sign3A_227 : i32
      %sign3A_229 = arith.extui %sign3A_228 : i1 to i32
      %sign3A_230 = arith.subi %sign3A_226, %sign3A_229 : i32
      %sign3A_231 = arith.constant 0 : i32
      %sign3A_232 = arith.cmpi sgt, %jit3A_222, %sign3A_231 : i32
      %sign3A_233 = arith.extui %sign3A_232 : i1 to i32
      %sign3A_234 = arith.constant 0 : i32
      %sign3A_235 = arith.cmpi slt, %jit3A_222, %sign3A_234 : i32
      %sign3A_236 = arith.extui %sign3A_235 : i1 to i32
      %sign3A_237 = arith.subi %sign3A_233, %sign3A_236 : i32
      %ne3A_238 = arith.cmpi ne, %sign3A_230, %sign3A_237 : i32
      %rem3A_239 = arith.remsi %scan3A_64, %jit3A_222 : i32
      %ne3A_240 = arith.constant 0 : i32
      %ne3A_241 = arith.cmpi ne, %rem3A_239, %ne3A_240 : i32
      %and3A_242 = arith.andi %ne3A_238, %ne3A_241 : i1
      %sub3A_243 = arith.constant 1 : i32
      %sub3A_244 = arith.subi %div3A_223, %sub3A_243 : i32
      %select_n3A_245 = arith.select %and3A_242, %sub3A_244, %div3A_223 : i32
      %mul3A_246 = arith.constant 16 : i32
      %mul3A_247 = arith.muli %select_n3A_245, %mul3A_246 : i32
      %get3A_248 = arith.index_cast %mul3A_247 : i32 to index
      %get3A_249 = tpu.vector_load %arg19[%get3A_248] {strides = array<i32>} : memref<64xf32, #tpu.memory_space<vmem>>, vector<16xf32>,
      %jit3A_250 = arith.constant 16 : i32
      %eq3A_251 = arith.constant 0 : i32
      %eq3A_252 = arith.cmpi eq, %jit3A_250, %eq3A_251 : i32
      %jit3A_253 = arith.constant 1 : i32
      %select_n3A_254 = arith.select %eq3A_252, %jit3A_253, %jit3A_250 : i32
      %rem3A_255 = arith.remsi %scan3A_64, %select_n3A_254 : i32
      %ne3A_256 = arith.constant 0 : i32
      %ne3A_257 = arith.cmpi ne, %rem3A_255, %ne3A_256 : i32
      %lt3A_258 = arith.constant 0 : i32
      %lt3A_259 = arith.cmpi slt, %rem3A_255, %lt3A_258 : i32
      %lt3A_260 = arith.constant 0 : i32
      %lt3A_261 = arith.cmpi slt, %select_n3A_254, %lt3A_260 : i32
      %ne3A_262 = arith.xori %lt3A_259, %lt3A_261 : i1
      %and3A_263 = arith.andi %ne3A_262, %ne3A_257 : i1
      %add3A_264 = arith.addi %rem3A_255, %select_n3A_254 : i32
      %select_n3A_265 = arith.select %and3A_263, %add3A_264, %rem3A_255 : i32
      %eq3A_266 = vector.broadcast %select_n3A_265 : i32 to vector<16xi32>
      %eq3A_267 = arith.cmpi eq, %iota3A, %eq3A_266 : vector<16xi32>
      %broadcast_in_dim3A_268 = arith.constant 0.000000e+00 : f32
      %broadcast_in_dim3A_269 = vector.broadcast %broadcast_in_dim3A_268 : f32 to vector<16xf32>
      %select_n3A_270 = arith.select %eq3A_267, %get3A_249, %broadcast_in_dim3A_269 : vector<16xi1>, vector<16xf32>
      %reduce_sum3A_271 = arith.constant true
      %reduce_sum3A_272 = vector.broadcast %reduce_sum3A_271 : i1 to vector<16xi1>
      %reduce_sum3A_273 = tpu.scan <sum>, %select_n3A_270 masked %reduce_sum3A_272 : vector<16xf32>, vector<16xi1> -> vector<16xf32>
      %reduce_sum3A_274 = vector.extract %reduce_sum3A_273[15] : f32 from vector<16xf32>
      %scan3A_275 = arith.constant 0 : i32
      %scan3A_276 = arith.constant 0 : i32
      %scan3A_277 = arith.constant 0 : i32
      %scan3A_278 = arith.constant 0 : i32
      %scan3A_279 = arith.constant 256 : i32
      %scan3A_280 = arith.addi %scan3A_278, %scan3A_279 : i32
      %scan3A_281 = arith.constant 1 : i32
      %scan3A_282:3 = scf.for %scan3A_440 = %scan3A_278 to %scan3A_280 step %scan3A_281 iter_args(%scan3A_441 = %scan3A_275, %scan3A_442 = %scan3A_276, %scan3A_443 = %scan3A_277) -> (i32, i32, i32)  : i32 {
        %mul3A_444 = arith.constant 16 : i32
        %mul3A_445 = arith.muli %scan3A_440, %mul3A_444 : i32
        %get3A_446 = arith.index_cast %mul3A_445 : i32 to index
        %get3A_447 = tpu.vector_load %arg12[%get3A_446] {strides = array<i32>} : memref<4096xf32, #tpu.memory_space<vmem>>, vector<16xf32>,
        %get3A_448 = arith.index_cast %mul3A_445 : i32 to index
        %get3A_449 = tpu.vector_load %arg13[%get3A_448] {strides = array<i32>} : memref<4096xf32, #tpu.memory_space<vmem>>, vector<16xf32>,
        %get3A_450 = arith.index_cast %mul3A_445 : i32 to index
        %get3A_451 = tpu.vector_load %arg14[%get3A_450] {strides = array<i32>} : memref<4096xf32, #tpu.memory_space<vmem>>, vector<16xf32>,
        %get3A_452 = arith.index_cast %mul3A_445 : i32 to index
        %get3A_453 = tpu.vector_load %arg15[%get3A_452] {strides = array<i32>} : memref<4096xf32, #tpu.memory_space<vmem>>, vector<16xf32>,
        %mul3A_454 = vector.broadcast %reduce_sum3A_115 : f32 to vector<16xf32>
        %mul3A_455 = arith.mulf %mul3A_454, %get3A_447 : vector<16xf32>
        %mul3A_456 = vector.broadcast %reduce_sum3A_168 : f32 to vector<16xf32>
        %mul3A_457 = arith.mulf %mul3A_456, %get3A_449 : vector<16xf32>
        %add3A_458 = arith.addf %mul3A_455, %mul3A_457 : vector<16xf32>
        %mul3A_459 = vector.broadcast %reduce_sum3A_221 : f32 to vector<16xf32>
        %mul3A_460 = arith.mulf %mul3A_459, %get3A_451 : vector<16xf32>
        %add3A_461 = arith.addf %add3A_458, %mul3A_460 : vector<16xf32>
        %add3A_462 = vector.broadcast %reduce_sum3A_274 : f32 to vector<16xf32>
        %add3A_463 = arith.addf %add3A_462, %get3A_453 : vector<16xf32>
        %mul3A_464 = arith.constant 2.000000e+00 : f32
        %mul3A_465 = vector.broadcast %mul3A_464 : f32 to vector<16xf32>
        %mul3A_466 = arith.mulf %mul3A_465, %add3A_461 : vector<16xf32>
        %sub3A_467 = arith.subf %add3A_463, %mul3A_466 : vector<16xf32>
        %mul3A_468 = arith.constant 16 : i32
        %mul3A_469 = arith.muli %scan3A_440, %mul3A_468 : i32
        %add3A_470 = vector.broadcast %mul3A_469 : i32 to vector<16xi32>
        %add3A_471 = arith.addi %add3A_470, %iota3A : vector<16xi32>
        %le3A = arith.constant 0.00999999977 : f32
        %le3A_472 = vector.broadcast %le3A : f32 to vector<16xf32>
        %le3A_473 = arith.cmpf ole, %sub3A_467, %le3A_472 : vector<16xf32>
        %convert_element_type3A_474 = arith.extui %le3A_473 : vector<16xi1> to vector<16xi32>
        %cumsum3A = arith.constant true
        %cumsum3A_475 = vector.broadcast %cumsum3A : i1 to vector<16xi1>
        %cumsum3A_476 = tpu.scan <sum>, %convert_element_type3A_474 masked %cumsum3A_475 : vector<16xi32>, vector<16xi1> -> vector<16xi32>
        %add3A_477 = vector.broadcast %scan3A_441 : i32 to vector<16xi32>
        %add3A_478 = arith.addi %add3A_477, %cumsum3A_476 : vector<16xi32>
        %sub3A_479 = arith.constant 1 : i32
        %sub3A_480 = vector.broadcast %sub3A_479 : i32 to vector<16xi32>
        %sub3A_481 = arith.subi %add3A_478, %sub3A_480 : vector<16xi32>
        %lt3A_482 = arith.constant 16 : i32
        %lt3A_483 = vector.broadcast %lt3A_482 : i32 to vector<16xi32>
        %lt3A_484 = arith.cmpi slt, %sub3A_481, %lt3A_483 : vector<16xi32>
        %and3A_485 = arith.andi %le3A_473, %lt3A_484 : vector<16xi1>
        %max3A = arith.constant 0 : i32
        %max3A_486 = vector.broadcast %max3A : i32 to vector<16xi32>
        %max3A_487 = arith.maxsi %sub3A_481, %max3A_486 : vector<16xi32>
        tpu.vector_store_idx %arg20[%max3A_487], %add3A_471 masked %and3A_485 : memref<16xi32, #tpu.memory_space<vmem>>[vector<16xi32>], vector<16xi32>, vector<16xi1>
        %convert_element_type3A_488 = arith.extui %le3A_473 : vector<16xi1> to vector<16xi32>
        %reduce_sum3A_489 = arith.constant true
        %reduce_sum3A_490 = vector.broadcast %reduce_sum3A_489 : i1 to vector<16xi1>
        %reduce_sum3A_491 = tpu.scan <sum>, %convert_element_type3A_488 masked %reduce_sum3A_490 : vector<16xi32>, vector<16xi1> -> vector<16xi32>
        %reduce_sum3A_492 = vector.extract %reduce_sum3A_491[15] : i32 from vector<16xi32>
        %add3A_493 = arith.addi %scan3A_441, %reduce_sum3A_492 : i32
        %le3A_494 = arith.constant 4.000000e-02 : f32
        %le3A_495 = vector.broadcast %le3A_494 : f32 to vector<16xf32>
        %le3A_496 = arith.cmpf ole, %sub3A_467, %le3A_495 : vector<16xf32>
        %convert_element_type3A_497 = arith.extui %le3A_496 : vector<16xi1> to vector<16xi32>
        %cumsum3A_498 = arith.constant true
        %cumsum3A_499 = vector.broadcast %cumsum3A_498 : i1 to vector<16xi1>
        %cumsum3A_500 = tpu.scan <sum>, %convert_element_type3A_497 masked %cumsum3A_499 : vector<16xi32>, vector<16xi1> -> vector<16xi32>
        %add3A_501 = vector.broadcast %scan3A_442 : i32 to vector<16xi32>
        %add3A_502 = arith.addi %add3A_501, %cumsum3A_500 : vector<16xi32>
        %sub3A_503 = arith.constant 1 : i32
        %sub3A_504 = vector.broadcast %sub3A_503 : i32 to vector<16xi32>
        %sub3A_505 = arith.subi %add3A_502, %sub3A_504 : vector<16xi32>
        %lt3A_506 = arith.constant 32 : i32
        %lt3A_507 = vector.broadcast %lt3A_506 : i32 to vector<16xi32>
        %lt3A_508 = arith.cmpi slt, %sub3A_505, %lt3A_507 : vector<16xi32>
        %and3A_509 = arith.andi %le3A_496, %lt3A_508 : vector<16xi1>
        %max3A_510 = arith.constant 0 : i32
        %max3A_511 = vector.broadcast %max3A_510 : i32 to vector<16xi32>
        %max3A_512 = arith.maxsi %sub3A_505, %max3A_511 : vector<16xi32>
        tpu.vector_store_idx %arg21[%max3A_512], %add3A_471 masked %and3A_509 : memref<32xi32, #tpu.memory_space<vmem>>[vector<16xi32>], vector<16xi32>, vector<16xi1>
        %convert_element_type3A_513 = arith.extui %le3A_496 : vector<16xi1> to vector<16xi32>
        %reduce_sum3A_514 = arith.constant true
        %reduce_sum3A_515 = vector.broadcast %reduce_sum3A_514 : i1 to vector<16xi1>
        %reduce_sum3A_516 = tpu.scan <sum>, %convert_element_type3A_513 masked %reduce_sum3A_515 : vector<16xi32>, vector<16xi1> -> vector<16xi32>
        %reduce_sum3A_517 = vector.extract %reduce_sum3A_516[15] : i32 from vector<16xi32>
        %add3A_518 = arith.addi %scan3A_442, %reduce_sum3A_517 : i32
        %le3A_519 = arith.constant 1.600000e-01 : f32
        %le3A_520 = vector.broadcast %le3A_519 : f32 to vector<16xf32>
        %le3A_521 = arith.cmpf ole, %sub3A_467, %le3A_520 : vector<16xf32>
        %convert_element_type3A_522 = arith.extui %le3A_521 : vector<16xi1> to vector<16xi32>
        %cumsum3A_523 = arith.constant true
        %cumsum3A_524 = vector.broadcast %cumsum3A_523 : i1 to vector<16xi1>
        %cumsum3A_525 = tpu.scan <sum>, %convert_element_type3A_522 masked %cumsum3A_524 : vector<16xi32>, vector<16xi1> -> vector<16xi32>
        %add3A_526 = vector.broadcast %scan3A_443 : i32 to vector<16xi32>
        %add3A_527 = arith.addi %add3A_526, %cumsum3A_525 : vector<16xi32>
        %sub3A_528 = arith.constant 1 : i32
        %sub3A_529 = vector.broadcast %sub3A_528 : i32 to vector<16xi32>
        %sub3A_530 = arith.subi %add3A_527, %sub3A_529 : vector<16xi32>
        %lt3A_531 = arith.constant 128 : i32
        %lt3A_532 = vector.broadcast %lt3A_531 : i32 to vector<16xi32>
        %lt3A_533 = arith.cmpi slt, %sub3A_530, %lt3A_532 : vector<16xi32>
        %and3A_534 = arith.andi %le3A_521, %lt3A_533 : vector<16xi1>
        %max3A_535 = arith.constant 0 : i32
        %max3A_536 = vector.broadcast %max3A_535 : i32 to vector<16xi32>
        %max3A_537 = arith.maxsi %sub3A_530, %max3A_536 : vector<16xi32>
        tpu.vector_store_idx %arg22[%max3A_537], %add3A_471 masked %and3A_534 : memref<128xi32, #tpu.memory_space<vmem>>[vector<16xi32>], vector<16xi32>, vector<16xi1>
        %convert_element_type3A_538 = arith.extui %le3A_521 : vector<16xi1> to vector<16xi32>
        %reduce_sum3A_539 = arith.constant true
        %reduce_sum3A_540 = vector.broadcast %reduce_sum3A_539 : i1 to vector<16xi1>
        %reduce_sum3A_541 = tpu.scan <sum>, %convert_element_type3A_538 masked %reduce_sum3A_540 : vector<16xi32>, vector<16xi1> -> vector<16xi32>
        %reduce_sum3A_542 = vector.extract %reduce_sum3A_541[15] : i32 from vector<16xi32>
        %add3A_543 = arith.addi %scan3A_443, %reduce_sum3A_542 : i32
        scf.yield %add3A_493, %add3A_518, %add3A_543 : i32, i32, i32
      }
      %scan3A_283 = arith.constant 256 : i32
      %add3A_284 = arith.addi %mul3A_32, %scan3A_64 : i32
      %get3A_285 = arith.constant 0 : index
      %get3A_286 = tpu.vector_load %arg20[%get3A_285] {strides = array<i32>} : memref<16xi32, #tpu.memory_space<vmem>>, vector<16xi32>,
      %eq3A_287 = arith.constant 0 : i32
      %eq3A_288 = vector.broadcast %eq3A_287 : i32 to vector<16xi32>
      %eq3A_289 = arith.cmpi eq, %iota3A, %eq3A_288 : vector<16xi32>
      %broadcast_in_dim3A_290 = arith.constant 0 : i32
      %broadcast_in_dim3A_291 = vector.broadcast %broadcast_in_dim3A_290 : i32 to vector<16xi32>
      %select_n3A_292 = arith.select %eq3A_289, %get3A_286, %broadcast_in_dim3A_291 : vector<16xi1>, vector<16xi32>
      %reduce_sum3A_293 = arith.constant true
      %reduce_sum3A_294 = vector.broadcast %reduce_sum3A_293 : i1 to vector<16xi1>
      %reduce_sum3A_295 = tpu.scan <sum>, %select_n3A_292 masked %reduce_sum3A_294 : vector<16xi32>, vector<16xi1> -> vector<16xi32>
      %reduce_sum3A_296 = vector.extract %reduce_sum3A_295[15] : i32 from vector<16xi32>
      %jit3A_297 = arith.constant 64 : i32
      %eq3A_298 = arith.constant 0 : i32
      %eq3A_299 = arith.cmpi eq, %jit3A_297, %eq3A_298 : i32
      %jit3A_300 = arith.constant 1 : i32
      %select_n3A_301 = arith.select %eq3A_299, %jit3A_300, %jit3A_297 : i32
      %rem3A_302 = arith.remsi %add3A_284, %select_n3A_301 : i32
      %ne3A_303 = arith.constant 0 : i32
      %ne3A_304 = arith.cmpi ne, %rem3A_302, %ne3A_303 : i32
      %lt3A_305 = arith.constant 0 : i32
      %lt3A_306 = arith.cmpi slt, %rem3A_302, %lt3A_305 : i32
      %lt3A_307 = arith.constant 0 : i32
      %lt3A_308 = arith.cmpi slt, %select_n3A_301, %lt3A_307 : i32
      %ne3A_309 = arith.xori %lt3A_306, %lt3A_308 : i1
      %and3A_310 = arith.andi %ne3A_309, %ne3A_304 : i1
      %add3A_311 = arith.addi %rem3A_302, %select_n3A_301 : i32
      %select_n3A_312 = arith.select %and3A_310, %add3A_311, %rem3A_302 : i32
      %scan3A_313 = arith.constant 0 : i32
      %scan3A_314 = arith.constant 0 : i32
      %mul3A_315 = arith.constant 16 : i32
      %mul3A_316 = arith.muli %scan3A_314, %mul3A_315 : i32
      %add3A_317 = vector.broadcast %mul3A_316 : i32 to vector<16xi32>
      %add3A_318 = arith.addi %add3A_317, %iota3A : vector<16xi32>
      %mul3A_319 = arith.constant 16 : i32
      %mul3A_320 = arith.muli %scan3A_314, %mul3A_319 : i32
      %get3A_321 = arith.index_cast %mul3A_320 : i32 to index
      %get3A_322 = tpu.vector_load %arg20[%get3A_321] {strides = array<i32>} : memref<16xi32, #tpu.memory_space<vmem>>, vector<16xi32>,
      %lt3A_323 = vector.broadcast %scan3A_282#0 : i32 to vector<16xi32>
      %lt3A_324 = arith.cmpi slt, %add3A_318, %lt3A_323 : vector<16xi32>
      %broadcast_in_dim3A_325 = vector.broadcast %reduce_sum3A_296 : i32 to vector<16xi32>
      %select_n3A_326 = arith.select %lt3A_324, %get3A_322, %broadcast_in_dim3A_325 : vector<16xi1>, vector<16xi32>
      %gather3A = tpu.vector_load_idx %arg12[%select_n3A_326] : memref<4096xf32, #tpu.memory_space<vmem>>[vector<16xi32>], vector<16xf32>,
      %gather3A_327 = tpu.vector_load_idx %arg13[%select_n3A_326] : memref<4096xf32, #tpu.memory_space<vmem>>[vector<16xi32>], vector<16xf32>,
      %gather3A_328 = tpu.vector_load_idx %arg14[%select_n3A_326] : memref<4096xf32, #tpu.memory_space<vmem>>[vector<16xi32>], vector<16xf32>,
      %mul3A_329 = arith.constant 16 : i32
      %mul3A_330 = arith.muli %select_n3A_312, %mul3A_329 : i32
      %add3A_331 = vector.broadcast %mul3A_330 : i32 to vector<16xi32>
      %add3A_332 = arith.addi %add3A_331, %add3A_318 : vector<16xi32>
      %sub3A_333 = vector.broadcast %reduce_sum3A_115 : f32 to vector<16xf32>
      %sub3A_334 = arith.subf %gather3A, %sub3A_333 : vector<16xf32>
      tpu.vector_store_idx %arg23[%add3A_332], %sub3A_334 : memref<6144xf32, #tpu.memory_space<vmem>>[vector<16xi32>], vector<16xf32>,
      %add3A_335 = arith.constant 1024 : i32
      %add3A_336 = vector.broadcast %add3A_335 : i32 to vector<16xi32>
      %add3A_337 = arith.addi %add3A_332, %add3A_336 : vector<16xi32>
      %sub3A_338 = vector.broadcast %reduce_sum3A_168 : f32 to vector<16xf32>
      %sub3A_339 = arith.subf %gather3A_327, %sub3A_338 : vector<16xf32>
      tpu.vector_store_idx %arg23[%add3A_337], %sub3A_339 : memref<6144xf32, #tpu.memory_space<vmem>>[vector<16xi32>], vector<16xf32>,
      %add3A_340 = arith.constant 2048 : i32
      %add3A_341 = vector.broadcast %add3A_340 : i32 to vector<16xi32>
      %add3A_342 = arith.addi %add3A_332, %add3A_341 : vector<16xi32>
      %sub3A_343 = vector.broadcast %reduce_sum3A_221 : f32 to vector<16xf32>
      %sub3A_344 = arith.subf %gather3A_328, %sub3A_343 : vector<16xf32>
      tpu.vector_store_idx %arg23[%add3A_342], %sub3A_344 : memref<6144xf32, #tpu.memory_space<vmem>>[vector<16xi32>], vector<16xf32>,
      %add3A_345 = arith.constant 3072 : i32
      %add3A_346 = vector.broadcast %add3A_345 : i32 to vector<16xi32>
      %add3A_347 = arith.addi %add3A_332, %add3A_346 : vector<16xi32>
      tpu.vector_store_idx %arg23[%add3A_347], %gather3A : memref<6144xf32, #tpu.memory_space<vmem>>[vector<16xi32>], vector<16xf32>,
      %add3A_348 = arith.constant 4096 : i32
      %add3A_349 = vector.broadcast %add3A_348 : i32 to vector<16xi32>
      %add3A_350 = arith.addi %add3A_332, %add3A_349 : vector<16xi32>
      tpu.vector_store_idx %arg23[%add3A_350], %gather3A_327 : memref<6144xf32, #tpu.memory_space<vmem>>[vector<16xi32>], vector<16xf32>,
      %add3A_351 = arith.constant 5120 : i32
      %add3A_352 = vector.broadcast %add3A_351 : i32 to vector<16xi32>
      %add3A_353 = arith.addi %add3A_332, %add3A_352 : vector<16xi32>
      tpu.vector_store_idx %arg23[%add3A_353], %gather3A_328 : memref<6144xf32, #tpu.memory_space<vmem>>[vector<16xi32>], vector<16xf32>,
      %scan3A_354 = arith.constant 0 : i32
      %scan3A_355 = arith.constant 1 : i32
      %eq3A_356 = arith.constant 63 : i32
      %eq3A_357 = arith.cmpi eq, %select_n3A_312, %eq3A_356 : i32
      %convert_element_type3A = arith.extui %eq3A_357 : i1 to i32
      %cond3A = arith.constant 0 : i32
      %cond3A_358 = arith.cmpi ne, %convert_element_type3A, %cond3A : i32
      scf.if %cond3A_358 {
        %jit3A_440 = arith.constant 64 : i32
        %div3A_441 = arith.divsi %add3A_284, %jit3A_440 : i32
        %sign3A_442 = arith.constant 0 : i32
        %sign3A_443 = arith.cmpi sgt, %add3A_284, %sign3A_442 : i32
        %sign3A_444 = arith.extui %sign3A_443 : i1 to i32
        %sign3A_445 = arith.constant 0 : i32
        %sign3A_446 = arith.cmpi slt, %add3A_284, %sign3A_445 : i32
        %sign3A_447 = arith.extui %sign3A_446 : i1 to i32
        %sign3A_448 = arith.subi %sign3A_444, %sign3A_447 : i32
        %sign3A_449 = arith.constant 0 : i32
        %sign3A_450 = arith.cmpi sgt, %jit3A_440, %sign3A_449 : i32
        %sign3A_451 = arith.extui %sign3A_450 : i1 to i32
        %sign3A_452 = arith.constant 0 : i32
        %sign3A_453 = arith.cmpi slt, %jit3A_440, %sign3A_452 : i32
        %sign3A_454 = arith.extui %sign3A_453 : i1 to i32
        %sign3A_455 = arith.subi %sign3A_451, %sign3A_454 : i32
        %ne3A_456 = arith.cmpi ne, %sign3A_448, %sign3A_455 : i32
        %rem3A_457 = arith.remsi %add3A_284, %jit3A_440 : i32
        %ne3A_458 = arith.constant 0 : i32
        %ne3A_459 = arith.cmpi ne, %rem3A_457, %ne3A_458 : i32
        %and3A_460 = arith.andi %ne3A_456, %ne3A_459 : i1
        %sub3A_461 = arith.constant 1 : i32
        %sub3A_462 = arith.subi %div3A_441, %sub3A_461 : i32
        %select_n3A_463 = arith.select %and3A_460, %sub3A_462, %div3A_441 : i32
        %mul3A_464 = arith.constant 4 : i32
        %mul3A_465 = arith.muli %select_n3A, %mul3A_464 : i32
        %add3A_466 = arith.addi %mul3A_465, %select_n3A_463 : i32
        %mul3A_467 = arith.constant 6 : i32
        %mul3A_468 = arith.muli %add3A_466, %mul3A_467 : i32
        %mul3A_469 = arith.constant 1024 : i32
        %mul3A_470 = arith.muli %mul3A_468, %mul3A_469 : i32
        "tpu.region"() ({
          %run_scoped3A = tpu.sem_alloc : memref<!tpu.dma_semaphore, #tpu.memory_space<semaphore_mem>>
          %dma_start3A = tpu.memref_slice %arg9[%mul3A_470] : memref<196608xf32, #tpu.memory_space<hbm>> -> memref<6144xf32, #tpu.memory_space<hbm>>
          %dma_start3A_471 = tpu.memref_slice %arg9[%mul3A_470] : memref<196608xf32, #tpu.memory_space<hbm>> -> memref<6144xf32, #tpu.memory_space<hbm>>
          tpu.enqueue_dma source(%arg23 : memref<6144xf32, #tpu.memory_space<vmem>>) target(%dma_start3A_471 : memref<6144xf32, #tpu.memory_space<hbm>>) target_semaphore(%run_scoped3A : memref<!tpu.dma_semaphore, #tpu.memory_space<semaphore_mem>>)
          %dma_wait3A = tpu.memref_slice %arg9[%mul3A_470] : memref<196608xf32, #tpu.memory_space<hbm>> -> memref<6144xf32, #tpu.memory_space<hbm>>
          %dma_wait3A_472 = tpu.memref_slice %arg9[%mul3A_470] : memref<196608xf32, #tpu.memory_space<hbm>> -> memref<6144xf32, #tpu.memory_space<hbm>>
          tpu.wait_dma2 semaphore(%run_scoped3A : memref<!tpu.dma_semaphore, #tpu.memory_space<semaphore_mem>>) src(%arg23 : memref<6144xf32, #tpu.memory_space<vmem>>) dst(%dma_wait3A_472 : memref<6144xf32, #tpu.memory_space<hbm>>)
          tpu.yield
        }) : () -> ()
      } else {
      }
      %get3A_359 = arith.constant 0 : index
      %get3A_360 = tpu.vector_load %arg21[%get3A_359] {strides = array<i32>} : memref<32xi32, #tpu.memory_space<vmem>>, vector<16xi32>,
      %eq3A_361 = arith.constant 0 : i32
      %eq3A_362 = vector.broadcast %eq3A_361 : i32 to vector<16xi32>
      %eq3A_363 = arith.cmpi eq, %iota3A, %eq3A_362 : vector<16xi32>
      %broadcast_in_dim3A_364 = arith.constant 0 : i32
      %broadcast_in_dim3A_365 = vector.broadcast %broadcast_in_dim3A_364 : i32 to vector<16xi32>
      %select_n3A_366 = arith.select %eq3A_363, %get3A_360, %broadcast_in_dim3A_365 : vector<16xi1>, vector<16xi32>
      %reduce_sum3A_367 = arith.constant true
      %reduce_sum3A_368 = vector.broadcast %reduce_sum3A_367 : i1 to vector<16xi1>
      %reduce_sum3A_369 = tpu.scan <sum>, %select_n3A_366 masked %reduce_sum3A_368 : vector<16xi32>, vector<16xi1> -> vector<16xi32>
      %reduce_sum3A_370 = vector.extract %reduce_sum3A_369[15] : i32 from vector<16xi32>
      %jit3A_371 = arith.constant 32 : i32
      %eq3A_372 = arith.constant 0 : i32
      %eq3A_373 = arith.cmpi eq, %jit3A_371, %eq3A_372 : i32
      %jit3A_374 = arith.constant 1 : i32
      %select_n3A_375 = arith.select %eq3A_373, %jit3A_374, %jit3A_371 : i32
      %rem3A_376 = arith.remsi %add3A_284, %select_n3A_375 : i32
      %ne3A_377 = arith.constant 0 : i32
      %ne3A_378 = arith.cmpi ne, %rem3A_376, %ne3A_377 : i32
      %lt3A_379 = arith.constant 0 : i32
      %lt3A_380 = arith.cmpi slt, %rem3A_376, %lt3A_379 : i32
      %lt3A_381 = arith.constant 0 : i32
      %lt3A_382 = arith.cmpi slt, %select_n3A_375, %lt3A_381 : i32
      %ne3A_383 = arith.xori %lt3A_380, %lt3A_382 : i1
      %and3A_384 = arith.andi %ne3A_383, %ne3A_378 : i1
      %add3A_385 = arith.addi %rem3A_376, %select_n3A_375 : i32
      %select_n3A_386 = arith.select %and3A_384, %add3A_385, %rem3A_376 : i32
      %scan3A_387 = arith.constant 0 : i32
      %scan3A_388 = arith.constant 0 : i32
      %scan3A_389 = arith.constant 2 : i32
      %scan3A_390 = arith.addi %scan3A_388, %scan3A_389 : i32
      %scan3A_391 = arith.constant 1 : i32
      %scan3A_392 = scf.for %scan3A_440 = %scan3A_388 to %scan3A_390 step %scan3A_391 iter_args(%scan3A_441 = %scan3A_387) -> (i32)  : i32 {
        %mul3A_442 = arith.constant 16 : i32
        %mul3A_443 = arith.muli %scan3A_440, %mul3A_442 : i32
        %add3A_444 = vector.broadcast %mul3A_443 : i32 to vector<16xi32>
        %add3A_445 = arith.addi %add3A_444, %iota3A : vector<16xi32>
        %mul3A_446 = arith.constant 16 : i32
        %mul3A_447 = arith.muli %scan3A_440, %mul3A_446 : i32
        %get3A_448 = arith.index_cast %mul3A_447 : i32 to index
        %get3A_449 = tpu.vector_load %arg21[%get3A_448] {strides = array<i32>} : memref<32xi32, #tpu.memory_space<vmem>>, vector<16xi32>,
        %lt3A_450 = vector.broadcast %scan3A_282#1 : i32 to vector<16xi32>
        %lt3A_451 = arith.cmpi slt, %add3A_445, %lt3A_450 : vector<16xi32>
        %broadcast_in_dim3A_452 = vector.broadcast %reduce_sum3A_370 : i32 to vector<16xi32>
        %select_n3A_453 = arith.select %lt3A_451, %get3A_449, %broadcast_in_dim3A_452 : vector<16xi1>, vector<16xi32>
        %gather3A_454 = tpu.vector_load_idx %arg12[%select_n3A_453] : memref<4096xf32, #tpu.memory_space<vmem>>[vector<16xi32>], vector<16xf32>,
        %gather3A_455 = tpu.vector_load_idx %arg13[%select_n3A_453] : memref<4096xf32, #tpu.memory_space<vmem>>[vector<16xi32>], vector<16xf32>,
        %gather3A_456 = tpu.vector_load_idx %arg14[%select_n3A_453] : memref<4096xf32, #tpu.memory_space<vmem>>[vector<16xi32>], vector<16xf32>,
        %mul3A_457 = arith.constant 32 : i32
        %mul3A_458 = arith.muli %select_n3A_386, %mul3A_457 : i32
        %add3A_459 = vector.broadcast %mul3A_458 : i32 to vector<16xi32>
        %add3A_460 = arith.addi %add3A_459, %add3A_445 : vector<16xi32>
        %sub3A_461 = vector.broadcast %reduce_sum3A_115 : f32 to vector<16xf32>
        %sub3A_462 = arith.subf %gather3A_454, %sub3A_461 : vector<16xf32>
        tpu.vector_store_idx %arg24[%add3A_460], %sub3A_462 : memref<6144xf32, #tpu.memory_space<vmem>>[vector<16xi32>], vector<16xf32>,
        %add3A_463 = arith.constant 1024 : i32
        %add3A_464 = vector.broadcast %add3A_463 : i32 to vector<16xi32>
        %add3A_465 = arith.addi %add3A_460, %add3A_464 : vector<16xi32>
        %sub3A_466 = vector.broadcast %reduce_sum3A_168 : f32 to vector<16xf32>
        %sub3A_467 = arith.subf %gather3A_455, %sub3A_466 : vector<16xf32>
        tpu.vector_store_idx %arg24[%add3A_465], %sub3A_467 : memref<6144xf32, #tpu.memory_space<vmem>>[vector<16xi32>], vector<16xf32>,
        %add3A_468 = arith.constant 2048 : i32
        %add3A_469 = vector.broadcast %add3A_468 : i32 to vector<16xi32>
        %add3A_470 = arith.addi %add3A_460, %add3A_469 : vector<16xi32>
        %sub3A_471 = vector.broadcast %reduce_sum3A_221 : f32 to vector<16xf32>
        %sub3A_472 = arith.subf %gather3A_456, %sub3A_471 : vector<16xf32>
        tpu.vector_store_idx %arg24[%add3A_470], %sub3A_472 : memref<6144xf32, #tpu.memory_space<vmem>>[vector<16xi32>], vector<16xf32>,
        %add3A_473 = arith.constant 3072 : i32
        %add3A_474 = vector.broadcast %add3A_473 : i32 to vector<16xi32>
        %add3A_475 = arith.addi %add3A_460, %add3A_474 : vector<16xi32>
        tpu.vector_store_idx %arg24[%add3A_475], %gather3A_454 : memref<6144xf32, #tpu.memory_space<vmem>>[vector<16xi32>], vector<16xf32>,
        %add3A_476 = arith.constant 4096 : i32
        %add3A_477 = vector.broadcast %add3A_476 : i32 to vector<16xi32>
        %add3A_478 = arith.addi %add3A_460, %add3A_477 : vector<16xi32>
        tpu.vector_store_idx %arg24[%add3A_478], %gather3A_455 : memref<6144xf32, #tpu.memory_space<vmem>>[vector<16xi32>], vector<16xf32>,
        %add3A_479 = arith.constant 5120 : i32
        %add3A_480 = vector.broadcast %add3A_479 : i32 to vector<16xi32>
        %add3A_481 = arith.addi %add3A_460, %add3A_480 : vector<16xi32>
        tpu.vector_store_idx %arg24[%add3A_481], %gather3A_456 : memref<6144xf32, #tpu.memory_space<vmem>>[vector<16xi32>], vector<16xf32>,
        %scan3A_482 = arith.constant 0 : i32
        scf.yield %scan3A_482 : i32
      }
      %scan3A_393 = arith.constant 2 : i32
      %eq3A_394 = arith.constant 31 : i32
      %eq3A_395 = arith.cmpi eq, %select_n3A_386, %eq3A_394 : i32
      %convert_element_type3A_396 = arith.extui %eq3A_395 : i1 to i32
      %cond3A_397 = arith.constant 0 : i32
      %cond3A_398 = arith.cmpi ne, %convert_element_type3A_396, %cond3A_397 : i32
      scf.if %cond3A_398 {
        %jit3A_440 = arith.constant 32 : i32
        %div3A_441 = arith.divsi %add3A_284, %jit3A_440 : i32
        %sign3A_442 = arith.constant 0 : i32
        %sign3A_443 = arith.cmpi sgt, %add3A_284, %sign3A_442 : i32
        %sign3A_444 = arith.extui %sign3A_443 : i1 to i32
        %sign3A_445 = arith.constant 0 : i32
        %sign3A_446 = arith.cmpi slt, %add3A_284, %sign3A_445 : i32
        %sign3A_447 = arith.extui %sign3A_446 : i1 to i32
        %sign3A_448 = arith.subi %sign3A_444, %sign3A_447 : i32
        %sign3A_449 = arith.constant 0 : i32
        %sign3A_450 = arith.cmpi sgt, %jit3A_440, %sign3A_449 : i32
        %sign3A_451 = arith.extui %sign3A_450 : i1 to i32
        %sign3A_452 = arith.constant 0 : i32
        %sign3A_453 = arith.cmpi slt, %jit3A_440, %sign3A_452 : i32
        %sign3A_454 = arith.extui %sign3A_453 : i1 to i32
        %sign3A_455 = arith.subi %sign3A_451, %sign3A_454 : i32
        %ne3A_456 = arith.cmpi ne, %sign3A_448, %sign3A_455 : i32
        %rem3A_457 = arith.remsi %add3A_284, %jit3A_440 : i32
        %ne3A_458 = arith.constant 0 : i32
        %ne3A_459 = arith.cmpi ne, %rem3A_457, %ne3A_458 : i32
        %and3A_460 = arith.andi %ne3A_456, %ne3A_459 : i1
        %sub3A_461 = arith.constant 1 : i32
        %sub3A_462 = arith.subi %div3A_441, %sub3A_461 : i32
        %select_n3A_463 = arith.select %and3A_460, %sub3A_462, %div3A_441 : i32
        %mul3A_464 = arith.constant 8 : i32
        %mul3A_465 = arith.muli %select_n3A, %mul3A_464 : i32
        %add3A_466 = arith.addi %mul3A_465, %select_n3A_463 : i32
        %mul3A_467 = arith.constant 6 : i32
        %mul3A_468 = arith.muli %add3A_466, %mul3A_467 : i32
        %mul3A_469 = arith.constant 1024 : i32
        %mul3A_470 = arith.muli %mul3A_468, %mul3A_469 : i32
        "tpu.region"() ({
          %run_scoped3A = tpu.sem_alloc : memref<!tpu.dma_semaphore, #tpu.memory_space<semaphore_mem>>
          %dma_start3A = tpu.memref_slice %arg10[%mul3A_470] : memref<393216xf32, #tpu.memory_space<hbm>> -> memref<6144xf32, #tpu.memory_space<hbm>>
          %dma_start3A_471 = tpu.memref_slice %arg10[%mul3A_470] : memref<393216xf32, #tpu.memory_space<hbm>> -> memref<6144xf32, #tpu.memory_space<hbm>>
          tpu.enqueue_dma source(%arg24 : memref<6144xf32, #tpu.memory_space<vmem>>) target(%dma_start3A_471 : memref<6144xf32, #tpu.memory_space<hbm>>) target_semaphore(%run_scoped3A : memref<!tpu.dma_semaphore, #tpu.memory_space<semaphore_mem>>)
          %dma_wait3A = tpu.memref_slice %arg10[%mul3A_470] : memref<393216xf32, #tpu.memory_space<hbm>> -> memref<6144xf32, #tpu.memory_space<hbm>>
          %dma_wait3A_472 = tpu.memref_slice %arg10[%mul3A_470] : memref<393216xf32, #tpu.memory_space<hbm>> -> memref<6144xf32, #tpu.memory_space<hbm>>
          tpu.wait_dma2 semaphore(%run_scoped3A : memref<!tpu.dma_semaphore, #tpu.memory_space<semaphore_mem>>) src(%arg24 : memref<6144xf32, #tpu.memory_space<vmem>>) dst(%dma_wait3A_472 : memref<6144xf32, #tpu.memory_space<hbm>>)
          tpu.yield
        }) : () -> ()
      } else {
      }
      %get3A_399 = arith.constant 0 : index
      %get3A_400 = tpu.vector_load %arg22[%get3A_399] {strides = array<i32>} : memref<128xi32, #tpu.memory_space<vmem>>, vector<16xi32>,
      %eq3A_401 = arith.constant 0 : i32
      %eq3A_402 = vector.broadcast %eq3A_401 : i32 to vector<16xi32>
      %eq3A_403 = arith.cmpi eq, %iota3A, %eq3A_402 : vector<16xi32>
      %broadcast_in_dim3A_404 = arith.constant 0 : i32
      %broadcast_in_dim3A_405 = vector.broadcast %broadcast_in_dim3A_404 : i32 to vector<16xi32>
      %select_n3A_406 = arith.select %eq3A_403, %get3A_400, %broadcast_in_dim3A_405 : vector<16xi1>, vector<16xi32>
      %reduce_sum3A_407 = arith.constant true
      %reduce_sum3A_408 = vector.broadcast %reduce_sum3A_407 : i1 to vector<16xi1>
      %reduce_sum3A_409 = tpu.scan <sum>, %select_n3A_406 masked %reduce_sum3A_408 : vector<16xi32>, vector<16xi1> -> vector<16xi32>
      %reduce_sum3A_410 = vector.extract %reduce_sum3A_409[15] : i32 from vector<16xi32>
      %jit3A_411 = arith.constant 16 : i32
      %eq3A_412 = arith.constant 0 : i32
      %eq3A_413 = arith.cmpi eq, %jit3A_411, %eq3A_412 : i32
      %jit3A_414 = arith.constant 1 : i32
      %select_n3A_415 = arith.select %eq3A_413, %jit3A_414, %jit3A_411 : i32
      %rem3A_416 = arith.remsi %add3A_284, %select_n3A_415 : i32
      %ne3A_417 = arith.constant 0 : i32
      %ne3A_418 = arith.cmpi ne, %rem3A_416, %ne3A_417 : i32
      %lt3A_419 = arith.constant 0 : i32
      %lt3A_420 = arith.cmpi slt, %rem3A_416, %lt3A_419 : i32
      %lt3A_421 = arith.constant 0 : i32
      %lt3A_422 = arith.cmpi slt, %select_n3A_415, %lt3A_421 : i32
      %ne3A_423 = arith.xori %lt3A_420, %lt3A_422 : i1
      %and3A_424 = arith.andi %ne3A_423, %ne3A_418 : i1
      %add3A_425 = arith.addi %rem3A_416, %select_n3A_415 : i32
      %select_n3A_426 = arith.select %and3A_424, %add3A_425, %rem3A_416 : i32
      %scan3A_427 = arith.constant 0 : i32
      %scan3A_428 = arith.constant 0 : i32
      %scan3A_429 = arith.constant 8 : i32
      %scan3A_430 = arith.addi %scan3A_428, %scan3A_429 : i32
      %scan3A_431 = arith.constant 1 : i32
      %scan3A_432 = scf.for %scan3A_440 = %scan3A_428 to %scan3A_430 step %scan3A_431 iter_args(%scan3A_441 = %scan3A_427) -> (i32)  : i32 {
        %mul3A_442 = arith.constant 16 : i32
        %mul3A_443 = arith.muli %scan3A_440, %mul3A_442 : i32
        %add3A_444 = vector.broadcast %mul3A_443 : i32 to vector<16xi32>
        %add3A_445 = arith.addi %add3A_444, %iota3A : vector<16xi32>
        %mul3A_446 = arith.constant 16 : i32
        %mul3A_447 = arith.muli %scan3A_440, %mul3A_446 : i32
        %get3A_448 = arith.index_cast %mul3A_447 : i32 to index
        %get3A_449 = tpu.vector_load %arg22[%get3A_448] {strides = array<i32>} : memref<128xi32, #tpu.memory_space<vmem>>, vector<16xi32>,
        %lt3A_450 = vector.broadcast %scan3A_282#2 : i32 to vector<16xi32>
        %lt3A_451 = arith.cmpi slt, %add3A_445, %lt3A_450 : vector<16xi32>
        %broadcast_in_dim3A_452 = vector.broadcast %reduce_sum3A_410 : i32 to vector<16xi32>
        %select_n3A_453 = arith.select %lt3A_451, %get3A_449, %broadcast_in_dim3A_452 : vector<16xi1>, vector<16xi32>
        %gather3A_454 = tpu.vector_load_idx %arg12[%select_n3A_453] : memref<4096xf32, #tpu.memory_space<vmem>>[vector<16xi32>], vector<16xf32>,
        %gather3A_455 = tpu.vector_load_idx %arg13[%select_n3A_453] : memref<4096xf32, #tpu.memory_space<vmem>>[vector<16xi32>], vector<16xf32>,
        %gather3A_456 = tpu.vector_load_idx %arg14[%select_n3A_453] : memref<4096xf32, #tpu.memory_space<vmem>>[vector<16xi32>], vector<16xf32>,
        %mul3A_457 = arith.constant 128 : i32
        %mul3A_458 = arith.muli %select_n3A_426, %mul3A_457 : i32
        %add3A_459 = vector.broadcast %mul3A_458 : i32 to vector<16xi32>
        %add3A_460 = arith.addi %add3A_459, %add3A_445 : vector<16xi32>
        %sub3A_461 = vector.broadcast %reduce_sum3A_115 : f32 to vector<16xf32>
        %sub3A_462 = arith.subf %gather3A_454, %sub3A_461 : vector<16xf32>
        tpu.vector_store_idx %arg25[%add3A_460], %sub3A_462 : memref<12288xf32, #tpu.memory_space<vmem>>[vector<16xi32>], vector<16xf32>,
        %add3A_463 = arith.constant 2048 : i32
        %add3A_464 = vector.broadcast %add3A_463 : i32 to vector<16xi32>
        %add3A_465 = arith.addi %add3A_460, %add3A_464 : vector<16xi32>
        %sub3A_466 = vector.broadcast %reduce_sum3A_168 : f32 to vector<16xf32>
        %sub3A_467 = arith.subf %gather3A_455, %sub3A_466 : vector<16xf32>
        tpu.vector_store_idx %arg25[%add3A_465], %sub3A_467 : memref<12288xf32, #tpu.memory_space<vmem>>[vector<16xi32>], vector<16xf32>,
        %add3A_468 = arith.constant 4096 : i32
        %add3A_469 = vector.broadcast %add3A_468 : i32 to vector<16xi32>
        %add3A_470 = arith.addi %add3A_460, %add3A_469 : vector<16xi32>
        %sub3A_471 = vector.broadcast %reduce_sum3A_221 : f32 to vector<16xf32>
        %sub3A_472 = arith.subf %gather3A_456, %sub3A_471 : vector<16xf32>
        tpu.vector_store_idx %arg25[%add3A_470], %sub3A_472 : memref<12288xf32, #tpu.memory_space<vmem>>[vector<16xi32>], vector<16xf32>,
        %add3A_473 = arith.constant 6144 : i32
        %add3A_474 = vector.broadcast %add3A_473 : i32 to vector<16xi32>
        %add3A_475 = arith.addi %add3A_460, %add3A_474 : vector<16xi32>
        tpu.vector_store_idx %arg25[%add3A_475], %gather3A_454 : memref<12288xf32, #tpu.memory_space<vmem>>[vector<16xi32>], vector<16xf32>,
        %add3A_476 = arith.constant 8192 : i32
        %add3A_477 = vector.broadcast %add3A_476 : i32 to vector<16xi32>
        %add3A_478 = arith.addi %add3A_460, %add3A_477 : vector<16xi32>
        tpu.vector_store_idx %arg25[%add3A_478], %gather3A_455 : memref<12288xf32, #tpu.memory_space<vmem>>[vector<16xi32>], vector<16xf32>,
        %add3A_479 = arith.constant 10240 : i32
        %add3A_480 = vector.broadcast %add3A_479 : i32 to vector<16xi32>
        %add3A_481 = arith.addi %add3A_460, %add3A_480 : vector<16xi32>
        tpu.vector_store_idx %arg25[%add3A_481], %gather3A_456 : memref<12288xf32, #tpu.memory_space<vmem>>[vector<16xi32>], vector<16xf32>,
        %scan3A_482 = arith.constant 0 : i32
        scf.yield %scan3A_482 : i32
      }
      %scan3A_433 = arith.constant 8 : i32
      %eq3A_434 = arith.constant 15 : i32
      %eq3A_435 = arith.cmpi eq, %select_n3A_426, %eq3A_434 : i32
      %convert_element_type3A_436 = arith.extui %eq3A_435 : i1 to i32
      %cond3A_437 = arith.constant 0 : i32
      %cond3A_438 = arith.cmpi ne, %convert_element_type3A_436, %cond3A_437 : i32
      scf.if %cond3A_438 {
        %jit3A_440 = arith.constant 16 : i32
        %div3A_441 = arith.divsi %add3A_284, %jit3A_440 : i32
        %sign3A_442 = arith.constant 0 : i32
        %sign3A_443 = arith.cmpi sgt, %add3A_284, %sign3A_442 : i32
        %sign3A_444 = arith.extui %sign3A_443 : i1 to i32
        %sign3A_445 = arith.constant 0 : i32
        %sign3A_446 = arith.cmpi slt, %add3A_284, %sign3A_445 : i32
        %sign3A_447 = arith.extui %sign3A_446 : i1 to i32
        %sign3A_448 = arith.subi %sign3A_444, %sign3A_447 : i32
        %sign3A_449 = arith.constant 0 : i32
        %sign3A_450 = arith.cmpi sgt, %jit3A_440, %sign3A_449 : i32
        %sign3A_451 = arith.extui %sign3A_450 : i1 to i32
        %sign3A_452 = arith.constant 0 : i32
        %sign3A_453 = arith.cmpi slt, %jit3A_440, %sign3A_452 : i32
        %sign3A_454 = arith.extui %sign3A_453 : i1 to i32
        %sign3A_455 = arith.subi %sign3A_451, %sign3A_454 : i32
        %ne3A_456 = arith.cmpi ne, %sign3A_448, %sign3A_455 : i32
        %rem3A_457 = arith.remsi %add3A_284, %jit3A_440 : i32
        %ne3A_458 = arith.constant 0 : i32
        %ne3A_459 = arith.cmpi ne, %rem3A_457, %ne3A_458 : i32
        %and3A_460 = arith.andi %ne3A_456, %ne3A_459 : i1
        %sub3A_461 = arith.constant 1 : i32
        %sub3A_462 = arith.subi %div3A_441, %sub3A_461 : i32
        %select_n3A_463 = arith.select %and3A_460, %sub3A_462, %div3A_441 : i32
        %mul3A_464 = arith.constant 16 : i32
        %mul3A_465 = arith.muli %select_n3A, %mul3A_464 : i32
        %add3A_466 = arith.addi %mul3A_465, %select_n3A_463 : i32
        %mul3A_467 = arith.constant 6 : i32
        %mul3A_468 = arith.muli %add3A_466, %mul3A_467 : i32
        %mul3A_469 = arith.constant 2048 : i32
        %mul3A_470 = arith.muli %mul3A_468, %mul3A_469 : i32
        "tpu.region"() ({
          %run_scoped3A = tpu.sem_alloc : memref<!tpu.dma_semaphore, #tpu.memory_space<semaphore_mem>>
          %dma_start3A = tpu.memref_slice %arg11[%mul3A_470] : memref<1572864xf32, #tpu.memory_space<hbm>> -> memref<12288xf32, #tpu.memory_space<hbm>>
          %dma_start3A_471 = tpu.memref_slice %arg11[%mul3A_470] : memref<1572864xf32, #tpu.memory_space<hbm>> -> memref<12288xf32, #tpu.memory_space<hbm>>
          tpu.enqueue_dma source(%arg25 : memref<12288xf32, #tpu.memory_space<vmem>>) target(%dma_start3A_471 : memref<12288xf32, #tpu.memory_space<hbm>>) target_semaphore(%run_scoped3A : memref<!tpu.dma_semaphore, #tpu.memory_space<semaphore_mem>>)
          %dma_wait3A = tpu.memref_slice %arg11[%mul3A_470] : memref<1572864xf32, #tpu.memory_space<hbm>> -> memref<12288xf32, #tpu.memory_space<hbm>>
          %dma_wait3A_472 = tpu.memref_slice %arg11[%mul3A_470] : memref<1572864xf32, #tpu.memory_space<hbm>> -> memref<12288xf32, #tpu.memory_space<hbm>>
          tpu.wait_dma2 semaphore(%run_scoped3A : memref<!tpu.dma_semaphore, #tpu.memory_space<semaphore_mem>>) src(%arg25 : memref<12288xf32, #tpu.memory_space<vmem>>) dst(%dma_wait3A_472 : memref<12288xf32, #tpu.memory_space<hbm>>)
          tpu.yield
        }) : () -> ()
      } else {
      }
      %scan3A_439 = arith.constant 0 : i32
      scf.yield %scan3A_439 : i32
    }
    %scan3A_63 = arith.constant 64 : i32
    return
  }
}

#map = affine_map<(d0, d1) -> (0)>
module attributes {stable_mosaic.version = 14 : i64} {
  func.func @_bq2_body(%arg0: i32, %arg1: i32, %arg2: memref<4096xf32, #tpu.memory_space<hbm>>, %arg3: memref<4096xf32, #tpu.memory_space<hbm>>, %arg4: memref<4096xf32, #tpu.memory_space<hbm>>, %arg5: memref<1024xf32, #tpu.memory_space<hbm>>, %arg6: memref<1024xf32, #tpu.memory_space<hbm>>, %arg7: memref<1024xf32, #tpu.memory_space<hbm>>, %arg8: memref<1024xf32, #tpu.memory_space<hbm>>, %arg9: memref<32768xi32, #tpu.memory_space<hbm>>, %arg10: memref<65536xi32, #tpu.memory_space<hbm>>, %arg11: memref<131072xi32, #tpu.memory_space<hbm>>, %arg12: memref<512xf32, #tpu.memory_space<vmem>>, %arg13: memref<512xf32, #tpu.memory_space<vmem>>, %arg14: memref<512xf32, #tpu.memory_space<vmem>>, %arg15: memref<512xf32, #tpu.memory_space<vmem>>, %arg16: memref<32xf32, #tpu.memory_space<vmem>>, %arg17: memref<32xf32, #tpu.memory_space<vmem>>, %arg18: memref<32xf32, #tpu.memory_space<vmem>>, %arg19: memref<32xf32, #tpu.memory_space<vmem>>, %arg20: memref<32xi32, #tpu.memory_space<vmem>>, %arg21: memref<64xi32, #tpu.memory_space<vmem>>, %arg22: memref<128xi32, #tpu.memory_space<vmem>>) attributes {dimension_semantics = [#tpu.dimension_semantics<core_parallel>, #tpu.dimension_semantics<subcore_parallel>], iteration_bounds = array<i64: 2, 16>, scalar_prefetch = 0 : i64, scratch_operands = 11 : i64, tpu.core_type = #tpu.core_type<sc_vector_subcore>, window_params = [{transform_indices = #map}, {transform_indices = #map}, {transform_indices = #map}, {transform_indices = #map}, {transform_indices = #map}, {transform_indices = #map}, {transform_indices = #map}, {transform_indices = #map}, {transform_indices = #map}, {transform_indices = #map}]} {
    %mul3A = arith.constant 2 : i32
    %mul3A_0 = arith.muli %arg1, %mul3A : i32
    %add3A = arith.addi %mul3A_0, %arg0 : i32
    %jit3A = arith.constant 4 : i32
    %div3A = arith.divsi %add3A, %jit3A : i32
    %sign3A = arith.constant 0 : i32
    %sign3A_1 = arith.cmpi sgt, %add3A, %sign3A : i32
    %sign3A_2 = arith.extui %sign3A_1 : i1 to i32
    %sign3A_3 = arith.constant 0 : i32
    %sign3A_4 = arith.cmpi slt, %add3A, %sign3A_3 : i32
    %sign3A_5 = arith.extui %sign3A_4 : i1 to i32
    %sign3A_6 = arith.subi %sign3A_2, %sign3A_5 : i32
    %sign3A_7 = arith.constant 0 : i32
    %sign3A_8 = arith.cmpi sgt, %jit3A, %sign3A_7 : i32
    %sign3A_9 = arith.extui %sign3A_8 : i1 to i32
    %sign3A_10 = arith.constant 0 : i32
    %sign3A_11 = arith.cmpi slt, %jit3A, %sign3A_10 : i32
    %sign3A_12 = arith.extui %sign3A_11 : i1 to i32
    %sign3A_13 = arith.subi %sign3A_9, %sign3A_12 : i32
    %ne3A = arith.cmpi ne, %sign3A_6, %sign3A_13 : i32
    %rem3A = arith.remsi %add3A, %jit3A : i32
    %ne3A_14 = arith.constant 0 : i32
    %ne3A_15 = arith.cmpi ne, %rem3A, %ne3A_14 : i32
    %and3A = arith.andi %ne3A, %ne3A_15 : i1
    %sub3A = arith.constant 1 : i32
    %sub3A_16 = arith.subi %div3A, %sub3A : i32
    %select_n3A = arith.select %and3A, %sub3A_16, %div3A : i32
    %jit3A_17 = arith.constant 4 : i32
    %eq3A = arith.constant 0 : i32
    %eq3A_18 = arith.cmpi eq, %jit3A_17, %eq3A : i32
    %jit3A_19 = arith.constant 1 : i32
    %select_n3A_20 = arith.select %eq3A_18, %jit3A_19, %jit3A_17 : i32
    %rem3A_21 = arith.remsi %add3A, %select_n3A_20 : i32
    %ne3A_22 = arith.constant 0 : i32
    %ne3A_23 = arith.cmpi ne, %rem3A_21, %ne3A_22 : i32
    %lt3A = arith.constant 0 : i32
    %lt3A_24 = arith.cmpi slt, %rem3A_21, %lt3A : i32
    %lt3A_25 = arith.constant 0 : i32
    %lt3A_26 = arith.cmpi slt, %select_n3A_20, %lt3A_25 : i32
    %ne3A_27 = arith.xori %lt3A_24, %lt3A_26 : i1
    %and3A_28 = arith.andi %ne3A_27, %ne3A_23 : i1
    %add3A_29 = arith.addi %rem3A_21, %select_n3A_20 : i32
    %select_n3A_30 = arith.select %and3A_28, %add3A_29, %rem3A_21 : i32
    %mul3A_31 = arith.constant 32 : i32
    %mul3A_32 = arith.muli %select_n3A_30, %mul3A_31 : i32
    %mul3A_33 = arith.constant 512 : i32
    %mul3A_34 = arith.muli %select_n3A, %mul3A_33 : i32
    "tpu.region"() ({
      %run_scoped3A = tpu.sem_alloc : memref<!tpu.dma_semaphore, #tpu.memory_space<semaphore_mem>>
      %dma_start3A = tpu.memref_slice %arg2[%mul3A_34] : memref<4096xf32, #tpu.memory_space<hbm>> -> memref<512xf32, #tpu.memory_space<hbm>>
      %dma_start3A_64 = tpu.memref_slice %arg2[%mul3A_34] : memref<4096xf32, #tpu.memory_space<hbm>> -> memref<512xf32, #tpu.memory_space<hbm>>
      tpu.enqueue_dma source(%dma_start3A_64 : memref<512xf32, #tpu.memory_space<hbm>>) target(%arg12 : memref<512xf32, #tpu.memory_space<vmem>>) target_semaphore(%run_scoped3A : memref<!tpu.dma_semaphore, #tpu.memory_space<semaphore_mem>>)
      %dma_wait3A = tpu.memref_slice %arg2[%mul3A_34] : memref<4096xf32, #tpu.memory_space<hbm>> -> memref<512xf32, #tpu.memory_space<hbm>>
      %dma_wait3A_65 = tpu.memref_slice %arg2[%mul3A_34] : memref<4096xf32, #tpu.memory_space<hbm>> -> memref<512xf32, #tpu.memory_space<hbm>>
      tpu.wait_dma2 semaphore(%run_scoped3A : memref<!tpu.dma_semaphore, #tpu.memory_space<semaphore_mem>>) src(%dma_wait3A_65 : memref<512xf32, #tpu.memory_space<hbm>>) dst(%arg12 : memref<512xf32, #tpu.memory_space<vmem>>)
      tpu.yield
    }) : () -> ()
    %mul3A_35 = arith.constant 512 : i32
    %mul3A_36 = arith.muli %select_n3A, %mul3A_35 : i32
    "tpu.region"() ({
      %run_scoped3A = tpu.sem_alloc : memref<!tpu.dma_semaphore, #tpu.memory_space<semaphore_mem>>
      %dma_start3A = tpu.memref_slice %arg3[%mul3A_36] : memref<4096xf32, #tpu.memory_space<hbm>> -> memref<512xf32, #tpu.memory_space<hbm>>
      %dma_start3A_64 = tpu.memref_slice %arg3[%mul3A_36] : memref<4096xf32, #tpu.memory_space<hbm>> -> memref<512xf32, #tpu.memory_space<hbm>>
      tpu.enqueue_dma source(%dma_start3A_64 : memref<512xf32, #tpu.memory_space<hbm>>) target(%arg13 : memref<512xf32, #tpu.memory_space<vmem>>) target_semaphore(%run_scoped3A : memref<!tpu.dma_semaphore, #tpu.memory_space<semaphore_mem>>)
      %dma_wait3A = tpu.memref_slice %arg3[%mul3A_36] : memref<4096xf32, #tpu.memory_space<hbm>> -> memref<512xf32, #tpu.memory_space<hbm>>
      %dma_wait3A_65 = tpu.memref_slice %arg3[%mul3A_36] : memref<4096xf32, #tpu.memory_space<hbm>> -> memref<512xf32, #tpu.memory_space<hbm>>
      tpu.wait_dma2 semaphore(%run_scoped3A : memref<!tpu.dma_semaphore, #tpu.memory_space<semaphore_mem>>) src(%dma_wait3A_65 : memref<512xf32, #tpu.memory_space<hbm>>) dst(%arg13 : memref<512xf32, #tpu.memory_space<vmem>>)
      tpu.yield
    }) : () -> ()
    %mul3A_37 = arith.constant 512 : i32
    %mul3A_38 = arith.muli %select_n3A, %mul3A_37 : i32
    "tpu.region"() ({
      %run_scoped3A = tpu.sem_alloc : memref<!tpu.dma_semaphore, #tpu.memory_space<semaphore_mem>>
      %dma_start3A = tpu.memref_slice %arg4[%mul3A_38] : memref<4096xf32, #tpu.memory_space<hbm>> -> memref<512xf32, #tpu.memory_space<hbm>>
      %dma_start3A_64 = tpu.memref_slice %arg4[%mul3A_38] : memref<4096xf32, #tpu.memory_space<hbm>> -> memref<512xf32, #tpu.memory_space<hbm>>
      tpu.enqueue_dma source(%dma_start3A_64 : memref<512xf32, #tpu.memory_space<hbm>>) target(%arg14 : memref<512xf32, #tpu.memory_space<vmem>>) target_semaphore(%run_scoped3A : memref<!tpu.dma_semaphore, #tpu.memory_space<semaphore_mem>>)
      %dma_wait3A = tpu.memref_slice %arg4[%mul3A_38] : memref<4096xf32, #tpu.memory_space<hbm>> -> memref<512xf32, #tpu.memory_space<hbm>>
      %dma_wait3A_65 = tpu.memref_slice %arg4[%mul3A_38] : memref<4096xf32, #tpu.memory_space<hbm>> -> memref<512xf32, #tpu.memory_space<hbm>>
      tpu.wait_dma2 semaphore(%run_scoped3A : memref<!tpu.dma_semaphore, #tpu.memory_space<semaphore_mem>>) src(%dma_wait3A_65 : memref<512xf32, #tpu.memory_space<hbm>>) dst(%arg14 : memref<512xf32, #tpu.memory_space<vmem>>)
      tpu.yield
    }) : () -> ()
    %mul3A_39 = arith.constant 128 : i32
    %mul3A_40 = arith.muli %select_n3A, %mul3A_39 : i32
    %add3A_41 = arith.addi %mul3A_40, %mul3A_32 : i32
    "tpu.region"() ({
      %run_scoped3A = tpu.sem_alloc : memref<!tpu.dma_semaphore, #tpu.memory_space<semaphore_mem>>
      %dma_start3A = tpu.memref_slice %arg5[%add3A_41] : memref<1024xf32, #tpu.memory_space<hbm>> -> memref<32xf32, #tpu.memory_space<hbm>>
      %dma_start3A_64 = tpu.memref_slice %arg5[%add3A_41] : memref<1024xf32, #tpu.memory_space<hbm>> -> memref<32xf32, #tpu.memory_space<hbm>>
      tpu.enqueue_dma source(%dma_start3A_64 : memref<32xf32, #tpu.memory_space<hbm>>) target(%arg16 : memref<32xf32, #tpu.memory_space<vmem>>) target_semaphore(%run_scoped3A : memref<!tpu.dma_semaphore, #tpu.memory_space<semaphore_mem>>)
      %dma_wait3A = tpu.memref_slice %arg5[%add3A_41] : memref<1024xf32, #tpu.memory_space<hbm>> -> memref<32xf32, #tpu.memory_space<hbm>>
      %dma_wait3A_65 = tpu.memref_slice %arg5[%add3A_41] : memref<1024xf32, #tpu.memory_space<hbm>> -> memref<32xf32, #tpu.memory_space<hbm>>
      tpu.wait_dma2 semaphore(%run_scoped3A : memref<!tpu.dma_semaphore, #tpu.memory_space<semaphore_mem>>) src(%dma_wait3A_65 : memref<32xf32, #tpu.memory_space<hbm>>) dst(%arg16 : memref<32xf32, #tpu.memory_space<vmem>>)
      tpu.yield
    }) : () -> ()
    %mul3A_42 = arith.constant 128 : i32
    %mul3A_43 = arith.muli %select_n3A, %mul3A_42 : i32
    %add3A_44 = arith.addi %mul3A_43, %mul3A_32 : i32
    "tpu.region"() ({
      %run_scoped3A = tpu.sem_alloc : memref<!tpu.dma_semaphore, #tpu.memory_space<semaphore_mem>>
      %dma_start3A = tpu.memref_slice %arg6[%add3A_44] : memref<1024xf32, #tpu.memory_space<hbm>> -> memref<32xf32, #tpu.memory_space<hbm>>
      %dma_start3A_64 = tpu.memref_slice %arg6[%add3A_44] : memref<1024xf32, #tpu.memory_space<hbm>> -> memref<32xf32, #tpu.memory_space<hbm>>
      tpu.enqueue_dma source(%dma_start3A_64 : memref<32xf32, #tpu.memory_space<hbm>>) target(%arg17 : memref<32xf32, #tpu.memory_space<vmem>>) target_semaphore(%run_scoped3A : memref<!tpu.dma_semaphore, #tpu.memory_space<semaphore_mem>>)
      %dma_wait3A = tpu.memref_slice %arg6[%add3A_44] : memref<1024xf32, #tpu.memory_space<hbm>> -> memref<32xf32, #tpu.memory_space<hbm>>
      %dma_wait3A_65 = tpu.memref_slice %arg6[%add3A_44] : memref<1024xf32, #tpu.memory_space<hbm>> -> memref<32xf32, #tpu.memory_space<hbm>>
      tpu.wait_dma2 semaphore(%run_scoped3A : memref<!tpu.dma_semaphore, #tpu.memory_space<semaphore_mem>>) src(%dma_wait3A_65 : memref<32xf32, #tpu.memory_space<hbm>>) dst(%arg17 : memref<32xf32, #tpu.memory_space<vmem>>)
      tpu.yield
    }) : () -> ()
    %mul3A_45 = arith.constant 128 : i32
    %mul3A_46 = arith.muli %select_n3A, %mul3A_45 : i32
    %add3A_47 = arith.addi %mul3A_46, %mul3A_32 : i32
    "tpu.region"() ({
      %run_scoped3A = tpu.sem_alloc : memref<!tpu.dma_semaphore, #tpu.memory_space<semaphore_mem>>
      %dma_start3A = tpu.memref_slice %arg7[%add3A_47] : memref<1024xf32, #tpu.memory_space<hbm>> -> memref<32xf32, #tpu.memory_space<hbm>>
      %dma_start3A_64 = tpu.memref_slice %arg7[%add3A_47] : memref<1024xf32, #tpu.memory_space<hbm>> -> memref<32xf32, #tpu.memory_space<hbm>>
      tpu.enqueue_dma source(%dma_start3A_64 : memref<32xf32, #tpu.memory_space<hbm>>) target(%arg18 : memref<32xf32, #tpu.memory_space<vmem>>) target_semaphore(%run_scoped3A : memref<!tpu.dma_semaphore, #tpu.memory_space<semaphore_mem>>)
      %dma_wait3A = tpu.memref_slice %arg7[%add3A_47] : memref<1024xf32, #tpu.memory_space<hbm>> -> memref<32xf32, #tpu.memory_space<hbm>>
      %dma_wait3A_65 = tpu.memref_slice %arg7[%add3A_47] : memref<1024xf32, #tpu.memory_space<hbm>> -> memref<32xf32, #tpu.memory_space<hbm>>
      tpu.wait_dma2 semaphore(%run_scoped3A : memref<!tpu.dma_semaphore, #tpu.memory_space<semaphore_mem>>) src(%dma_wait3A_65 : memref<32xf32, #tpu.memory_space<hbm>>) dst(%arg18 : memref<32xf32, #tpu.memory_space<vmem>>)
      tpu.yield
    }) : () -> ()
    %mul3A_48 = arith.constant 128 : i32
    %mul3A_49 = arith.muli %select_n3A, %mul3A_48 : i32
    %add3A_50 = arith.addi %mul3A_49, %mul3A_32 : i32
    "tpu.region"() ({
      %run_scoped3A = tpu.sem_alloc : memref<!tpu.dma_semaphore, #tpu.memory_space<semaphore_mem>>
      %dma_start3A = tpu.memref_slice %arg8[%add3A_50] : memref<1024xf32, #tpu.memory_space<hbm>> -> memref<32xf32, #tpu.memory_space<hbm>>
      %dma_start3A_64 = tpu.memref_slice %arg8[%add3A_50] : memref<1024xf32, #tpu.memory_space<hbm>> -> memref<32xf32, #tpu.memory_space<hbm>>
      tpu.enqueue_dma source(%dma_start3A_64 : memref<32xf32, #tpu.memory_space<hbm>>) target(%arg19 : memref<32xf32, #tpu.memory_space<vmem>>) target_semaphore(%run_scoped3A : memref<!tpu.dma_semaphore, #tpu.memory_space<semaphore_mem>>)
      %dma_wait3A = tpu.memref_slice %arg8[%add3A_50] : memref<1024xf32, #tpu.memory_space<hbm>> -> memref<32xf32, #tpu.memory_space<hbm>>
      %dma_wait3A_65 = tpu.memref_slice %arg8[%add3A_50] : memref<1024xf32, #tpu.memory_space<hbm>> -> memref<32xf32, #tpu.memory_space<hbm>>
      tpu.wait_dma2 semaphore(%run_scoped3A : memref<!tpu.dma_semaphore, #tpu.memory_space<semaphore_mem>>) src(%dma_wait3A_65 : memref<32xf32, #tpu.memory_space<hbm>>) dst(%arg19 : memref<32xf32, #tpu.memory_space<vmem>>)
      tpu.yield
    }) : () -> ()
    %iota3A = tpu.iota {dimensions = array<i32: 0>} : vector<16xi32>
    %scan3A = arith.constant 0 : i32
    %scan3A_51 = arith.constant 0 : i32
    %scan3A_52 = arith.constant 32 : i32
    %scan3A_53 = arith.addi %scan3A_51, %scan3A_52 : i32
    %scan3A_54 = arith.constant 1 : i32
    %scan3A_55 = scf.for %scan3A_64 = %scan3A_51 to %scan3A_53 step %scan3A_54 iter_args(%scan3A_65 = %scan3A) -> (i32)  : i32 {
      %mul3A_66 = arith.constant 16 : i32
      %mul3A_67 = arith.muli %scan3A_64, %mul3A_66 : i32
      %get3A = arith.index_cast %mul3A_67 : i32 to index
      %get3A_68 = tpu.vector_load %arg12[%get3A] {strides = array<i32>} : memref<512xf32, #tpu.memory_space<vmem>>, vector<16xf32>,
      %get3A_69 = arith.index_cast %mul3A_67 : i32 to index
      %get3A_70 = tpu.vector_load %arg13[%get3A_69] {strides = array<i32>} : memref<512xf32, #tpu.memory_space<vmem>>, vector<16xf32>,
      %get3A_71 = arith.index_cast %mul3A_67 : i32 to index
      %get3A_72 = tpu.vector_load %arg14[%get3A_71] {strides = array<i32>} : memref<512xf32, #tpu.memory_space<vmem>>, vector<16xf32>,
      %mul3A_73 = arith.mulf %get3A_68, %get3A_68 : vector<16xf32>
      %mul3A_74 = arith.mulf %get3A_70, %get3A_70 : vector<16xf32>
      %add3A_75 = arith.addf %mul3A_73, %mul3A_74 : vector<16xf32>
      %mul3A_76 = arith.mulf %get3A_72, %get3A_72 : vector<16xf32>
      %add3A_77 = arith.addf %add3A_75, %mul3A_76 : vector<16xf32>
      %swap3A = arith.index_cast %mul3A_67 : i32 to index
      %swap3A_78 = tpu.vector_load %arg15[%swap3A] {strides = array<i32>} : memref<512xf32, #tpu.memory_space<vmem>>, vector<16xf32>,
      tpu.vector_store %arg15[%swap3A], %add3A_77 {strides = array<i32>} : memref<512xf32, #tpu.memory_space<vmem>>, vector<16xf32>,
      %scan3A_79 = arith.constant 0 : i32
      scf.yield %scan3A_79 : i32
    }
    %scan3A_56 = arith.constant 32 : i32
    %scan3A_57 = arith.constant 0 : i32
    %scan3A_58 = arith.constant 0 : i32
    %scan3A_59 = arith.constant 32 : i32
    %scan3A_60 = arith.addi %scan3A_58, %scan3A_59 : i32
    %scan3A_61 = arith.constant 1 : i32
    %scan3A_62 = scf.for %scan3A_64 = %scan3A_58 to %scan3A_60 step %scan3A_61 iter_args(%scan3A_65 = %scan3A_57) -> (i32)  : i32 {
      %jit3A_66 = arith.constant 16 : i32
      %div3A_67 = arith.divsi %scan3A_64, %jit3A_66 : i32
      %sign3A_68 = arith.constant 0 : i32
      %sign3A_69 = arith.cmpi sgt, %scan3A_64, %sign3A_68 : i32
      %sign3A_70 = arith.extui %sign3A_69 : i1 to i32
      %sign3A_71 = arith.constant 0 : i32
      %sign3A_72 = arith.cmpi slt, %scan3A_64, %sign3A_71 : i32
      %sign3A_73 = arith.extui %sign3A_72 : i1 to i32
      %sign3A_74 = arith.subi %sign3A_70, %sign3A_73 : i32
      %sign3A_75 = arith.constant 0 : i32
      %sign3A_76 = arith.cmpi sgt, %jit3A_66, %sign3A_75 : i32
      %sign3A_77 = arith.extui %sign3A_76 : i1 to i32
      %sign3A_78 = arith.constant 0 : i32
      %sign3A_79 = arith.cmpi slt, %jit3A_66, %sign3A_78 : i32
      %sign3A_80 = arith.extui %sign3A_79 : i1 to i32
      %sign3A_81 = arith.subi %sign3A_77, %sign3A_80 : i32
      %ne3A_82 = arith.cmpi ne, %sign3A_74, %sign3A_81 : i32
      %rem3A_83 = arith.remsi %scan3A_64, %jit3A_66 : i32
      %ne3A_84 = arith.constant 0 : i32
      %ne3A_85 = arith.cmpi ne, %rem3A_83, %ne3A_84 : i32
      %and3A_86 = arith.andi %ne3A_82, %ne3A_85 : i1
      %sub3A_87 = arith.constant 1 : i32
      %sub3A_88 = arith.subi %div3A_67, %sub3A_87 : i32
      %select_n3A_89 = arith.select %and3A_86, %sub3A_88, %div3A_67 : i32
      %mul3A_90 = arith.constant 16 : i32
      %mul3A_91 = arith.muli %select_n3A_89, %mul3A_90 : i32
      %get3A = arith.index_cast %mul3A_91 : i32 to index
      %get3A_92 = tpu.vector_load %arg16[%get3A] {strides = array<i32>} : memref<32xf32, #tpu.memory_space<vmem>>, vector<16xf32>,
      %jit3A_93 = arith.constant 16 : i32
      %eq3A_94 = arith.constant 0 : i32
      %eq3A_95 = arith.cmpi eq, %jit3A_93, %eq3A_94 : i32
      %jit3A_96 = arith.constant 1 : i32
      %select_n3A_97 = arith.select %eq3A_95, %jit3A_96, %jit3A_93 : i32
      %rem3A_98 = arith.remsi %scan3A_64, %select_n3A_97 : i32
      %ne3A_99 = arith.constant 0 : i32
      %ne3A_100 = arith.cmpi ne, %rem3A_98, %ne3A_99 : i32
      %lt3A_101 = arith.constant 0 : i32
      %lt3A_102 = arith.cmpi slt, %rem3A_98, %lt3A_101 : i32
      %lt3A_103 = arith.constant 0 : i32
      %lt3A_104 = arith.cmpi slt, %select_n3A_97, %lt3A_103 : i32
      %ne3A_105 = arith.xori %lt3A_102, %lt3A_104 : i1
      %and3A_106 = arith.andi %ne3A_105, %ne3A_100 : i1
      %add3A_107 = arith.addi %rem3A_98, %select_n3A_97 : i32
      %select_n3A_108 = arith.select %and3A_106, %add3A_107, %rem3A_98 : i32
      %eq3A_109 = vector.broadcast %select_n3A_108 : i32 to vector<16xi32>
      %eq3A_110 = arith.cmpi eq, %iota3A, %eq3A_109 : vector<16xi32>
      %broadcast_in_dim3A = arith.constant 0.000000e+00 : f32
      %broadcast_in_dim3A_111 = vector.broadcast %broadcast_in_dim3A : f32 to vector<16xf32>
      %select_n3A_112 = arith.select %eq3A_110, %get3A_92, %broadcast_in_dim3A_111 : vector<16xi1>, vector<16xf32>
      %reduce_sum3A = arith.constant true
      %reduce_sum3A_113 = vector.broadcast %reduce_sum3A : i1 to vector<16xi1>
      %reduce_sum3A_114 = tpu.scan <sum>, %select_n3A_112 masked %reduce_sum3A_113 : vector<16xf32>, vector<16xi1> -> vector<16xf32>
      %reduce_sum3A_115 = vector.extract %reduce_sum3A_114[15] : f32 from vector<16xf32>
      %jit3A_116 = arith.constant 16 : i32
      %div3A_117 = arith.divsi %scan3A_64, %jit3A_116 : i32
      %sign3A_118 = arith.constant 0 : i32
      %sign3A_119 = arith.cmpi sgt, %scan3A_64, %sign3A_118 : i32
      %sign3A_120 = arith.extui %sign3A_119 : i1 to i32
      %sign3A_121 = arith.constant 0 : i32
      %sign3A_122 = arith.cmpi slt, %scan3A_64, %sign3A_121 : i32
      %sign3A_123 = arith.extui %sign3A_122 : i1 to i32
      %sign3A_124 = arith.subi %sign3A_120, %sign3A_123 : i32
      %sign3A_125 = arith.constant 0 : i32
      %sign3A_126 = arith.cmpi sgt, %jit3A_116, %sign3A_125 : i32
      %sign3A_127 = arith.extui %sign3A_126 : i1 to i32
      %sign3A_128 = arith.constant 0 : i32
      %sign3A_129 = arith.cmpi slt, %jit3A_116, %sign3A_128 : i32
      %sign3A_130 = arith.extui %sign3A_129 : i1 to i32
      %sign3A_131 = arith.subi %sign3A_127, %sign3A_130 : i32
      %ne3A_132 = arith.cmpi ne, %sign3A_124, %sign3A_131 : i32
      %rem3A_133 = arith.remsi %scan3A_64, %jit3A_116 : i32
      %ne3A_134 = arith.constant 0 : i32
      %ne3A_135 = arith.cmpi ne, %rem3A_133, %ne3A_134 : i32
      %and3A_136 = arith.andi %ne3A_132, %ne3A_135 : i1
      %sub3A_137 = arith.constant 1 : i32
      %sub3A_138 = arith.subi %div3A_117, %sub3A_137 : i32
      %select_n3A_139 = arith.select %and3A_136, %sub3A_138, %div3A_117 : i32
      %mul3A_140 = arith.constant 16 : i32
      %mul3A_141 = arith.muli %select_n3A_139, %mul3A_140 : i32
      %get3A_142 = arith.index_cast %mul3A_141 : i32 to index
      %get3A_143 = tpu.vector_load %arg17[%get3A_142] {strides = array<i32>} : memref<32xf32, #tpu.memory_space<vmem>>, vector<16xf32>,
      %jit3A_144 = arith.constant 16 : i32
      %eq3A_145 = arith.constant 0 : i32
      %eq3A_146 = arith.cmpi eq, %jit3A_144, %eq3A_145 : i32
      %jit3A_147 = arith.constant 1 : i32
      %select_n3A_148 = arith.select %eq3A_146, %jit3A_147, %jit3A_144 : i32
      %rem3A_149 = arith.remsi %scan3A_64, %select_n3A_148 : i32
      %ne3A_150 = arith.constant 0 : i32
      %ne3A_151 = arith.cmpi ne, %rem3A_149, %ne3A_150 : i32
      %lt3A_152 = arith.constant 0 : i32
      %lt3A_153 = arith.cmpi slt, %rem3A_149, %lt3A_152 : i32
      %lt3A_154 = arith.constant 0 : i32
      %lt3A_155 = arith.cmpi slt, %select_n3A_148, %lt3A_154 : i32
      %ne3A_156 = arith.xori %lt3A_153, %lt3A_155 : i1
      %and3A_157 = arith.andi %ne3A_156, %ne3A_151 : i1
      %add3A_158 = arith.addi %rem3A_149, %select_n3A_148 : i32
      %select_n3A_159 = arith.select %and3A_157, %add3A_158, %rem3A_149 : i32
      %eq3A_160 = vector.broadcast %select_n3A_159 : i32 to vector<16xi32>
      %eq3A_161 = arith.cmpi eq, %iota3A, %eq3A_160 : vector<16xi32>
      %broadcast_in_dim3A_162 = arith.constant 0.000000e+00 : f32
      %broadcast_in_dim3A_163 = vector.broadcast %broadcast_in_dim3A_162 : f32 to vector<16xf32>
      %select_n3A_164 = arith.select %eq3A_161, %get3A_143, %broadcast_in_dim3A_163 : vector<16xi1>, vector<16xf32>
      %reduce_sum3A_165 = arith.constant true
      %reduce_sum3A_166 = vector.broadcast %reduce_sum3A_165 : i1 to vector<16xi1>
      %reduce_sum3A_167 = tpu.scan <sum>, %select_n3A_164 masked %reduce_sum3A_166 : vector<16xf32>, vector<16xi1> -> vector<16xf32>
      %reduce_sum3A_168 = vector.extract %reduce_sum3A_167[15] : f32 from vector<16xf32>
      %jit3A_169 = arith.constant 16 : i32
      %div3A_170 = arith.divsi %scan3A_64, %jit3A_169 : i32
      %sign3A_171 = arith.constant 0 : i32
      %sign3A_172 = arith.cmpi sgt, %scan3A_64, %sign3A_171 : i32
      %sign3A_173 = arith.extui %sign3A_172 : i1 to i32
      %sign3A_174 = arith.constant 0 : i32
      %sign3A_175 = arith.cmpi slt, %scan3A_64, %sign3A_174 : i32
      %sign3A_176 = arith.extui %sign3A_175 : i1 to i32
      %sign3A_177 = arith.subi %sign3A_173, %sign3A_176 : i32
      %sign3A_178 = arith.constant 0 : i32
      %sign3A_179 = arith.cmpi sgt, %jit3A_169, %sign3A_178 : i32
      %sign3A_180 = arith.extui %sign3A_179 : i1 to i32
      %sign3A_181 = arith.constant 0 : i32
      %sign3A_182 = arith.cmpi slt, %jit3A_169, %sign3A_181 : i32
      %sign3A_183 = arith.extui %sign3A_182 : i1 to i32
      %sign3A_184 = arith.subi %sign3A_180, %sign3A_183 : i32
      %ne3A_185 = arith.cmpi ne, %sign3A_177, %sign3A_184 : i32
      %rem3A_186 = arith.remsi %scan3A_64, %jit3A_169 : i32
      %ne3A_187 = arith.constant 0 : i32
      %ne3A_188 = arith.cmpi ne, %rem3A_186, %ne3A_187 : i32
      %and3A_189 = arith.andi %ne3A_185, %ne3A_188 : i1
      %sub3A_190 = arith.constant 1 : i32
      %sub3A_191 = arith.subi %div3A_170, %sub3A_190 : i32
      %select_n3A_192 = arith.select %and3A_189, %sub3A_191, %div3A_170 : i32
      %mul3A_193 = arith.constant 16 : i32
      %mul3A_194 = arith.muli %select_n3A_192, %mul3A_193 : i32
      %get3A_195 = arith.index_cast %mul3A_194 : i32 to index
      %get3A_196 = tpu.vector_load %arg18[%get3A_195] {strides = array<i32>} : memref<32xf32, #tpu.memory_space<vmem>>, vector<16xf32>,
      %jit3A_197 = arith.constant 16 : i32
      %eq3A_198 = arith.constant 0 : i32
      %eq3A_199 = arith.cmpi eq, %jit3A_197, %eq3A_198 : i32
      %jit3A_200 = arith.constant 1 : i32
      %select_n3A_201 = arith.select %eq3A_199, %jit3A_200, %jit3A_197 : i32
      %rem3A_202 = arith.remsi %scan3A_64, %select_n3A_201 : i32
      %ne3A_203 = arith.constant 0 : i32
      %ne3A_204 = arith.cmpi ne, %rem3A_202, %ne3A_203 : i32
      %lt3A_205 = arith.constant 0 : i32
      %lt3A_206 = arith.cmpi slt, %rem3A_202, %lt3A_205 : i32
      %lt3A_207 = arith.constant 0 : i32
      %lt3A_208 = arith.cmpi slt, %select_n3A_201, %lt3A_207 : i32
      %ne3A_209 = arith.xori %lt3A_206, %lt3A_208 : i1
      %and3A_210 = arith.andi %ne3A_209, %ne3A_204 : i1
      %add3A_211 = arith.addi %rem3A_202, %select_n3A_201 : i32
      %select_n3A_212 = arith.select %and3A_210, %add3A_211, %rem3A_202 : i32
      %eq3A_213 = vector.broadcast %select_n3A_212 : i32 to vector<16xi32>
      %eq3A_214 = arith.cmpi eq, %iota3A, %eq3A_213 : vector<16xi32>
      %broadcast_in_dim3A_215 = arith.constant 0.000000e+00 : f32
      %broadcast_in_dim3A_216 = vector.broadcast %broadcast_in_dim3A_215 : f32 to vector<16xf32>
      %select_n3A_217 = arith.select %eq3A_214, %get3A_196, %broadcast_in_dim3A_216 : vector<16xi1>, vector<16xf32>
      %reduce_sum3A_218 = arith.constant true
      %reduce_sum3A_219 = vector.broadcast %reduce_sum3A_218 : i1 to vector<16xi1>
      %reduce_sum3A_220 = tpu.scan <sum>, %select_n3A_217 masked %reduce_sum3A_219 : vector<16xf32>, vector<16xi1> -> vector<16xf32>
      %reduce_sum3A_221 = vector.extract %reduce_sum3A_220[15] : f32 from vector<16xf32>
      %jit3A_222 = arith.constant 16 : i32
      %div3A_223 = arith.divsi %scan3A_64, %jit3A_222 : i32
      %sign3A_224 = arith.constant 0 : i32
      %sign3A_225 = arith.cmpi sgt, %scan3A_64, %sign3A_224 : i32
      %sign3A_226 = arith.extui %sign3A_225 : i1 to i32
      %sign3A_227 = arith.constant 0 : i32
      %sign3A_228 = arith.cmpi slt, %scan3A_64, %sign3A_227 : i32
      %sign3A_229 = arith.extui %sign3A_228 : i1 to i32
      %sign3A_230 = arith.subi %sign3A_226, %sign3A_229 : i32
      %sign3A_231 = arith.constant 0 : i32
      %sign3A_232 = arith.cmpi sgt, %jit3A_222, %sign3A_231 : i32
      %sign3A_233 = arith.extui %sign3A_232 : i1 to i32
      %sign3A_234 = arith.constant 0 : i32
      %sign3A_235 = arith.cmpi slt, %jit3A_222, %sign3A_234 : i32
      %sign3A_236 = arith.extui %sign3A_235 : i1 to i32
      %sign3A_237 = arith.subi %sign3A_233, %sign3A_236 : i32
      %ne3A_238 = arith.cmpi ne, %sign3A_230, %sign3A_237 : i32
      %rem3A_239 = arith.remsi %scan3A_64, %jit3A_222 : i32
      %ne3A_240 = arith.constant 0 : i32
      %ne3A_241 = arith.cmpi ne, %rem3A_239, %ne3A_240 : i32
      %and3A_242 = arith.andi %ne3A_238, %ne3A_241 : i1
      %sub3A_243 = arith.constant 1 : i32
      %sub3A_244 = arith.subi %div3A_223, %sub3A_243 : i32
      %select_n3A_245 = arith.select %and3A_242, %sub3A_244, %div3A_223 : i32
      %mul3A_246 = arith.constant 16 : i32
      %mul3A_247 = arith.muli %select_n3A_245, %mul3A_246 : i32
      %get3A_248 = arith.index_cast %mul3A_247 : i32 to index
      %get3A_249 = tpu.vector_load %arg19[%get3A_248] {strides = array<i32>} : memref<32xf32, #tpu.memory_space<vmem>>, vector<16xf32>,
      %jit3A_250 = arith.constant 16 : i32
      %eq3A_251 = arith.constant 0 : i32
      %eq3A_252 = arith.cmpi eq, %jit3A_250, %eq3A_251 : i32
      %jit3A_253 = arith.constant 1 : i32
      %select_n3A_254 = arith.select %eq3A_252, %jit3A_253, %jit3A_250 : i32
      %rem3A_255 = arith.remsi %scan3A_64, %select_n3A_254 : i32
      %ne3A_256 = arith.constant 0 : i32
      %ne3A_257 = arith.cmpi ne, %rem3A_255, %ne3A_256 : i32
      %lt3A_258 = arith.constant 0 : i32
      %lt3A_259 = arith.cmpi slt, %rem3A_255, %lt3A_258 : i32
      %lt3A_260 = arith.constant 0 : i32
      %lt3A_261 = arith.cmpi slt, %select_n3A_254, %lt3A_260 : i32
      %ne3A_262 = arith.xori %lt3A_259, %lt3A_261 : i1
      %and3A_263 = arith.andi %ne3A_262, %ne3A_257 : i1
      %add3A_264 = arith.addi %rem3A_255, %select_n3A_254 : i32
      %select_n3A_265 = arith.select %and3A_263, %add3A_264, %rem3A_255 : i32
      %eq3A_266 = vector.broadcast %select_n3A_265 : i32 to vector<16xi32>
      %eq3A_267 = arith.cmpi eq, %iota3A, %eq3A_266 : vector<16xi32>
      %broadcast_in_dim3A_268 = arith.constant 0.000000e+00 : f32
      %broadcast_in_dim3A_269 = vector.broadcast %broadcast_in_dim3A_268 : f32 to vector<16xf32>
      %select_n3A_270 = arith.select %eq3A_267, %get3A_249, %broadcast_in_dim3A_269 : vector<16xi1>, vector<16xf32>
      %reduce_sum3A_271 = arith.constant true
      %reduce_sum3A_272 = vector.broadcast %reduce_sum3A_271 : i1 to vector<16xi1>
      %reduce_sum3A_273 = tpu.scan <sum>, %select_n3A_270 masked %reduce_sum3A_272 : vector<16xf32>, vector<16xi1> -> vector<16xf32>
      %reduce_sum3A_274 = vector.extract %reduce_sum3A_273[15] : f32 from vector<16xf32>
      %scan3A_275 = arith.constant 0 : i32
      %scan3A_276 = arith.constant 0 : i32
      %scan3A_277 = arith.constant 0 : i32
      %scan3A_278 = arith.constant 0 : i32
      %scan3A_279 = arith.constant 32 : i32
      %scan3A_280 = arith.addi %scan3A_278, %scan3A_279 : i32
      %scan3A_281 = arith.constant 1 : i32
      %scan3A_282:3 = scf.for %scan3A_358 = %scan3A_278 to %scan3A_280 step %scan3A_281 iter_args(%scan3A_359 = %scan3A_275, %scan3A_360 = %scan3A_276, %scan3A_361 = %scan3A_277) -> (i32, i32, i32)  : i32 {
        %mul3A_362 = arith.constant 16 : i32
        %mul3A_363 = arith.muli %scan3A_358, %mul3A_362 : i32
        %get3A_364 = arith.index_cast %mul3A_363 : i32 to index
        %get3A_365 = tpu.vector_load %arg12[%get3A_364] {strides = array<i32>} : memref<512xf32, #tpu.memory_space<vmem>>, vector<16xf32>,
        %get3A_366 = arith.index_cast %mul3A_363 : i32 to index
        %get3A_367 = tpu.vector_load %arg13[%get3A_366] {strides = array<i32>} : memref<512xf32, #tpu.memory_space<vmem>>, vector<16xf32>,
        %get3A_368 = arith.index_cast %mul3A_363 : i32 to index
        %get3A_369 = tpu.vector_load %arg14[%get3A_368] {strides = array<i32>} : memref<512xf32, #tpu.memory_space<vmem>>, vector<16xf32>,
        %get3A_370 = arith.index_cast %mul3A_363 : i32 to index
        %get3A_371 = tpu.vector_load %arg15[%get3A_370] {strides = array<i32>} : memref<512xf32, #tpu.memory_space<vmem>>, vector<16xf32>,
        %mul3A_372 = vector.broadcast %reduce_sum3A_115 : f32 to vector<16xf32>
        %mul3A_373 = arith.mulf %mul3A_372, %get3A_365 : vector<16xf32>
        %mul3A_374 = vector.broadcast %reduce_sum3A_168 : f32 to vector<16xf32>
        %mul3A_375 = arith.mulf %mul3A_374, %get3A_367 : vector<16xf32>
        %add3A_376 = arith.addf %mul3A_373, %mul3A_375 : vector<16xf32>
        %mul3A_377 = vector.broadcast %reduce_sum3A_221 : f32 to vector<16xf32>
        %mul3A_378 = arith.mulf %mul3A_377, %get3A_369 : vector<16xf32>
        %add3A_379 = arith.addf %add3A_376, %mul3A_378 : vector<16xf32>
        %add3A_380 = vector.broadcast %reduce_sum3A_274 : f32 to vector<16xf32>
        %add3A_381 = arith.addf %add3A_380, %get3A_371 : vector<16xf32>
        %mul3A_382 = arith.constant 2.000000e+00 : f32
        %mul3A_383 = vector.broadcast %mul3A_382 : f32 to vector<16xf32>
        %mul3A_384 = arith.mulf %mul3A_383, %add3A_379 : vector<16xf32>
        %sub3A_385 = arith.subf %add3A_381, %mul3A_384 : vector<16xf32>
        %mul3A_386 = arith.constant 16 : i32
        %mul3A_387 = arith.muli %scan3A_358, %mul3A_386 : i32
        %add3A_388 = vector.broadcast %mul3A_387 : i32 to vector<16xi32>
        %add3A_389 = arith.addi %add3A_388, %iota3A : vector<16xi32>
        %le3A = arith.constant 4.000000e-02 : f32
        %le3A_390 = vector.broadcast %le3A : f32 to vector<16xf32>
        %le3A_391 = arith.cmpf ole, %sub3A_385, %le3A_390 : vector<16xf32>
        %convert_element_type3A = arith.extui %le3A_391 : vector<16xi1> to vector<16xi32>
        %cumsum3A = arith.constant true
        %cumsum3A_392 = vector.broadcast %cumsum3A : i1 to vector<16xi1>
        %cumsum3A_393 = tpu.scan <sum>, %convert_element_type3A masked %cumsum3A_392 : vector<16xi32>, vector<16xi1> -> vector<16xi32>
        %add3A_394 = vector.broadcast %scan3A_359 : i32 to vector<16xi32>
        %add3A_395 = arith.addi %add3A_394, %cumsum3A_393 : vector<16xi32>
        %sub3A_396 = arith.constant 1 : i32
        %sub3A_397 = vector.broadcast %sub3A_396 : i32 to vector<16xi32>
        %sub3A_398 = arith.subi %add3A_395, %sub3A_397 : vector<16xi32>
        %lt3A_399 = arith.constant 32 : i32
        %lt3A_400 = vector.broadcast %lt3A_399 : i32 to vector<16xi32>
        %lt3A_401 = arith.cmpi slt, %sub3A_398, %lt3A_400 : vector<16xi32>
        %and3A_402 = arith.andi %le3A_391, %lt3A_401 : vector<16xi1>
        %max3A = arith.constant 0 : i32
        %max3A_403 = vector.broadcast %max3A : i32 to vector<16xi32>
        %max3A_404 = arith.maxsi %sub3A_398, %max3A_403 : vector<16xi32>
        tpu.vector_store_idx %arg20[%max3A_404], %add3A_389 masked %and3A_402 : memref<32xi32, #tpu.memory_space<vmem>>[vector<16xi32>], vector<16xi32>, vector<16xi1>
        %convert_element_type3A_405 = arith.extui %le3A_391 : vector<16xi1> to vector<16xi32>
        %reduce_sum3A_406 = arith.constant true
        %reduce_sum3A_407 = vector.broadcast %reduce_sum3A_406 : i1 to vector<16xi1>
        %reduce_sum3A_408 = tpu.scan <sum>, %convert_element_type3A_405 masked %reduce_sum3A_407 : vector<16xi32>, vector<16xi1> -> vector<16xi32>
        %reduce_sum3A_409 = vector.extract %reduce_sum3A_408[15] : i32 from vector<16xi32>
        %add3A_410 = arith.addi %scan3A_359, %reduce_sum3A_409 : i32
        %le3A_411 = arith.constant 1.600000e-01 : f32
        %le3A_412 = vector.broadcast %le3A_411 : f32 to vector<16xf32>
        %le3A_413 = arith.cmpf ole, %sub3A_385, %le3A_412 : vector<16xf32>
        %convert_element_type3A_414 = arith.extui %le3A_413 : vector<16xi1> to vector<16xi32>
        %cumsum3A_415 = arith.constant true
        %cumsum3A_416 = vector.broadcast %cumsum3A_415 : i1 to vector<16xi1>
        %cumsum3A_417 = tpu.scan <sum>, %convert_element_type3A_414 masked %cumsum3A_416 : vector<16xi32>, vector<16xi1> -> vector<16xi32>
        %add3A_418 = vector.broadcast %scan3A_360 : i32 to vector<16xi32>
        %add3A_419 = arith.addi %add3A_418, %cumsum3A_417 : vector<16xi32>
        %sub3A_420 = arith.constant 1 : i32
        %sub3A_421 = vector.broadcast %sub3A_420 : i32 to vector<16xi32>
        %sub3A_422 = arith.subi %add3A_419, %sub3A_421 : vector<16xi32>
        %lt3A_423 = arith.constant 64 : i32
        %lt3A_424 = vector.broadcast %lt3A_423 : i32 to vector<16xi32>
        %lt3A_425 = arith.cmpi slt, %sub3A_422, %lt3A_424 : vector<16xi32>
        %and3A_426 = arith.andi %le3A_413, %lt3A_425 : vector<16xi1>
        %max3A_427 = arith.constant 0 : i32
        %max3A_428 = vector.broadcast %max3A_427 : i32 to vector<16xi32>
        %max3A_429 = arith.maxsi %sub3A_422, %max3A_428 : vector<16xi32>
        tpu.vector_store_idx %arg21[%max3A_429], %add3A_389 masked %and3A_426 : memref<64xi32, #tpu.memory_space<vmem>>[vector<16xi32>], vector<16xi32>, vector<16xi1>
        %convert_element_type3A_430 = arith.extui %le3A_413 : vector<16xi1> to vector<16xi32>
        %reduce_sum3A_431 = arith.constant true
        %reduce_sum3A_432 = vector.broadcast %reduce_sum3A_431 : i1 to vector<16xi1>
        %reduce_sum3A_433 = tpu.scan <sum>, %convert_element_type3A_430 masked %reduce_sum3A_432 : vector<16xi32>, vector<16xi1> -> vector<16xi32>
        %reduce_sum3A_434 = vector.extract %reduce_sum3A_433[15] : i32 from vector<16xi32>
        %add3A_435 = arith.addi %scan3A_360, %reduce_sum3A_434 : i32
        %le3A_436 = arith.constant 6.400000e-01 : f32
        %le3A_437 = vector.broadcast %le3A_436 : f32 to vector<16xf32>
        %le3A_438 = arith.cmpf ole, %sub3A_385, %le3A_437 : vector<16xf32>
        %convert_element_type3A_439 = arith.extui %le3A_438 : vector<16xi1> to vector<16xi32>
        %cumsum3A_440 = arith.constant true
        %cumsum3A_441 = vector.broadcast %cumsum3A_440 : i1 to vector<16xi1>
        %cumsum3A_442 = tpu.scan <sum>, %convert_element_type3A_439 masked %cumsum3A_441 : vector<16xi32>, vector<16xi1> -> vector<16xi32>
        %add3A_443 = vector.broadcast %scan3A_361 : i32 to vector<16xi32>
        %add3A_444 = arith.addi %add3A_443, %cumsum3A_442 : vector<16xi32>
        %sub3A_445 = arith.constant 1 : i32
        %sub3A_446 = vector.broadcast %sub3A_445 : i32 to vector<16xi32>
        %sub3A_447 = arith.subi %add3A_444, %sub3A_446 : vector<16xi32>
        %lt3A_448 = arith.constant 128 : i32
        %lt3A_449 = vector.broadcast %lt3A_448 : i32 to vector<16xi32>
        %lt3A_450 = arith.cmpi slt, %sub3A_447, %lt3A_449 : vector<16xi32>
        %and3A_451 = arith.andi %le3A_438, %lt3A_450 : vector<16xi1>
        %max3A_452 = arith.constant 0 : i32
        %max3A_453 = vector.broadcast %max3A_452 : i32 to vector<16xi32>
        %max3A_454 = arith.maxsi %sub3A_447, %max3A_453 : vector<16xi32>
        tpu.vector_store_idx %arg22[%max3A_454], %add3A_389 masked %and3A_451 : memref<128xi32, #tpu.memory_space<vmem>>[vector<16xi32>], vector<16xi32>, vector<16xi1>
        %convert_element_type3A_455 = arith.extui %le3A_438 : vector<16xi1> to vector<16xi32>
        %reduce_sum3A_456 = arith.constant true
        %reduce_sum3A_457 = vector.broadcast %reduce_sum3A_456 : i1 to vector<16xi1>
        %reduce_sum3A_458 = tpu.scan <sum>, %convert_element_type3A_455 masked %reduce_sum3A_457 : vector<16xi32>, vector<16xi1> -> vector<16xi32>
        %reduce_sum3A_459 = vector.extract %reduce_sum3A_458[15] : i32 from vector<16xi32>
        %add3A_460 = arith.addi %scan3A_361, %reduce_sum3A_459 : i32
        scf.yield %add3A_410, %add3A_435, %add3A_460 : i32, i32, i32
      }
      %scan3A_283 = arith.constant 32 : i32
      %add3A_284 = arith.addi %mul3A_32, %scan3A_64 : i32
      %get3A_285 = arith.constant 0 : index
      %get3A_286 = tpu.vector_load %arg20[%get3A_285] {strides = array<i32>} : memref<32xi32, #tpu.memory_space<vmem>>, vector<16xi32>,
      %eq3A_287 = arith.constant 0 : i32
      %eq3A_288 = vector.broadcast %eq3A_287 : i32 to vector<16xi32>
      %eq3A_289 = arith.cmpi eq, %iota3A, %eq3A_288 : vector<16xi32>
      %broadcast_in_dim3A_290 = arith.constant 0 : i32
      %broadcast_in_dim3A_291 = vector.broadcast %broadcast_in_dim3A_290 : i32 to vector<16xi32>
      %select_n3A_292 = arith.select %eq3A_289, %get3A_286, %broadcast_in_dim3A_291 : vector<16xi1>, vector<16xi32>
      %reduce_sum3A_293 = arith.constant true
      %reduce_sum3A_294 = vector.broadcast %reduce_sum3A_293 : i1 to vector<16xi1>
      %reduce_sum3A_295 = tpu.scan <sum>, %select_n3A_292 masked %reduce_sum3A_294 : vector<16xi32>, vector<16xi1> -> vector<16xi32>
      %reduce_sum3A_296 = vector.extract %reduce_sum3A_295[15] : i32 from vector<16xi32>
      %scan3A_297 = arith.constant 0 : i32
      %scan3A_298 = arith.constant 0 : i32
      %scan3A_299 = arith.constant 2 : i32
      %scan3A_300 = arith.addi %scan3A_298, %scan3A_299 : i32
      %scan3A_301 = arith.constant 1 : i32
      %scan3A_302 = scf.for %scan3A_358 = %scan3A_298 to %scan3A_300 step %scan3A_301 iter_args(%scan3A_359 = %scan3A_297) -> (i32)  : i32 {
        %mul3A_360 = arith.constant 16 : i32
        %mul3A_361 = arith.muli %scan3A_358, %mul3A_360 : i32
        %add3A_362 = vector.broadcast %mul3A_361 : i32 to vector<16xi32>
        %add3A_363 = arith.addi %add3A_362, %iota3A : vector<16xi32>
        %mul3A_364 = arith.constant 16 : i32
        %mul3A_365 = arith.muli %scan3A_358, %mul3A_364 : i32
        %get3A_366 = arith.index_cast %mul3A_365 : i32 to index
        %get3A_367 = tpu.vector_load %arg20[%get3A_366] {strides = array<i32>} : memref<32xi32, #tpu.memory_space<vmem>>, vector<16xi32>,
        %lt3A_368 = vector.broadcast %scan3A_282#0 : i32 to vector<16xi32>
        %lt3A_369 = arith.cmpi slt, %add3A_363, %lt3A_368 : vector<16xi32>
        %broadcast_in_dim3A_370 = vector.broadcast %reduce_sum3A_296 : i32 to vector<16xi32>
        %select_n3A_371 = arith.select %lt3A_369, %get3A_367, %broadcast_in_dim3A_370 : vector<16xi1>, vector<16xi32>
        %mul3A_372 = arith.constant 16 : i32
        %mul3A_373 = arith.muli %scan3A_358, %mul3A_372 : i32
        %swap3A = arith.index_cast %mul3A_373 : i32 to index
        %swap3A_374 = tpu.vector_load %arg20[%swap3A] {strides = array<i32>} : memref<32xi32, #tpu.memory_space<vmem>>, vector<16xi32>,
        tpu.vector_store %arg20[%swap3A], %select_n3A_371 {strides = array<i32>} : memref<32xi32, #tpu.memory_space<vmem>>, vector<16xi32>,
        %scan3A_375 = arith.constant 0 : i32
        scf.yield %scan3A_375 : i32
      }
      %scan3A_303 = arith.constant 2 : i32
      %mul3A_304 = arith.constant 128 : i32
      %mul3A_305 = arith.muli %select_n3A, %mul3A_304 : i32
      %add3A_306 = arith.addi %mul3A_305, %add3A_284 : i32
      %mul3A_307 = arith.constant 32 : i32
      %mul3A_308 = arith.muli %add3A_306, %mul3A_307 : i32
      "tpu.region"() ({
        %run_scoped3A = tpu.sem_alloc : memref<!tpu.dma_semaphore, #tpu.memory_space<semaphore_mem>>
        %dma_start3A = tpu.memref_slice %arg9[%mul3A_308] : memref<32768xi32, #tpu.memory_space<hbm>> -> memref<32xi32, #tpu.memory_space<hbm>>
        %dma_start3A_358 = tpu.memref_slice %arg9[%mul3A_308] : memref<32768xi32, #tpu.memory_space<hbm>> -> memref<32xi32, #tpu.memory_space<hbm>>
        tpu.enqueue_dma source(%arg20 : memref<32xi32, #tpu.memory_space<vmem>>) target(%dma_start3A_358 : memref<32xi32, #tpu.memory_space<hbm>>) target_semaphore(%run_scoped3A : memref<!tpu.dma_semaphore, #tpu.memory_space<semaphore_mem>>)
        %dma_wait3A = tpu.memref_slice %arg9[%mul3A_308] : memref<32768xi32, #tpu.memory_space<hbm>> -> memref<32xi32, #tpu.memory_space<hbm>>
        %dma_wait3A_359 = tpu.memref_slice %arg9[%mul3A_308] : memref<32768xi32, #tpu.memory_space<hbm>> -> memref<32xi32, #tpu.memory_space<hbm>>
        tpu.wait_dma2 semaphore(%run_scoped3A : memref<!tpu.dma_semaphore, #tpu.memory_space<semaphore_mem>>) src(%arg20 : memref<32xi32, #tpu.memory_space<vmem>>) dst(%dma_wait3A_359 : memref<32xi32, #tpu.memory_space<hbm>>)
        tpu.yield
      }) : () -> ()
      %get3A_309 = arith.constant 0 : index
      %get3A_310 = tpu.vector_load %arg21[%get3A_309] {strides = array<i32>} : memref<64xi32, #tpu.memory_space<vmem>>, vector<16xi32>,
      %eq3A_311 = arith.constant 0 : i32
      %eq3A_312 = vector.broadcast %eq3A_311 : i32 to vector<16xi32>
      %eq3A_313 = arith.cmpi eq, %iota3A, %eq3A_312 : vector<16xi32>
      %broadcast_in_dim3A_314 = arith.constant 0 : i32
      %broadcast_in_dim3A_315 = vector.broadcast %broadcast_in_dim3A_314 : i32 to vector<16xi32>
      %select_n3A_316 = arith.select %eq3A_313, %get3A_310, %broadcast_in_dim3A_315 : vector<16xi1>, vector<16xi32>
      %reduce_sum3A_317 = arith.constant true
      %reduce_sum3A_318 = vector.broadcast %reduce_sum3A_317 : i1 to vector<16xi1>
      %reduce_sum3A_319 = tpu.scan <sum>, %select_n3A_316 masked %reduce_sum3A_318 : vector<16xi32>, vector<16xi1> -> vector<16xi32>
      %reduce_sum3A_320 = vector.extract %reduce_sum3A_319[15] : i32 from vector<16xi32>
      %scan3A_321 = arith.constant 0 : i32
      %scan3A_322 = arith.constant 0 : i32
      %scan3A_323 = arith.constant 4 : i32
      %scan3A_324 = arith.addi %scan3A_322, %scan3A_323 : i32
      %scan3A_325 = arith.constant 1 : i32
      %scan3A_326 = scf.for %scan3A_358 = %scan3A_322 to %scan3A_324 step %scan3A_325 iter_args(%scan3A_359 = %scan3A_321) -> (i32)  : i32 {
        %mul3A_360 = arith.constant 16 : i32
        %mul3A_361 = arith.muli %scan3A_358, %mul3A_360 : i32
        %add3A_362 = vector.broadcast %mul3A_361 : i32 to vector<16xi32>
        %add3A_363 = arith.addi %add3A_362, %iota3A : vector<16xi32>
        %mul3A_364 = arith.constant 16 : i32
        %mul3A_365 = arith.muli %scan3A_358, %mul3A_364 : i32
        %get3A_366 = arith.index_cast %mul3A_365 : i32 to index
        %get3A_367 = tpu.vector_load %arg21[%get3A_366] {strides = array<i32>} : memref<64xi32, #tpu.memory_space<vmem>>, vector<16xi32>,
        %lt3A_368 = vector.broadcast %scan3A_282#1 : i32 to vector<16xi32>
        %lt3A_369 = arith.cmpi slt, %add3A_363, %lt3A_368 : vector<16xi32>
        %broadcast_in_dim3A_370 = vector.broadcast %reduce_sum3A_320 : i32 to vector<16xi32>
        %select_n3A_371 = arith.select %lt3A_369, %get3A_367, %broadcast_in_dim3A_370 : vector<16xi1>, vector<16xi32>
        %mul3A_372 = arith.constant 16 : i32
        %mul3A_373 = arith.muli %scan3A_358, %mul3A_372 : i32
        %swap3A = arith.index_cast %mul3A_373 : i32 to index
        %swap3A_374 = tpu.vector_load %arg21[%swap3A] {strides = array<i32>} : memref<64xi32, #tpu.memory_space<vmem>>, vector<16xi32>,
        tpu.vector_store %arg21[%swap3A], %select_n3A_371 {strides = array<i32>} : memref<64xi32, #tpu.memory_space<vmem>>, vector<16xi32>,
        %scan3A_375 = arith.constant 0 : i32
        scf.yield %scan3A_375 : i32
      }
      %scan3A_327 = arith.constant 4 : i32
      %mul3A_328 = arith.constant 128 : i32
      %mul3A_329 = arith.muli %select_n3A, %mul3A_328 : i32
      %add3A_330 = arith.addi %mul3A_329, %add3A_284 : i32
      %mul3A_331 = arith.constant 64 : i32
      %mul3A_332 = arith.muli %add3A_330, %mul3A_331 : i32
      "tpu.region"() ({
        %run_scoped3A = tpu.sem_alloc : memref<!tpu.dma_semaphore, #tpu.memory_space<semaphore_mem>>
        %dma_start3A = tpu.memref_slice %arg10[%mul3A_332] : memref<65536xi32, #tpu.memory_space<hbm>> -> memref<64xi32, #tpu.memory_space<hbm>>
        %dma_start3A_358 = tpu.memref_slice %arg10[%mul3A_332] : memref<65536xi32, #tpu.memory_space<hbm>> -> memref<64xi32, #tpu.memory_space<hbm>>
        tpu.enqueue_dma source(%arg21 : memref<64xi32, #tpu.memory_space<vmem>>) target(%dma_start3A_358 : memref<64xi32, #tpu.memory_space<hbm>>) target_semaphore(%run_scoped3A : memref<!tpu.dma_semaphore, #tpu.memory_space<semaphore_mem>>)
        %dma_wait3A = tpu.memref_slice %arg10[%mul3A_332] : memref<65536xi32, #tpu.memory_space<hbm>> -> memref<64xi32, #tpu.memory_space<hbm>>
        %dma_wait3A_359 = tpu.memref_slice %arg10[%mul3A_332] : memref<65536xi32, #tpu.memory_space<hbm>> -> memref<64xi32, #tpu.memory_space<hbm>>
        tpu.wait_dma2 semaphore(%run_scoped3A : memref<!tpu.dma_semaphore, #tpu.memory_space<semaphore_mem>>) src(%arg21 : memref<64xi32, #tpu.memory_space<vmem>>) dst(%dma_wait3A_359 : memref<64xi32, #tpu.memory_space<hbm>>)
        tpu.yield
      }) : () -> ()
      %get3A_333 = arith.constant 0 : index
      %get3A_334 = tpu.vector_load %arg22[%get3A_333] {strides = array<i32>} : memref<128xi32, #tpu.memory_space<vmem>>, vector<16xi32>,
      %eq3A_335 = arith.constant 0 : i32
      %eq3A_336 = vector.broadcast %eq3A_335 : i32 to vector<16xi32>
      %eq3A_337 = arith.cmpi eq, %iota3A, %eq3A_336 : vector<16xi32>
      %broadcast_in_dim3A_338 = arith.constant 0 : i32
      %broadcast_in_dim3A_339 = vector.broadcast %broadcast_in_dim3A_338 : i32 to vector<16xi32>
      %select_n3A_340 = arith.select %eq3A_337, %get3A_334, %broadcast_in_dim3A_339 : vector<16xi1>, vector<16xi32>
      %reduce_sum3A_341 = arith.constant true
      %reduce_sum3A_342 = vector.broadcast %reduce_sum3A_341 : i1 to vector<16xi1>
      %reduce_sum3A_343 = tpu.scan <sum>, %select_n3A_340 masked %reduce_sum3A_342 : vector<16xi32>, vector<16xi1> -> vector<16xi32>
      %reduce_sum3A_344 = vector.extract %reduce_sum3A_343[15] : i32 from vector<16xi32>
      %scan3A_345 = arith.constant 0 : i32
      %scan3A_346 = arith.constant 0 : i32
      %scan3A_347 = arith.constant 8 : i32
      %scan3A_348 = arith.addi %scan3A_346, %scan3A_347 : i32
      %scan3A_349 = arith.constant 1 : i32
      %scan3A_350 = scf.for %scan3A_358 = %scan3A_346 to %scan3A_348 step %scan3A_349 iter_args(%scan3A_359 = %scan3A_345) -> (i32)  : i32 {
        %mul3A_360 = arith.constant 16 : i32
        %mul3A_361 = arith.muli %scan3A_358, %mul3A_360 : i32
        %add3A_362 = vector.broadcast %mul3A_361 : i32 to vector<16xi32>
        %add3A_363 = arith.addi %add3A_362, %iota3A : vector<16xi32>
        %mul3A_364 = arith.constant 16 : i32
        %mul3A_365 = arith.muli %scan3A_358, %mul3A_364 : i32
        %get3A_366 = arith.index_cast %mul3A_365 : i32 to index
        %get3A_367 = tpu.vector_load %arg22[%get3A_366] {strides = array<i32>} : memref<128xi32, #tpu.memory_space<vmem>>, vector<16xi32>,
        %lt3A_368 = vector.broadcast %scan3A_282#2 : i32 to vector<16xi32>
        %lt3A_369 = arith.cmpi slt, %add3A_363, %lt3A_368 : vector<16xi32>
        %broadcast_in_dim3A_370 = vector.broadcast %reduce_sum3A_344 : i32 to vector<16xi32>
        %select_n3A_371 = arith.select %lt3A_369, %get3A_367, %broadcast_in_dim3A_370 : vector<16xi1>, vector<16xi32>
        %mul3A_372 = arith.constant 16 : i32
        %mul3A_373 = arith.muli %scan3A_358, %mul3A_372 : i32
        %swap3A = arith.index_cast %mul3A_373 : i32 to index
        %swap3A_374 = tpu.vector_load %arg22[%swap3A] {strides = array<i32>} : memref<128xi32, #tpu.memory_space<vmem>>, vector<16xi32>,
        tpu.vector_store %arg22[%swap3A], %select_n3A_371 {strides = array<i32>} : memref<128xi32, #tpu.memory_space<vmem>>, vector<16xi32>,
        %scan3A_375 = arith.constant 0 : i32
        scf.yield %scan3A_375 : i32
      }
      %scan3A_351 = arith.constant 8 : i32
      %mul3A_352 = arith.constant 128 : i32
      %mul3A_353 = arith.muli %select_n3A, %mul3A_352 : i32
      %add3A_354 = arith.addi %mul3A_353, %add3A_284 : i32
      %mul3A_355 = arith.constant 128 : i32
      %mul3A_356 = arith.muli %add3A_354, %mul3A_355 : i32
      "tpu.region"() ({
        %run_scoped3A = tpu.sem_alloc : memref<!tpu.dma_semaphore, #tpu.memory_space<semaphore_mem>>
        %dma_start3A = tpu.memref_slice %arg11[%mul3A_356] : memref<131072xi32, #tpu.memory_space<hbm>> -> memref<128xi32, #tpu.memory_space<hbm>>
        %dma_start3A_358 = tpu.memref_slice %arg11[%mul3A_356] : memref<131072xi32, #tpu.memory_space<hbm>> -> memref<128xi32, #tpu.memory_space<hbm>>
        tpu.enqueue_dma source(%arg22 : memref<128xi32, #tpu.memory_space<vmem>>) target(%dma_start3A_358 : memref<128xi32, #tpu.memory_space<hbm>>) target_semaphore(%run_scoped3A : memref<!tpu.dma_semaphore, #tpu.memory_space<semaphore_mem>>)
        %dma_wait3A = tpu.memref_slice %arg11[%mul3A_356] : memref<131072xi32, #tpu.memory_space<hbm>> -> memref<128xi32, #tpu.memory_space<hbm>>
        %dma_wait3A_359 = tpu.memref_slice %arg11[%mul3A_356] : memref<131072xi32, #tpu.memory_space<hbm>> -> memref<128xi32, #tpu.memory_space<hbm>>
        tpu.wait_dma2 semaphore(%run_scoped3A : memref<!tpu.dma_semaphore, #tpu.memory_space<semaphore_mem>>) src(%arg22 : memref<128xi32, #tpu.memory_space<vmem>>) dst(%dma_wait3A_359 : memref<128xi32, #tpu.memory_space<hbm>>)
        tpu.yield
      }) : () -> ()
      %scan3A_357 = arith.constant 0 : i32
      scf.yield %scan3A_357 : i32
    }
    %scan3A_63 = arith.constant 32 : i32
    return
  }
}

#map = affine_map<(d0, d1) -> (0)>
module attributes {stable_mosaic.version = 14 : i64} {
  func.func @_bq1_body(%arg0: i32, %arg1: i32, %arg2: memref<32768xf32, #tpu.memory_space<hbm>>, %arg3: memref<32768xf32, #tpu.memory_space<hbm>>, %arg4: memref<32768xf32, #tpu.memory_space<hbm>>, %arg5: memref<2048xf32, #tpu.memory_space<hbm>>, %arg6: memref<2048xf32, #tpu.memory_space<hbm>>, %arg7: memref<2048xf32, #tpu.memory_space<hbm>>, %arg8: memref<2048xf32, #tpu.memory_space<hbm>>, %arg9: memref<196608xf32, #tpu.memory_space<hbm>>, %arg10: memref<393216xf32, #tpu.memory_space<hbm>>, %arg11: memref<1572864xf32, #tpu.memory_space<hbm>>, %arg12: memref<4096xf32, #tpu.memory_space<vmem>>, %arg13: memref<4096xf32, #tpu.memory_space<vmem>>, %arg14: memref<4096xf32, #tpu.memory_space<vmem>>, %arg15: memref<4096xf32, #tpu.memory_space<vmem>>, %arg16: memref<64xf32, #tpu.memory_space<vmem>>, %arg17: memref<64xf32, #tpu.memory_space<vmem>>, %arg18: memref<64xf32, #tpu.memory_space<vmem>>, %arg19: memref<64xf32, #tpu.memory_space<vmem>>, %arg20: memref<16xi32, #tpu.memory_space<vmem>>, %arg21: memref<32xi32, #tpu.memory_space<vmem>>, %arg22: memref<128xi32, #tpu.memory_space<vmem>>, %arg23: memref<6144xf32, #tpu.memory_space<vmem>>, %arg24: memref<6144xf32, #tpu.memory_space<vmem>>, %arg25: memref<12288xf32, #tpu.memory_space<vmem>>) attributes {dimension_semantics = [#tpu.dimension_semantics<core_parallel>, #tpu.dimension_semantics<subcore_parallel>], iteration_bounds = array<i64: 2, 16>, scalar_prefetch = 0 : i64, scratch_operands = 14 : i64, tpu.core_type = #tpu.core_type<sc_vector_subcore>, window_params = [{transform_indices = #map}, {transform_indices = #map}, {transform_indices = #map}, {transform_indices = #map}, {transform_indices = #map}, {transform_indices = #map}, {transform_indices = #map}, {transform_indices = #map}, {transform_indices = #map}, {transform_indices = #map}]} {
    %mul3A = arith.constant 2 : i32
    %mul3A_0 = arith.muli %arg1, %mul3A : i32
    %add3A = arith.addi %mul3A_0, %arg0 : i32
    %jit3A = arith.constant 4 : i32
    %div3A = arith.divsi %add3A, %jit3A : i32
    %sign3A = arith.constant 0 : i32
    %sign3A_1 = arith.cmpi sgt, %add3A, %sign3A : i32
    %sign3A_2 = arith.extui %sign3A_1 : i1 to i32
    %sign3A_3 = arith.constant 0 : i32
    %sign3A_4 = arith.cmpi slt, %add3A, %sign3A_3 : i32
    %sign3A_5 = arith.extui %sign3A_4 : i1 to i32
    %sign3A_6 = arith.subi %sign3A_2, %sign3A_5 : i32
    %sign3A_7 = arith.constant 0 : i32
    %sign3A_8 = arith.cmpi sgt, %jit3A, %sign3A_7 : i32
    %sign3A_9 = arith.extui %sign3A_8 : i1 to i32
    %sign3A_10 = arith.constant 0 : i32
    %sign3A_11 = arith.cmpi slt, %jit3A, %sign3A_10 : i32
    %sign3A_12 = arith.extui %sign3A_11 : i1 to i32
    %sign3A_13 = arith.subi %sign3A_9, %sign3A_12 : i32
    %ne3A = arith.cmpi ne, %sign3A_6, %sign3A_13 : i32
    %rem3A = arith.remsi %add3A, %jit3A : i32
    %ne3A_14 = arith.constant 0 : i32
    %ne3A_15 = arith.cmpi ne, %rem3A, %ne3A_14 : i32
    %and3A = arith.andi %ne3A, %ne3A_15 : i1
    %sub3A = arith.constant 1 : i32
    %sub3A_16 = arith.subi %div3A, %sub3A : i32
    %select_n3A = arith.select %and3A, %sub3A_16, %div3A : i32
    %jit3A_17 = arith.constant 4 : i32
    %eq3A = arith.constant 0 : i32
    %eq3A_18 = arith.cmpi eq, %jit3A_17, %eq3A : i32
    %jit3A_19 = arith.constant 1 : i32
    %select_n3A_20 = arith.select %eq3A_18, %jit3A_19, %jit3A_17 : i32
    %rem3A_21 = arith.remsi %add3A, %select_n3A_20 : i32
    %ne3A_22 = arith.constant 0 : i32
    %ne3A_23 = arith.cmpi ne, %rem3A_21, %ne3A_22 : i32
    %lt3A = arith.constant 0 : i32
    %lt3A_24 = arith.cmpi slt, %rem3A_21, %lt3A : i32
    %lt3A_25 = arith.constant 0 : i32
    %lt3A_26 = arith.cmpi slt, %select_n3A_20, %lt3A_25 : i32
    %ne3A_27 = arith.xori %lt3A_24, %lt3A_26 : i1
    %and3A_28 = arith.andi %ne3A_27, %ne3A_23 : i1
    %add3A_29 = arith.addi %rem3A_21, %select_n3A_20 : i32
    %select_n3A_30 = arith.select %and3A_28, %add3A_29, %rem3A_21 : i32
    %mul3A_31 = arith.constant 64 : i32
    %mul3A_32 = arith.muli %select_n3A_30, %mul3A_31 : i32
    %mul3A_33 = arith.constant 4096 : i32
    %mul3A_34 = arith.muli %select_n3A, %mul3A_33 : i32
    "tpu.region"() ({
      %run_scoped3A = tpu.sem_alloc : memref<!tpu.dma_semaphore, #tpu.memory_space<semaphore_mem>>
      %dma_start3A = tpu.memref_slice %arg2[%mul3A_34] : memref<32768xf32, #tpu.memory_space<hbm>> -> memref<4096xf32, #tpu.memory_space<hbm>>
      %dma_start3A_64 = tpu.memref_slice %arg2[%mul3A_34] : memref<32768xf32, #tpu.memory_space<hbm>> -> memref<4096xf32, #tpu.memory_space<hbm>>
      tpu.enqueue_dma source(%dma_start3A_64 : memref<4096xf32, #tpu.memory_space<hbm>>) target(%arg12 : memref<4096xf32, #tpu.memory_space<vmem>>) target_semaphore(%run_scoped3A : memref<!tpu.dma_semaphore, #tpu.memory_space<semaphore_mem>>)
      %dma_wait3A = tpu.memref_slice %arg2[%mul3A_34] : memref<32768xf32, #tpu.memory_space<hbm>> -> memref<4096xf32, #tpu.memory_space<hbm>>
      %dma_wait3A_65 = tpu.memref_slice %arg2[%mul3A_34] : memref<32768xf32, #tpu.memory_space<hbm>> -> memref<4096xf32, #tpu.memory_space<hbm>>
      tpu.wait_dma2 semaphore(%run_scoped3A : memref<!tpu.dma_semaphore, #tpu.memory_space<semaphore_mem>>) src(%dma_wait3A_65 : memref<4096xf32, #tpu.memory_space<hbm>>) dst(%arg12 : memref<4096xf32, #tpu.memory_space<vmem>>)
      tpu.yield
    }) : () -> ()
    %mul3A_35 = arith.constant 4096 : i32
    %mul3A_36 = arith.muli %select_n3A, %mul3A_35 : i32
    "tpu.region"() ({
      %run_scoped3A = tpu.sem_alloc : memref<!tpu.dma_semaphore, #tpu.memory_space<semaphore_mem>>
      %dma_start3A = tpu.memref_slice %arg3[%mul3A_36] : memref<32768xf32, #tpu.memory_space<hbm>> -> memref<4096xf32, #tpu.memory_space<hbm>>
      %dma_start3A_64 = tpu.memref_slice %arg3[%mul3A_36] : memref<32768xf32, #tpu.memory_space<hbm>> -> memref<4096xf32, #tpu.memory_space<hbm>>
      tpu.enqueue_dma source(%dma_start3A_64 : memref<4096xf32, #tpu.memory_space<hbm>>) target(%arg13 : memref<4096xf32, #tpu.memory_space<vmem>>) target_semaphore(%run_scoped3A : memref<!tpu.dma_semaphore, #tpu.memory_space<semaphore_mem>>)
      %dma_wait3A = tpu.memref_slice %arg3[%mul3A_36] : memref<32768xf32, #tpu.memory_space<hbm>> -> memref<4096xf32, #tpu.memory_space<hbm>>
      %dma_wait3A_65 = tpu.memref_slice %arg3[%mul3A_36] : memref<32768xf32, #tpu.memory_space<hbm>> -> memref<4096xf32, #tpu.memory_space<hbm>>
      tpu.wait_dma2 semaphore(%run_scoped3A : memref<!tpu.dma_semaphore, #tpu.memory_space<semaphore_mem>>) src(%dma_wait3A_65 : memref<4096xf32, #tpu.memory_space<hbm>>) dst(%arg13 : memref<4096xf32, #tpu.memory_space<vmem>>)
      tpu.yield
    }) : () -> ()
    %mul3A_37 = arith.constant 4096 : i32
    %mul3A_38 = arith.muli %select_n3A, %mul3A_37 : i32
    "tpu.region"() ({
      %run_scoped3A = tpu.sem_alloc : memref<!tpu.dma_semaphore, #tpu.memory_space<semaphore_mem>>
      %dma_start3A = tpu.memref_slice %arg4[%mul3A_38] : memref<32768xf32, #tpu.memory_space<hbm>> -> memref<4096xf32, #tpu.memory_space<hbm>>
      %dma_start3A_64 = tpu.memref_slice %arg4[%mul3A_38] : memref<32768xf32, #tpu.memory_space<hbm>> -> memref<4096xf32, #tpu.memory_space<hbm>>
      tpu.enqueue_dma source(%dma_start3A_64 : memref<4096xf32, #tpu.memory_space<hbm>>) target(%arg14 : memref<4096xf32, #tpu.memory_space<vmem>>) target_semaphore(%run_scoped3A : memref<!tpu.dma_semaphore, #tpu.memory_space<semaphore_mem>>)
      %dma_wait3A = tpu.memref_slice %arg4[%mul3A_38] : memref<32768xf32, #tpu.memory_space<hbm>> -> memref<4096xf32, #tpu.memory_space<hbm>>
      %dma_wait3A_65 = tpu.memref_slice %arg4[%mul3A_38] : memref<32768xf32, #tpu.memory_space<hbm>> -> memref<4096xf32, #tpu.memory_space<hbm>>
      tpu.wait_dma2 semaphore(%run_scoped3A : memref<!tpu.dma_semaphore, #tpu.memory_space<semaphore_mem>>) src(%dma_wait3A_65 : memref<4096xf32, #tpu.memory_space<hbm>>) dst(%arg14 : memref<4096xf32, #tpu.memory_space<vmem>>)
      tpu.yield
    }) : () -> ()
    %mul3A_39 = arith.constant 256 : i32
    %mul3A_40 = arith.muli %select_n3A, %mul3A_39 : i32
    %add3A_41 = arith.addi %mul3A_40, %mul3A_32 : i32
    "tpu.region"() ({
      %run_scoped3A = tpu.sem_alloc : memref<!tpu.dma_semaphore, #tpu.memory_space<semaphore_mem>>
      %dma_start3A = tpu.memref_slice %arg5[%add3A_41] : memref<2048xf32, #tpu.memory_space<hbm>> -> memref<64xf32, #tpu.memory_space<hbm>>
      %dma_start3A_64 = tpu.memref_slice %arg5[%add3A_41] : memref<2048xf32, #tpu.memory_space<hbm>> -> memref<64xf32, #tpu.memory_space<hbm>>
      tpu.enqueue_dma source(%dma_start3A_64 : memref<64xf32, #tpu.memory_space<hbm>>) target(%arg16 : memref<64xf32, #tpu.memory_space<vmem>>) target_semaphore(%run_scoped3A : memref<!tpu.dma_semaphore, #tpu.memory_space<semaphore_mem>>)
      %dma_wait3A = tpu.memref_slice %arg5[%add3A_41] : memref<2048xf32, #tpu.memory_space<hbm>> -> memref<64xf32, #tpu.memory_space<hbm>>
      %dma_wait3A_65 = tpu.memref_slice %arg5[%add3A_41] : memref<2048xf32, #tpu.memory_space<hbm>> -> memref<64xf32, #tpu.memory_space<hbm>>
      tpu.wait_dma2 semaphore(%run_scoped3A : memref<!tpu.dma_semaphore, #tpu.memory_space<semaphore_mem>>) src(%dma_wait3A_65 : memref<64xf32, #tpu.memory_space<hbm>>) dst(%arg16 : memref<64xf32, #tpu.memory_space<vmem>>)
      tpu.yield
    }) : () -> ()
    %mul3A_42 = arith.constant 256 : i32
    %mul3A_43 = arith.muli %select_n3A, %mul3A_42 : i32
    %add3A_44 = arith.addi %mul3A_43, %mul3A_32 : i32
    "tpu.region"() ({
      %run_scoped3A = tpu.sem_alloc : memref<!tpu.dma_semaphore, #tpu.memory_space<semaphore_mem>>
      %dma_start3A = tpu.memref_slice %arg6[%add3A_44] : memref<2048xf32, #tpu.memory_space<hbm>> -> memref<64xf32, #tpu.memory_space<hbm>>
      %dma_start3A_64 = tpu.memref_slice %arg6[%add3A_44] : memref<2048xf32, #tpu.memory_space<hbm>> -> memref<64xf32, #tpu.memory_space<hbm>>
      tpu.enqueue_dma source(%dma_start3A_64 : memref<64xf32, #tpu.memory_space<hbm>>) target(%arg17 : memref<64xf32, #tpu.memory_space<vmem>>) target_semaphore(%run_scoped3A : memref<!tpu.dma_semaphore, #tpu.memory_space<semaphore_mem>>)
      %dma_wait3A = tpu.memref_slice %arg6[%add3A_44] : memref<2048xf32, #tpu.memory_space<hbm>> -> memref<64xf32, #tpu.memory_space<hbm>>
      %dma_wait3A_65 = tpu.memref_slice %arg6[%add3A_44] : memref<2048xf32, #tpu.memory_space<hbm>> -> memref<64xf32, #tpu.memory_space<hbm>>
      tpu.wait_dma2 semaphore(%run_scoped3A : memref<!tpu.dma_semaphore, #tpu.memory_space<semaphore_mem>>) src(%dma_wait3A_65 : memref<64xf32, #tpu.memory_space<hbm>>) dst(%arg17 : memref<64xf32, #tpu.memory_space<vmem>>)
      tpu.yield
    }) : () -> ()
    %mul3A_45 = arith.constant 256 : i32
    %mul3A_46 = arith.muli %select_n3A, %mul3A_45 : i32
    %add3A_47 = arith.addi %mul3A_46, %mul3A_32 : i32
    "tpu.region"() ({
      %run_scoped3A = tpu.sem_alloc : memref<!tpu.dma_semaphore, #tpu.memory_space<semaphore_mem>>
      %dma_start3A = tpu.memref_slice %arg7[%add3A_47] : memref<2048xf32, #tpu.memory_space<hbm>> -> memref<64xf32, #tpu.memory_space<hbm>>
      %dma_start3A_64 = tpu.memref_slice %arg7[%add3A_47] : memref<2048xf32, #tpu.memory_space<hbm>> -> memref<64xf32, #tpu.memory_space<hbm>>
      tpu.enqueue_dma source(%dma_start3A_64 : memref<64xf32, #tpu.memory_space<hbm>>) target(%arg18 : memref<64xf32, #tpu.memory_space<vmem>>) target_semaphore(%run_scoped3A : memref<!tpu.dma_semaphore, #tpu.memory_space<semaphore_mem>>)
      %dma_wait3A = tpu.memref_slice %arg7[%add3A_47] : memref<2048xf32, #tpu.memory_space<hbm>> -> memref<64xf32, #tpu.memory_space<hbm>>
      %dma_wait3A_65 = tpu.memref_slice %arg7[%add3A_47] : memref<2048xf32, #tpu.memory_space<hbm>> -> memref<64xf32, #tpu.memory_space<hbm>>
      tpu.wait_dma2 semaphore(%run_scoped3A : memref<!tpu.dma_semaphore, #tpu.memory_space<semaphore_mem>>) src(%dma_wait3A_65 : memref<64xf32, #tpu.memory_space<hbm>>) dst(%arg18 : memref<64xf32, #tpu.memory_space<vmem>>)
      tpu.yield
    }) : () -> ()
    %mul3A_48 = arith.constant 256 : i32
    %mul3A_49 = arith.muli %select_n3A, %mul3A_48 : i32
    %add3A_50 = arith.addi %mul3A_49, %mul3A_32 : i32
    "tpu.region"() ({
      %run_scoped3A = tpu.sem_alloc : memref<!tpu.dma_semaphore, #tpu.memory_space<semaphore_mem>>
      %dma_start3A = tpu.memref_slice %arg8[%add3A_50] : memref<2048xf32, #tpu.memory_space<hbm>> -> memref<64xf32, #tpu.memory_space<hbm>>
      %dma_start3A_64 = tpu.memref_slice %arg8[%add3A_50] : memref<2048xf32, #tpu.memory_space<hbm>> -> memref<64xf32, #tpu.memory_space<hbm>>
      tpu.enqueue_dma source(%dma_start3A_64 : memref<64xf32, #tpu.memory_space<hbm>>) target(%arg19 : memref<64xf32, #tpu.memory_space<vmem>>) target_semaphore(%run_scoped3A : memref<!tpu.dma_semaphore, #tpu.memory_space<semaphore_mem>>)
      %dma_wait3A = tpu.memref_slice %arg8[%add3A_50] : memref<2048xf32, #tpu.memory_space<hbm>> -> memref<64xf32, #tpu.memory_space<hbm>>
      %dma_wait3A_65 = tpu.memref_slice %arg8[%add3A_50] : memref<2048xf32, #tpu.memory_space<hbm>> -> memref<64xf32, #tpu.memory_space<hbm>>
      tpu.wait_dma2 semaphore(%run_scoped3A : memref<!tpu.dma_semaphore, #tpu.memory_space<semaphore_mem>>) src(%dma_wait3A_65 : memref<64xf32, #tpu.memory_space<hbm>>) dst(%arg19 : memref<64xf32, #tpu.memory_space<vmem>>)
      tpu.yield
    }) : () -> ()
    %iota3A = tpu.iota {dimensions = array<i32: 0>} : vector<16xi32>
    %scan3A = arith.constant 0 : i32
    %scan3A_51 = arith.constant 0 : i32
    %scan3A_52 = arith.constant 256 : i32
    %scan3A_53 = arith.addi %scan3A_51, %scan3A_52 : i32
    %scan3A_54 = arith.constant 1 : i32
    %scan3A_55 = scf.for %scan3A_64 = %scan3A_51 to %scan3A_53 step %scan3A_54 iter_args(%scan3A_65 = %scan3A) -> (i32)  : i32 {
      %mul3A_66 = arith.constant 16 : i32
      %mul3A_67 = arith.muli %scan3A_64, %mul3A_66 : i32
      %get3A = arith.index_cast %mul3A_67 : i32 to index
      %get3A_68 = tpu.vector_load %arg12[%get3A] {strides = array<i32>} : memref<4096xf32, #tpu.memory_space<vmem>>, vector<16xf32>,
      %get3A_69 = arith.index_cast %mul3A_67 : i32 to index
      %get3A_70 = tpu.vector_load %arg13[%get3A_69] {strides = array<i32>} : memref<4096xf32, #tpu.memory_space<vmem>>, vector<16xf32>,
      %get3A_71 = arith.index_cast %mul3A_67 : i32 to index
      %get3A_72 = tpu.vector_load %arg14[%get3A_71] {strides = array<i32>} : memref<4096xf32, #tpu.memory_space<vmem>>, vector<16xf32>,
      %mul3A_73 = arith.mulf %get3A_68, %get3A_68 : vector<16xf32>
      %mul3A_74 = arith.mulf %get3A_70, %get3A_70 : vector<16xf32>
      %add3A_75 = arith.addf %mul3A_73, %mul3A_74 : vector<16xf32>
      %mul3A_76 = arith.mulf %get3A_72, %get3A_72 : vector<16xf32>
      %add3A_77 = arith.addf %add3A_75, %mul3A_76 : vector<16xf32>
      %swap3A = arith.index_cast %mul3A_67 : i32 to index
      %swap3A_78 = tpu.vector_load %arg15[%swap3A] {strides = array<i32>} : memref<4096xf32, #tpu.memory_space<vmem>>, vector<16xf32>,
      tpu.vector_store %arg15[%swap3A], %add3A_77 {strides = array<i32>} : memref<4096xf32, #tpu.memory_space<vmem>>, vector<16xf32>,
      %scan3A_79 = arith.constant 0 : i32
      scf.yield %scan3A_79 : i32
    }
    %scan3A_56 = arith.constant 256 : i32
    %scan3A_57 = arith.constant 0 : i32
    %scan3A_58 = arith.constant 0 : i32
    %scan3A_59 = arith.constant 64 : i32
    %scan3A_60 = arith.addi %scan3A_58, %scan3A_59 : i32
    %scan3A_61 = arith.constant 1 : i32
    %scan3A_62 = scf.for %scan3A_64 = %scan3A_58 to %scan3A_60 step %scan3A_61 iter_args(%scan3A_65 = %scan3A_57) -> (i32)  : i32 {
      %jit3A_66 = arith.constant 16 : i32
      %div3A_67 = arith.divsi %scan3A_64, %jit3A_66 : i32
      %sign3A_68 = arith.constant 0 : i32
      %sign3A_69 = arith.cmpi sgt, %scan3A_64, %sign3A_68 : i32
      %sign3A_70 = arith.extui %sign3A_69 : i1 to i32
      %sign3A_71 = arith.constant 0 : i32
      %sign3A_72 = arith.cmpi slt, %scan3A_64, %sign3A_71 : i32
      %sign3A_73 = arith.extui %sign3A_72 : i1 to i32
      %sign3A_74 = arith.subi %sign3A_70, %sign3A_73 : i32
      %sign3A_75 = arith.constant 0 : i32
      %sign3A_76 = arith.cmpi sgt, %jit3A_66, %sign3A_75 : i32
      %sign3A_77 = arith.extui %sign3A_76 : i1 to i32
      %sign3A_78 = arith.constant 0 : i32
      %sign3A_79 = arith.cmpi slt, %jit3A_66, %sign3A_78 : i32
      %sign3A_80 = arith.extui %sign3A_79 : i1 to i32
      %sign3A_81 = arith.subi %sign3A_77, %sign3A_80 : i32
      %ne3A_82 = arith.cmpi ne, %sign3A_74, %sign3A_81 : i32
      %rem3A_83 = arith.remsi %scan3A_64, %jit3A_66 : i32
      %ne3A_84 = arith.constant 0 : i32
      %ne3A_85 = arith.cmpi ne, %rem3A_83, %ne3A_84 : i32
      %and3A_86 = arith.andi %ne3A_82, %ne3A_85 : i1
      %sub3A_87 = arith.constant 1 : i32
      %sub3A_88 = arith.subi %div3A_67, %sub3A_87 : i32
      %select_n3A_89 = arith.select %and3A_86, %sub3A_88, %div3A_67 : i32
      %mul3A_90 = arith.constant 16 : i32
      %mul3A_91 = arith.muli %select_n3A_89, %mul3A_90 : i32
      %get3A = arith.index_cast %mul3A_91 : i32 to index
      %get3A_92 = tpu.vector_load %arg16[%get3A] {strides = array<i32>} : memref<64xf32, #tpu.memory_space<vmem>>, vector<16xf32>,
      %jit3A_93 = arith.constant 16 : i32
      %eq3A_94 = arith.constant 0 : i32
      %eq3A_95 = arith.cmpi eq, %jit3A_93, %eq3A_94 : i32
      %jit3A_96 = arith.constant 1 : i32
      %select_n3A_97 = arith.select %eq3A_95, %jit3A_96, %jit3A_93 : i32
      %rem3A_98 = arith.remsi %scan3A_64, %select_n3A_97 : i32
      %ne3A_99 = arith.constant 0 : i32
      %ne3A_100 = arith.cmpi ne, %rem3A_98, %ne3A_99 : i32
      %lt3A_101 = arith.constant 0 : i32
      %lt3A_102 = arith.cmpi slt, %rem3A_98, %lt3A_101 : i32
      %lt3A_103 = arith.constant 0 : i32
      %lt3A_104 = arith.cmpi slt, %select_n3A_97, %lt3A_103 : i32
      %ne3A_105 = arith.xori %lt3A_102, %lt3A_104 : i1
      %and3A_106 = arith.andi %ne3A_105, %ne3A_100 : i1
      %add3A_107 = arith.addi %rem3A_98, %select_n3A_97 : i32
      %select_n3A_108 = arith.select %and3A_106, %add3A_107, %rem3A_98 : i32
      %eq3A_109 = vector.broadcast %select_n3A_108 : i32 to vector<16xi32>
      %eq3A_110 = arith.cmpi eq, %iota3A, %eq3A_109 : vector<16xi32>
      %broadcast_in_dim3A = arith.constant 0.000000e+00 : f32
      %broadcast_in_dim3A_111 = vector.broadcast %broadcast_in_dim3A : f32 to vector<16xf32>
      %select_n3A_112 = arith.select %eq3A_110, %get3A_92, %broadcast_in_dim3A_111 : vector<16xi1>, vector<16xf32>
      %reduce_sum3A = arith.constant true
      %reduce_sum3A_113 = vector.broadcast %reduce_sum3A : i1 to vector<16xi1>
      %reduce_sum3A_114 = tpu.scan <sum>, %select_n3A_112 masked %reduce_sum3A_113 : vector<16xf32>, vector<16xi1> -> vector<16xf32>
      %reduce_sum3A_115 = vector.extract %reduce_sum3A_114[15] : f32 from vector<16xf32>
      %jit3A_116 = arith.constant 16 : i32
      %div3A_117 = arith.divsi %scan3A_64, %jit3A_116 : i32
      %sign3A_118 = arith.constant 0 : i32
      %sign3A_119 = arith.cmpi sgt, %scan3A_64, %sign3A_118 : i32
      %sign3A_120 = arith.extui %sign3A_119 : i1 to i32
      %sign3A_121 = arith.constant 0 : i32
      %sign3A_122 = arith.cmpi slt, %scan3A_64, %sign3A_121 : i32
      %sign3A_123 = arith.extui %sign3A_122 : i1 to i32
      %sign3A_124 = arith.subi %sign3A_120, %sign3A_123 : i32
      %sign3A_125 = arith.constant 0 : i32
      %sign3A_126 = arith.cmpi sgt, %jit3A_116, %sign3A_125 : i32
      %sign3A_127 = arith.extui %sign3A_126 : i1 to i32
      %sign3A_128 = arith.constant 0 : i32
      %sign3A_129 = arith.cmpi slt, %jit3A_116, %sign3A_128 : i32
      %sign3A_130 = arith.extui %sign3A_129 : i1 to i32
      %sign3A_131 = arith.subi %sign3A_127, %sign3A_130 : i32
      %ne3A_132 = arith.cmpi ne, %sign3A_124, %sign3A_131 : i32
      %rem3A_133 = arith.remsi %scan3A_64, %jit3A_116 : i32
      %ne3A_134 = arith.constant 0 : i32
      %ne3A_135 = arith.cmpi ne, %rem3A_133, %ne3A_134 : i32
      %and3A_136 = arith.andi %ne3A_132, %ne3A_135 : i1
      %sub3A_137 = arith.constant 1 : i32
      %sub3A_138 = arith.subi %div3A_117, %sub3A_137 : i32
      %select_n3A_139 = arith.select %and3A_136, %sub3A_138, %div3A_117 : i32
      %mul3A_140 = arith.constant 16 : i32
      %mul3A_141 = arith.muli %select_n3A_139, %mul3A_140 : i32
      %get3A_142 = arith.index_cast %mul3A_141 : i32 to index
      %get3A_143 = tpu.vector_load %arg17[%get3A_142] {strides = array<i32>} : memref<64xf32, #tpu.memory_space<vmem>>, vector<16xf32>,
      %jit3A_144 = arith.constant 16 : i32
      %eq3A_145 = arith.constant 0 : i32
      %eq3A_146 = arith.cmpi eq, %jit3A_144, %eq3A_145 : i32
      %jit3A_147 = arith.constant 1 : i32
      %select_n3A_148 = arith.select %eq3A_146, %jit3A_147, %jit3A_144 : i32
      %rem3A_149 = arith.remsi %scan3A_64, %select_n3A_148 : i32
      %ne3A_150 = arith.constant 0 : i32
      %ne3A_151 = arith.cmpi ne, %rem3A_149, %ne3A_150 : i32
      %lt3A_152 = arith.constant 0 : i32
      %lt3A_153 = arith.cmpi slt, %rem3A_149, %lt3A_152 : i32
      %lt3A_154 = arith.constant 0 : i32
      %lt3A_155 = arith.cmpi slt, %select_n3A_148, %lt3A_154 : i32
      %ne3A_156 = arith.xori %lt3A_153, %lt3A_155 : i1
      %and3A_157 = arith.andi %ne3A_156, %ne3A_151 : i1
      %add3A_158 = arith.addi %rem3A_149, %select_n3A_148 : i32
      %select_n3A_159 = arith.select %and3A_157, %add3A_158, %rem3A_149 : i32
      %eq3A_160 = vector.broadcast %select_n3A_159 : i32 to vector<16xi32>
      %eq3A_161 = arith.cmpi eq, %iota3A, %eq3A_160 : vector<16xi32>
      %broadcast_in_dim3A_162 = arith.constant 0.000000e+00 : f32
      %broadcast_in_dim3A_163 = vector.broadcast %broadcast_in_dim3A_162 : f32 to vector<16xf32>
      %select_n3A_164 = arith.select %eq3A_161, %get3A_143, %broadcast_in_dim3A_163 : vector<16xi1>, vector<16xf32>
      %reduce_sum3A_165 = arith.constant true
      %reduce_sum3A_166 = vector.broadcast %reduce_sum3A_165 : i1 to vector<16xi1>
      %reduce_sum3A_167 = tpu.scan <sum>, %select_n3A_164 masked %reduce_sum3A_166 : vector<16xf32>, vector<16xi1> -> vector<16xf32>
      %reduce_sum3A_168 = vector.extract %reduce_sum3A_167[15] : f32 from vector<16xf32>
      %jit3A_169 = arith.constant 16 : i32
      %div3A_170 = arith.divsi %scan3A_64, %jit3A_169 : i32
      %sign3A_171 = arith.constant 0 : i32
      %sign3A_172 = arith.cmpi sgt, %scan3A_64, %sign3A_171 : i32
      %sign3A_173 = arith.extui %sign3A_172 : i1 to i32
      %sign3A_174 = arith.constant 0 : i32
      %sign3A_175 = arith.cmpi slt, %scan3A_64, %sign3A_174 : i32
      %sign3A_176 = arith.extui %sign3A_175 : i1 to i32
      %sign3A_177 = arith.subi %sign3A_173, %sign3A_176 : i32
      %sign3A_178 = arith.constant 0 : i32
      %sign3A_179 = arith.cmpi sgt, %jit3A_169, %sign3A_178 : i32
      %sign3A_180 = arith.extui %sign3A_179 : i1 to i32
      %sign3A_181 = arith.constant 0 : i32
      %sign3A_182 = arith.cmpi slt, %jit3A_169, %sign3A_181 : i32
      %sign3A_183 = arith.extui %sign3A_182 : i1 to i32
      %sign3A_184 = arith.subi %sign3A_180, %sign3A_183 : i32
      %ne3A_185 = arith.cmpi ne, %sign3A_177, %sign3A_184 : i32
      %rem3A_186 = arith.remsi %scan3A_64, %jit3A_169 : i32
      %ne3A_187 = arith.constant 0 : i32
      %ne3A_188 = arith.cmpi ne, %rem3A_186, %ne3A_187 : i32
      %and3A_189 = arith.andi %ne3A_185, %ne3A_188 : i1
      %sub3A_190 = arith.constant 1 : i32
      %sub3A_191 = arith.subi %div3A_170, %sub3A_190 : i32
      %select_n3A_192 = arith.select %and3A_189, %sub3A_191, %div3A_170 : i32
      %mul3A_193 = arith.constant 16 : i32
      %mul3A_194 = arith.muli %select_n3A_192, %mul3A_193 : i32
      %get3A_195 = arith.index_cast %mul3A_194 : i32 to index
      %get3A_196 = tpu.vector_load %arg18[%get3A_195] {strides = array<i32>} : memref<64xf32, #tpu.memory_space<vmem>>, vector<16xf32>,
      %jit3A_197 = arith.constant 16 : i32
      %eq3A_198 = arith.constant 0 : i32
      %eq3A_199 = arith.cmpi eq, %jit3A_197, %eq3A_198 : i32
      %jit3A_200 = arith.constant 1 : i32
      %select_n3A_201 = arith.select %eq3A_199, %jit3A_200, %jit3A_197 : i32
      %rem3A_202 = arith.remsi %scan3A_64, %select_n3A_201 : i32
      %ne3A_203 = arith.constant 0 : i32
      %ne3A_204 = arith.cmpi ne, %rem3A_202, %ne3A_203 : i32
      %lt3A_205 = arith.constant 0 : i32
      %lt3A_206 = arith.cmpi slt, %rem3A_202, %lt3A_205 : i32
      %lt3A_207 = arith.constant 0 : i32
      %lt3A_208 = arith.cmpi slt, %select_n3A_201, %lt3A_207 : i32
      %ne3A_209 = arith.xori %lt3A_206, %lt3A_208 : i1
      %and3A_210 = arith.andi %ne3A_209, %ne3A_204 : i1
      %add3A_211 = arith.addi %rem3A_202, %select_n3A_201 : i32
      %select_n3A_212 = arith.select %and3A_210, %add3A_211, %rem3A_202 : i32
      %eq3A_213 = vector.broadcast %select_n3A_212 : i32 to vector<16xi32>
      %eq3A_214 = arith.cmpi eq, %iota3A, %eq3A_213 : vector<16xi32>
      %broadcast_in_dim3A_215 = arith.constant 0.000000e+00 : f32
      %broadcast_in_dim3A_216 = vector.broadcast %broadcast_in_dim3A_215 : f32 to vector<16xf32>
      %select_n3A_217 = arith.select %eq3A_214, %get3A_196, %broadcast_in_dim3A_216 : vector<16xi1>, vector<16xf32>
      %reduce_sum3A_218 = arith.constant true
      %reduce_sum3A_219 = vector.broadcast %reduce_sum3A_218 : i1 to vector<16xi1>
      %reduce_sum3A_220 = tpu.scan <sum>, %select_n3A_217 masked %reduce_sum3A_219 : vector<16xf32>, vector<16xi1> -> vector<16xf32>
      %reduce_sum3A_221 = vector.extract %reduce_sum3A_220[15] : f32 from vector<16xf32>
      %jit3A_222 = arith.constant 16 : i32
      %div3A_223 = arith.divsi %scan3A_64, %jit3A_222 : i32
      %sign3A_224 = arith.constant 0 : i32
      %sign3A_225 = arith.cmpi sgt, %scan3A_64, %sign3A_224 : i32
      %sign3A_226 = arith.extui %sign3A_225 : i1 to i32
      %sign3A_227 = arith.constant 0 : i32
      %sign3A_228 = arith.cmpi slt, %scan3A_64, %sign3A_227 : i32
      %sign3A_229 = arith.extui %sign3A_228 : i1 to i32
      %sign3A_230 = arith.subi %sign3A_226, %sign3A_229 : i32
      %sign3A_231 = arith.constant 0 : i32
      %sign3A_232 = arith.cmpi sgt, %jit3A_222, %sign3A_231 : i32
      %sign3A_233 = arith.extui %sign3A_232 : i1 to i32
      %sign3A_234 = arith.constant 0 : i32
      %sign3A_235 = arith.cmpi slt, %jit3A_222, %sign3A_234 : i32
      %sign3A_236 = arith.extui %sign3A_235 : i1 to i32
      %sign3A_237 = arith.subi %sign3A_233, %sign3A_236 : i32
      %ne3A_238 = arith.cmpi ne, %sign3A_230, %sign3A_237 : i32
      %rem3A_239 = arith.remsi %scan3A_64, %jit3A_222 : i32
      %ne3A_240 = arith.constant 0 : i32
      %ne3A_241 = arith.cmpi ne, %rem3A_239, %ne3A_240 : i32
      %and3A_242 = arith.andi %ne3A_238, %ne3A_241 : i1
      %sub3A_243 = arith.constant 1 : i32
      %sub3A_244 = arith.subi %div3A_223, %sub3A_243 : i32
      %select_n3A_245 = arith.select %and3A_242, %sub3A_244, %div3A_223 : i32
      %mul3A_246 = arith.constant 16 : i32
      %mul3A_247 = arith.muli %select_n3A_245, %mul3A_246 : i32
      %get3A_248 = arith.index_cast %mul3A_247 : i32 to index
      %get3A_249 = tpu.vector_load %arg19[%get3A_248] {strides = array<i32>} : memref<64xf32, #tpu.memory_space<vmem>>, vector<16xf32>,
      %jit3A_250 = arith.constant 16 : i32
      %eq3A_251 = arith.constant 0 : i32
      %eq3A_252 = arith.cmpi eq, %jit3A_250, %eq3A_251 : i32
      %jit3A_253 = arith.constant 1 : i32
      %select_n3A_254 = arith.select %eq3A_252, %jit3A_253, %jit3A_250 : i32
      %rem3A_255 = arith.remsi %scan3A_64, %select_n3A_254 : i32
      %ne3A_256 = arith.constant 0 : i32
      %ne3A_257 = arith.cmpi ne, %rem3A_255, %ne3A_256 : i32
      %lt3A_258 = arith.constant 0 : i32
      %lt3A_259 = arith.cmpi slt, %rem3A_255, %lt3A_258 : i32
      %lt3A_260 = arith.constant 0 : i32
      %lt3A_261 = arith.cmpi slt, %select_n3A_254, %lt3A_260 : i32
      %ne3A_262 = arith.xori %lt3A_259, %lt3A_261 : i1
      %and3A_263 = arith.andi %ne3A_262, %ne3A_257 : i1
      %add3A_264 = arith.addi %rem3A_255, %select_n3A_254 : i32
      %select_n3A_265 = arith.select %and3A_263, %add3A_264, %rem3A_255 : i32
      %eq3A_266 = vector.broadcast %select_n3A_265 : i32 to vector<16xi32>
      %eq3A_267 = arith.cmpi eq, %iota3A, %eq3A_266 : vector<16xi32>
      %broadcast_in_dim3A_268 = arith.constant 0.000000e+00 : f32
      %broadcast_in_dim3A_269 = vector.broadcast %broadcast_in_dim3A_268 : f32 to vector<16xf32>
      %select_n3A_270 = arith.select %eq3A_267, %get3A_249, %broadcast_in_dim3A_269 : vector<16xi1>, vector<16xf32>
      %reduce_sum3A_271 = arith.constant true
      %reduce_sum3A_272 = vector.broadcast %reduce_sum3A_271 : i1 to vector<16xi1>
      %reduce_sum3A_273 = tpu.scan <sum>, %select_n3A_270 masked %reduce_sum3A_272 : vector<16xf32>, vector<16xi1> -> vector<16xf32>
      %reduce_sum3A_274 = vector.extract %reduce_sum3A_273[15] : f32 from vector<16xf32>
      %scan3A_275 = arith.constant 0 : i32
      %scan3A_276 = arith.constant 0 : i32
      %scan3A_277 = arith.constant 0 : i32
      %scan3A_278 = arith.constant 0 : i32
      %scan3A_279 = arith.constant 256 : i32
      %scan3A_280 = arith.addi %scan3A_278, %scan3A_279 : i32
      %scan3A_281 = arith.constant 1 : i32
      %scan3A_282:3 = scf.for %scan3A_440 = %scan3A_278 to %scan3A_280 step %scan3A_281 iter_args(%scan3A_441 = %scan3A_275, %scan3A_442 = %scan3A_276, %scan3A_443 = %scan3A_277) -> (i32, i32, i32)  : i32 {
        %mul3A_444 = arith.constant 16 : i32
        %mul3A_445 = arith.muli %scan3A_440, %mul3A_444 : i32
        %get3A_446 = arith.index_cast %mul3A_445 : i32 to index
        %get3A_447 = tpu.vector_load %arg12[%get3A_446] {strides = array<i32>} : memref<4096xf32, #tpu.memory_space<vmem>>, vector<16xf32>,
        %get3A_448 = arith.index_cast %mul3A_445 : i32 to index
        %get3A_449 = tpu.vector_load %arg13[%get3A_448] {strides = array<i32>} : memref<4096xf32, #tpu.memory_space<vmem>>, vector<16xf32>,
        %get3A_450 = arith.index_cast %mul3A_445 : i32 to index
        %get3A_451 = tpu.vector_load %arg14[%get3A_450] {strides = array<i32>} : memref<4096xf32, #tpu.memory_space<vmem>>, vector<16xf32>,
        %get3A_452 = arith.index_cast %mul3A_445 : i32 to index
        %get3A_453 = tpu.vector_load %arg15[%get3A_452] {strides = array<i32>} : memref<4096xf32, #tpu.memory_space<vmem>>, vector<16xf32>,
        %mul3A_454 = vector.broadcast %reduce_sum3A_115 : f32 to vector<16xf32>
        %mul3A_455 = arith.mulf %mul3A_454, %get3A_447 : vector<16xf32>
        %mul3A_456 = vector.broadcast %reduce_sum3A_168 : f32 to vector<16xf32>
        %mul3A_457 = arith.mulf %mul3A_456, %get3A_449 : vector<16xf32>
        %add3A_458 = arith.addf %mul3A_455, %mul3A_457 : vector<16xf32>
        %mul3A_459 = vector.broadcast %reduce_sum3A_221 : f32 to vector<16xf32>
        %mul3A_460 = arith.mulf %mul3A_459, %get3A_451 : vector<16xf32>
        %add3A_461 = arith.addf %add3A_458, %mul3A_460 : vector<16xf32>
        %add3A_462 = vector.broadcast %reduce_sum3A_274 : f32 to vector<16xf32>
        %add3A_463 = arith.addf %add3A_462, %get3A_453 : vector<16xf32>
        %mul3A_464 = arith.constant 2.000000e+00 : f32
        %mul3A_465 = vector.broadcast %mul3A_464 : f32 to vector<16xf32>
        %mul3A_466 = arith.mulf %mul3A_465, %add3A_461 : vector<16xf32>
        %sub3A_467 = arith.subf %add3A_463, %mul3A_466 : vector<16xf32>
        %mul3A_468 = arith.constant 16 : i32
        %mul3A_469 = arith.muli %scan3A_440, %mul3A_468 : i32
        %add3A_470 = vector.broadcast %mul3A_469 : i32 to vector<16xi32>
        %add3A_471 = arith.addi %add3A_470, %iota3A : vector<16xi32>
        %le3A = arith.constant 0.00999999977 : f32
        %le3A_472 = vector.broadcast %le3A : f32 to vector<16xf32>
        %le3A_473 = arith.cmpf ole, %sub3A_467, %le3A_472 : vector<16xf32>
        %convert_element_type3A_474 = arith.extui %le3A_473 : vector<16xi1> to vector<16xi32>
        %cumsum3A = arith.constant true
        %cumsum3A_475 = vector.broadcast %cumsum3A : i1 to vector<16xi1>
        %cumsum3A_476 = tpu.scan <sum>, %convert_element_type3A_474 masked %cumsum3A_475 : vector<16xi32>, vector<16xi1> -> vector<16xi32>
        %add3A_477 = vector.broadcast %scan3A_441 : i32 to vector<16xi32>
        %add3A_478 = arith.addi %add3A_477, %cumsum3A_476 : vector<16xi32>
        %sub3A_479 = arith.constant 1 : i32
        %sub3A_480 = vector.broadcast %sub3A_479 : i32 to vector<16xi32>
        %sub3A_481 = arith.subi %add3A_478, %sub3A_480 : vector<16xi32>
        %lt3A_482 = arith.constant 16 : i32
        %lt3A_483 = vector.broadcast %lt3A_482 : i32 to vector<16xi32>
        %lt3A_484 = arith.cmpi slt, %sub3A_481, %lt3A_483 : vector<16xi32>
        %and3A_485 = arith.andi %le3A_473, %lt3A_484 : vector<16xi1>
        %max3A = arith.constant 0 : i32
        %max3A_486 = vector.broadcast %max3A : i32 to vector<16xi32>
        %max3A_487 = arith.maxsi %sub3A_481, %max3A_486 : vector<16xi32>
        tpu.vector_store_idx %arg20[%max3A_487], %add3A_471 masked %and3A_485 : memref<16xi32, #tpu.memory_space<vmem>>[vector<16xi32>], vector<16xi32>, vector<16xi1>
        %convert_element_type3A_488 = arith.extui %le3A_473 : vector<16xi1> to vector<16xi32>
        %reduce_sum3A_489 = arith.constant true
        %reduce_sum3A_490 = vector.broadcast %reduce_sum3A_489 : i1 to vector<16xi1>
        %reduce_sum3A_491 = tpu.scan <sum>, %convert_element_type3A_488 masked %reduce_sum3A_490 : vector<16xi32>, vector<16xi1> -> vector<16xi32>
        %reduce_sum3A_492 = vector.extract %reduce_sum3A_491[15] : i32 from vector<16xi32>
        %add3A_493 = arith.addi %scan3A_441, %reduce_sum3A_492 : i32
        %le3A_494 = arith.constant 4.000000e-02 : f32
        %le3A_495 = vector.broadcast %le3A_494 : f32 to vector<16xf32>
        %le3A_496 = arith.cmpf ole, %sub3A_467, %le3A_495 : vector<16xf32>
        %convert_element_type3A_497 = arith.extui %le3A_496 : vector<16xi1> to vector<16xi32>
        %cumsum3A_498 = arith.constant true
        %cumsum3A_499 = vector.broadcast %cumsum3A_498 : i1 to vector<16xi1>
        %cumsum3A_500 = tpu.scan <sum>, %convert_element_type3A_497 masked %cumsum3A_499 : vector<16xi32>, vector<16xi1> -> vector<16xi32>
        %add3A_501 = vector.broadcast %scan3A_442 : i32 to vector<16xi32>
        %add3A_502 = arith.addi %add3A_501, %cumsum3A_500 : vector<16xi32>
        %sub3A_503 = arith.constant 1 : i32
        %sub3A_504 = vector.broadcast %sub3A_503 : i32 to vector<16xi32>
        %sub3A_505 = arith.subi %add3A_502, %sub3A_504 : vector<16xi32>
        %lt3A_506 = arith.constant 32 : i32
        %lt3A_507 = vector.broadcast %lt3A_506 : i32 to vector<16xi32>
        %lt3A_508 = arith.cmpi slt, %sub3A_505, %lt3A_507 : vector<16xi32>
        %and3A_509 = arith.andi %le3A_496, %lt3A_508 : vector<16xi1>
        %max3A_510 = arith.constant 0 : i32
        %max3A_511 = vector.broadcast %max3A_510 : i32 to vector<16xi32>
        %max3A_512 = arith.maxsi %sub3A_505, %max3A_511 : vector<16xi32>
        tpu.vector_store_idx %arg21[%max3A_512], %add3A_471 masked %and3A_509 : memref<32xi32, #tpu.memory_space<vmem>>[vector<16xi32>], vector<16xi32>, vector<16xi1>
        %convert_element_type3A_513 = arith.extui %le3A_496 : vector<16xi1> to vector<16xi32>
        %reduce_sum3A_514 = arith.constant true
        %reduce_sum3A_515 = vector.broadcast %reduce_sum3A_514 : i1 to vector<16xi1>
        %reduce_sum3A_516 = tpu.scan <sum>, %convert_element_type3A_513 masked %reduce_sum3A_515 : vector<16xi32>, vector<16xi1> -> vector<16xi32>
        %reduce_sum3A_517 = vector.extract %reduce_sum3A_516[15] : i32 from vector<16xi32>
        %add3A_518 = arith.addi %scan3A_442, %reduce_sum3A_517 : i32
        %le3A_519 = arith.constant 1.600000e-01 : f32
        %le3A_520 = vector.broadcast %le3A_519 : f32 to vector<16xf32>
        %le3A_521 = arith.cmpf ole, %sub3A_467, %le3A_520 : vector<16xf32>
        %convert_element_type3A_522 = arith.extui %le3A_521 : vector<16xi1> to vector<16xi32>
        %cumsum3A_523 = arith.constant true
        %cumsum3A_524 = vector.broadcast %cumsum3A_523 : i1 to vector<16xi1>
        %cumsum3A_525 = tpu.scan <sum>, %convert_element_type3A_522 masked %cumsum3A_524 : vector<16xi32>, vector<16xi1> -> vector<16xi32>
        %add3A_526 = vector.broadcast %scan3A_443 : i32 to vector<16xi32>
        %add3A_527 = arith.addi %add3A_526, %cumsum3A_525 : vector<16xi32>
        %sub3A_528 = arith.constant 1 : i32
        %sub3A_529 = vector.broadcast %sub3A_528 : i32 to vector<16xi32>
        %sub3A_530 = arith.subi %add3A_527, %sub3A_529 : vector<16xi32>
        %lt3A_531 = arith.constant 128 : i32
        %lt3A_532 = vector.broadcast %lt3A_531 : i32 to vector<16xi32>
        %lt3A_533 = arith.cmpi slt, %sub3A_530, %lt3A_532 : vector<16xi32>
        %and3A_534 = arith.andi %le3A_521, %lt3A_533 : vector<16xi1>
        %max3A_535 = arith.constant 0 : i32
        %max3A_536 = vector.broadcast %max3A_535 : i32 to vector<16xi32>
        %max3A_537 = arith.maxsi %sub3A_530, %max3A_536 : vector<16xi32>
        tpu.vector_store_idx %arg22[%max3A_537], %add3A_471 masked %and3A_534 : memref<128xi32, #tpu.memory_space<vmem>>[vector<16xi32>], vector<16xi32>, vector<16xi1>
        %convert_element_type3A_538 = arith.extui %le3A_521 : vector<16xi1> to vector<16xi32>
        %reduce_sum3A_539 = arith.constant true
        %reduce_sum3A_540 = vector.broadcast %reduce_sum3A_539 : i1 to vector<16xi1>
        %reduce_sum3A_541 = tpu.scan <sum>, %convert_element_type3A_538 masked %reduce_sum3A_540 : vector<16xi32>, vector<16xi1> -> vector<16xi32>
        %reduce_sum3A_542 = vector.extract %reduce_sum3A_541[15] : i32 from vector<16xi32>
        %add3A_543 = arith.addi %scan3A_443, %reduce_sum3A_542 : i32
        scf.yield %add3A_493, %add3A_518, %add3A_543 : i32, i32, i32
      }
      %scan3A_283 = arith.constant 256 : i32
      %add3A_284 = arith.addi %mul3A_32, %scan3A_64 : i32
      %get3A_285 = arith.constant 0 : index
      %get3A_286 = tpu.vector_load %arg20[%get3A_285] {strides = array<i32>} : memref<16xi32, #tpu.memory_space<vmem>>, vector<16xi32>,
      %eq3A_287 = arith.constant 0 : i32
      %eq3A_288 = vector.broadcast %eq3A_287 : i32 to vector<16xi32>
      %eq3A_289 = arith.cmpi eq, %iota3A, %eq3A_288 : vector<16xi32>
      %broadcast_in_dim3A_290 = arith.constant 0 : i32
      %broadcast_in_dim3A_291 = vector.broadcast %broadcast_in_dim3A_290 : i32 to vector<16xi32>
      %select_n3A_292 = arith.select %eq3A_289, %get3A_286, %broadcast_in_dim3A_291 : vector<16xi1>, vector<16xi32>
      %reduce_sum3A_293 = arith.constant true
      %reduce_sum3A_294 = vector.broadcast %reduce_sum3A_293 : i1 to vector<16xi1>
      %reduce_sum3A_295 = tpu.scan <sum>, %select_n3A_292 masked %reduce_sum3A_294 : vector<16xi32>, vector<16xi1> -> vector<16xi32>
      %reduce_sum3A_296 = vector.extract %reduce_sum3A_295[15] : i32 from vector<16xi32>
      %jit3A_297 = arith.constant 64 : i32
      %eq3A_298 = arith.constant 0 : i32
      %eq3A_299 = arith.cmpi eq, %jit3A_297, %eq3A_298 : i32
      %jit3A_300 = arith.constant 1 : i32
      %select_n3A_301 = arith.select %eq3A_299, %jit3A_300, %jit3A_297 : i32
      %rem3A_302 = arith.remsi %add3A_284, %select_n3A_301 : i32
      %ne3A_303 = arith.constant 0 : i32
      %ne3A_304 = arith.cmpi ne, %rem3A_302, %ne3A_303 : i32
      %lt3A_305 = arith.constant 0 : i32
      %lt3A_306 = arith.cmpi slt, %rem3A_302, %lt3A_305 : i32
      %lt3A_307 = arith.constant 0 : i32
      %lt3A_308 = arith.cmpi slt, %select_n3A_301, %lt3A_307 : i32
      %ne3A_309 = arith.xori %lt3A_306, %lt3A_308 : i1
      %and3A_310 = arith.andi %ne3A_309, %ne3A_304 : i1
      %add3A_311 = arith.addi %rem3A_302, %select_n3A_301 : i32
      %select_n3A_312 = arith.select %and3A_310, %add3A_311, %rem3A_302 : i32
      %scan3A_313 = arith.constant 0 : i32
      %scan3A_314 = arith.constant 0 : i32
      %mul3A_315 = arith.constant 16 : i32
      %mul3A_316 = arith.muli %scan3A_314, %mul3A_315 : i32
      %add3A_317 = vector.broadcast %mul3A_316 : i32 to vector<16xi32>
      %add3A_318 = arith.addi %add3A_317, %iota3A : vector<16xi32>
      %mul3A_319 = arith.constant 16 : i32
      %mul3A_320 = arith.muli %scan3A_314, %mul3A_319 : i32
      %get3A_321 = arith.index_cast %mul3A_320 : i32 to index
      %get3A_322 = tpu.vector_load %arg20[%get3A_321] {strides = array<i32>} : memref<16xi32, #tpu.memory_space<vmem>>, vector<16xi32>,
      %lt3A_323 = vector.broadcast %scan3A_282#0 : i32 to vector<16xi32>
      %lt3A_324 = arith.cmpi slt, %add3A_318, %lt3A_323 : vector<16xi32>
      %broadcast_in_dim3A_325 = vector.broadcast %reduce_sum3A_296 : i32 to vector<16xi32>
      %select_n3A_326 = arith.select %lt3A_324, %get3A_322, %broadcast_in_dim3A_325 : vector<16xi1>, vector<16xi32>
      %gather3A = tpu.vector_load_idx %arg12[%select_n3A_326] : memref<4096xf32, #tpu.memory_space<vmem>>[vector<16xi32>], vector<16xf32>,
      %gather3A_327 = tpu.vector_load_idx %arg13[%select_n3A_326] : memref<4096xf32, #tpu.memory_space<vmem>>[vector<16xi32>], vector<16xf32>,
      %gather3A_328 = tpu.vector_load_idx %arg14[%select_n3A_326] : memref<4096xf32, #tpu.memory_space<vmem>>[vector<16xi32>], vector<16xf32>,
      %mul3A_329 = arith.constant 16 : i32
      %mul3A_330 = arith.muli %select_n3A_312, %mul3A_329 : i32
      %add3A_331 = vector.broadcast %mul3A_330 : i32 to vector<16xi32>
      %add3A_332 = arith.addi %add3A_331, %add3A_318 : vector<16xi32>
      %sub3A_333 = vector.broadcast %reduce_sum3A_115 : f32 to vector<16xf32>
      %sub3A_334 = arith.subf %gather3A, %sub3A_333 : vector<16xf32>
      tpu.vector_store_idx %arg23[%add3A_332], %sub3A_334 : memref<6144xf32, #tpu.memory_space<vmem>>[vector<16xi32>], vector<16xf32>,
      %add3A_335 = arith.constant 1024 : i32
      %add3A_336 = vector.broadcast %add3A_335 : i32 to vector<16xi32>
      %add3A_337 = arith.addi %add3A_332, %add3A_336 : vector<16xi32>
      %sub3A_338 = vector.broadcast %reduce_sum3A_168 : f32 to vector<16xf32>
      %sub3A_339 = arith.subf %gather3A_327, %sub3A_338 : vector<16xf32>
      tpu.vector_store_idx %arg23[%add3A_337], %sub3A_339 : memref<6144xf32, #tpu.memory_space<vmem>>[vector<16xi32>], vector<16xf32>,
      %add3A_340 = arith.constant 2048 : i32
      %add3A_341 = vector.broadcast %add3A_340 : i32 to vector<16xi32>
      %add3A_342 = arith.addi %add3A_332, %add3A_341 : vector<16xi32>
      %sub3A_343 = vector.broadcast %reduce_sum3A_221 : f32 to vector<16xf32>
      %sub3A_344 = arith.subf %gather3A_328, %sub3A_343 : vector<16xf32>
      tpu.vector_store_idx %arg23[%add3A_342], %sub3A_344 : memref<6144xf32, #tpu.memory_space<vmem>>[vector<16xi32>], vector<16xf32>,
      %add3A_345 = arith.constant 3072 : i32
      %add3A_346 = vector.broadcast %add3A_345 : i32 to vector<16xi32>
      %add3A_347 = arith.addi %add3A_332, %add3A_346 : vector<16xi32>
      tpu.vector_store_idx %arg23[%add3A_347], %gather3A : memref<6144xf32, #tpu.memory_space<vmem>>[vector<16xi32>], vector<16xf32>,
      %add3A_348 = arith.constant 4096 : i32
      %add3A_349 = vector.broadcast %add3A_348 : i32 to vector<16xi32>
      %add3A_350 = arith.addi %add3A_332, %add3A_349 : vector<16xi32>
      tpu.vector_store_idx %arg23[%add3A_350], %gather3A_327 : memref<6144xf32, #tpu.memory_space<vmem>>[vector<16xi32>], vector<16xf32>,
      %add3A_351 = arith.constant 5120 : i32
      %add3A_352 = vector.broadcast %add3A_351 : i32 to vector<16xi32>
      %add3A_353 = arith.addi %add3A_332, %add3A_352 : vector<16xi32>
      tpu.vector_store_idx %arg23[%add3A_353], %gather3A_328 : memref<6144xf32, #tpu.memory_space<vmem>>[vector<16xi32>], vector<16xf32>,
      %scan3A_354 = arith.constant 0 : i32
      %scan3A_355 = arith.constant 1 : i32
      %eq3A_356 = arith.constant 63 : i32
      %eq3A_357 = arith.cmpi eq, %select_n3A_312, %eq3A_356 : i32
      %convert_element_type3A = arith.extui %eq3A_357 : i1 to i32
      %cond3A = arith.constant 0 : i32
      %cond3A_358 = arith.cmpi ne, %convert_element_type3A, %cond3A : i32
      scf.if %cond3A_358 {
        %jit3A_440 = arith.constant 64 : i32
        %div3A_441 = arith.divsi %add3A_284, %jit3A_440 : i32
        %sign3A_442 = arith.constant 0 : i32
        %sign3A_443 = arith.cmpi sgt, %add3A_284, %sign3A_442 : i32
        %sign3A_444 = arith.extui %sign3A_443 : i1 to i32
        %sign3A_445 = arith.constant 0 : i32
        %sign3A_446 = arith.cmpi slt, %add3A_284, %sign3A_445 : i32
        %sign3A_447 = arith.extui %sign3A_446 : i1 to i32
        %sign3A_448 = arith.subi %sign3A_444, %sign3A_447 : i32
        %sign3A_449 = arith.constant 0 : i32
        %sign3A_450 = arith.cmpi sgt, %jit3A_440, %sign3A_449 : i32
        %sign3A_451 = arith.extui %sign3A_450 : i1 to i32
        %sign3A_452 = arith.constant 0 : i32
        %sign3A_453 = arith.cmpi slt, %jit3A_440, %sign3A_452 : i32
        %sign3A_454 = arith.extui %sign3A_453 : i1 to i32
        %sign3A_455 = arith.subi %sign3A_451, %sign3A_454 : i32
        %ne3A_456 = arith.cmpi ne, %sign3A_448, %sign3A_455 : i32
        %rem3A_457 = arith.remsi %add3A_284, %jit3A_440 : i32
        %ne3A_458 = arith.constant 0 : i32
        %ne3A_459 = arith.cmpi ne, %rem3A_457, %ne3A_458 : i32
        %and3A_460 = arith.andi %ne3A_456, %ne3A_459 : i1
        %sub3A_461 = arith.constant 1 : i32
        %sub3A_462 = arith.subi %div3A_441, %sub3A_461 : i32
        %select_n3A_463 = arith.select %and3A_460, %sub3A_462, %div3A_441 : i32
        %mul3A_464 = arith.constant 4 : i32
        %mul3A_465 = arith.muli %select_n3A, %mul3A_464 : i32
        %add3A_466 = arith.addi %mul3A_465, %select_n3A_463 : i32
        %mul3A_467 = arith.constant 6 : i32
        %mul3A_468 = arith.muli %add3A_466, %mul3A_467 : i32
        %mul3A_469 = arith.constant 1024 : i32
        %mul3A_470 = arith.muli %mul3A_468, %mul3A_469 : i32
        "tpu.region"() ({
          %run_scoped3A = tpu.sem_alloc : memref<!tpu.dma_semaphore, #tpu.memory_space<semaphore_mem>>
          %dma_start3A = tpu.memref_slice %arg9[%mul3A_470] : memref<196608xf32, #tpu.memory_space<hbm>> -> memref<6144xf32, #tpu.memory_space<hbm>>
          %dma_start3A_471 = tpu.memref_slice %arg9[%mul3A_470] : memref<196608xf32, #tpu.memory_space<hbm>> -> memref<6144xf32, #tpu.memory_space<hbm>>
          tpu.enqueue_dma source(%arg23 : memref<6144xf32, #tpu.memory_space<vmem>>) target(%dma_start3A_471 : memref<6144xf32, #tpu.memory_space<hbm>>) target_semaphore(%run_scoped3A : memref<!tpu.dma_semaphore, #tpu.memory_space<semaphore_mem>>)
          %dma_wait3A = tpu.memref_slice %arg9[%mul3A_470] : memref<196608xf32, #tpu.memory_space<hbm>> -> memref<6144xf32, #tpu.memory_space<hbm>>
          %dma_wait3A_472 = tpu.memref_slice %arg9[%mul3A_470] : memref<196608xf32, #tpu.memory_space<hbm>> -> memref<6144xf32, #tpu.memory_space<hbm>>
          tpu.wait_dma2 semaphore(%run_scoped3A : memref<!tpu.dma_semaphore, #tpu.memory_space<semaphore_mem>>) src(%arg23 : memref<6144xf32, #tpu.memory_space<vmem>>) dst(%dma_wait3A_472 : memref<6144xf32, #tpu.memory_space<hbm>>)
          tpu.yield
        }) : () -> ()
      } else {
      }
      %get3A_359 = arith.constant 0 : index
      %get3A_360 = tpu.vector_load %arg21[%get3A_359] {strides = array<i32>} : memref<32xi32, #tpu.memory_space<vmem>>, vector<16xi32>,
      %eq3A_361 = arith.constant 0 : i32
      %eq3A_362 = vector.broadcast %eq3A_361 : i32 to vector<16xi32>
      %eq3A_363 = arith.cmpi eq, %iota3A, %eq3A_362 : vector<16xi32>
      %broadcast_in_dim3A_364 = arith.constant 0 : i32
      %broadcast_in_dim3A_365 = vector.broadcast %broadcast_in_dim3A_364 : i32 to vector<16xi32>
      %select_n3A_366 = arith.select %eq3A_363, %get3A_360, %broadcast_in_dim3A_365 : vector<16xi1>, vector<16xi32>
      %reduce_sum3A_367 = arith.constant true
      %reduce_sum3A_368 = vector.broadcast %reduce_sum3A_367 : i1 to vector<16xi1>
      %reduce_sum3A_369 = tpu.scan <sum>, %select_n3A_366 masked %reduce_sum3A_368 : vector<16xi32>, vector<16xi1> -> vector<16xi32>
      %reduce_sum3A_370 = vector.extract %reduce_sum3A_369[15] : i32 from vector<16xi32>
      %jit3A_371 = arith.constant 32 : i32
      %eq3A_372 = arith.constant 0 : i32
      %eq3A_373 = arith.cmpi eq, %jit3A_371, %eq3A_372 : i32
      %jit3A_374 = arith.constant 1 : i32
      %select_n3A_375 = arith.select %eq3A_373, %jit3A_374, %jit3A_371 : i32
      %rem3A_376 = arith.remsi %add3A_284, %select_n3A_375 : i32
      %ne3A_377 = arith.constant 0 : i32
      %ne3A_378 = arith.cmpi ne, %rem3A_376, %ne3A_377 : i32
      %lt3A_379 = arith.constant 0 : i32
      %lt3A_380 = arith.cmpi slt, %rem3A_376, %lt3A_379 : i32
      %lt3A_381 = arith.constant 0 : i32
      %lt3A_382 = arith.cmpi slt, %select_n3A_375, %lt3A_381 : i32
      %ne3A_383 = arith.xori %lt3A_380, %lt3A_382 : i1
      %and3A_384 = arith.andi %ne3A_383, %ne3A_378 : i1
      %add3A_385 = arith.addi %rem3A_376, %select_n3A_375 : i32
      %select_n3A_386 = arith.select %and3A_384, %add3A_385, %rem3A_376 : i32
      %scan3A_387 = arith.constant 0 : i32
      %scan3A_388 = arith.constant 0 : i32
      %scan3A_389 = arith.constant 2 : i32
      %scan3A_390 = arith.addi %scan3A_388, %scan3A_389 : i32
      %scan3A_391 = arith.constant 1 : i32
      %scan3A_392 = scf.for %scan3A_440 = %scan3A_388 to %scan3A_390 step %scan3A_391 iter_args(%scan3A_441 = %scan3A_387) -> (i32)  : i32 {
        %mul3A_442 = arith.constant 16 : i32
        %mul3A_443 = arith.muli %scan3A_440, %mul3A_442 : i32
        %add3A_444 = vector.broadcast %mul3A_443 : i32 to vector<16xi32>
        %add3A_445 = arith.addi %add3A_444, %iota3A : vector<16xi32>
        %mul3A_446 = arith.constant 16 : i32
        %mul3A_447 = arith.muli %scan3A_440, %mul3A_446 : i32
        %get3A_448 = arith.index_cast %mul3A_447 : i32 to index
        %get3A_449 = tpu.vector_load %arg21[%get3A_448] {strides = array<i32>} : memref<32xi32, #tpu.memory_space<vmem>>, vector<16xi32>,
        %lt3A_450 = vector.broadcast %scan3A_282#1 : i32 to vector<16xi32>
        %lt3A_451 = arith.cmpi slt, %add3A_445, %lt3A_450 : vector<16xi32>
        %broadcast_in_dim3A_452 = vector.broadcast %reduce_sum3A_370 : i32 to vector<16xi32>
        %select_n3A_453 = arith.select %lt3A_451, %get3A_449, %broadcast_in_dim3A_452 : vector<16xi1>, vector<16xi32>
        %gather3A_454 = tpu.vector_load_idx %arg12[%select_n3A_453] : memref<4096xf32, #tpu.memory_space<vmem>>[vector<16xi32>], vector<16xf32>,
        %gather3A_455 = tpu.vector_load_idx %arg13[%select_n3A_453] : memref<4096xf32, #tpu.memory_space<vmem>>[vector<16xi32>], vector<16xf32>,
        %gather3A_456 = tpu.vector_load_idx %arg14[%select_n3A_453] : memref<4096xf32, #tpu.memory_space<vmem>>[vector<16xi32>], vector<16xf32>,
        %mul3A_457 = arith.constant 32 : i32
        %mul3A_458 = arith.muli %select_n3A_386, %mul3A_457 : i32
        %add3A_459 = vector.broadcast %mul3A_458 : i32 to vector<16xi32>
        %add3A_460 = arith.addi %add3A_459, %add3A_445 : vector<16xi32>
        %sub3A_461 = vector.broadcast %reduce_sum3A_115 : f32 to vector<16xf32>
        %sub3A_462 = arith.subf %gather3A_454, %sub3A_461 : vector<16xf32>
        tpu.vector_store_idx %arg24[%add3A_460], %sub3A_462 : memref<6144xf32, #tpu.memory_space<vmem>>[vector<16xi32>], vector<16xf32>,
        %add3A_463 = arith.constant 1024 : i32
        %add3A_464 = vector.broadcast %add3A_463 : i32 to vector<16xi32>
        %add3A_465 = arith.addi %add3A_460, %add3A_464 : vector<16xi32>
        %sub3A_466 = vector.broadcast %reduce_sum3A_168 : f32 to vector<16xf32>
        %sub3A_467 = arith.subf %gather3A_455, %sub3A_466 : vector<16xf32>
        tpu.vector_store_idx %arg24[%add3A_465], %sub3A_467 : memref<6144xf32, #tpu.memory_space<vmem>>[vector<16xi32>], vector<16xf32>,
        %add3A_468 = arith.constant 2048 : i32
        %add3A_469 = vector.broadcast %add3A_468 : i32 to vector<16xi32>
        %add3A_470 = arith.addi %add3A_460, %add3A_469 : vector<16xi32>
        %sub3A_471 = vector.broadcast %reduce_sum3A_221 : f32 to vector<16xf32>
        %sub3A_472 = arith.subf %gather3A_456, %sub3A_471 : vector<16xf32>
        tpu.vector_store_idx %arg24[%add3A_470], %sub3A_472 : memref<6144xf32, #tpu.memory_space<vmem>>[vector<16xi32>], vector<16xf32>,
        %add3A_473 = arith.constant 3072 : i32
        %add3A_474 = vector.broadcast %add3A_473 : i32 to vector<16xi32>
        %add3A_475 = arith.addi %add3A_460, %add3A_474 : vector<16xi32>
        tpu.vector_store_idx %arg24[%add3A_475], %gather3A_454 : memref<6144xf32, #tpu.memory_space<vmem>>[vector<16xi32>], vector<16xf32>,
        %add3A_476 = arith.constant 4096 : i32
        %add3A_477 = vector.broadcast %add3A_476 : i32 to vector<16xi32>
        %add3A_478 = arith.addi %add3A_460, %add3A_477 : vector<16xi32>
        tpu.vector_store_idx %arg24[%add3A_478], %gather3A_455 : memref<6144xf32, #tpu.memory_space<vmem>>[vector<16xi32>], vector<16xf32>,
        %add3A_479 = arith.constant 5120 : i32
        %add3A_480 = vector.broadcast %add3A_479 : i32 to vector<16xi32>
        %add3A_481 = arith.addi %add3A_460, %add3A_480 : vector<16xi32>
        tpu.vector_store_idx %arg24[%add3A_481], %gather3A_456 : memref<6144xf32, #tpu.memory_space<vmem>>[vector<16xi32>], vector<16xf32>,
        %scan3A_482 = arith.constant 0 : i32
        scf.yield %scan3A_482 : i32
      }
      %scan3A_393 = arith.constant 2 : i32
      %eq3A_394 = arith.constant 31 : i32
      %eq3A_395 = arith.cmpi eq, %select_n3A_386, %eq3A_394 : i32
      %convert_element_type3A_396 = arith.extui %eq3A_395 : i1 to i32
      %cond3A_397 = arith.constant 0 : i32
      %cond3A_398 = arith.cmpi ne, %convert_element_type3A_396, %cond3A_397 : i32
      scf.if %cond3A_398 {
        %jit3A_440 = arith.constant 32 : i32
        %div3A_441 = arith.divsi %add3A_284, %jit3A_440 : i32
        %sign3A_442 = arith.constant 0 : i32
        %sign3A_443 = arith.cmpi sgt, %add3A_284, %sign3A_442 : i32
        %sign3A_444 = arith.extui %sign3A_443 : i1 to i32
        %sign3A_445 = arith.constant 0 : i32
        %sign3A_446 = arith.cmpi slt, %add3A_284, %sign3A_445 : i32
        %sign3A_447 = arith.extui %sign3A_446 : i1 to i32
        %sign3A_448 = arith.subi %sign3A_444, %sign3A_447 : i32
        %sign3A_449 = arith.constant 0 : i32
        %sign3A_450 = arith.cmpi sgt, %jit3A_440, %sign3A_449 : i32
        %sign3A_451 = arith.extui %sign3A_450 : i1 to i32
        %sign3A_452 = arith.constant 0 : i32
        %sign3A_453 = arith.cmpi slt, %jit3A_440, %sign3A_452 : i32
        %sign3A_454 = arith.extui %sign3A_453 : i1 to i32
        %sign3A_455 = arith.subi %sign3A_451, %sign3A_454 : i32
        %ne3A_456 = arith.cmpi ne, %sign3A_448, %sign3A_455 : i32
        %rem3A_457 = arith.remsi %add3A_284, %jit3A_440 : i32
        %ne3A_458 = arith.constant 0 : i32
        %ne3A_459 = arith.cmpi ne, %rem3A_457, %ne3A_458 : i32
        %and3A_460 = arith.andi %ne3A_456, %ne3A_459 : i1
        %sub3A_461 = arith.constant 1 : i32
        %sub3A_462 = arith.subi %div3A_441, %sub3A_461 : i32
        %select_n3A_463 = arith.select %and3A_460, %sub3A_462, %div3A_441 : i32
        %mul3A_464 = arith.constant 8 : i32
        %mul3A_465 = arith.muli %select_n3A, %mul3A_464 : i32
        %add3A_466 = arith.addi %mul3A_465, %select_n3A_463 : i32
        %mul3A_467 = arith.constant 6 : i32
        %mul3A_468 = arith.muli %add3A_466, %mul3A_467 : i32
        %mul3A_469 = arith.constant 1024 : i32
        %mul3A_470 = arith.muli %mul3A_468, %mul3A_469 : i32
        "tpu.region"() ({
          %run_scoped3A = tpu.sem_alloc : memref<!tpu.dma_semaphore, #tpu.memory_space<semaphore_mem>>
          %dma_start3A = tpu.memref_slice %arg10[%mul3A_470] : memref<393216xf32, #tpu.memory_space<hbm>> -> memref<6144xf32, #tpu.memory_space<hbm>>
          %dma_start3A_471 = tpu.memref_slice %arg10[%mul3A_470] : memref<393216xf32, #tpu.memory_space<hbm>> -> memref<6144xf32, #tpu.memory_space<hbm>>
          tpu.enqueue_dma source(%arg24 : memref<6144xf32, #tpu.memory_space<vmem>>) target(%dma_start3A_471 : memref<6144xf32, #tpu.memory_space<hbm>>) target_semaphore(%run_scoped3A : memref<!tpu.dma_semaphore, #tpu.memory_space<semaphore_mem>>)
          %dma_wait3A = tpu.memref_slice %arg10[%mul3A_470] : memref<393216xf32, #tpu.memory_space<hbm>> -> memref<6144xf32, #tpu.memory_space<hbm>>
          %dma_wait3A_472 = tpu.memref_slice %arg10[%mul3A_470] : memref<393216xf32, #tpu.memory_space<hbm>> -> memref<6144xf32, #tpu.memory_space<hbm>>
          tpu.wait_dma2 semaphore(%run_scoped3A : memref<!tpu.dma_semaphore, #tpu.memory_space<semaphore_mem>>) src(%arg24 : memref<6144xf32, #tpu.memory_space<vmem>>) dst(%dma_wait3A_472 : memref<6144xf32, #tpu.memory_space<hbm>>)
          tpu.yield
        }) : () -> ()
      } else {
      }
      %get3A_399 = arith.constant 0 : index
      %get3A_400 = tpu.vector_load %arg22[%get3A_399] {strides = array<i32>} : memref<128xi32, #tpu.memory_space<vmem>>, vector<16xi32>,
      %eq3A_401 = arith.constant 0 : i32
      %eq3A_402 = vector.broadcast %eq3A_401 : i32 to vector<16xi32>
      %eq3A_403 = arith.cmpi eq, %iota3A, %eq3A_402 : vector<16xi32>
      %broadcast_in_dim3A_404 = arith.constant 0 : i32
      %broadcast_in_dim3A_405 = vector.broadcast %broadcast_in_dim3A_404 : i32 to vector<16xi32>
      %select_n3A_406 = arith.select %eq3A_403, %get3A_400, %broadcast_in_dim3A_405 : vector<16xi1>, vector<16xi32>
      %reduce_sum3A_407 = arith.constant true
      %reduce_sum3A_408 = vector.broadcast %reduce_sum3A_407 : i1 to vector<16xi1>
      %reduce_sum3A_409 = tpu.scan <sum>, %select_n3A_406 masked %reduce_sum3A_408 : vector<16xi32>, vector<16xi1> -> vector<16xi32>
      %reduce_sum3A_410 = vector.extract %reduce_sum3A_409[15] : i32 from vector<16xi32>
      %jit3A_411 = arith.constant 16 : i32
      %eq3A_412 = arith.constant 0 : i32
      %eq3A_413 = arith.cmpi eq, %jit3A_411, %eq3A_412 : i32
      %jit3A_414 = arith.constant 1 : i32
      %select_n3A_415 = arith.select %eq3A_413, %jit3A_414, %jit3A_411 : i32
      %rem3A_416 = arith.remsi %add3A_284, %select_n3A_415 : i32
      %ne3A_417 = arith.constant 0 : i32
      %ne3A_418 = arith.cmpi ne, %rem3A_416, %ne3A_417 : i32
      %lt3A_419 = arith.constant 0 : i32
      %lt3A_420 = arith.cmpi slt, %rem3A_416, %lt3A_419 : i32
      %lt3A_421 = arith.constant 0 : i32
      %lt3A_422 = arith.cmpi slt, %select_n3A_415, %lt3A_421 : i32
      %ne3A_423 = arith.xori %lt3A_420, %lt3A_422 : i1
      %and3A_424 = arith.andi %ne3A_423, %ne3A_418 : i1
      %add3A_425 = arith.addi %rem3A_416, %select_n3A_415 : i32
      %select_n3A_426 = arith.select %and3A_424, %add3A_425, %rem3A_416 : i32
      %scan3A_427 = arith.constant 0 : i32
      %scan3A_428 = arith.constant 0 : i32
      %scan3A_429 = arith.constant 8 : i32
      %scan3A_430 = arith.addi %scan3A_428, %scan3A_429 : i32
      %scan3A_431 = arith.constant 1 : i32
      %scan3A_432 = scf.for %scan3A_440 = %scan3A_428 to %scan3A_430 step %scan3A_431 iter_args(%scan3A_441 = %scan3A_427) -> (i32)  : i32 {
        %mul3A_442 = arith.constant 16 : i32
        %mul3A_443 = arith.muli %scan3A_440, %mul3A_442 : i32
        %add3A_444 = vector.broadcast %mul3A_443 : i32 to vector<16xi32>
        %add3A_445 = arith.addi %add3A_444, %iota3A : vector<16xi32>
        %mul3A_446 = arith.constant 16 : i32
        %mul3A_447 = arith.muli %scan3A_440, %mul3A_446 : i32
        %get3A_448 = arith.index_cast %mul3A_447 : i32 to index
        %get3A_449 = tpu.vector_load %arg22[%get3A_448] {strides = array<i32>} : memref<128xi32, #tpu.memory_space<vmem>>, vector<16xi32>,
        %lt3A_450 = vector.broadcast %scan3A_282#2 : i32 to vector<16xi32>
        %lt3A_451 = arith.cmpi slt, %add3A_445, %lt3A_450 : vector<16xi32>
        %broadcast_in_dim3A_452 = vector.broadcast %reduce_sum3A_410 : i32 to vector<16xi32>
        %select_n3A_453 = arith.select %lt3A_451, %get3A_449, %broadcast_in_dim3A_452 : vector<16xi1>, vector<16xi32>
        %gather3A_454 = tpu.vector_load_idx %arg12[%select_n3A_453] : memref<4096xf32, #tpu.memory_space<vmem>>[vector<16xi32>], vector<16xf32>,
        %gather3A_455 = tpu.vector_load_idx %arg13[%select_n3A_453] : memref<4096xf32, #tpu.memory_space<vmem>>[vector<16xi32>], vector<16xf32>,
        %gather3A_456 = tpu.vector_load_idx %arg14[%select_n3A_453] : memref<4096xf32, #tpu.memory_space<vmem>>[vector<16xi32>], vector<16xf32>,
        %mul3A_457 = arith.constant 128 : i32
        %mul3A_458 = arith.muli %select_n3A_426, %mul3A_457 : i32
        %add3A_459 = vector.broadcast %mul3A_458 : i32 to vector<16xi32>
        %add3A_460 = arith.addi %add3A_459, %add3A_445 : vector<16xi32>
        %sub3A_461 = vector.broadcast %reduce_sum3A_115 : f32 to vector<16xf32>
        %sub3A_462 = arith.subf %gather3A_454, %sub3A_461 : vector<16xf32>
        tpu.vector_store_idx %arg25[%add3A_460], %sub3A_462 : memref<12288xf32, #tpu.memory_space<vmem>>[vector<16xi32>], vector<16xf32>,
        %add3A_463 = arith.constant 2048 : i32
        %add3A_464 = vector.broadcast %add3A_463 : i32 to vector<16xi32>
        %add3A_465 = arith.addi %add3A_460, %add3A_464 : vector<16xi32>
        %sub3A_466 = vector.broadcast %reduce_sum3A_168 : f32 to vector<16xf32>
        %sub3A_467 = arith.subf %gather3A_455, %sub3A_466 : vector<16xf32>
        tpu.vector_store_idx %arg25[%add3A_465], %sub3A_467 : memref<12288xf32, #tpu.memory_space<vmem>>[vector<16xi32>], vector<16xf32>,
        %add3A_468 = arith.constant 4096 : i32
        %add3A_469 = vector.broadcast %add3A_468 : i32 to vector<16xi32>
        %add3A_470 = arith.addi %add3A_460, %add3A_469 : vector<16xi32>
        %sub3A_471 = vector.broadcast %reduce_sum3A_221 : f32 to vector<16xf32>
        %sub3A_472 = arith.subf %gather3A_456, %sub3A_471 : vector<16xf32>
        tpu.vector_store_idx %arg25[%add3A_470], %sub3A_472 : memref<12288xf32, #tpu.memory_space<vmem>>[vector<16xi32>], vector<16xf32>,
        %add3A_473 = arith.constant 6144 : i32
        %add3A_474 = vector.broadcast %add3A_473 : i32 to vector<16xi32>
        %add3A_475 = arith.addi %add3A_460, %add3A_474 : vector<16xi32>
        tpu.vector_store_idx %arg25[%add3A_475], %gather3A_454 : memref<12288xf32, #tpu.memory_space<vmem>>[vector<16xi32>], vector<16xf32>,
        %add3A_476 = arith.constant 8192 : i32
        %add3A_477 = vector.broadcast %add3A_476 : i32 to vector<16xi32>
        %add3A_478 = arith.addi %add3A_460, %add3A_477 : vector<16xi32>
        tpu.vector_store_idx %arg25[%add3A_478], %gather3A_455 : memref<12288xf32, #tpu.memory_space<vmem>>[vector<16xi32>], vector<16xf32>,
        %add3A_479 = arith.constant 10240 : i32
        %add3A_480 = vector.broadcast %add3A_479 : i32 to vector<16xi32>
        %add3A_481 = arith.addi %add3A_460, %add3A_480 : vector<16xi32>
        tpu.vector_store_idx %arg25[%add3A_481], %gather3A_456 : memref<12288xf32, #tpu.memory_space<vmem>>[vector<16xi32>], vector<16xf32>,
        %scan3A_482 = arith.constant 0 : i32
        scf.yield %scan3A_482 : i32
      }
      %scan3A_433 = arith.constant 8 : i32
      %eq3A_434 = arith.constant 15 : i32
      %eq3A_435 = arith.cmpi eq, %select_n3A_426, %eq3A_434 : i32
      %convert_element_type3A_436 = arith.extui %eq3A_435 : i1 to i32
      %cond3A_437 = arith.constant 0 : i32
      %cond3A_438 = arith.cmpi ne, %convert_element_type3A_436, %cond3A_437 : i32
      scf.if %cond3A_438 {
        %jit3A_440 = arith.constant 16 : i32
        %div3A_441 = arith.divsi %add3A_284, %jit3A_440 : i32
        %sign3A_442 = arith.constant 0 : i32
        %sign3A_443 = arith.cmpi sgt, %add3A_284, %sign3A_442 : i32
        %sign3A_444 = arith.extui %sign3A_443 : i1 to i32
        %sign3A_445 = arith.constant 0 : i32
        %sign3A_446 = arith.cmpi slt, %add3A_284, %sign3A_445 : i32
        %sign3A_447 = arith.extui %sign3A_446 : i1 to i32
        %sign3A_448 = arith.subi %sign3A_444, %sign3A_447 : i32
        %sign3A_449 = arith.constant 0 : i32
        %sign3A_450 = arith.cmpi sgt, %jit3A_440, %sign3A_449 : i32
        %sign3A_451 = arith.extui %sign3A_450 : i1 to i32
        %sign3A_452 = arith.constant 0 : i32
        %sign3A_453 = arith.cmpi slt, %jit3A_440, %sign3A_452 : i32
        %sign3A_454 = arith.extui %sign3A_453 : i1 to i32
        %sign3A_455 = arith.subi %sign3A_451, %sign3A_454 : i32
        %ne3A_456 = arith.cmpi ne, %sign3A_448, %sign3A_455 : i32
        %rem3A_457 = arith.remsi %add3A_284, %jit3A_440 : i32
        %ne3A_458 = arith.constant 0 : i32
        %ne3A_459 = arith.cmpi ne, %rem3A_457, %ne3A_458 : i32
        %and3A_460 = arith.andi %ne3A_456, %ne3A_459 : i1
        %sub3A_461 = arith.constant 1 : i32
        %sub3A_462 = arith.subi %div3A_441, %sub3A_461 : i32
        %select_n3A_463 = arith.select %and3A_460, %sub3A_462, %div3A_441 : i32
        %mul3A_464 = arith.constant 16 : i32
        %mul3A_465 = arith.muli %select_n3A, %mul3A_464 : i32
        %add3A_466 = arith.addi %mul3A_465, %select_n3A_463 : i32
        %mul3A_467 = arith.constant 6 : i32
        %mul3A_468 = arith.muli %add3A_466, %mul3A_467 : i32
        %mul3A_469 = arith.constant 2048 : i32
        %mul3A_470 = arith.muli %mul3A_468, %mul3A_469 : i32
        "tpu.region"() ({
          %run_scoped3A = tpu.sem_alloc : memref<!tpu.dma_semaphore, #tpu.memory_space<semaphore_mem>>
          %dma_start3A = tpu.memref_slice %arg11[%mul3A_470] : memref<1572864xf32, #tpu.memory_space<hbm>> -> memref<12288xf32, #tpu.memory_space<hbm>>
          %dma_start3A_471 = tpu.memref_slice %arg11[%mul3A_470] : memref<1572864xf32, #tpu.memory_space<hbm>> -> memref<12288xf32, #tpu.memory_space<hbm>>
          tpu.enqueue_dma source(%arg25 : memref<12288xf32, #tpu.memory_space<vmem>>) target(%dma_start3A_471 : memref<12288xf32, #tpu.memory_space<hbm>>) target_semaphore(%run_scoped3A : memref<!tpu.dma_semaphore, #tpu.memory_space<semaphore_mem>>)
          %dma_wait3A = tpu.memref_slice %arg11[%mul3A_470] : memref<1572864xf32, #tpu.memory_space<hbm>> -> memref<12288xf32, #tpu.memory_space<hbm>>
          %dma_wait3A_472 = tpu.memref_slice %arg11[%mul3A_470] : memref<1572864xf32, #tpu.memory_space<hbm>> -> memref<12288xf32, #tpu.memory_space<hbm>>
          tpu.wait_dma2 semaphore(%run_scoped3A : memref<!tpu.dma_semaphore, #tpu.memory_space<semaphore_mem>>) src(%arg25 : memref<12288xf32, #tpu.memory_space<vmem>>) dst(%dma_wait3A_472 : memref<12288xf32, #tpu.memory_space<hbm>>)
          tpu.yield
        }) : () -> ()
      } else {
      }
      %scan3A_439 = arith.constant 0 : i32
      scf.yield %scan3A_439 : i32
    }
    %scan3A_63 = arith.constant 64 : i32
    return
  }
}

module attributes {stable_mosaic.version = 14 : i64} {
  func.func @_fps_body(%arg0: memref<8x4096xf32, #tpu.memory_space<vmem>>, %arg1: memref<8x4096xf32, #tpu.memory_space<vmem>>, %arg2: memref<8x4096xf32, #tpu.memory_space<vmem>>, %arg3: memref<8x512xf32, #tpu.memory_space<vmem>>, %arg4: memref<8x512xf32, #tpu.memory_space<vmem>>, %arg5: memref<8x512xf32, #tpu.memory_space<vmem>>, %arg6: memref<8x512xf32, #tpu.memory_space<vmem>>, %arg7: memref<8x4096xf32, #tpu.memory_space<vmem>>) attributes {dimension_semantics = [], scalar_prefetch = 0 : i64, scratch_operands = 1 : i64, tpu.core_type = #tpu.core_type<tc>} {
    %get3A = arith.constant 0 : index
    %get3A_0 = arith.constant 0 : index
    %get3A_1 = vector.load %arg0[%get3A, %get3A_0] : memref<8x4096xf32, #tpu.memory_space<vmem>>, vector<8x4096xf32>
    %get3A_2 = arith.constant 0 : index
    %get3A_3 = arith.constant 0 : index
    %get3A_4 = vector.load %arg1[%get3A_2, %get3A_3] : memref<8x4096xf32, #tpu.memory_space<vmem>>, vector<8x4096xf32>
    %get3A_5 = arith.constant 0 : index
    %get3A_6 = arith.constant 0 : index
    %get3A_7 = vector.load %arg2[%get3A_5, %get3A_6] : memref<8x4096xf32, #tpu.memory_space<vmem>>, vector<8x4096xf32>
    %iota3A = tpu.iota {dimensions = array<i32: 1>} : vector<8x4096xi32>
    %iota3A_8 = tpu.iota {dimensions = array<i32: 1>} : vector<8x512xi32>
    %broadcast_in_dim3A = arith.constant 1.000000e+10 : f32
    %broadcast_in_dim3A_9 = vector.broadcast %broadcast_in_dim3A : f32 to vector<8x4096xf32>
    %swap3A = arith.constant 0 : index
    %swap3A_10 = arith.constant 0 : index
    %swap3A_11 = vector.load %arg7[%swap3A, %swap3A_10] : memref<8x4096xf32, #tpu.memory_space<vmem>>, vector<8x4096xf32>
    tpu.vector_store %arg7[%swap3A, %swap3A_10], %broadcast_in_dim3A_9 {strides = array<i32>} : memref<8x4096xf32, #tpu.memory_space<vmem>>, vector<8x4096xf32>,
    %broadcast_in_dim3A_12 = arith.constant 0 : i32
    %broadcast_in_dim3A_13 = vector.broadcast %broadcast_in_dim3A_12 : i32 to vector<8x1xi32>
    %scan3A = arith.constant 0 : i32
    %scan3A_14 = arith.constant 512 : i32
    %scan3A_15 = arith.addi %scan3A, %scan3A_14 : i32
    %scan3A_16 = arith.constant 1 : i32
    %scan3A_17 = scf.for %scan3A_19 = %scan3A to %scan3A_15 step %scan3A_16 iter_args(%scan3A_20 = %broadcast_in_dim3A_13) -> (vector<8x1xi32>)  : i32 {
      %eq3A = vector.broadcast %scan3A_20 : vector<8x1xi32> to vector<8x4096xi32>
      %eq3A_21 = arith.cmpi eq, %iota3A, %eq3A : vector<8x4096xi32>
      %jit3A = arith.constant 0.000000e+00 : f32
      %broadcast_in_dim3A_22 = vector.broadcast %jit3A : f32 to vector<8x4096xf32>
      %select_n3A = arith.select %eq3A_21, %get3A_1, %broadcast_in_dim3A_22 : vector<8x4096xi1>, vector<8x4096xf32>
      %reduce_sum3A = arith.constant dense<0.000000e+00> : vector<8xf32>
      %reduce_sum3A_23 = vector.multi_reduction <add>, %select_n3A, %reduce_sum3A [1] : vector<8x4096xf32> to vector<8xf32>
      %broadcast_in_dim3A_24 = vector.shape_cast %reduce_sum3A_23 : vector<8xf32> to vector<8x1xf32>
      %jit3A_25 = arith.constant 0.000000e+00 : f32
      %broadcast_in_dim3A_26 = vector.broadcast %jit3A_25 : f32 to vector<8x4096xf32>
      %select_n3A_27 = arith.select %eq3A_21, %get3A_4, %broadcast_in_dim3A_26 : vector<8x4096xi1>, vector<8x4096xf32>
      %reduce_sum3A_28 = arith.constant dense<0.000000e+00> : vector<8xf32>
      %reduce_sum3A_29 = vector.multi_reduction <add>, %select_n3A_27, %reduce_sum3A_28 [1] : vector<8x4096xf32> to vector<8xf32>
      %broadcast_in_dim3A_30 = vector.shape_cast %reduce_sum3A_29 : vector<8xf32> to vector<8x1xf32>
      %jit3A_31 = arith.constant 0.000000e+00 : f32
      %broadcast_in_dim3A_32 = vector.broadcast %jit3A_31 : f32 to vector<8x4096xf32>
      %select_n3A_33 = arith.select %eq3A_21, %get3A_7, %broadcast_in_dim3A_32 : vector<8x4096xi1>, vector<8x4096xf32>
      %reduce_sum3A_34 = arith.constant dense<0.000000e+00> : vector<8xf32>
      %reduce_sum3A_35 = vector.multi_reduction <add>, %select_n3A_33, %reduce_sum3A_34 [1] : vector<8x4096xf32> to vector<8xf32>
      %broadcast_in_dim3A_36 = vector.shape_cast %reduce_sum3A_35 : vector<8xf32> to vector<8x1xf32>
      %sub3A = vector.broadcast %broadcast_in_dim3A_24 : vector<8x1xf32> to vector<8x4096xf32>
      %sub3A_37 = arith.subf %get3A_1, %sub3A : vector<8x4096xf32>
      %sub3A_38 = vector.broadcast %broadcast_in_dim3A_30 : vector<8x1xf32> to vector<8x4096xf32>
      %sub3A_39 = arith.subf %get3A_4, %sub3A_38 : vector<8x4096xf32>
      %sub3A_40 = vector.broadcast %broadcast_in_dim3A_36 : vector<8x1xf32> to vector<8x4096xf32>
      %sub3A_41 = arith.subf %get3A_7, %sub3A_40 : vector<8x4096xf32>
      %mul3A = arith.mulf %sub3A_37, %sub3A_37 : vector<8x4096xf32>
      %mul3A_42 = arith.mulf %sub3A_39, %sub3A_39 : vector<8x4096xf32>
      %add3A = arith.addf %mul3A, %mul3A_42 : vector<8x4096xf32>
      %mul3A_43 = arith.mulf %sub3A_41, %sub3A_41 : vector<8x4096xf32>
      %add3A_44 = arith.addf %add3A, %mul3A_43 : vector<8x4096xf32>
      %get3A_45 = arith.constant 0 : index
      %get3A_46 = arith.constant 0 : index
      %get3A_47 = vector.load %arg7[%get3A_45, %get3A_46] : memref<8x4096xf32, #tpu.memory_space<vmem>>, vector<8x4096xf32>
      %min3A = arith.minimumf %get3A_47, %add3A_44 : vector<8x4096xf32>
      %swap3A_48 = arith.constant 0 : index
      %swap3A_49 = arith.constant 0 : index
      %swap3A_50 = vector.load %arg7[%swap3A_48, %swap3A_49] : memref<8x4096xf32, #tpu.memory_space<vmem>>, vector<8x4096xf32>
      tpu.vector_store %arg7[%swap3A_48, %swap3A_49], %min3A {strides = array<i32>} : memref<8x4096xf32, #tpu.memory_space<vmem>>, vector<8x4096xf32>,
      %reduce_max3A = arith.constant dense<0xFF800000> : vector<8xf32>
      %reduce_max3A_51 = vector.multi_reduction <maximumf>, %min3A, %reduce_max3A [1] : vector<8x4096xf32> to vector<8xf32>
      %broadcast_in_dim3A_52 = vector.shape_cast %reduce_max3A_51 : vector<8xf32> to vector<8x1xf32>
      %eq3A_53 = vector.broadcast %broadcast_in_dim3A_52 : vector<8x1xf32> to vector<8x4096xf32>
      %eq3A_54 = arith.cmpf oeq, %min3A, %eq3A_53 : vector<8x4096xf32>
      %jit3A_55 = arith.constant 4096 : i32
      %broadcast_in_dim3A_56 = vector.broadcast %jit3A_55 : i32 to vector<8x4096xi32>
      %select_n3A_57 = arith.select %eq3A_54, %iota3A, %broadcast_in_dim3A_56 : vector<8x4096xi1>, vector<8x4096xi32>
      %reduce_min3A = arith.constant dense<2147483647> : vector<8xi32>
      %reduce_min3A_58 = vector.multi_reduction <minsi>, %select_n3A_57, %reduce_min3A [1] : vector<8x4096xi32> to vector<8xi32>
      %broadcast_in_dim3A_59 = vector.shape_cast %reduce_min3A_58 : vector<8xi32> to vector<8x1xi32>
      %eq3A_60 = vector.broadcast %scan3A_19 : i32 to vector<8x512xi32>
      %eq3A_61 = arith.cmpi eq, %iota3A_8, %eq3A_60 : vector<8x512xi32>
      %get3A_62 = arith.constant 0 : index
      %get3A_63 = arith.constant 0 : index
      %get3A_64 = vector.load %arg3[%get3A_62, %get3A_63] : memref<8x512xf32, #tpu.memory_space<vmem>>, vector<8x512xf32>
      %broadcast_in_dim3A_65 = vector.shape_cast %broadcast_in_dim3A_24 : vector<8x1xf32> to vector<8x1xf32>
      %broadcast_in_dim3A_66 = vector.broadcast %broadcast_in_dim3A_65 : vector<8x1xf32> to vector<8x512xf32>
      %select_n3A_67 = arith.select %eq3A_61, %broadcast_in_dim3A_66, %get3A_64 : vector<8x512xi1>, vector<8x512xf32>
      %swap3A_68 = arith.constant 0 : index
      %swap3A_69 = arith.constant 0 : index
      %swap3A_70 = vector.load %arg3[%swap3A_68, %swap3A_69] : memref<8x512xf32, #tpu.memory_space<vmem>>, vector<8x512xf32>
      tpu.vector_store %arg3[%swap3A_68, %swap3A_69], %select_n3A_67 {strides = array<i32>} : memref<8x512xf32, #tpu.memory_space<vmem>>, vector<8x512xf32>,
      %get3A_71 = arith.constant 0 : index
      %get3A_72 = arith.constant 0 : index
      %get3A_73 = vector.load %arg4[%get3A_71, %get3A_72] : memref<8x512xf32, #tpu.memory_space<vmem>>, vector<8x512xf32>
      %broadcast_in_dim3A_74 = vector.shape_cast %broadcast_in_dim3A_30 : vector<8x1xf32> to vector<8x1xf32>
      %broadcast_in_dim3A_75 = vector.broadcast %broadcast_in_dim3A_74 : vector<8x1xf32> to vector<8x512xf32>
      %select_n3A_76 = arith.select %eq3A_61, %broadcast_in_dim3A_75, %get3A_73 : vector<8x512xi1>, vector<8x512xf32>
      %swap3A_77 = arith.constant 0 : index
      %swap3A_78 = arith.constant 0 : index
      %swap3A_79 = vector.load %arg4[%swap3A_77, %swap3A_78] : memref<8x512xf32, #tpu.memory_space<vmem>>, vector<8x512xf32>
      tpu.vector_store %arg4[%swap3A_77, %swap3A_78], %select_n3A_76 {strides = array<i32>} : memref<8x512xf32, #tpu.memory_space<vmem>>, vector<8x512xf32>,
      %get3A_80 = arith.constant 0 : index
      %get3A_81 = arith.constant 0 : index
      %get3A_82 = vector.load %arg5[%get3A_80, %get3A_81] : memref<8x512xf32, #tpu.memory_space<vmem>>, vector<8x512xf32>
      %broadcast_in_dim3A_83 = vector.shape_cast %broadcast_in_dim3A_36 : vector<8x1xf32> to vector<8x1xf32>
      %broadcast_in_dim3A_84 = vector.broadcast %broadcast_in_dim3A_83 : vector<8x1xf32> to vector<8x512xf32>
      %select_n3A_85 = arith.select %eq3A_61, %broadcast_in_dim3A_84, %get3A_82 : vector<8x512xi1>, vector<8x512xf32>
      %swap3A_86 = arith.constant 0 : index
      %swap3A_87 = arith.constant 0 : index
      %swap3A_88 = vector.load %arg5[%swap3A_86, %swap3A_87] : memref<8x512xf32, #tpu.memory_space<vmem>>, vector<8x512xf32>
      tpu.vector_store %arg5[%swap3A_86, %swap3A_87], %select_n3A_85 {strides = array<i32>} : memref<8x512xf32, #tpu.memory_space<vmem>>, vector<8x512xf32>,
      %mul3A_89 = arith.mulf %broadcast_in_dim3A_24, %broadcast_in_dim3A_24 : vector<8x1xf32>
      %mul3A_90 = arith.mulf %broadcast_in_dim3A_30, %broadcast_in_dim3A_30 : vector<8x1xf32>
      %add3A_91 = arith.addf %mul3A_89, %mul3A_90 : vector<8x1xf32>
      %mul3A_92 = arith.mulf %broadcast_in_dim3A_36, %broadcast_in_dim3A_36 : vector<8x1xf32>
      %add3A_93 = arith.addf %add3A_91, %mul3A_92 : vector<8x1xf32>
      %get3A_94 = arith.constant 0 : index
      %get3A_95 = arith.constant 0 : index
      %get3A_96 = vector.load %arg6[%get3A_94, %get3A_95] : memref<8x512xf32, #tpu.memory_space<vmem>>, vector<8x512xf32>
      %broadcast_in_dim3A_97 = vector.shape_cast %add3A_93 : vector<8x1xf32> to vector<8x1xf32>
      %broadcast_in_dim3A_98 = vector.broadcast %broadcast_in_dim3A_97 : vector<8x1xf32> to vector<8x512xf32>
      %select_n3A_99 = arith.select %eq3A_61, %broadcast_in_dim3A_98, %get3A_96 : vector<8x512xi1>, vector<8x512xf32>
      %swap3A_100 = arith.constant 0 : index
      %swap3A_101 = arith.constant 0 : index
      %swap3A_102 = vector.load %arg6[%swap3A_100, %swap3A_101] : memref<8x512xf32, #tpu.memory_space<vmem>>, vector<8x512xf32>
      tpu.vector_store %arg6[%swap3A_100, %swap3A_101], %select_n3A_99 {strides = array<i32>} : memref<8x512xf32, #tpu.memory_space<vmem>>, vector<8x512xf32>,
      scf.yield %broadcast_in_dim3A_59 : vector<8x1xi32>
    }
    %scan3A_18 = arith.constant 512 : i32
    return
  }
}

module attributes {stable_mosaic.version = 14 : i64} {
  func.func @_fps_body(%arg0: memref<8x512xf32, #tpu.memory_space<vmem>>, %arg1: memref<8x512xf32, #tpu.memory_space<vmem>>, %arg2: memref<8x512xf32, #tpu.memory_space<vmem>>, %arg3: memref<8x128xf32, #tpu.memory_space<vmem>>, %arg4: memref<8x128xf32, #tpu.memory_space<vmem>>, %arg5: memref<8x128xf32, #tpu.memory_space<vmem>>, %arg6: memref<8x128xf32, #tpu.memory_space<vmem>>, %arg7: memref<8x512xf32, #tpu.memory_space<vmem>>) attributes {dimension_semantics = [], scalar_prefetch = 0 : i64, scratch_operands = 1 : i64, tpu.core_type = #tpu.core_type<tc>} {
    %get3A = arith.constant 0 : index
    %get3A_0 = arith.constant 0 : index
    %get3A_1 = vector.load %arg0[%get3A, %get3A_0] : memref<8x512xf32, #tpu.memory_space<vmem>>, vector<8x512xf32>
    %get3A_2 = arith.constant 0 : index
    %get3A_3 = arith.constant 0 : index
    %get3A_4 = vector.load %arg1[%get3A_2, %get3A_3] : memref<8x512xf32, #tpu.memory_space<vmem>>, vector<8x512xf32>
    %get3A_5 = arith.constant 0 : index
    %get3A_6 = arith.constant 0 : index
    %get3A_7 = vector.load %arg2[%get3A_5, %get3A_6] : memref<8x512xf32, #tpu.memory_space<vmem>>, vector<8x512xf32>
    %iota3A = tpu.iota {dimensions = array<i32: 1>} : vector<8x512xi32>
    %iota3A_8 = tpu.iota {dimensions = array<i32: 1>} : vector<8x128xi32>
    %broadcast_in_dim3A = arith.constant 1.000000e+10 : f32
    %broadcast_in_dim3A_9 = vector.broadcast %broadcast_in_dim3A : f32 to vector<8x512xf32>
    %swap3A = arith.constant 0 : index
    %swap3A_10 = arith.constant 0 : index
    %swap3A_11 = vector.load %arg7[%swap3A, %swap3A_10] : memref<8x512xf32, #tpu.memory_space<vmem>>, vector<8x512xf32>
    tpu.vector_store %arg7[%swap3A, %swap3A_10], %broadcast_in_dim3A_9 {strides = array<i32>} : memref<8x512xf32, #tpu.memory_space<vmem>>, vector<8x512xf32>,
    %broadcast_in_dim3A_12 = arith.constant 0 : i32
    %broadcast_in_dim3A_13 = vector.broadcast %broadcast_in_dim3A_12 : i32 to vector<8x1xi32>
    %scan3A = arith.constant 0 : i32
    %scan3A_14 = arith.constant 128 : i32
    %scan3A_15 = arith.addi %scan3A, %scan3A_14 : i32
    %scan3A_16 = arith.constant 1 : i32
    %scan3A_17 = scf.for %scan3A_19 = %scan3A to %scan3A_15 step %scan3A_16 iter_args(%scan3A_20 = %broadcast_in_dim3A_13) -> (vector<8x1xi32>)  : i32 {
      %eq3A = vector.broadcast %scan3A_20 : vector<8x1xi32> to vector<8x512xi32>
      %eq3A_21 = arith.cmpi eq, %iota3A, %eq3A : vector<8x512xi32>
      %jit3A = arith.constant 0.000000e+00 : f32
      %broadcast_in_dim3A_22 = vector.broadcast %jit3A : f32 to vector<8x512xf32>
      %select_n3A = arith.select %eq3A_21, %get3A_1, %broadcast_in_dim3A_22 : vector<8x512xi1>, vector<8x512xf32>
      %reduce_sum3A = arith.constant dense<0.000000e+00> : vector<8xf32>
      %reduce_sum3A_23 = vector.multi_reduction <add>, %select_n3A, %reduce_sum3A [1] : vector<8x512xf32> to vector<8xf32>
      %broadcast_in_dim3A_24 = vector.shape_cast %reduce_sum3A_23 : vector<8xf32> to vector<8x1xf32>
      %jit3A_25 = arith.constant 0.000000e+00 : f32
      %broadcast_in_dim3A_26 = vector.broadcast %jit3A_25 : f32 to vector<8x512xf32>
      %select_n3A_27 = arith.select %eq3A_21, %get3A_4, %broadcast_in_dim3A_26 : vector<8x512xi1>, vector<8x512xf32>
      %reduce_sum3A_28 = arith.constant dense<0.000000e+00> : vector<8xf32>
      %reduce_sum3A_29 = vector.multi_reduction <add>, %select_n3A_27, %reduce_sum3A_28 [1] : vector<8x512xf32> to vector<8xf32>
      %broadcast_in_dim3A_30 = vector.shape_cast %reduce_sum3A_29 : vector<8xf32> to vector<8x1xf32>
      %jit3A_31 = arith.constant 0.000000e+00 : f32
      %broadcast_in_dim3A_32 = vector.broadcast %jit3A_31 : f32 to vector<8x512xf32>
      %select_n3A_33 = arith.select %eq3A_21, %get3A_7, %broadcast_in_dim3A_32 : vector<8x512xi1>, vector<8x512xf32>
      %reduce_sum3A_34 = arith.constant dense<0.000000e+00> : vector<8xf32>
      %reduce_sum3A_35 = vector.multi_reduction <add>, %select_n3A_33, %reduce_sum3A_34 [1] : vector<8x512xf32> to vector<8xf32>
      %broadcast_in_dim3A_36 = vector.shape_cast %reduce_sum3A_35 : vector<8xf32> to vector<8x1xf32>
      %sub3A = vector.broadcast %broadcast_in_dim3A_24 : vector<8x1xf32> to vector<8x512xf32>
      %sub3A_37 = arith.subf %get3A_1, %sub3A : vector<8x512xf32>
      %sub3A_38 = vector.broadcast %broadcast_in_dim3A_30 : vector<8x1xf32> to vector<8x512xf32>
      %sub3A_39 = arith.subf %get3A_4, %sub3A_38 : vector<8x512xf32>
      %sub3A_40 = vector.broadcast %broadcast_in_dim3A_36 : vector<8x1xf32> to vector<8x512xf32>
      %sub3A_41 = arith.subf %get3A_7, %sub3A_40 : vector<8x512xf32>
      %mul3A = arith.mulf %sub3A_37, %sub3A_37 : vector<8x512xf32>
      %mul3A_42 = arith.mulf %sub3A_39, %sub3A_39 : vector<8x512xf32>
      %add3A = arith.addf %mul3A, %mul3A_42 : vector<8x512xf32>
      %mul3A_43 = arith.mulf %sub3A_41, %sub3A_41 : vector<8x512xf32>
      %add3A_44 = arith.addf %add3A, %mul3A_43 : vector<8x512xf32>
      %get3A_45 = arith.constant 0 : index
      %get3A_46 = arith.constant 0 : index
      %get3A_47 = vector.load %arg7[%get3A_45, %get3A_46] : memref<8x512xf32, #tpu.memory_space<vmem>>, vector<8x512xf32>
      %min3A = arith.minimumf %get3A_47, %add3A_44 : vector<8x512xf32>
      %swap3A_48 = arith.constant 0 : index
      %swap3A_49 = arith.constant 0 : index
      %swap3A_50 = vector.load %arg7[%swap3A_48, %swap3A_49] : memref<8x512xf32, #tpu.memory_space<vmem>>, vector<8x512xf32>
      tpu.vector_store %arg7[%swap3A_48, %swap3A_49], %min3A {strides = array<i32>} : memref<8x512xf32, #tpu.memory_space<vmem>>, vector<8x512xf32>,
      %reduce_max3A = arith.constant dense<0xFF800000> : vector<8xf32>
      %reduce_max3A_51 = vector.multi_reduction <maximumf>, %min3A, %reduce_max3A [1] : vector<8x512xf32> to vector<8xf32>
      %broadcast_in_dim3A_52 = vector.shape_cast %reduce_max3A_51 : vector<8xf32> to vector<8x1xf32>
      %eq3A_53 = vector.broadcast %broadcast_in_dim3A_52 : vector<8x1xf32> to vector<8x512xf32>
      %eq3A_54 = arith.cmpf oeq, %min3A, %eq3A_53 : vector<8x512xf32>
      %jit3A_55 = arith.constant 512 : i32
      %broadcast_in_dim3A_56 = vector.broadcast %jit3A_55 : i32 to vector<8x512xi32>
      %select_n3A_57 = arith.select %eq3A_54, %iota3A, %broadcast_in_dim3A_56 : vector<8x512xi1>, vector<8x512xi32>
      %reduce_min3A = arith.constant dense<2147483647> : vector<8xi32>
      %reduce_min3A_58 = vector.multi_reduction <minsi>, %select_n3A_57, %reduce_min3A [1] : vector<8x512xi32> to vector<8xi32>
      %broadcast_in_dim3A_59 = vector.shape_cast %reduce_min3A_58 : vector<8xi32> to vector<8x1xi32>
      %eq3A_60 = vector.broadcast %scan3A_19 : i32 to vector<8x128xi32>
      %eq3A_61 = arith.cmpi eq, %iota3A_8, %eq3A_60 : vector<8x128xi32>
      %get3A_62 = arith.constant 0 : index
      %get3A_63 = arith.constant 0 : index
      %get3A_64 = vector.load %arg3[%get3A_62, %get3A_63] : memref<8x128xf32, #tpu.memory_space<vmem>>, vector<8x128xf32>
      %broadcast_in_dim3A_65 = vector.shape_cast %broadcast_in_dim3A_24 : vector<8x1xf32> to vector<8x1xf32>
      %broadcast_in_dim3A_66 = vector.broadcast %broadcast_in_dim3A_65 : vector<8x1xf32> to vector<8x128xf32>
      %select_n3A_67 = arith.select %eq3A_61, %broadcast_in_dim3A_66, %get3A_64 : vector<8x128xi1>, vector<8x128xf32>
      %swap3A_68 = arith.constant 0 : index
      %swap3A_69 = arith.constant 0 : index
      %swap3A_70 = vector.load %arg3[%swap3A_68, %swap3A_69] : memref<8x128xf32, #tpu.memory_space<vmem>>, vector<8x128xf32>
      tpu.vector_store %arg3[%swap3A_68, %swap3A_69], %select_n3A_67 {strides = array<i32>} : memref<8x128xf32, #tpu.memory_space<vmem>>, vector<8x128xf32>,
      %get3A_71 = arith.constant 0 : index
      %get3A_72 = arith.constant 0 : index
      %get3A_73 = vector.load %arg4[%get3A_71, %get3A_72] : memref<8x128xf32, #tpu.memory_space<vmem>>, vector<8x128xf32>
      %broadcast_in_dim3A_74 = vector.shape_cast %broadcast_in_dim3A_30 : vector<8x1xf32> to vector<8x1xf32>
      %broadcast_in_dim3A_75 = vector.broadcast %broadcast_in_dim3A_74 : vector<8x1xf32> to vector<8x128xf32>
      %select_n3A_76 = arith.select %eq3A_61, %broadcast_in_dim3A_75, %get3A_73 : vector<8x128xi1>, vector<8x128xf32>
      %swap3A_77 = arith.constant 0 : index
      %swap3A_78 = arith.constant 0 : index
      %swap3A_79 = vector.load %arg4[%swap3A_77, %swap3A_78] : memref<8x128xf32, #tpu.memory_space<vmem>>, vector<8x128xf32>
      tpu.vector_store %arg4[%swap3A_77, %swap3A_78], %select_n3A_76 {strides = array<i32>} : memref<8x128xf32, #tpu.memory_space<vmem>>, vector<8x128xf32>,
      %get3A_80 = arith.constant 0 : index
      %get3A_81 = arith.constant 0 : index
      %get3A_82 = vector.load %arg5[%get3A_80, %get3A_81] : memref<8x128xf32, #tpu.memory_space<vmem>>, vector<8x128xf32>
      %broadcast_in_dim3A_83 = vector.shape_cast %broadcast_in_dim3A_36 : vector<8x1xf32> to vector<8x1xf32>
      %broadcast_in_dim3A_84 = vector.broadcast %broadcast_in_dim3A_83 : vector<8x1xf32> to vector<8x128xf32>
      %select_n3A_85 = arith.select %eq3A_61, %broadcast_in_dim3A_84, %get3A_82 : vector<8x128xi1>, vector<8x128xf32>
      %swap3A_86 = arith.constant 0 : index
      %swap3A_87 = arith.constant 0 : index
      %swap3A_88 = vector.load %arg5[%swap3A_86, %swap3A_87] : memref<8x128xf32, #tpu.memory_space<vmem>>, vector<8x128xf32>
      tpu.vector_store %arg5[%swap3A_86, %swap3A_87], %select_n3A_85 {strides = array<i32>} : memref<8x128xf32, #tpu.memory_space<vmem>>, vector<8x128xf32>,
      %mul3A_89 = arith.mulf %broadcast_in_dim3A_24, %broadcast_in_dim3A_24 : vector<8x1xf32>
      %mul3A_90 = arith.mulf %broadcast_in_dim3A_30, %broadcast_in_dim3A_30 : vector<8x1xf32>
      %add3A_91 = arith.addf %mul3A_89, %mul3A_90 : vector<8x1xf32>
      %mul3A_92 = arith.mulf %broadcast_in_dim3A_36, %broadcast_in_dim3A_36 : vector<8x1xf32>
      %add3A_93 = arith.addf %add3A_91, %mul3A_92 : vector<8x1xf32>
      %get3A_94 = arith.constant 0 : index
      %get3A_95 = arith.constant 0 : index
      %get3A_96 = vector.load %arg6[%get3A_94, %get3A_95] : memref<8x128xf32, #tpu.memory_space<vmem>>, vector<8x128xf32>
      %broadcast_in_dim3A_97 = vector.shape_cast %add3A_93 : vector<8x1xf32> to vector<8x1xf32>
      %broadcast_in_dim3A_98 = vector.broadcast %broadcast_in_dim3A_97 : vector<8x1xf32> to vector<8x128xf32>
      %select_n3A_99 = arith.select %eq3A_61, %broadcast_in_dim3A_98, %get3A_96 : vector<8x128xi1>, vector<8x128xf32>
      %swap3A_100 = arith.constant 0 : index
      %swap3A_101 = arith.constant 0 : index
      %swap3A_102 = vector.load %arg6[%swap3A_100, %swap3A_101] : memref<8x128xf32, #tpu.memory_space<vmem>>, vector<8x128xf32>
      tpu.vector_store %arg6[%swap3A_100, %swap3A_101], %select_n3A_99 {strides = array<i32>} : memref<8x128xf32, #tpu.memory_space<vmem>>, vector<8x128xf32>,
      scf.yield %broadcast_in_dim3A_59 : vector<8x1xi32>
    }
    %scan3A_18 = arith.constant 128 : i32
    return
  }
}

module attributes {stable_mosaic.version = 14 : i64} {
  func.func @_mlp1_body(%arg0: i32, %arg1: i32, %arg2: memref<1x1x6x2048xf32, #tpu.memory_space<vmem>>, %arg3: memref<64x6xf32, #tpu.memory_space<vmem>>, %arg4: memref<64x1xf32, #tpu.memory_space<vmem>>, %arg5: memref<96x64xf32, #tpu.memory_space<vmem>>, %arg6: memref<96x1xf32, #tpu.memory_space<vmem>>, %arg7: memref<128x96xf32, #tpu.memory_space<vmem>>, %arg8: memref<128x1xf32, #tpu.memory_space<vmem>>, %arg9: memref<1x16x128xf32, #tpu.memory_space<vmem>>) attributes {dimension_semantics = [#tpu.dimension_semantics<arbitrary>, #tpu.dimension_semantics<arbitrary>], iteration_bounds = array<i64: 8, 16>, scalar_prefetch = 0 : i64, scratch_operands = 0 : i64, tpu.core_type = #tpu.core_type<tc>, window_params = [{transform_indices = @transform_0, window_bounds = array<i64: 1, 1, 6, 2048>}, {pipeline_mode = #tpu.pipeline_mode<synchronous>, transform_indices = @transform_1, window_bounds = array<i64: 64, 6>}, {pipeline_mode = #tpu.pipeline_mode<synchronous>, transform_indices = @transform_2, window_bounds = array<i64: 64, 1>}, {pipeline_mode = #tpu.pipeline_mode<synchronous>, transform_indices = @transform_3, window_bounds = array<i64: 96, 64>}, {pipeline_mode = #tpu.pipeline_mode<synchronous>, transform_indices = @transform_4, window_bounds = array<i64: 96, 1>}, {pipeline_mode = #tpu.pipeline_mode<synchronous>, transform_indices = @transform_5, window_bounds = array<i64: 128, 96>}, {pipeline_mode = #tpu.pipeline_mode<synchronous>, transform_indices = @transform_6, window_bounds = array<i64: 128, 1>}, {transform_indices = @transform_7, window_bounds = array<i64: 1, 16, 128>}]} {
    %get3A = arith.constant 0 : index
    %get3A_0 = arith.constant 0 : index
    %get3A_1 = arith.constant 0 : index
    %get3A_2 = arith.constant 0 : index
    %get3A_3 = vector.load %arg2[%get3A, %get3A_0, %get3A_1, %get3A_2] : memref<1x1x6x2048xf32, #tpu.memory_space<vmem>>, vector<1x1x6x2048xf32>
    %reshape3A = vector.shape_cast %get3A_3 : vector<1x1x6x2048xf32> to vector<6x2048xf32>
    %get3A_4 = arith.constant 0 : index
    %get3A_5 = arith.constant 0 : index
    %get3A_6 = vector.load %arg3[%get3A_4, %get3A_5] : memref<64x6xf32, #tpu.memory_space<vmem>>, vector<64x6xf32>
    %dot_general3A = arith.constant dense<0.000000e+00> : vector<64x2048xf32>
    %dot_general3A_7 = tpu.matmul %get3A_6, %reshape3A, %dot_general3A {dimension_numbers = #tpu.dot_dimension_numbers<[1], [0], [0], [1], [0, 0, 1, 1], [], []>, transpose_lhs_hint = false} : vector<64x6xf32>, vector<6x2048xf32>, vector<64x2048xf32> -> vector<64x2048xf32>
    %get3A_8 = arith.constant 0 : index
    %get3A_9 = arith.constant 0 : index
    %get3A_10 = vector.load %arg4[%get3A_8, %get3A_9] : memref<64x1xf32, #tpu.memory_space<vmem>>, vector<64x1xf32>
    %add3A = vector.broadcast %get3A_10 : vector<64x1xf32> to vector<64x2048xf32>
    %add3A_11 = arith.addf %dot_general3A_7, %add3A : vector<64x2048xf32>
    %max3A = arith.constant 0.000000e+00 : f32
    %max3A_12 = vector.broadcast %max3A : f32 to vector<64x2048xf32>
    %max3A_13 = arith.maximumf %add3A_11, %max3A_12 : vector<64x2048xf32>
    %get3A_14 = arith.constant 0 : index
    %get3A_15 = arith.constant 0 : index
    %get3A_16 = vector.load %arg5[%get3A_14, %get3A_15] : memref<96x64xf32, #tpu.memory_space<vmem>>, vector<96x64xf32>
    %dot_general3A_17 = arith.constant dense<0.000000e+00> : vector<96x2048xf32>
    %dot_general3A_18 = tpu.matmul %get3A_16, %max3A_13, %dot_general3A_17 {dimension_numbers = #tpu.dot_dimension_numbers<[1], [0], [0], [1], [0, 0, 1, 1], [], []>, transpose_lhs_hint = false} : vector<96x64xf32>, vector<64x2048xf32>, vector<96x2048xf32> -> vector<96x2048xf32>
    %get3A_19 = arith.constant 0 : index
    %get3A_20 = arith.constant 0 : index
    %get3A_21 = vector.load %arg6[%get3A_19, %get3A_20] : memref<96x1xf32, #tpu.memory_space<vmem>>, vector<96x1xf32>
    %add3A_22 = vector.broadcast %get3A_21 : vector<96x1xf32> to vector<96x2048xf32>
    %add3A_23 = arith.addf %dot_general3A_18, %add3A_22 : vector<96x2048xf32>
    %max3A_24 = arith.constant 0.000000e+00 : f32
    %max3A_25 = vector.broadcast %max3A_24 : f32 to vector<96x2048xf32>
    %max3A_26 = arith.maximumf %add3A_23, %max3A_25 : vector<96x2048xf32>
    %get3A_27 = arith.constant 0 : index
    %get3A_28 = arith.constant 0 : index
    %get3A_29 = vector.load %arg7[%get3A_27, %get3A_28] : memref<128x96xf32, #tpu.memory_space<vmem>>, vector<128x96xf32>
    %dot_general3A_30 = arith.constant dense<0.000000e+00> : vector<128x2048xf32>
    %dot_general3A_31 = tpu.matmul %get3A_29, %max3A_26, %dot_general3A_30 {dimension_numbers = #tpu.dot_dimension_numbers<[1], [0], [0], [1], [0, 0, 1, 1], [], []>, transpose_lhs_hint = false} : vector<128x96xf32>, vector<96x2048xf32>, vector<128x2048xf32> -> vector<128x2048xf32>
    %get3A_32 = arith.constant 0 : index
    %get3A_33 = arith.constant 0 : index
    %get3A_34 = vector.load %arg8[%get3A_32, %get3A_33] : memref<128x1xf32, #tpu.memory_space<vmem>>, vector<128x1xf32>
    %add3A_35 = vector.broadcast %get3A_34 : vector<128x1xf32> to vector<128x2048xf32>
    %add3A_36 = arith.addf %dot_general3A_31, %add3A_35 : vector<128x2048xf32>
    %max3A_37 = arith.constant 0.000000e+00 : f32
    %max3A_38 = vector.broadcast %max3A_37 : f32 to vector<128x2048xf32>
    %max3A_39 = arith.maximumf %add3A_36, %max3A_38 : vector<128x2048xf32>
    %transpose3A = tpu.transpose %max3A_39, [1, 0] : vector<128x2048xf32> -> vector<2048x128xf32>
    %reshape3A_40 = vector.shape_cast %transpose3A : vector<2048x128xf32> to vector<16x128x128xf32>
    %reduce_max3A = arith.constant dense<0xFF800000> : vector<16x128xf32>
    %reduce_max3A_41 = vector.multi_reduction <maximumf>, %reshape3A_40, %reduce_max3A [1] : vector<16x128x128xf32> to vector<16x128xf32>
    %broadcast_in_dim3A = vector.shape_cast %reduce_max3A_41 : vector<16x128xf32> to vector<1x16x128xf32>
    %swap3A = arith.constant 0 : index
    %swap3A_42 = arith.constant 0 : index
    %swap3A_43 = arith.constant 0 : index
    %swap3A_44 = vector.load %arg9[%swap3A, %swap3A_42, %swap3A_43] : memref<1x16x128xf32, #tpu.memory_space<vmem>>, vector<1x16x128xf32>
    tpu.vector_store %arg9[%swap3A, %swap3A_42, %swap3A_43], %broadcast_in_dim3A {strides = array<i32>} : memref<1x16x128xf32, #tpu.memory_space<vmem>>, vector<1x16x128xf32>,
    return
  }
  func.func @transform_0(%arg0: i32, %arg1: i32) -> (i32, i32, i32, i32) {
    %c0_i32 = arith.constant 0 : i32
    %c0_i32_0 = arith.constant 0 : i32
    %c0_i32_1 = arith.constant 0 : i32
    return %arg0, %arg1, %c0_i32, %c0_i32_0 : i32, i32, i32, i32
  }
  func.func @transform_1(%arg0: i32, %arg1: i32) -> (i32, i32) {
    %c0_i32 = arith.constant 0 : i32
    %c0_i32_0 = arith.constant 0 : i32
    %c0_i32_1 = arith.constant 0 : i32
    return %c0_i32, %c0_i32_0 : i32, i32
  }
  func.func @transform_2(%arg0: i32, %arg1: i32) -> (i32, i32) {
    %c0_i32 = arith.constant 0 : i32
    %c0_i32_0 = arith.constant 0 : i32
    %c0_i32_1 = arith.constant 0 : i32
    return %c0_i32, %c0_i32_0 : i32, i32
  }
  func.func @transform_3(%arg0: i32, %arg1: i32) -> (i32, i32) {
    %c0_i32 = arith.constant 0 : i32
    %c0_i32_0 = arith.constant 0 : i32
    %c0_i32_1 = arith.constant 0 : i32
    return %c0_i32, %c0_i32_0 : i32, i32
  }
  func.func @transform_4(%arg0: i32, %arg1: i32) -> (i32, i32) {
    %c0_i32 = arith.constant 0 : i32
    %c0_i32_0 = arith.constant 0 : i32
    %c0_i32_1 = arith.constant 0 : i32
    return %c0_i32, %c0_i32_0 : i32, i32
  }
  func.func @transform_5(%arg0: i32, %arg1: i32) -> (i32, i32) {
    %c0_i32 = arith.constant 0 : i32
    %c0_i32_0 = arith.constant 0 : i32
    %c0_i32_1 = arith.constant 0 : i32
    return %c0_i32, %c0_i32_0 : i32, i32
  }
  func.func @transform_6(%arg0: i32, %arg1: i32) -> (i32, i32) {
    %c0_i32 = arith.constant 0 : i32
    %c0_i32_0 = arith.constant 0 : i32
    %c0_i32_1 = arith.constant 0 : i32
    return %c0_i32, %c0_i32_0 : i32, i32
  }
  func.func @transform_7(%arg0: i32, %arg1: i32) -> (i32, i32, i32) {
    %c0_i32 = arith.constant 0 : i32
    %c0_i32_0 = arith.constant 0 : i32
    return %arg0, %arg1, %c0_i32 : i32, i32, i32
  }
}

module attributes {stable_mosaic.version = 14 : i64} {
  func.func @_mlp1_body(%arg0: i32, %arg1: i32, %arg2: memref<1x1x6x1024xf32, #tpu.memory_space<vmem>>, %arg3: memref<64x6xf32, #tpu.memory_space<vmem>>, %arg4: memref<64x1xf32, #tpu.memory_space<vmem>>, %arg5: memref<64x64xf32, #tpu.memory_space<vmem>>, %arg6: memref<64x1xf32, #tpu.memory_space<vmem>>, %arg7: memref<128x64xf32, #tpu.memory_space<vmem>>, %arg8: memref<128x1xf32, #tpu.memory_space<vmem>>, %arg9: memref<1x32x128xf32, #tpu.memory_space<vmem>>) attributes {dimension_semantics = [#tpu.dimension_semantics<arbitrary>, #tpu.dimension_semantics<arbitrary>], iteration_bounds = array<i64: 8, 8>, scalar_prefetch = 0 : i64, scratch_operands = 0 : i64, tpu.core_type = #tpu.core_type<tc>, window_params = [{transform_indices = @transform_0, window_bounds = array<i64: 1, 1, 6, 1024>}, {pipeline_mode = #tpu.pipeline_mode<synchronous>, transform_indices = @transform_1, window_bounds = array<i64: 64, 6>}, {pipeline_mode = #tpu.pipeline_mode<synchronous>, transform_indices = @transform_2, window_bounds = array<i64: 64, 1>}, {pipeline_mode = #tpu.pipeline_mode<synchronous>, transform_indices = @transform_3, window_bounds = array<i64: 64, 64>}, {pipeline_mode = #tpu.pipeline_mode<synchronous>, transform_indices = @transform_4, window_bounds = array<i64: 64, 1>}, {pipeline_mode = #tpu.pipeline_mode<synchronous>, transform_indices = @transform_5, window_bounds = array<i64: 128, 64>}, {pipeline_mode = #tpu.pipeline_mode<synchronous>, transform_indices = @transform_6, window_bounds = array<i64: 128, 1>}, {transform_indices = @transform_7, window_bounds = array<i64: 1, 32, 128>}]} {
    %get3A = arith.constant 0 : index
    %get3A_0 = arith.constant 0 : index
    %get3A_1 = arith.constant 0 : index
    %get3A_2 = arith.constant 0 : index
    %get3A_3 = vector.load %arg2[%get3A, %get3A_0, %get3A_1, %get3A_2] : memref<1x1x6x1024xf32, #tpu.memory_space<vmem>>, vector<1x1x6x1024xf32>
    %reshape3A = vector.shape_cast %get3A_3 : vector<1x1x6x1024xf32> to vector<6x1024xf32>
    %get3A_4 = arith.constant 0 : index
    %get3A_5 = arith.constant 0 : index
    %get3A_6 = vector.load %arg3[%get3A_4, %get3A_5] : memref<64x6xf32, #tpu.memory_space<vmem>>, vector<64x6xf32>
    %dot_general3A = arith.constant dense<0.000000e+00> : vector<64x1024xf32>
    %dot_general3A_7 = tpu.matmul %get3A_6, %reshape3A, %dot_general3A {dimension_numbers = #tpu.dot_dimension_numbers<[1], [0], [0], [1], [0, 0, 1, 1], [], []>, transpose_lhs_hint = false} : vector<64x6xf32>, vector<6x1024xf32>, vector<64x1024xf32> -> vector<64x1024xf32>
    %get3A_8 = arith.constant 0 : index
    %get3A_9 = arith.constant 0 : index
    %get3A_10 = vector.load %arg4[%get3A_8, %get3A_9] : memref<64x1xf32, #tpu.memory_space<vmem>>, vector<64x1xf32>
    %add3A = vector.broadcast %get3A_10 : vector<64x1xf32> to vector<64x1024xf32>
    %add3A_11 = arith.addf %dot_general3A_7, %add3A : vector<64x1024xf32>
    %max3A = arith.constant 0.000000e+00 : f32
    %max3A_12 = vector.broadcast %max3A : f32 to vector<64x1024xf32>
    %max3A_13 = arith.maximumf %add3A_11, %max3A_12 : vector<64x1024xf32>
    %get3A_14 = arith.constant 0 : index
    %get3A_15 = arith.constant 0 : index
    %get3A_16 = vector.load %arg5[%get3A_14, %get3A_15] : memref<64x64xf32, #tpu.memory_space<vmem>>, vector<64x64xf32>
    %dot_general3A_17 = arith.constant dense<0.000000e+00> : vector<64x1024xf32>
    %dot_general3A_18 = tpu.matmul %get3A_16, %max3A_13, %dot_general3A_17 {dimension_numbers = #tpu.dot_dimension_numbers<[1], [0], [0], [1], [0, 0, 1, 1], [], []>, transpose_lhs_hint = false} : vector<64x64xf32>, vector<64x1024xf32>, vector<64x1024xf32> -> vector<64x1024xf32>
    %get3A_19 = arith.constant 0 : index
    %get3A_20 = arith.constant 0 : index
    %get3A_21 = vector.load %arg6[%get3A_19, %get3A_20] : memref<64x1xf32, #tpu.memory_space<vmem>>, vector<64x1xf32>
    %add3A_22 = vector.broadcast %get3A_21 : vector<64x1xf32> to vector<64x1024xf32>
    %add3A_23 = arith.addf %dot_general3A_18, %add3A_22 : vector<64x1024xf32>
    %max3A_24 = arith.constant 0.000000e+00 : f32
    %max3A_25 = vector.broadcast %max3A_24 : f32 to vector<64x1024xf32>
    %max3A_26 = arith.maximumf %add3A_23, %max3A_25 : vector<64x1024xf32>
    %get3A_27 = arith.constant 0 : index
    %get3A_28 = arith.constant 0 : index
    %get3A_29 = vector.load %arg7[%get3A_27, %get3A_28] : memref<128x64xf32, #tpu.memory_space<vmem>>, vector<128x64xf32>
    %dot_general3A_30 = arith.constant dense<0.000000e+00> : vector<128x1024xf32>
    %dot_general3A_31 = tpu.matmul %get3A_29, %max3A_26, %dot_general3A_30 {dimension_numbers = #tpu.dot_dimension_numbers<[1], [0], [0], [1], [0, 0, 1, 1], [], []>, transpose_lhs_hint = false} : vector<128x64xf32>, vector<64x1024xf32>, vector<128x1024xf32> -> vector<128x1024xf32>
    %get3A_32 = arith.constant 0 : index
    %get3A_33 = arith.constant 0 : index
    %get3A_34 = vector.load %arg8[%get3A_32, %get3A_33] : memref<128x1xf32, #tpu.memory_space<vmem>>, vector<128x1xf32>
    %add3A_35 = vector.broadcast %get3A_34 : vector<128x1xf32> to vector<128x1024xf32>
    %add3A_36 = arith.addf %dot_general3A_31, %add3A_35 : vector<128x1024xf32>
    %max3A_37 = arith.constant 0.000000e+00 : f32
    %max3A_38 = vector.broadcast %max3A_37 : f32 to vector<128x1024xf32>
    %max3A_39 = arith.maximumf %add3A_36, %max3A_38 : vector<128x1024xf32>
    %transpose3A = tpu.transpose %max3A_39, [1, 0] : vector<128x1024xf32> -> vector<1024x128xf32>
    %reshape3A_40 = vector.shape_cast %transpose3A : vector<1024x128xf32> to vector<32x32x128xf32>
    %reduce_max3A = arith.constant dense<0xFF800000> : vector<32x128xf32>
    %reduce_max3A_41 = vector.multi_reduction <maximumf>, %reshape3A_40, %reduce_max3A [1] : vector<32x32x128xf32> to vector<32x128xf32>
    %broadcast_in_dim3A = vector.shape_cast %reduce_max3A_41 : vector<32x128xf32> to vector<1x32x128xf32>
    %swap3A = arith.constant 0 : index
    %swap3A_42 = arith.constant 0 : index
    %swap3A_43 = arith.constant 0 : index
    %swap3A_44 = vector.load %arg9[%swap3A, %swap3A_42, %swap3A_43] : memref<1x32x128xf32, #tpu.memory_space<vmem>>, vector<1x32x128xf32>
    tpu.vector_store %arg9[%swap3A, %swap3A_42, %swap3A_43], %broadcast_in_dim3A {strides = array<i32>} : memref<1x32x128xf32, #tpu.memory_space<vmem>>, vector<1x32x128xf32>,
    return
  }
  func.func @transform_0(%arg0: i32, %arg1: i32) -> (i32, i32, i32, i32) {
    %c0_i32 = arith.constant 0 : i32
    %c0_i32_0 = arith.constant 0 : i32
    %c0_i32_1 = arith.constant 0 : i32
    return %arg0, %arg1, %c0_i32, %c0_i32_0 : i32, i32, i32, i32
  }
  func.func @transform_1(%arg0: i32, %arg1: i32) -> (i32, i32) {
    %c0_i32 = arith.constant 0 : i32
    %c0_i32_0 = arith.constant 0 : i32
    %c0_i32_1 = arith.constant 0 : i32
    return %c0_i32, %c0_i32_0 : i32, i32
  }
  func.func @transform_2(%arg0: i32, %arg1: i32) -> (i32, i32) {
    %c0_i32 = arith.constant 0 : i32
    %c0_i32_0 = arith.constant 0 : i32
    %c0_i32_1 = arith.constant 0 : i32
    return %c0_i32, %c0_i32_0 : i32, i32
  }
  func.func @transform_3(%arg0: i32, %arg1: i32) -> (i32, i32) {
    %c0_i32 = arith.constant 0 : i32
    %c0_i32_0 = arith.constant 0 : i32
    %c0_i32_1 = arith.constant 0 : i32
    return %c0_i32, %c0_i32_0 : i32, i32
  }
  func.func @transform_4(%arg0: i32, %arg1: i32) -> (i32, i32) {
    %c0_i32 = arith.constant 0 : i32
    %c0_i32_0 = arith.constant 0 : i32
    %c0_i32_1 = arith.constant 0 : i32
    return %c0_i32, %c0_i32_0 : i32, i32
  }
  func.func @transform_5(%arg0: i32, %arg1: i32) -> (i32, i32) {
    %c0_i32 = arith.constant 0 : i32
    %c0_i32_0 = arith.constant 0 : i32
    %c0_i32_1 = arith.constant 0 : i32
    return %c0_i32, %c0_i32_0 : i32, i32
  }
  func.func @transform_6(%arg0: i32, %arg1: i32) -> (i32, i32) {
    %c0_i32 = arith.constant 0 : i32
    %c0_i32_0 = arith.constant 0 : i32
    %c0_i32_1 = arith.constant 0 : i32
    return %c0_i32, %c0_i32_0 : i32, i32
  }
  func.func @transform_7(%arg0: i32, %arg1: i32) -> (i32, i32, i32) {
    %c0_i32 = arith.constant 0 : i32
    %c0_i32_0 = arith.constant 0 : i32
    return %arg0, %arg1, %c0_i32 : i32, i32, i32
  }
}

module attributes {stable_mosaic.version = 14 : i64} {
  func.func @_mlp1_body(%arg0: i32, %arg1: i32, %arg2: memref<1x1x6x1024xf32, #tpu.memory_space<vmem>>, %arg3: memref<32x6xf32, #tpu.memory_space<vmem>>, %arg4: memref<32x1xf32, #tpu.memory_space<vmem>>, %arg5: memref<32x32xf32, #tpu.memory_space<vmem>>, %arg6: memref<32x1xf32, #tpu.memory_space<vmem>>, %arg7: memref<64x32xf32, #tpu.memory_space<vmem>>, %arg8: memref<64x1xf32, #tpu.memory_space<vmem>>, %arg9: memref<1x64x64xf32, #tpu.memory_space<vmem>>) attributes {dimension_semantics = [#tpu.dimension_semantics<arbitrary>, #tpu.dimension_semantics<arbitrary>], iteration_bounds = array<i64: 8, 4>, scalar_prefetch = 0 : i64, scratch_operands = 0 : i64, tpu.core_type = #tpu.core_type<tc>, window_params = [{transform_indices = @transform_0, window_bounds = array<i64: 1, 1, 6, 1024>}, {pipeline_mode = #tpu.pipeline_mode<synchronous>, transform_indices = @transform_1, window_bounds = array<i64: 32, 6>}, {pipeline_mode = #tpu.pipeline_mode<synchronous>, transform_indices = @transform_2, window_bounds = array<i64: 32, 1>}, {pipeline_mode = #tpu.pipeline_mode<synchronous>, transform_indices = @transform_3, window_bounds = array<i64: 32, 32>}, {pipeline_mode = #tpu.pipeline_mode<synchronous>, transform_indices = @transform_4, window_bounds = array<i64: 32, 1>}, {pipeline_mode = #tpu.pipeline_mode<synchronous>, transform_indices = @transform_5, window_bounds = array<i64: 64, 32>}, {pipeline_mode = #tpu.pipeline_mode<synchronous>, transform_indices = @transform_6, window_bounds = array<i64: 64, 1>}, {transform_indices = @transform_7, window_bounds = array<i64: 1, 64, 64>}]} {
    %get3A = arith.constant 0 : index
    %get3A_0 = arith.constant 0 : index
    %get3A_1 = arith.constant 0 : index
    %get3A_2 = arith.constant 0 : index
    %get3A_3 = vector.load %arg2[%get3A, %get3A_0, %get3A_1, %get3A_2] : memref<1x1x6x1024xf32, #tpu.memory_space<vmem>>, vector<1x1x6x1024xf32>
    %reshape3A = vector.shape_cast %get3A_3 : vector<1x1x6x1024xf32> to vector<6x1024xf32>
    %get3A_4 = arith.constant 0 : index
    %get3A_5 = arith.constant 0 : index
    %get3A_6 = vector.load %arg3[%get3A_4, %get3A_5] : memref<32x6xf32, #tpu.memory_space<vmem>>, vector<32x6xf32>
    %dot_general3A = arith.constant dense<0.000000e+00> : vector<32x1024xf32>
    %dot_general3A_7 = tpu.matmul %get3A_6, %reshape3A, %dot_general3A {dimension_numbers = #tpu.dot_dimension_numbers<[1], [0], [0], [1], [0, 0, 1, 1], [], []>, transpose_lhs_hint = false} : vector<32x6xf32>, vector<6x1024xf32>, vector<32x1024xf32> -> vector<32x1024xf32>
    %get3A_8 = arith.constant 0 : index
    %get3A_9 = arith.constant 0 : index
    %get3A_10 = vector.load %arg4[%get3A_8, %get3A_9] : memref<32x1xf32, #tpu.memory_space<vmem>>, vector<32x1xf32>
    %add3A = vector.broadcast %get3A_10 : vector<32x1xf32> to vector<32x1024xf32>
    %add3A_11 = arith.addf %dot_general3A_7, %add3A : vector<32x1024xf32>
    %max3A = arith.constant 0.000000e+00 : f32
    %max3A_12 = vector.broadcast %max3A : f32 to vector<32x1024xf32>
    %max3A_13 = arith.maximumf %add3A_11, %max3A_12 : vector<32x1024xf32>
    %get3A_14 = arith.constant 0 : index
    %get3A_15 = arith.constant 0 : index
    %get3A_16 = vector.load %arg5[%get3A_14, %get3A_15] : memref<32x32xf32, #tpu.memory_space<vmem>>, vector<32x32xf32>
    %dot_general3A_17 = arith.constant dense<0.000000e+00> : vector<32x1024xf32>
    %dot_general3A_18 = tpu.matmul %get3A_16, %max3A_13, %dot_general3A_17 {dimension_numbers = #tpu.dot_dimension_numbers<[1], [0], [0], [1], [0, 0, 1, 1], [], []>, transpose_lhs_hint = false} : vector<32x32xf32>, vector<32x1024xf32>, vector<32x1024xf32> -> vector<32x1024xf32>
    %get3A_19 = arith.constant 0 : index
    %get3A_20 = arith.constant 0 : index
    %get3A_21 = vector.load %arg6[%get3A_19, %get3A_20] : memref<32x1xf32, #tpu.memory_space<vmem>>, vector<32x1xf32>
    %add3A_22 = vector.broadcast %get3A_21 : vector<32x1xf32> to vector<32x1024xf32>
    %add3A_23 = arith.addf %dot_general3A_18, %add3A_22 : vector<32x1024xf32>
    %max3A_24 = arith.constant 0.000000e+00 : f32
    %max3A_25 = vector.broadcast %max3A_24 : f32 to vector<32x1024xf32>
    %max3A_26 = arith.maximumf %add3A_23, %max3A_25 : vector<32x1024xf32>
    %get3A_27 = arith.constant 0 : index
    %get3A_28 = arith.constant 0 : index
    %get3A_29 = vector.load %arg7[%get3A_27, %get3A_28] : memref<64x32xf32, #tpu.memory_space<vmem>>, vector<64x32xf32>
    %dot_general3A_30 = arith.constant dense<0.000000e+00> : vector<64x1024xf32>
    %dot_general3A_31 = tpu.matmul %get3A_29, %max3A_26, %dot_general3A_30 {dimension_numbers = #tpu.dot_dimension_numbers<[1], [0], [0], [1], [0, 0, 1, 1], [], []>, transpose_lhs_hint = false} : vector<64x32xf32>, vector<32x1024xf32>, vector<64x1024xf32> -> vector<64x1024xf32>
    %get3A_32 = arith.constant 0 : index
    %get3A_33 = arith.constant 0 : index
    %get3A_34 = vector.load %arg8[%get3A_32, %get3A_33] : memref<64x1xf32, #tpu.memory_space<vmem>>, vector<64x1xf32>
    %add3A_35 = vector.broadcast %get3A_34 : vector<64x1xf32> to vector<64x1024xf32>
    %add3A_36 = arith.addf %dot_general3A_31, %add3A_35 : vector<64x1024xf32>
    %max3A_37 = arith.constant 0.000000e+00 : f32
    %max3A_38 = vector.broadcast %max3A_37 : f32 to vector<64x1024xf32>
    %max3A_39 = arith.maximumf %add3A_36, %max3A_38 : vector<64x1024xf32>
    %transpose3A = tpu.transpose %max3A_39, [1, 0] : vector<64x1024xf32> -> vector<1024x64xf32>
    %reshape3A_40 = vector.shape_cast %transpose3A : vector<1024x64xf32> to vector<64x16x64xf32>
    %reduce_max3A = arith.constant dense<0xFF800000> : vector<64x64xf32>
    %reduce_max3A_41 = vector.multi_reduction <maximumf>, %reshape3A_40, %reduce_max3A [1] : vector<64x16x64xf32> to vector<64x64xf32>
    %broadcast_in_dim3A = vector.shape_cast %reduce_max3A_41 : vector<64x64xf32> to vector<1x64x64xf32>
    %swap3A = arith.constant 0 : index
    %swap3A_42 = arith.constant 0 : index
    %swap3A_43 = arith.constant 0 : index
    %swap3A_44 = vector.load %arg9[%swap3A, %swap3A_42, %swap3A_43] : memref<1x64x64xf32, #tpu.memory_space<vmem>>, vector<1x64x64xf32>
    tpu.vector_store %arg9[%swap3A, %swap3A_42, %swap3A_43], %broadcast_in_dim3A {strides = array<i32>} : memref<1x64x64xf32, #tpu.memory_space<vmem>>, vector<1x64x64xf32>,
    return
  }
  func.func @transform_0(%arg0: i32, %arg1: i32) -> (i32, i32, i32, i32) {
    %c0_i32 = arith.constant 0 : i32
    %c0_i32_0 = arith.constant 0 : i32
    %c0_i32_1 = arith.constant 0 : i32
    return %arg0, %arg1, %c0_i32, %c0_i32_0 : i32, i32, i32, i32
  }
  func.func @transform_1(%arg0: i32, %arg1: i32) -> (i32, i32) {
    %c0_i32 = arith.constant 0 : i32
    %c0_i32_0 = arith.constant 0 : i32
    %c0_i32_1 = arith.constant 0 : i32
    return %c0_i32, %c0_i32_0 : i32, i32
  }
  func.func @transform_2(%arg0: i32, %arg1: i32) -> (i32, i32) {
    %c0_i32 = arith.constant 0 : i32
    %c0_i32_0 = arith.constant 0 : i32
    %c0_i32_1 = arith.constant 0 : i32
    return %c0_i32, %c0_i32_0 : i32, i32
  }
  func.func @transform_3(%arg0: i32, %arg1: i32) -> (i32, i32) {
    %c0_i32 = arith.constant 0 : i32
    %c0_i32_0 = arith.constant 0 : i32
    %c0_i32_1 = arith.constant 0 : i32
    return %c0_i32, %c0_i32_0 : i32, i32
  }
  func.func @transform_4(%arg0: i32, %arg1: i32) -> (i32, i32) {
    %c0_i32 = arith.constant 0 : i32
    %c0_i32_0 = arith.constant 0 : i32
    %c0_i32_1 = arith.constant 0 : i32
    return %c0_i32, %c0_i32_0 : i32, i32
  }
  func.func @transform_5(%arg0: i32, %arg1: i32) -> (i32, i32) {
    %c0_i32 = arith.constant 0 : i32
    %c0_i32_0 = arith.constant 0 : i32
    %c0_i32_1 = arith.constant 0 : i32
    return %c0_i32, %c0_i32_0 : i32, i32
  }
  func.func @transform_6(%arg0: i32, %arg1: i32) -> (i32, i32) {
    %c0_i32 = arith.constant 0 : i32
    %c0_i32_0 = arith.constant 0 : i32
    %c0_i32_1 = arith.constant 0 : i32
    return %c0_i32, %c0_i32_0 : i32, i32
  }
  func.func @transform_7(%arg0: i32, %arg1: i32) -> (i32, i32, i32) {
    %c0_i32 = arith.constant 0 : i32
    %c0_i32_0 = arith.constant 0 : i32
    return %arg0, %arg1, %c0_i32 : i32, i32, i32
  }
}

module attributes {stable_mosaic.version = 14 : i64} {
  func.func @_pre1_body(%arg0: i32, %arg1: memref<1x512x320xf32, #tpu.memory_space<vmem>>, %arg2: memref<320x320xf32, #tpu.memory_space<vmem>>, %arg3: memref<320xf32, #tpu.memory_space<vmem>>, %arg4: memref<1x512x320xf32, #tpu.memory_space<vmem>>) attributes {dimension_semantics = [#tpu.dimension_semantics<arbitrary>], iteration_bounds = array<i64: 8>, scalar_prefetch = 0 : i64, scratch_operands = 0 : i64, tpu.core_type = #tpu.core_type<tc>, window_params = [{transform_indices = @transform_0, window_bounds = array<i64: 1, 512, 320>}, {pipeline_mode = #tpu.pipeline_mode<synchronous>, transform_indices = @transform_1, window_bounds = array<i64: 320, 320>}, {pipeline_mode = #tpu.pipeline_mode<synchronous>, transform_indices = @transform_2, window_bounds = array<i64: 320>}, {transform_indices = @transform_3, window_bounds = array<i64: 1, 512, 320>}]} {
    %get3A = arith.constant 0 : index
    %get3A_0 = arith.constant 0 : index
    %get3A_1 = arith.constant 0 : index
    %get3A_2 = vector.load %arg1[%get3A, %get3A_0, %get3A_1] : memref<1x512x320xf32, #tpu.memory_space<vmem>>, vector<1x512x320xf32>
    %squeeze3A = vector.shape_cast %get3A_2 : vector<1x512x320xf32> to vector<512x320xf32>
    %get3A_3 = arith.constant 0 : index
    %get3A_4 = arith.constant 0 : index
    %get3A_5 = vector.load %arg2[%get3A_3, %get3A_4] : memref<320x320xf32, #tpu.memory_space<vmem>>, vector<320x320xf32>
    %dot_general3A = arith.constant dense<0.000000e+00> : vector<512x320xf32>
    %dot_general3A_6 = tpu.matmul %squeeze3A, %get3A_5, %dot_general3A {dimension_numbers = #tpu.dot_dimension_numbers<[1], [0], [0], [1], [0, 0, 1, 1], [], []>, transpose_lhs_hint = false} : vector<512x320xf32>, vector<320x320xf32>, vector<512x320xf32> -> vector<512x320xf32>
    %get3A_7 = arith.constant 0 : index
    %get3A_8 = vector.load %arg3[%get3A_7] : memref<320xf32, #tpu.memory_space<vmem>>, vector<320xf32>
    %broadcast_in_dim3A = vector.shape_cast %get3A_8 : vector<320xf32> to vector<1x320xf32>
    %add3A = vector.broadcast %broadcast_in_dim3A : vector<1x320xf32> to vector<512x320xf32>
    %add3A_9 = arith.addf %dot_general3A_6, %add3A : vector<512x320xf32>
    %broadcast_in_dim3A_10 = vector.shape_cast %add3A_9 : vector<512x320xf32> to vector<1x512x320xf32>
    %swap3A = arith.constant 0 : index
    %swap3A_11 = arith.constant 0 : index
    %swap3A_12 = arith.constant 0 : index
    %swap3A_13 = vector.load %arg4[%swap3A, %swap3A_11, %swap3A_12] : memref<1x512x320xf32, #tpu.memory_space<vmem>>, vector<1x512x320xf32>
    tpu.vector_store %arg4[%swap3A, %swap3A_11, %swap3A_12], %broadcast_in_dim3A_10 {strides = array<i32>} : memref<1x512x320xf32, #tpu.memory_space<vmem>>, vector<1x512x320xf32>,
    return
  }
  func.func @transform_0(%arg0: i32) -> (i32, i32, i32) {
    %c0_i32 = arith.constant 0 : i32
    %c0_i32_0 = arith.constant 0 : i32
    %c0_i32_1 = arith.constant 0 : i32
    return %arg0, %c0_i32, %c0_i32_0 : i32, i32, i32
  }
  func.func @transform_1(%arg0: i32) -> (i32, i32) {
    %c0_i32 = arith.constant 0 : i32
    %c0_i32_0 = arith.constant 0 : i32
    %c0_i32_1 = arith.constant 0 : i32
    return %c0_i32, %c0_i32_0 : i32, i32
  }
  func.func @transform_2(%arg0: i32) -> i32 {
    %c0_i32 = arith.constant 0 : i32
    %c0_i32_0 = arith.constant 0 : i32
    return %c0_i32 : i32
  }
  func.func @transform_3(%arg0: i32) -> (i32, i32, i32) {
    %c0_i32 = arith.constant 0 : i32
    %c0_i32_0 = arith.constant 0 : i32
    %c0_i32_1 = arith.constant 0 : i32
    return %arg0, %c0_i32, %c0_i32_0 : i32, i32, i32
  }
}

module attributes {stable_mosaic.version = 14 : i64} {
  func.func @_mlp2_body(%arg0: i32, %arg1: i32, %arg2: memref<1x1x8x128xi32, #tpu.memory_space<vmem>>, %arg3: memref<1x512x128xf32, #tpu.memory_space<vmem>>, %arg4: memref<1x512x3xf32, #tpu.memory_space<vmem>>, %arg5: memref<1x8x3xf32, #tpu.memory_space<vmem>>, %arg6: memref<3x128xf32, #tpu.memory_space<vmem>>, %arg7: memref<128x128xf32, #tpu.memory_space<vmem>>, %arg8: memref<128xf32, #tpu.memory_space<vmem>>, %arg9: memref<128x256xf32, #tpu.memory_space<vmem>>, %arg10: memref<256xf32, #tpu.memory_space<vmem>>, %arg11: memref<1x8x256xf32, #tpu.memory_space<vmem>>) attributes {dimension_semantics = [#tpu.dimension_semantics<arbitrary>, #tpu.dimension_semantics<arbitrary>], iteration_bounds = array<i64: 8, 16>, scalar_prefetch = 0 : i64, scratch_operands = 0 : i64, tpu.core_type = #tpu.core_type<tc>, window_params = [{transform_indices = @transform_0, window_bounds = array<i64: 1, 1, 8, 128>}, {transform_indices = @transform_1, window_bounds = array<i64: 1, 512, 128>}, {transform_indices = @transform_2, window_bounds = array<i64: 1, 512, 3>}, {transform_indices = @transform_3, window_bounds = array<i64: 1, 8, 3>}, {pipeline_mode = #tpu.pipeline_mode<synchronous>, transform_indices = @transform_4, window_bounds = array<i64: 3, 128>}, {pipeline_mode = #tpu.pipeline_mode<synchronous>, transform_indices = @transform_5, window_bounds = array<i64: 128, 128>}, {pipeline_mode = #tpu.pipeline_mode<synchronous>, transform_indices = @transform_6, window_bounds = array<i64: 128>}, {pipeline_mode = #tpu.pipeline_mode<synchronous>, transform_indices = @transform_7, window_bounds = array<i64: 128, 256>}, {pipeline_mode = #tpu.pipeline_mode<synchronous>, transform_indices = @transform_8, window_bounds = array<i64: 256>}, {transform_indices = @transform_9, window_bounds = array<i64: 1, 8, 256>}]} {
    %get3A = arith.constant 0 : index
    %get3A_0 = arith.constant 0 : index
    %get3A_1 = arith.constant 0 : index
    %get3A_2 = arith.constant 0 : index
    %get3A_3 = vector.load %arg2[%get3A, %get3A_0, %get3A_1, %get3A_2] : memref<1x1x8x128xi32, #tpu.memory_space<vmem>>, vector<1x1x8x128xi32>
    %reshape3A = vector.shape_cast %get3A_3 : vector<1x1x8x128xi32> to vector<1x1024xi32>
    %iota3A = tpu.iota {dimensions = array<i32: 0>} : vector<512x1024xi32>
    %eq3A = vector.broadcast %reshape3A : vector<1x1024xi32> to vector<512x1024xi32>
    %eq3A_4 = arith.cmpi eq, %iota3A, %eq3A : vector<512x1024xi32>
    %convert_element_type3A = arith.extui %eq3A_4 : vector<512x1024xi1> to vector<512x1024xi32>
    %convert_element_type3A_5 = arith.sitofp %convert_element_type3A : vector<512x1024xi32> to vector<512x1024xf32>
    %get3A_6 = arith.constant 0 : index
    %get3A_7 = arith.constant 0 : index
    %get3A_8 = arith.constant 0 : index
    %get3A_9 = vector.load %arg3[%get3A_6, %get3A_7, %get3A_8] : memref<1x512x128xf32, #tpu.memory_space<vmem>>, vector<1x512x128xf32>
    %squeeze3A = vector.shape_cast %get3A_9 : vector<1x512x128xf32> to vector<512x128xf32>
    %dot_general3A = arith.constant dense<0.000000e+00> : vector<1024x128xf32>
    %dot_general3A_10 = tpu.matmul %convert_element_type3A_5, %squeeze3A, %dot_general3A {dimension_numbers = #tpu.dot_dimension_numbers<[0], [0], [1], [1], [0, 1, 1, 1], [], []>, transpose_lhs_hint = false} : vector<512x1024xf32>, vector<512x128xf32>, vector<1024x128xf32> -> vector<1024x128xf32>
    %get3A_11 = arith.constant 0 : index
    %get3A_12 = arith.constant 0 : index
    %get3A_13 = arith.constant 0 : index
    %get3A_14 = vector.load %arg4[%get3A_11, %get3A_12, %get3A_13] : memref<1x512x3xf32, #tpu.memory_space<vmem>>, vector<1x512x3xf32>
    %squeeze3A_15 = vector.shape_cast %get3A_14 : vector<1x512x3xf32> to vector<512x3xf32>
    %dot_general3A_16 = arith.constant dense<0.000000e+00> : vector<1024x3xf32>
    %dot_general3A_17 = tpu.matmul %convert_element_type3A_5, %squeeze3A_15, %dot_general3A_16 {dimension_numbers = #tpu.dot_dimension_numbers<[0], [0], [1], [1], [0, 1, 1, 1], [], []>, transpose_lhs_hint = false} : vector<512x1024xf32>, vector<512x3xf32>, vector<1024x3xf32> -> vector<1024x3xf32>
    %get3A_18 = arith.constant 0 : index
    %get3A_19 = arith.constant 0 : index
    %get3A_20 = arith.constant 0 : index
    %get3A_21 = vector.load %arg5[%get3A_18, %get3A_19, %get3A_20] : memref<1x8x3xf32, #tpu.memory_space<vmem>>, vector<1x8x3xf32>
    %reshape3A_22 = vector.shape_cast %get3A_21 : vector<1x8x3xf32> to vector<8x1x3xf32>
    %reshape3A_23 = vector.shape_cast %dot_general3A_17 : vector<1024x3xf32> to vector<8x128x3xf32>
    %sub3A = vector.broadcast %reshape3A_22 : vector<8x1x3xf32> to vector<8x128x3xf32>
    %sub3A_24 = arith.subf %reshape3A_23, %sub3A : vector<8x128x3xf32>
    %reshape3A_25 = vector.shape_cast %sub3A_24 : vector<8x128x3xf32> to vector<1024x3xf32>
    %get3A_26 = arith.constant 0 : index
    %get3A_27 = arith.constant 0 : index
    %get3A_28 = vector.load %arg6[%get3A_26, %get3A_27] : memref<3x128xf32, #tpu.memory_space<vmem>>, vector<3x128xf32>
    %dot_general3A_29 = arith.constant dense<0.000000e+00> : vector<1024x128xf32>
    %dot_general3A_30 = tpu.matmul %reshape3A_25, %get3A_28, %dot_general3A_29 {dimension_numbers = #tpu.dot_dimension_numbers<[1], [0], [0], [1], [0, 0, 1, 1], [], []>, transpose_lhs_hint = false} : vector<1024x3xf32>, vector<3x128xf32>, vector<1024x128xf32> -> vector<1024x128xf32>
    %add3A = arith.addf %dot_general3A_10, %dot_general3A_30 : vector<1024x128xf32>
    %max3A = arith.constant 0.000000e+00 : f32
    %max3A_31 = vector.broadcast %max3A : f32 to vector<1024x128xf32>
    %max3A_32 = arith.maximumf %add3A, %max3A_31 : vector<1024x128xf32>
    %get3A_33 = arith.constant 0 : index
    %get3A_34 = arith.constant 0 : index
    %get3A_35 = vector.load %arg7[%get3A_33, %get3A_34] : memref<128x128xf32, #tpu.memory_space<vmem>>, vector<128x128xf32>
    %dot_general3A_36 = arith.constant dense<0.000000e+00> : vector<1024x128xf32>
    %dot_general3A_37 = tpu.matmul %max3A_32, %get3A_35, %dot_general3A_36 {dimension_numbers = #tpu.dot_dimension_numbers<[1], [0], [0], [1], [0, 0, 1, 1], [], []>, transpose_lhs_hint = false} : vector<1024x128xf32>, vector<128x128xf32>, vector<1024x128xf32> -> vector<1024x128xf32>
    %get3A_38 = arith.constant 0 : index
    %get3A_39 = vector.load %arg8[%get3A_38] : memref<128xf32, #tpu.memory_space<vmem>>, vector<128xf32>
    %broadcast_in_dim3A = vector.shape_cast %get3A_39 : vector<128xf32> to vector<1x128xf32>
    %add3A_40 = vector.broadcast %broadcast_in_dim3A : vector<1x128xf32> to vector<1024x128xf32>
    %add3A_41 = arith.addf %dot_general3A_37, %add3A_40 : vector<1024x128xf32>
    %max3A_42 = arith.constant 0.000000e+00 : f32
    %max3A_43 = vector.broadcast %max3A_42 : f32 to vector<1024x128xf32>
    %max3A_44 = arith.maximumf %add3A_41, %max3A_43 : vector<1024x128xf32>
    %get3A_45 = arith.constant 0 : index
    %get3A_46 = arith.constant 0 : index
    %get3A_47 = vector.load %arg9[%get3A_45, %get3A_46] : memref<128x256xf32, #tpu.memory_space<vmem>>, vector<128x256xf32>
    %dot_general3A_48 = arith.constant dense<0.000000e+00> : vector<1024x256xf32>
    %dot_general3A_49 = tpu.matmul %max3A_44, %get3A_47, %dot_general3A_48 {dimension_numbers = #tpu.dot_dimension_numbers<[1], [0], [0], [1], [0, 0, 1, 1], [], []>, transpose_lhs_hint = false} : vector<1024x128xf32>, vector<128x256xf32>, vector<1024x256xf32> -> vector<1024x256xf32>
    %get3A_50 = arith.constant 0 : index
    %get3A_51 = vector.load %arg10[%get3A_50] : memref<256xf32, #tpu.memory_space<vmem>>, vector<256xf32>
    %broadcast_in_dim3A_52 = vector.shape_cast %get3A_51 : vector<256xf32> to vector<1x256xf32>
    %add3A_53 = vector.broadcast %broadcast_in_dim3A_52 : vector<1x256xf32> to vector<1024x256xf32>
    %add3A_54 = arith.addf %dot_general3A_49, %add3A_53 : vector<1024x256xf32>
    %max3A_55 = arith.constant 0.000000e+00 : f32
    %max3A_56 = vector.broadcast %max3A_55 : f32 to vector<1024x256xf32>
    %max3A_57 = arith.maximumf %add3A_54, %max3A_56 : vector<1024x256xf32>
    %reshape3A_58 = vector.shape_cast %max3A_57 : vector<1024x256xf32> to vector<8x128x256xf32>
    %reduce_max3A = arith.constant dense<0xFF800000> : vector<8x256xf32>
    %reduce_max3A_59 = vector.multi_reduction <maximumf>, %reshape3A_58, %reduce_max3A [1] : vector<8x128x256xf32> to vector<8x256xf32>
    %broadcast_in_dim3A_60 = vector.shape_cast %reduce_max3A_59 : vector<8x256xf32> to vector<1x8x256xf32>
    %swap3A = arith.constant 0 : index
    %swap3A_61 = arith.constant 0 : index
    %swap3A_62 = arith.constant 0 : index
    %swap3A_63 = vector.load %arg11[%swap3A, %swap3A_61, %swap3A_62] : memref<1x8x256xf32, #tpu.memory_space<vmem>>, vector<1x8x256xf32>
    tpu.vector_store %arg11[%swap3A, %swap3A_61, %swap3A_62], %broadcast_in_dim3A_60 {strides = array<i32>} : memref<1x8x256xf32, #tpu.memory_space<vmem>>, vector<1x8x256xf32>,
    return
  }
  func.func @transform_0(%arg0: i32, %arg1: i32) -> (i32, i32, i32, i32) {
    %c0_i32 = arith.constant 0 : i32
    %c0_i32_0 = arith.constant 0 : i32
    %c0_i32_1 = arith.constant 0 : i32
    return %arg0, %arg1, %c0_i32, %c0_i32_0 : i32, i32, i32, i32
  }
  func.func @transform_1(%arg0: i32, %arg1: i32) -> (i32, i32, i32) {
    %c0_i32 = arith.constant 0 : i32
    %c0_i32_0 = arith.constant 0 : i32
    %c0_i32_1 = arith.constant 0 : i32
    return %arg0, %c0_i32, %c0_i32_0 : i32, i32, i32
  }
  func.func @transform_2(%arg0: i32, %arg1: i32) -> (i32, i32, i32) {
    %c0_i32 = arith.constant 0 : i32
    %c0_i32_0 = arith.constant 0 : i32
    %c0_i32_1 = arith.constant 0 : i32
    return %arg0, %c0_i32, %c0_i32_0 : i32, i32, i32
  }
  func.func @transform_3(%arg0: i32, %arg1: i32) -> (i32, i32, i32) {
    %c0_i32 = arith.constant 0 : i32
    %c0_i32_0 = arith.constant 0 : i32
    return %arg0, %arg1, %c0_i32 : i32, i32, i32
  }
  func.func @transform_4(%arg0: i32, %arg1: i32) -> (i32, i32) {
    %c0_i32 = arith.constant 0 : i32
    %c0_i32_0 = arith.constant 0 : i32
    %c0_i32_1 = arith.constant 0 : i32
    return %c0_i32, %c0_i32_0 : i32, i32
  }
  func.func @transform_5(%arg0: i32, %arg1: i32) -> (i32, i32) {
    %c0_i32 = arith.constant 0 : i32
    %c0_i32_0 = arith.constant 0 : i32
    %c0_i32_1 = arith.constant 0 : i32
    return %c0_i32, %c0_i32_0 : i32, i32
  }
  func.func @transform_6(%arg0: i32, %arg1: i32) -> i32 {
    %c0_i32 = arith.constant 0 : i32
    %c0_i32_0 = arith.constant 0 : i32
    return %c0_i32 : i32
  }
  func.func @transform_7(%arg0: i32, %arg1: i32) -> (i32, i32) {
    %c0_i32 = arith.constant 0 : i32
    %c0_i32_0 = arith.constant 0 : i32
    %c0_i32_1 = arith.constant 0 : i32
    return %c0_i32, %c0_i32_0 : i32, i32
  }
  func.func @transform_8(%arg0: i32, %arg1: i32) -> i32 {
    %c0_i32 = arith.constant 0 : i32
    %c0_i32_0 = arith.constant 0 : i32
    return %c0_i32 : i32
  }
  func.func @transform_9(%arg0: i32, %arg1: i32) -> (i32, i32, i32) {
    %c0_i32 = arith.constant 0 : i32
    %c0_i32_0 = arith.constant 0 : i32
    return %arg0, %arg1, %c0_i32 : i32, i32, i32
  }
}

module attributes {stable_mosaic.version = 14 : i64} {
  func.func @_mlp2_body(%arg0: i32, %arg1: i32, %arg2: memref<1x1x8x128xi32, #tpu.memory_space<vmem>>, %arg3: memref<1x512x128xf32, #tpu.memory_space<vmem>>, %arg4: memref<1x512x3xf32, #tpu.memory_space<vmem>>, %arg5: memref<1x16x3xf32, #tpu.memory_space<vmem>>, %arg6: memref<3x128xf32, #tpu.memory_space<vmem>>, %arg7: memref<128x128xf32, #tpu.memory_space<vmem>>, %arg8: memref<128xf32, #tpu.memory_space<vmem>>, %arg9: memref<128x256xf32, #tpu.memory_space<vmem>>, %arg10: memref<256xf32, #tpu.memory_space<vmem>>, %arg11: memref<1x16x256xf32, #tpu.memory_space<vmem>>) attributes {dimension_semantics = [#tpu.dimension_semantics<arbitrary>, #tpu.dimension_semantics<arbitrary>], iteration_bounds = array<i64: 8, 8>, scalar_prefetch = 0 : i64, scratch_operands = 0 : i64, tpu.core_type = #tpu.core_type<tc>, window_params = [{transform_indices = @transform_0, window_bounds = array<i64: 1, 1, 8, 128>}, {transform_indices = @transform_1, window_bounds = array<i64: 1, 512, 128>}, {transform_indices = @transform_2, window_bounds = array<i64: 1, 512, 3>}, {transform_indices = @transform_3, window_bounds = array<i64: 1, 16, 3>}, {pipeline_mode = #tpu.pipeline_mode<synchronous>, transform_indices = @transform_4, window_bounds = array<i64: 3, 128>}, {pipeline_mode = #tpu.pipeline_mode<synchronous>, transform_indices = @transform_5, window_bounds = array<i64: 128, 128>}, {pipeline_mode = #tpu.pipeline_mode<synchronous>, transform_indices = @transform_6, window_bounds = array<i64: 128>}, {pipeline_mode = #tpu.pipeline_mode<synchronous>, transform_indices = @transform_7, window_bounds = array<i64: 128, 256>}, {pipeline_mode = #tpu.pipeline_mode<synchronous>, transform_indices = @transform_8, window_bounds = array<i64: 256>}, {transform_indices = @transform_9, window_bounds = array<i64: 1, 16, 256>}]} {
    %get3A = arith.constant 0 : index
    %get3A_0 = arith.constant 0 : index
    %get3A_1 = arith.constant 0 : index
    %get3A_2 = arith.constant 0 : index
    %get3A_3 = vector.load %arg2[%get3A, %get3A_0, %get3A_1, %get3A_2] : memref<1x1x8x128xi32, #tpu.memory_space<vmem>>, vector<1x1x8x128xi32>
    %reshape3A = vector.shape_cast %get3A_3 : vector<1x1x8x128xi32> to vector<1x1024xi32>
    %iota3A = tpu.iota {dimensions = array<i32: 0>} : vector<512x1024xi32>
    %eq3A = vector.broadcast %reshape3A : vector<1x1024xi32> to vector<512x1024xi32>
    %eq3A_4 = arith.cmpi eq, %iota3A, %eq3A : vector<512x1024xi32>
    %convert_element_type3A = arith.extui %eq3A_4 : vector<512x1024xi1> to vector<512x1024xi32>
    %convert_element_type3A_5 = arith.sitofp %convert_element_type3A : vector<512x1024xi32> to vector<512x1024xf32>
    %get3A_6 = arith.constant 0 : index
    %get3A_7 = arith.constant 0 : index
    %get3A_8 = arith.constant 0 : index
    %get3A_9 = vector.load %arg3[%get3A_6, %get3A_7, %get3A_8] : memref<1x512x128xf32, #tpu.memory_space<vmem>>, vector<1x512x128xf32>
    %squeeze3A = vector.shape_cast %get3A_9 : vector<1x512x128xf32> to vector<512x128xf32>
    %dot_general3A = arith.constant dense<0.000000e+00> : vector<1024x128xf32>
    %dot_general3A_10 = tpu.matmul %convert_element_type3A_5, %squeeze3A, %dot_general3A {dimension_numbers = #tpu.dot_dimension_numbers<[0], [0], [1], [1], [0, 1, 1, 1], [], []>, transpose_lhs_hint = false} : vector<512x1024xf32>, vector<512x128xf32>, vector<1024x128xf32> -> vector<1024x128xf32>
    %get3A_11 = arith.constant 0 : index
    %get3A_12 = arith.constant 0 : index
    %get3A_13 = arith.constant 0 : index
    %get3A_14 = vector.load %arg4[%get3A_11, %get3A_12, %get3A_13] : memref<1x512x3xf32, #tpu.memory_space<vmem>>, vector<1x512x3xf32>
    %squeeze3A_15 = vector.shape_cast %get3A_14 : vector<1x512x3xf32> to vector<512x3xf32>
    %dot_general3A_16 = arith.constant dense<0.000000e+00> : vector<1024x3xf32>
    %dot_general3A_17 = tpu.matmul %convert_element_type3A_5, %squeeze3A_15, %dot_general3A_16 {dimension_numbers = #tpu.dot_dimension_numbers<[0], [0], [1], [1], [0, 1, 1, 1], [], []>, transpose_lhs_hint = false} : vector<512x1024xf32>, vector<512x3xf32>, vector<1024x3xf32> -> vector<1024x3xf32>
    %get3A_18 = arith.constant 0 : index
    %get3A_19 = arith.constant 0 : index
    %get3A_20 = arith.constant 0 : index
    %get3A_21 = vector.load %arg5[%get3A_18, %get3A_19, %get3A_20] : memref<1x16x3xf32, #tpu.memory_space<vmem>>, vector<1x16x3xf32>
    %reshape3A_22 = vector.shape_cast %get3A_21 : vector<1x16x3xf32> to vector<16x1x3xf32>
    %reshape3A_23 = vector.shape_cast %dot_general3A_17 : vector<1024x3xf32> to vector<16x64x3xf32>
    %sub3A = vector.broadcast %reshape3A_22 : vector<16x1x3xf32> to vector<16x64x3xf32>
    %sub3A_24 = arith.subf %reshape3A_23, %sub3A : vector<16x64x3xf32>
    %reshape3A_25 = vector.shape_cast %sub3A_24 : vector<16x64x3xf32> to vector<1024x3xf32>
    %get3A_26 = arith.constant 0 : index
    %get3A_27 = arith.constant 0 : index
    %get3A_28 = vector.load %arg6[%get3A_26, %get3A_27] : memref<3x128xf32, #tpu.memory_space<vmem>>, vector<3x128xf32>
    %dot_general3A_29 = arith.constant dense<0.000000e+00> : vector<1024x128xf32>
    %dot_general3A_30 = tpu.matmul %reshape3A_25, %get3A_28, %dot_general3A_29 {dimension_numbers = #tpu.dot_dimension_numbers<[1], [0], [0], [1], [0, 0, 1, 1], [], []>, transpose_lhs_hint = false} : vector<1024x3xf32>, vector<3x128xf32>, vector<1024x128xf32> -> vector<1024x128xf32>
    %add3A = arith.addf %dot_general3A_10, %dot_general3A_30 : vector<1024x128xf32>
    %max3A = arith.constant 0.000000e+00 : f32
    %max3A_31 = vector.broadcast %max3A : f32 to vector<1024x128xf32>
    %max3A_32 = arith.maximumf %add3A, %max3A_31 : vector<1024x128xf32>
    %get3A_33 = arith.constant 0 : index
    %get3A_34 = arith.constant 0 : index
    %get3A_35 = vector.load %arg7[%get3A_33, %get3A_34] : memref<128x128xf32, #tpu.memory_space<vmem>>, vector<128x128xf32>
    %dot_general3A_36 = arith.constant dense<0.000000e+00> : vector<1024x128xf32>
    %dot_general3A_37 = tpu.matmul %max3A_32, %get3A_35, %dot_general3A_36 {dimension_numbers = #tpu.dot_dimension_numbers<[1], [0], [0], [1], [0, 0, 1, 1], [], []>, transpose_lhs_hint = false} : vector<1024x128xf32>, vector<128x128xf32>, vector<1024x128xf32> -> vector<1024x128xf32>
    %get3A_38 = arith.constant 0 : index
    %get3A_39 = vector.load %arg8[%get3A_38] : memref<128xf32, #tpu.memory_space<vmem>>, vector<128xf32>
    %broadcast_in_dim3A = vector.shape_cast %get3A_39 : vector<128xf32> to vector<1x128xf32>
    %add3A_40 = vector.broadcast %broadcast_in_dim3A : vector<1x128xf32> to vector<1024x128xf32>
    %add3A_41 = arith.addf %dot_general3A_37, %add3A_40 : vector<1024x128xf32>
    %max3A_42 = arith.constant 0.000000e+00 : f32
    %max3A_43 = vector.broadcast %max3A_42 : f32 to vector<1024x128xf32>
    %max3A_44 = arith.maximumf %add3A_41, %max3A_43 : vector<1024x128xf32>
    %get3A_45 = arith.constant 0 : index
    %get3A_46 = arith.constant 0 : index
    %get3A_47 = vector.load %arg9[%get3A_45, %get3A_46] : memref<128x256xf32, #tpu.memory_space<vmem>>, vector<128x256xf32>
    %dot_general3A_48 = arith.constant dense<0.000000e+00> : vector<1024x256xf32>
    %dot_general3A_49 = tpu.matmul %max3A_44, %get3A_47, %dot_general3A_48 {dimension_numbers = #tpu.dot_dimension_numbers<[1], [0], [0], [1], [0, 0, 1, 1], [], []>, transpose_lhs_hint = false} : vector<1024x128xf32>, vector<128x256xf32>, vector<1024x256xf32> -> vector<1024x256xf32>
    %get3A_50 = arith.constant 0 : index
    %get3A_51 = vector.load %arg10[%get3A_50] : memref<256xf32, #tpu.memory_space<vmem>>, vector<256xf32>
    %broadcast_in_dim3A_52 = vector.shape_cast %get3A_51 : vector<256xf32> to vector<1x256xf32>
    %add3A_53 = vector.broadcast %broadcast_in_dim3A_52 : vector<1x256xf32> to vector<1024x256xf32>
    %add3A_54 = arith.addf %dot_general3A_49, %add3A_53 : vector<1024x256xf32>
    %max3A_55 = arith.constant 0.000000e+00 : f32
    %max3A_56 = vector.broadcast %max3A_55 : f32 to vector<1024x256xf32>
    %max3A_57 = arith.maximumf %add3A_54, %max3A_56 : vector<1024x256xf32>
    %reshape3A_58 = vector.shape_cast %max3A_57 : vector<1024x256xf32> to vector<16x64x256xf32>
    %reduce_max3A = arith.constant dense<0xFF800000> : vector<16x256xf32>
    %reduce_max3A_59 = vector.multi_reduction <maximumf>, %reshape3A_58, %reduce_max3A [1] : vector<16x64x256xf32> to vector<16x256xf32>
    %broadcast_in_dim3A_60 = vector.shape_cast %reduce_max3A_59 : vector<16x256xf32> to vector<1x16x256xf32>
    %swap3A = arith.constant 0 : index
    %swap3A_61 = arith.constant 0 : index
    %swap3A_62 = arith.constant 0 : index
    %swap3A_63 = vector.load %arg11[%swap3A, %swap3A_61, %swap3A_62] : memref<1x16x256xf32, #tpu.memory_space<vmem>>, vector<1x16x256xf32>
    tpu.vector_store %arg11[%swap3A, %swap3A_61, %swap3A_62], %broadcast_in_dim3A_60 {strides = array<i32>} : memref<1x16x256xf32, #tpu.memory_space<vmem>>, vector<1x16x256xf32>,
    return
  }
  func.func @transform_0(%arg0: i32, %arg1: i32) -> (i32, i32, i32, i32) {
    %c0_i32 = arith.constant 0 : i32
    %c0_i32_0 = arith.constant 0 : i32
    %c0_i32_1 = arith.constant 0 : i32
    return %arg0, %arg1, %c0_i32, %c0_i32_0 : i32, i32, i32, i32
  }
  func.func @transform_1(%arg0: i32, %arg1: i32) -> (i32, i32, i32) {
    %c0_i32 = arith.constant 0 : i32
    %c0_i32_0 = arith.constant 0 : i32
    %c0_i32_1 = arith.constant 0 : i32
    return %arg0, %c0_i32, %c0_i32_0 : i32, i32, i32
  }
  func.func @transform_2(%arg0: i32, %arg1: i32) -> (i32, i32, i32) {
    %c0_i32 = arith.constant 0 : i32
    %c0_i32_0 = arith.constant 0 : i32
    %c0_i32_1 = arith.constant 0 : i32
    return %arg0, %c0_i32, %c0_i32_0 : i32, i32, i32
  }
  func.func @transform_3(%arg0: i32, %arg1: i32) -> (i32, i32, i32) {
    %c0_i32 = arith.constant 0 : i32
    %c0_i32_0 = arith.constant 0 : i32
    return %arg0, %arg1, %c0_i32 : i32, i32, i32
  }
  func.func @transform_4(%arg0: i32, %arg1: i32) -> (i32, i32) {
    %c0_i32 = arith.constant 0 : i32
    %c0_i32_0 = arith.constant 0 : i32
    %c0_i32_1 = arith.constant 0 : i32
    return %c0_i32, %c0_i32_0 : i32, i32
  }
  func.func @transform_5(%arg0: i32, %arg1: i32) -> (i32, i32) {
    %c0_i32 = arith.constant 0 : i32
    %c0_i32_0 = arith.constant 0 : i32
    %c0_i32_1 = arith.constant 0 : i32
    return %c0_i32, %c0_i32_0 : i32, i32
  }
  func.func @transform_6(%arg0: i32, %arg1: i32) -> i32 {
    %c0_i32 = arith.constant 0 : i32
    %c0_i32_0 = arith.constant 0 : i32
    return %c0_i32 : i32
  }
  func.func @transform_7(%arg0: i32, %arg1: i32) -> (i32, i32) {
    %c0_i32 = arith.constant 0 : i32
    %c0_i32_0 = arith.constant 0 : i32
    %c0_i32_1 = arith.constant 0 : i32
    return %c0_i32, %c0_i32_0 : i32, i32
  }
  func.func @transform_8(%arg0: i32, %arg1: i32) -> i32 {
    %c0_i32 = arith.constant 0 : i32
    %c0_i32_0 = arith.constant 0 : i32
    return %c0_i32 : i32
  }
  func.func @transform_9(%arg0: i32, %arg1: i32) -> (i32, i32, i32) {
    %c0_i32 = arith.constant 0 : i32
    %c0_i32_0 = arith.constant 0 : i32
    return %arg0, %arg1, %c0_i32 : i32, i32, i32
  }
}

module attributes {stable_mosaic.version = 14 : i64} {
  func.func @_mlp2_body(%arg0: i32, %arg1: i32, %arg2: memref<1x1x8x128xi32, #tpu.memory_space<vmem>>, %arg3: memref<1x512x64xf32, #tpu.memory_space<vmem>>, %arg4: memref<1x512x3xf32, #tpu.memory_space<vmem>>, %arg5: memref<1x32x3xf32, #tpu.memory_space<vmem>>, %arg6: memref<3x64xf32, #tpu.memory_space<vmem>>, %arg7: memref<64x64xf32, #tpu.memory_space<vmem>>, %arg8: memref<64xf32, #tpu.memory_space<vmem>>, %arg9: memref<64x128xf32, #tpu.memory_space<vmem>>, %arg10: memref<128xf32, #tpu.memory_space<vmem>>, %arg11: memref<1x32x128xf32, #tpu.memory_space<vmem>>) attributes {dimension_semantics = [#tpu.dimension_semantics<arbitrary>, #tpu.dimension_semantics<arbitrary>], iteration_bounds = array<i64: 8, 4>, scalar_prefetch = 0 : i64, scratch_operands = 0 : i64, tpu.core_type = #tpu.core_type<tc>, window_params = [{transform_indices = @transform_0, window_bounds = array<i64: 1, 1, 8, 128>}, {transform_indices = @transform_1, window_bounds = array<i64: 1, 512, 64>}, {transform_indices = @transform_2, window_bounds = array<i64: 1, 512, 3>}, {transform_indices = @transform_3, window_bounds = array<i64: 1, 32, 3>}, {pipeline_mode = #tpu.pipeline_mode<synchronous>, transform_indices = @transform_4, window_bounds = array<i64: 3, 64>}, {pipeline_mode = #tpu.pipeline_mode<synchronous>, transform_indices = @transform_5, window_bounds = array<i64: 64, 64>}, {pipeline_mode = #tpu.pipeline_mode<synchronous>, transform_indices = @transform_6, window_bounds = array<i64: 64>}, {pipeline_mode = #tpu.pipeline_mode<synchronous>, transform_indices = @transform_7, window_bounds = array<i64: 64, 128>}, {pipeline_mode = #tpu.pipeline_mode<synchronous>, transform_indices = @transform_8, window_bounds = array<i64: 128>}, {transform_indices = @transform_9, window_bounds = array<i64: 1, 32, 128>}]} {
    %get3A = arith.constant 0 : index
    %get3A_0 = arith.constant 0 : index
    %get3A_1 = arith.constant 0 : index
    %get3A_2 = arith.constant 0 : index
    %get3A_3 = vector.load %arg2[%get3A, %get3A_0, %get3A_1, %get3A_2] : memref<1x1x8x128xi32, #tpu.memory_space<vmem>>, vector<1x1x8x128xi32>
    %reshape3A = vector.shape_cast %get3A_3 : vector<1x1x8x128xi32> to vector<1x1024xi32>
    %iota3A = tpu.iota {dimensions = array<i32: 0>} : vector<512x1024xi32>
    %eq3A = vector.broadcast %reshape3A : vector<1x1024xi32> to vector<512x1024xi32>
    %eq3A_4 = arith.cmpi eq, %iota3A, %eq3A : vector<512x1024xi32>
    %convert_element_type3A = arith.extui %eq3A_4 : vector<512x1024xi1> to vector<512x1024xi32>
    %convert_element_type3A_5 = arith.sitofp %convert_element_type3A : vector<512x1024xi32> to vector<512x1024xf32>
    %get3A_6 = arith.constant 0 : index
    %get3A_7 = arith.constant 0 : index
    %get3A_8 = arith.constant 0 : index
    %get3A_9 = vector.load %arg3[%get3A_6, %get3A_7, %get3A_8] : memref<1x512x64xf32, #tpu.memory_space<vmem>>, vector<1x512x64xf32>
    %squeeze3A = vector.shape_cast %get3A_9 : vector<1x512x64xf32> to vector<512x64xf32>
    %dot_general3A = arith.constant dense<0.000000e+00> : vector<1024x64xf32>
    %dot_general3A_10 = tpu.matmul %convert_element_type3A_5, %squeeze3A, %dot_general3A {dimension_numbers = #tpu.dot_dimension_numbers<[0], [0], [1], [1], [0, 1, 1, 1], [], []>, transpose_lhs_hint = false} : vector<512x1024xf32>, vector<512x64xf32>, vector<1024x64xf32> -> vector<1024x64xf32>
    %get3A_11 = arith.constant 0 : index
    %get3A_12 = arith.constant 0 : index
    %get3A_13 = arith.constant 0 : index
    %get3A_14 = vector.load %arg4[%get3A_11, %get3A_12, %get3A_13] : memref<1x512x3xf32, #tpu.memory_space<vmem>>, vector<1x512x3xf32>
    %squeeze3A_15 = vector.shape_cast %get3A_14 : vector<1x512x3xf32> to vector<512x3xf32>
    %dot_general3A_16 = arith.constant dense<0.000000e+00> : vector<1024x3xf32>
    %dot_general3A_17 = tpu.matmul %convert_element_type3A_5, %squeeze3A_15, %dot_general3A_16 {dimension_numbers = #tpu.dot_dimension_numbers<[0], [0], [1], [1], [0, 1, 1, 1], [], []>, transpose_lhs_hint = false} : vector<512x1024xf32>, vector<512x3xf32>, vector<1024x3xf32> -> vector<1024x3xf32>
    %get3A_18 = arith.constant 0 : index
    %get3A_19 = arith.constant 0 : index
    %get3A_20 = arith.constant 0 : index
    %get3A_21 = vector.load %arg5[%get3A_18, %get3A_19, %get3A_20] : memref<1x32x3xf32, #tpu.memory_space<vmem>>, vector<1x32x3xf32>
    %reshape3A_22 = vector.shape_cast %get3A_21 : vector<1x32x3xf32> to vector<32x1x3xf32>
    %reshape3A_23 = vector.shape_cast %dot_general3A_17 : vector<1024x3xf32> to vector<32x32x3xf32>
    %sub3A = vector.broadcast %reshape3A_22 : vector<32x1x3xf32> to vector<32x32x3xf32>
    %sub3A_24 = arith.subf %reshape3A_23, %sub3A : vector<32x32x3xf32>
    %reshape3A_25 = vector.shape_cast %sub3A_24 : vector<32x32x3xf32> to vector<1024x3xf32>
    %get3A_26 = arith.constant 0 : index
    %get3A_27 = arith.constant 0 : index
    %get3A_28 = vector.load %arg6[%get3A_26, %get3A_27] : memref<3x64xf32, #tpu.memory_space<vmem>>, vector<3x64xf32>
    %dot_general3A_29 = arith.constant dense<0.000000e+00> : vector<1024x64xf32>
    %dot_general3A_30 = tpu.matmul %reshape3A_25, %get3A_28, %dot_general3A_29 {dimension_numbers = #tpu.dot_dimension_numbers<[1], [0], [0], [1], [0, 0, 1, 1], [], []>, transpose_lhs_hint = false} : vector<1024x3xf32>, vector<3x64xf32>, vector<1024x64xf32> -> vector<1024x64xf32>
    %add3A = arith.addf %dot_general3A_10, %dot_general3A_30 : vector<1024x64xf32>
    %max3A = arith.constant 0.000000e+00 : f32
    %max3A_31 = vector.broadcast %max3A : f32 to vector<1024x64xf32>
    %max3A_32 = arith.maximumf %add3A, %max3A_31 : vector<1024x64xf32>
    %get3A_33 = arith.constant 0 : index
    %get3A_34 = arith.constant 0 : index
    %get3A_35 = vector.load %arg7[%get3A_33, %get3A_34] : memref<64x64xf32, #tpu.memory_space<vmem>>, vector<64x64xf32>
    %dot_general3A_36 = arith.constant dense<0.000000e+00> : vector<1024x64xf32>
    %dot_general3A_37 = tpu.matmul %max3A_32, %get3A_35, %dot_general3A_36 {dimension_numbers = #tpu.dot_dimension_numbers<[1], [0], [0], [1], [0, 0, 1, 1], [], []>, transpose_lhs_hint = false} : vector<1024x64xf32>, vector<64x64xf32>, vector<1024x64xf32> -> vector<1024x64xf32>
    %get3A_38 = arith.constant 0 : index
    %get3A_39 = vector.load %arg8[%get3A_38] : memref<64xf32, #tpu.memory_space<vmem>>, vector<64xf32>
    %broadcast_in_dim3A = vector.shape_cast %get3A_39 : vector<64xf32> to vector<1x64xf32>
    %add3A_40 = vector.broadcast %broadcast_in_dim3A : vector<1x64xf32> to vector<1024x64xf32>
    %add3A_41 = arith.addf %dot_general3A_37, %add3A_40 : vector<1024x64xf32>
    %max3A_42 = arith.constant 0.000000e+00 : f32
    %max3A_43 = vector.broadcast %max3A_42 : f32 to vector<1024x64xf32>
    %max3A_44 = arith.maximumf %add3A_41, %max3A_43 : vector<1024x64xf32>
    %get3A_45 = arith.constant 0 : index
    %get3A_46 = arith.constant 0 : index
    %get3A_47 = vector.load %arg9[%get3A_45, %get3A_46] : memref<64x128xf32, #tpu.memory_space<vmem>>, vector<64x128xf32>
    %dot_general3A_48 = arith.constant dense<0.000000e+00> : vector<1024x128xf32>
    %dot_general3A_49 = tpu.matmul %max3A_44, %get3A_47, %dot_general3A_48 {dimension_numbers = #tpu.dot_dimension_numbers<[1], [0], [0], [1], [0, 0, 1, 1], [], []>, transpose_lhs_hint = false} : vector<1024x64xf32>, vector<64x128xf32>, vector<1024x128xf32> -> vector<1024x128xf32>
    %get3A_50 = arith.constant 0 : index
    %get3A_51 = vector.load %arg10[%get3A_50] : memref<128xf32, #tpu.memory_space<vmem>>, vector<128xf32>
    %broadcast_in_dim3A_52 = vector.shape_cast %get3A_51 : vector<128xf32> to vector<1x128xf32>
    %add3A_53 = vector.broadcast %broadcast_in_dim3A_52 : vector<1x128xf32> to vector<1024x128xf32>
    %add3A_54 = arith.addf %dot_general3A_49, %add3A_53 : vector<1024x128xf32>
    %max3A_55 = arith.constant 0.000000e+00 : f32
    %max3A_56 = vector.broadcast %max3A_55 : f32 to vector<1024x128xf32>
    %max3A_57 = arith.maximumf %add3A_54, %max3A_56 : vector<1024x128xf32>
    %reshape3A_58 = vector.shape_cast %max3A_57 : vector<1024x128xf32> to vector<32x32x128xf32>
    %reduce_max3A = arith.constant dense<0xFF800000> : vector<32x128xf32>
    %reduce_max3A_59 = vector.multi_reduction <maximumf>, %reshape3A_58, %reduce_max3A [1] : vector<32x32x128xf32> to vector<32x128xf32>
    %broadcast_in_dim3A_60 = vector.shape_cast %reduce_max3A_59 : vector<32x128xf32> to vector<1x32x128xf32>
    %swap3A = arith.constant 0 : index
    %swap3A_61 = arith.constant 0 : index
    %swap3A_62 = arith.constant 0 : index
    %swap3A_63 = vector.load %arg11[%swap3A, %swap3A_61, %swap3A_62] : memref<1x32x128xf32, #tpu.memory_space<vmem>>, vector<1x32x128xf32>
    tpu.vector_store %arg11[%swap3A, %swap3A_61, %swap3A_62], %broadcast_in_dim3A_60 {strides = array<i32>} : memref<1x32x128xf32, #tpu.memory_space<vmem>>, vector<1x32x128xf32>,
    return
  }
  func.func @transform_0(%arg0: i32, %arg1: i32) -> (i32, i32, i32, i32) {
    %c0_i32 = arith.constant 0 : i32
    %c0_i32_0 = arith.constant 0 : i32
    %c0_i32_1 = arith.constant 0 : i32
    return %arg0, %arg1, %c0_i32, %c0_i32_0 : i32, i32, i32, i32
  }
  func.func @transform_1(%arg0: i32, %arg1: i32) -> (i32, i32, i32) {
    %c0_i32 = arith.constant 0 : i32
    %c0_i32_0 = arith.constant 0 : i32
    %c0_i32_1 = arith.constant 0 : i32
    return %arg0, %c0_i32, %c0_i32_0 : i32, i32, i32
  }
  func.func @transform_2(%arg0: i32, %arg1: i32) -> (i32, i32, i32) {
    %c0_i32 = arith.constant 0 : i32
    %c0_i32_0 = arith.constant 0 : i32
    %c0_i32_1 = arith.constant 0 : i32
    return %arg0, %c0_i32, %c0_i32_0 : i32, i32, i32
  }
  func.func @transform_3(%arg0: i32, %arg1: i32) -> (i32, i32, i32) {
    %c0_i32 = arith.constant 0 : i32
    %c0_i32_0 = arith.constant 0 : i32
    return %arg0, %arg1, %c0_i32 : i32, i32, i32
  }
  func.func @transform_4(%arg0: i32, %arg1: i32) -> (i32, i32) {
    %c0_i32 = arith.constant 0 : i32
    %c0_i32_0 = arith.constant 0 : i32
    %c0_i32_1 = arith.constant 0 : i32
    return %c0_i32, %c0_i32_0 : i32, i32
  }
  func.func @transform_5(%arg0: i32, %arg1: i32) -> (i32, i32) {
    %c0_i32 = arith.constant 0 : i32
    %c0_i32_0 = arith.constant 0 : i32
    %c0_i32_1 = arith.constant 0 : i32
    return %c0_i32, %c0_i32_0 : i32, i32
  }
  func.func @transform_6(%arg0: i32, %arg1: i32) -> i32 {
    %c0_i32 = arith.constant 0 : i32
    %c0_i32_0 = arith.constant 0 : i32
    return %c0_i32 : i32
  }
  func.func @transform_7(%arg0: i32, %arg1: i32) -> (i32, i32) {
    %c0_i32 = arith.constant 0 : i32
    %c0_i32_0 = arith.constant 0 : i32
    %c0_i32_1 = arith.constant 0 : i32
    return %c0_i32, %c0_i32_0 : i32, i32
  }
  func.func @transform_8(%arg0: i32, %arg1: i32) -> i32 {
    %c0_i32 = arith.constant 0 : i32
    %c0_i32_0 = arith.constant 0 : i32
    return %c0_i32 : i32
  }
  func.func @transform_9(%arg0: i32, %arg1: i32) -> (i32, i32, i32) {
    %c0_i32 = arith.constant 0 : i32
    %c0_i32_0 = arith.constant 0 : i32
    return %arg0, %arg1, %c0_i32 : i32, i32, i32
  }
}

module attributes {stable_mosaic.version = 14 : i64} {
  func.func @_sa3_body(%arg0: i32, %arg1: memref<1x128x643xf32, #tpu.memory_space<vmem>>, %arg2: memref<643x256xf32, #tpu.memory_space<vmem>>, %arg3: memref<256xf32, #tpu.memory_space<vmem>>, %arg4: memref<256x512xf32, #tpu.memory_space<vmem>>, %arg5: memref<512xf32, #tpu.memory_space<vmem>>, %arg6: memref<512x1024xf32, #tpu.memory_space<vmem>>, %arg7: memref<1024xf32, #tpu.memory_space<vmem>>, %arg8: memref<1x1x1024xf32, #tpu.memory_space<vmem>>) attributes {dimension_semantics = [#tpu.dimension_semantics<arbitrary>], iteration_bounds = array<i64: 8>, scalar_prefetch = 0 : i64, scratch_operands = 0 : i64, tpu.core_type = #tpu.core_type<tc>, window_params = [{transform_indices = @transform_0, window_bounds = array<i64: 1, 128, 643>}, {pipeline_mode = #tpu.pipeline_mode<synchronous>, transform_indices = @transform_1, window_bounds = array<i64: 643, 256>}, {pipeline_mode = #tpu.pipeline_mode<synchronous>, transform_indices = @transform_2, window_bounds = array<i64: 256>}, {pipeline_mode = #tpu.pipeline_mode<synchronous>, transform_indices = @transform_3, window_bounds = array<i64: 256, 512>}, {pipeline_mode = #tpu.pipeline_mode<synchronous>, transform_indices = @transform_4, window_bounds = array<i64: 512>}, {pipeline_mode = #tpu.pipeline_mode<synchronous>, transform_indices = @transform_5, window_bounds = array<i64: 512, 1024>}, {pipeline_mode = #tpu.pipeline_mode<synchronous>, transform_indices = @transform_6, window_bounds = array<i64: 1024>}, {transform_indices = @transform_7, window_bounds = array<i64: 1, 1, 1024>}]} {
    %get3A = arith.constant 0 : index
    %get3A_0 = arith.constant 0 : index
    %get3A_1 = arith.constant 0 : index
    %get3A_2 = vector.load %arg1[%get3A, %get3A_0, %get3A_1] : memref<1x128x643xf32, #tpu.memory_space<vmem>>, vector<1x128x643xf32>
    %squeeze3A = vector.shape_cast %get3A_2 : vector<1x128x643xf32> to vector<128x643xf32>
    %get3A_3 = arith.constant 0 : index
    %get3A_4 = arith.constant 0 : index
    %get3A_5 = vector.load %arg2[%get3A_3, %get3A_4] : memref<643x256xf32, #tpu.memory_space<vmem>>, vector<643x256xf32>
    %dot_general3A = arith.constant dense<0.000000e+00> : vector<128x256xf32>
    %dot_general3A_6 = tpu.matmul %squeeze3A, %get3A_5, %dot_general3A {dimension_numbers = #tpu.dot_dimension_numbers<[1], [0], [0], [1], [0, 0, 1, 1], [], []>, transpose_lhs_hint = false} : vector<128x643xf32>, vector<643x256xf32>, vector<128x256xf32> -> vector<128x256xf32>
    %get3A_7 = arith.constant 0 : index
    %get3A_8 = vector.load %arg3[%get3A_7] : memref<256xf32, #tpu.memory_space<vmem>>, vector<256xf32>
    %broadcast_in_dim3A = vector.shape_cast %get3A_8 : vector<256xf32> to vector<1x256xf32>
    %add3A = vector.broadcast %broadcast_in_dim3A : vector<1x256xf32> to vector<128x256xf32>
    %add3A_9 = arith.addf %dot_general3A_6, %add3A : vector<128x256xf32>
    %max3A = arith.constant 0.000000e+00 : f32
    %max3A_10 = vector.broadcast %max3A : f32 to vector<128x256xf32>
    %max3A_11 = arith.maximumf %add3A_9, %max3A_10 : vector<128x256xf32>
    %get3A_12 = arith.constant 0 : index
    %get3A_13 = arith.constant 0 : index
    %get3A_14 = vector.load %arg4[%get3A_12, %get3A_13] : memref<256x512xf32, #tpu.memory_space<vmem>>, vector<256x512xf32>
    %dot_general3A_15 = arith.constant dense<0.000000e+00> : vector<128x512xf32>
    %dot_general3A_16 = tpu.matmul %max3A_11, %get3A_14, %dot_general3A_15 {dimension_numbers = #tpu.dot_dimension_numbers<[1], [0], [0], [1], [0, 0, 1, 1], [], []>, transpose_lhs_hint = false} : vector<128x256xf32>, vector<256x512xf32>, vector<128x512xf32> -> vector<128x512xf32>
    %get3A_17 = arith.constant 0 : index
    %get3A_18 = vector.load %arg5[%get3A_17] : memref<512xf32, #tpu.memory_space<vmem>>, vector<512xf32>
    %broadcast_in_dim3A_19 = vector.shape_cast %get3A_18 : vector<512xf32> to vector<1x512xf32>
    %add3A_20 = vector.broadcast %broadcast_in_dim3A_19 : vector<1x512xf32> to vector<128x512xf32>
    %add3A_21 = arith.addf %dot_general3A_16, %add3A_20 : vector<128x512xf32>
    %max3A_22 = arith.constant 0.000000e+00 : f32
    %max3A_23 = vector.broadcast %max3A_22 : f32 to vector<128x512xf32>
    %max3A_24 = arith.maximumf %add3A_21, %max3A_23 : vector<128x512xf32>
    %get3A_25 = arith.constant 0 : index
    %get3A_26 = arith.constant 0 : index
    %get3A_27 = vector.load %arg6[%get3A_25, %get3A_26] : memref<512x1024xf32, #tpu.memory_space<vmem>>, vector<512x1024xf32>
    %dot_general3A_28 = arith.constant dense<0.000000e+00> : vector<128x1024xf32>
    %dot_general3A_29 = tpu.matmul %max3A_24, %get3A_27, %dot_general3A_28 {dimension_numbers = #tpu.dot_dimension_numbers<[1], [0], [0], [1], [0, 0, 1, 1], [], []>, transpose_lhs_hint = false} : vector<128x512xf32>, vector<512x1024xf32>, vector<128x1024xf32> -> vector<128x1024xf32>
    %get3A_30 = arith.constant 0 : index
    %get3A_31 = vector.load %arg7[%get3A_30] : memref<1024xf32, #tpu.memory_space<vmem>>, vector<1024xf32>
    %broadcast_in_dim3A_32 = vector.shape_cast %get3A_31 : vector<1024xf32> to vector<1x1024xf32>
    %add3A_33 = vector.broadcast %broadcast_in_dim3A_32 : vector<1x1024xf32> to vector<128x1024xf32>
    %add3A_34 = arith.addf %dot_general3A_29, %add3A_33 : vector<128x1024xf32>
    %max3A_35 = arith.constant 0.000000e+00 : f32
    %max3A_36 = vector.broadcast %max3A_35 : f32 to vector<128x1024xf32>
    %max3A_37 = arith.maximumf %add3A_34, %max3A_36 : vector<128x1024xf32>
    %reduce_max3A = arith.constant dense<0xFF800000> : vector<1024xf32>
    %reduce_max3A_38 = vector.multi_reduction <maximumf>, %max3A_37, %reduce_max3A [0] : vector<128x1024xf32> to vector<1024xf32>
    %reshape3A = vector.shape_cast %reduce_max3A_38 : vector<1024xf32> to vector<1x1x1024xf32>
    %swap3A = arith.constant 0 : index
    %swap3A_39 = arith.constant 0 : index
    %swap3A_40 = arith.constant 0 : index
    %swap3A_41 = vector.load %arg8[%swap3A, %swap3A_39, %swap3A_40] : memref<1x1x1024xf32, #tpu.memory_space<vmem>>, vector<1x1x1024xf32>
    tpu.vector_store %arg8[%swap3A, %swap3A_39, %swap3A_40], %reshape3A {strides = array<i32>} : memref<1x1x1024xf32, #tpu.memory_space<vmem>>, vector<1x1x1024xf32>,
    return
  }
  func.func @transform_0(%arg0: i32) -> (i32, i32, i32) {
    %c0_i32 = arith.constant 0 : i32
    %c0_i32_0 = arith.constant 0 : i32
    %c0_i32_1 = arith.constant 0 : i32
    return %arg0, %c0_i32, %c0_i32_0 : i32, i32, i32
  }
  func.func @transform_1(%arg0: i32) -> (i32, i32) {
    %c0_i32 = arith.constant 0 : i32
    %c0_i32_0 = arith.constant 0 : i32
    %c0_i32_1 = arith.constant 0 : i32
    return %c0_i32, %c0_i32_0 : i32, i32
  }
  func.func @transform_2(%arg0: i32) -> i32 {
    %c0_i32 = arith.constant 0 : i32
    %c0_i32_0 = arith.constant 0 : i32
    return %c0_i32 : i32
  }
  func.func @transform_3(%arg0: i32) -> (i32, i32) {
    %c0_i32 = arith.constant 0 : i32
    %c0_i32_0 = arith.constant 0 : i32
    %c0_i32_1 = arith.constant 0 : i32
    return %c0_i32, %c0_i32_0 : i32, i32
  }
  func.func @transform_4(%arg0: i32) -> i32 {
    %c0_i32 = arith.constant 0 : i32
    %c0_i32_0 = arith.constant 0 : i32
    return %c0_i32 : i32
  }
  func.func @transform_5(%arg0: i32) -> (i32, i32) {
    %c0_i32 = arith.constant 0 : i32
    %c0_i32_0 = arith.constant 0 : i32
    %c0_i32_1 = arith.constant 0 : i32
    return %c0_i32, %c0_i32_0 : i32, i32
  }
  func.func @transform_6(%arg0: i32) -> i32 {
    %c0_i32 = arith.constant 0 : i32
    %c0_i32_0 = arith.constant 0 : i32
    return %c0_i32 : i32
  }
  func.func @transform_7(%arg0: i32) -> (i32, i32, i32) {
    %c0_i32 = arith.constant 0 : i32
    %c0_i32_0 = arith.constant 0 : i32
    %c0_i32_1 = arith.constant 0 : i32
    return %arg0, %c0_i32, %c0_i32_0 : i32, i32, i32
  }
}

module attributes {stable_mosaic.version = 14 : i64} {
  func.func @_head_body(%arg0: memref<8x1024xf32, #tpu.memory_space<vmem>>, %arg1: memref<1024x512xf32, #tpu.memory_space<vmem>>, %arg2: memref<512xf32, #tpu.memory_space<vmem>>, %arg3: memref<512x256xf32, #tpu.memory_space<vmem>>, %arg4: memref<256xf32, #tpu.memory_space<vmem>>, %arg5: memref<256x40xf32, #tpu.memory_space<vmem>>, %arg6: memref<40xf32, #tpu.memory_space<vmem>>, %arg7: memref<8x40xf32, #tpu.memory_space<vmem>>) attributes {dimension_semantics = [], scalar_prefetch = 0 : i64, scratch_operands = 0 : i64, tpu.core_type = #tpu.core_type<tc>} {
    %get3A = arith.constant 0 : index
    %get3A_0 = arith.constant 0 : index
    %get3A_1 = vector.load %arg0[%get3A, %get3A_0] : memref<8x1024xf32, #tpu.memory_space<vmem>>, vector<8x1024xf32>
    %get3A_2 = arith.constant 0 : index
    %get3A_3 = arith.constant 0 : index
    %get3A_4 = vector.load %arg1[%get3A_2, %get3A_3] : memref<1024x512xf32, #tpu.memory_space<vmem>>, vector<1024x512xf32>
    %dot_general3A = arith.constant dense<0.000000e+00> : vector<8x512xf32>
    %dot_general3A_5 = tpu.matmul %get3A_1, %get3A_4, %dot_general3A {dimension_numbers = #tpu.dot_dimension_numbers<[1], [0], [0], [1], [0, 0, 1, 1], [], []>, transpose_lhs_hint = false} : vector<8x1024xf32>, vector<1024x512xf32>, vector<8x512xf32> -> vector<8x512xf32>
    %get3A_6 = arith.constant 0 : index
    %get3A_7 = vector.load %arg2[%get3A_6] : memref<512xf32, #tpu.memory_space<vmem>>, vector<512xf32>
    %broadcast_in_dim3A = vector.shape_cast %get3A_7 : vector<512xf32> to vector<1x512xf32>
    %add3A = vector.broadcast %broadcast_in_dim3A : vector<1x512xf32> to vector<8x512xf32>
    %add3A_8 = arith.addf %dot_general3A_5, %add3A : vector<8x512xf32>
    %max3A = arith.constant 0.000000e+00 : f32
    %max3A_9 = vector.broadcast %max3A : f32 to vector<8x512xf32>
    %max3A_10 = arith.maximumf %add3A_8, %max3A_9 : vector<8x512xf32>
    %get3A_11 = arith.constant 0 : index
    %get3A_12 = arith.constant 0 : index
    %get3A_13 = vector.load %arg3[%get3A_11, %get3A_12] : memref<512x256xf32, #tpu.memory_space<vmem>>, vector<512x256xf32>
    %dot_general3A_14 = arith.constant dense<0.000000e+00> : vector<8x256xf32>
    %dot_general3A_15 = tpu.matmul %max3A_10, %get3A_13, %dot_general3A_14 {dimension_numbers = #tpu.dot_dimension_numbers<[1], [0], [0], [1], [0, 0, 1, 1], [], []>, transpose_lhs_hint = false} : vector<8x512xf32>, vector<512x256xf32>, vector<8x256xf32> -> vector<8x256xf32>
    %get3A_16 = arith.constant 0 : index
    %get3A_17 = vector.load %arg4[%get3A_16] : memref<256xf32, #tpu.memory_space<vmem>>, vector<256xf32>
    %broadcast_in_dim3A_18 = vector.shape_cast %get3A_17 : vector<256xf32> to vector<1x256xf32>
    %add3A_19 = vector.broadcast %broadcast_in_dim3A_18 : vector<1x256xf32> to vector<8x256xf32>
    %add3A_20 = arith.addf %dot_general3A_15, %add3A_19 : vector<8x256xf32>
    %max3A_21 = arith.constant 0.000000e+00 : f32
    %max3A_22 = vector.broadcast %max3A_21 : f32 to vector<8x256xf32>
    %max3A_23 = arith.maximumf %add3A_20, %max3A_22 : vector<8x256xf32>
    %get3A_24 = arith.constant 0 : index
    %get3A_25 = arith.constant 0 : index
    %get3A_26 = vector.load %arg5[%get3A_24, %get3A_25] : memref<256x40xf32, #tpu.memory_space<vmem>>, vector<256x40xf32>
    %dot_general3A_27 = arith.constant dense<0.000000e+00> : vector<8x40xf32>
    %dot_general3A_28 = tpu.matmul %max3A_23, %get3A_26, %dot_general3A_27 {dimension_numbers = #tpu.dot_dimension_numbers<[1], [0], [0], [1], [0, 0, 1, 1], [], []>, transpose_lhs_hint = false} : vector<8x256xf32>, vector<256x40xf32>, vector<8x40xf32> -> vector<8x40xf32>
    %get3A_29 = arith.constant 0 : index
    %get3A_30 = vector.load %arg6[%get3A_29] : memref<40xf32, #tpu.memory_space<vmem>>, vector<40xf32>
    %broadcast_in_dim3A_31 = vector.shape_cast %get3A_30 : vector<40xf32> to vector<1x40xf32>
    %add3A_32 = vector.broadcast %broadcast_in_dim3A_31 : vector<1x40xf32> to vector<8x40xf32>
    %add3A_33 = arith.addf %dot_general3A_28, %add3A_32 : vector<8x40xf32>
    %reduce_max3A = arith.constant dense<0xFF800000> : vector<8xf32>
    %reduce_max3A_34 = vector.multi_reduction <maximumf>, %add3A_33, %reduce_max3A [1] : vector<8x40xf32> to vector<8xf32>
    %max3A_35 = arith.constant 0xFF800000 : f32
    %max3A_36 = vector.broadcast %max3A_35 : f32 to vector<8xf32>
    %max3A_37 = arith.maximumf %max3A_36, %reduce_max3A_34 : vector<8xf32>
    %broadcast_in_dim3A_38 = vector.shape_cast %max3A_37 : vector<8xf32> to vector<8x1xf32>
    %sub3A = vector.broadcast %broadcast_in_dim3A_38 : vector<8x1xf32> to vector<8x40xf32>
    %sub3A_39 = arith.subf %add3A_33, %sub3A : vector<8x40xf32>
    %exp3A = math.exp %sub3A_39 : vector<8x40xf32>
    %reduce_sum3A = arith.constant dense<0.000000e+00> : vector<8xf32>
    %reduce_sum3A_40 = vector.multi_reduction <add>, %exp3A, %reduce_sum3A [1] : vector<8x40xf32> to vector<8xf32>
    %broadcast_in_dim3A_41 = vector.shape_cast %reduce_sum3A_40 : vector<8xf32> to vector<8x1xf32>
    %log3A = math.log %broadcast_in_dim3A_41 : vector<8x1xf32>
    %sub3A_42 = vector.broadcast %log3A : vector<8x1xf32> to vector<8x40xf32>
    %sub3A_43 = arith.subf %sub3A_39, %sub3A_42 : vector<8x40xf32>
    %swap3A = arith.constant 0 : index
    %swap3A_44 = arith.constant 0 : index
    %swap3A_45 = vector.load %arg7[%swap3A, %swap3A_44] : memref<8x40xf32, #tpu.memory_space<vmem>>, vector<8x40xf32>
    tpu.vector_store %arg7[%swap3A, %swap3A_44], %sub3A_43 {strides = array<i32>} : memref<8x40xf32, #tpu.memory_space<vmem>>, vector<8x40xf32>,
    return
  }
}

</mosaic_0001>

<sc_bundles>
// kernel: kernel.19.cloned.1.call-start
scs
__scs_entry_jumppad:
0x0: {  	(pc) =	sbr.rel $0x88, $3  }
0x1: {  	(tag) =	ssettag $0x0;
	lr =	simm.s32 $0x1  }
0x2: {  	[smem:$0x3F70] =	sst lr;
	_ =	strace $0xD0000000  }
0x3: {  	_ = 	snop  }
0x4: {  	_ = 	snop  }
0x5: {  	_ = 	snop  }
0x6: {  	_ = 	snop  }
0x7: {  	_ = 	snop  }
__scs_overlays_trampoline_lowered:
0x8: {  	[smem:$0x3F7F] =	sst s0  }
0x9: {  	[smem:$0x3F80] =	sst s1  }
0xa: {  	[smem:$0x3F81] =	sst s2  }
0xb: {  	[smem:$0x3F82] =	sst s3  }
0xc: {  	[smem:$0x3F83] =	sst s4  }
0xd: {  	[smem:$0x3F84] =	sst s5  }
0xe: {  	[smem:$0x3F85] =	sst s6  }
0xf: {  	[smem:$0x3F86] =	sst s7  }
0x10: {  	[smem:$0x3F87] =	sst s8  }
0x11: {  	[smem:$0x3F88] =	sst s9;
	s0 =	simm.s32 @!p0 $0x0  }
0x12: {  	s1 =	sld [smem:$0x3F6E];
	s0 =	simm.s32 @p0 $0x1  }
0x13: {  	[smem:$0x3F89] =	sst s0;
	s0 =	simm.s32 @!p1 $0x0  }
0x14: {  	s2 =	sld [smem:$0x3F6D];
	s0 =	simm.s32 @p1 $0x1  }
0x15: {  	[smem:$0x3F8A] =	sst s0;
	s0 =	simm.s32 @!p2 $0x0  }
0x16: {  	s3 =	sld [smem:$0x3FDB];
	s0 =	simm.s32 @p2 $0x1  }
0x17: {  	s4 =	simm.s32 $0x1BF5;
	[smem:$0x3F8C] =	sst s0  }
0x18: {  	s0 =	sld [smem:$0x3F6F];
	_ =	swait.ge [sflag:s4], $0x0  }
0x19: {  	s7 =	sld [smem:$0x3F70]  }
0x1a: {  	s8 =	sadd.s32 $0xFFFFE003, lr  }
0x1b: {  	s9 =	sadd.s32 $0xFFFFFEF7, lr;
	s5 =	simm.s32 $0xFFFFFFFF;
	p2 =	slt.u32 s8, $0xFFFFF086  }
0x1c: {  	p1 =	slt.u32 s9, $0xF7A;
	s5 =	simm.s32 @!p2 $0x0  }
0x1d: {  	s5 =	simm.s32 @p1 $0x1;
	p0 =	seq.s32 s7, s2  }
0x1e: {  	s7 =	smul.u32 @!p0 $0xF7A, s2;
	p2 =	seq.s32 @!p0 s5, $0x0  }
0x1f: {  	s9 =	smul.u32 $0xF7A, s1;
	s8 =	simm.s32 @!p0 $0x1BF5;
	p2 =	por !p2, p0  }
0x20: {  	[sflag:s8] =	ssyncset.s32 @!p0 $0xFFFFF086;
	s6 =	sadd.s32 @!p0 s3, s7;
	s7 =	simm.s32 @!p0 $0x108  }
0x21: {  	s3 =	sadd.s32 s3, s9;
	s6 =	sadd.s32 @!p0 $0x88, s6;
	s7 =	simm.s32 @p2 $0x1082  }
0x22: {  	[simem:s7], [sflag:s8] =	dma.local @!p0 [hbm:s6], $0xF7A  }
0x23: {  	s9 =	sor.u32 $0xD0000000, s2;
	s6 =	simm.s32 $0x108;
	_ =	swait.ge @!p0 [sflag:s8], $0x0  }
0x24: {  	s3 =	sadd.s32 $0x88, s3;
	s6 =	simm.s32 @!p1 $0x1082;
	[sflag:s4] =	ssyncset.s32 $0xFFFFF086  }
0x25: {  	[simem:s6], [sflag:s4] =	dma.local [hbm:s3], $0xF7A  }
0x26: {  	[smem:$0x3F70] =	sst s1;
	(tag) =	ssettag s2;
	_ =	strace s9  }
0x27: {  	s1 =	sld [smem:$0x3F80]  }
0x28: {  	s2 =	sld [smem:$0x3F81]  }
0x29: {  	s4 =	sld [smem:$0x3F83]  }
0x2a: {  	p0 =	seq.s32 s5, $0x0;
	s5 =	sld [smem:$0x3F84]  }
0x2b: {  	s6 =	sld [smem:$0x3F85]  }
0x2c: {  	s7 =	sld [smem:$0x3F86]  }
0x2d: {  	s3 =	simm.s32 $0x108;
	s8 =	sld [smem:$0x3F87]  }
0x2e: {  	s3 =	simm.s32 @!p0 $0x1082;
	s9 =	sld [smem:$0x3F88]  }
0x2f: {  	lr =	sadd.s32 s0, s3;
	s0 =	sld [smem:$0x3F7F]  }
0x30: {  	s3 =	sld [smem:$0x3F82]  }
0x31: {  	[smem:$0x3F8B] =	sst s10  }
0x32: {  	s10 =	sld [smem:$0x3F89];
	_ =	sdelay $0x3  }
0x33: {  	p0 =	seq.s32 s10, $0x1;
	s10 =	sld [smem:$0x3F8B];
	_ =	sdelay $0x3  }
0x34: {  	[smem:$0x3F8B] =	sst s10  }
0x35: {  	s10 =	sld [smem:$0x3F8A];
	_ =	sdelay $0x3  }
0x36: {  	p1 =	seq.s32 s10, $0x1;
	s10 =	sld [smem:$0x3F8B];
	_ =	sdelay $0x3  }
0x37: {  	[smem:$0x3F8B] =	sst s10  }
0x38: {  	s10 =	sld [smem:$0x3F8C]  }
0x39: {  	_ = 	snop;
	(pc) =	sbr.ind lr, $3  }
0x3a: {  	_ = 	snop  }
0x3b: {  	_ = 	snop  }
0x3c: {  	p2 =	seq.s32 s10, $0x1;
	s10 =	sld [smem:$0x3F8B]  }
0x3d: {  	_ =	shalt  }
0x3e: {  	_ =	shalt  }
0x3f: {  	_ =	shalt  }
0x40: {  	_ =	shalt  }
0x41: {  	_ =	shalt  }
0x42: {  	_ =	shalt  }
0x43: {  	_ =	shalt  }
0x44: {  	_ =	shalt  }
0x45: {  	_ =	shalt  }
0x46: {  	_ =	shalt  }
0x47: {  	_ =	shalt  }
0x48: {  	_ =	shalt  }
0x49: {  	_ =	shalt  }
0x4a: {  	_ =	shalt  }
0x4b: {  	_ =	shalt  }
0x4c: {  	_ =	shalt  }
0x4d: {  	_ =	shalt  }
0x4e: {  	_ =	shalt  }
0x4f: {  	_ =	shalt  }
0x50: {  	_ =	shalt  }
0x51: {  	_ =	shalt  }
0x52: {  	_ =	shalt  }
0x53: {  	_ =	shalt  }
0x54: {  	_ =	shalt  }
0x55: {  	_ =	shalt  }
0x56: {  	_ =	shalt  }
0x57: {  	_ =	shalt  }
0x58: {  	_ =	shalt  }
0x59: {  	_ =	shalt  }
0x5a: {  	_ =	shalt  }
0x5b: {  	_ =	shalt  }
0x5c: {  	_ =	shalt  }
0x5d: {  	_ =	shalt  }
0x5e: {  	_ =	shalt  }
0x5f: {  	_ =	shalt  }
0x60: {  	_ =	shalt  }
0x61: {  	_ =	shalt  }
0x62: {  	_ =	shalt  }
0x63: {  	_ =	shalt  }
0x64: {  	_ =	shalt  }
0x65: {  	_ =	shalt  }
0x66: {  	_ =	shalt  }
0x67: {  	_ =	shalt  }
0x68: {  	_ =	shalt  }
0x69: {  	_ =	shalt  }
0x6a: {  	_ =	shalt  }
0x6b: {  	_ =	shalt  }
0x6c: {  	_ =	shalt  }
0x6d: {  	_ =	shalt  }
0x6e: {  	_ =	shalt  }
0x6f: {  	_ =	shalt  }
0x70: {  	_ =	shalt  }
0x71: {  	_ =	shalt  }
0x72: {  	_ =	shalt  }
0x73: {  	_ =	shalt  }
0x74: {  	_ =	shalt  }
0x75: {  	_ =	shalt  }
0x76: {  	_ =	shalt  }
0x77: {  	_ =	shalt  }
0x78: {  	_ =	shalt  }
0x79: {  	_ =	shalt  }
0x7a: {  	_ =	shalt  }
0x7b: {  	_ =	shalt  }
0x7c: {  	_ =	shalt  }
0x7d: {  	_ =	shalt  }
0x7e: {  	_ =	shalt  }
0x7f: {  	_ =	shalt  }
0x80: {  	_ =	shalt  }
0x81: {  	_ =	shalt  }
0x82: {  	_ =	shalt  }
0x83: {  	_ =	shalt  }
0x84: {  	_ =	shalt  }
0x85: {  	_ =	shalt  }
0x86: {  	_ =	shalt  }
0x87: {  	_ =	shalt  }
.Lfunc_end0:
.L_simem_size_0:
called_computation_lowered:
.L_overlay_start_0:
0x88: {  	s2 =	sld [smem:$0x3FD9]  }
0x89: {  	s3 =	sld [smem:$0x3FFE];
	_ =	sdelay $0x1  }
0x8a: {  	s1 =	srdreg.scid  }
0x8b: {  	s0 =	sand.u32 $0x1, s1  }
0x8c: {  	s16 =	sshll.u32 s0, $0xA;
	s2 =	sadd.s32 s3, s2  }
0x8d: {  	s2 =	sadd.s32 s2, s16  }
0x8e: {  	[smem:$0x3F97] =	sst s2  }
0x8f: {  	_ = 	snop  }
0x90: {  	(tm) =	ssettm $0x1  }
0x91: {  	s17 =	sld [smem:$0x3FFB];
	_ =	sdelay $0x3  }
0x92: {  	_ =	strace s17  }
0x93: {  	s2 =	sld [smem:$0x3FFC];
	_ =	sdelay $0x3  }
0x94: {  	_ =	strace s2  }
0x95: {  	s2 =	sld [smem:$0x3FFD];
	_ =	sdelay $0x3  }
0x96: {  	_ =	strace s2  }
0x97: {  	_ =	strace $0x8FFFFFFF  }
0x98: {  	s18 =	sld [smem:$0x3FDB];
	_ =	sdelay $0x1  }
0x99: {  	s19 =	simm.s32 $_scs_section_size  }
0x9a: {  	s4 =	simm.s32 $_size__tile_overlayer_lowered;
	s5 =	simm.s32 $_tile_overlayer_lowered  }
0x9b: {  	s22 =	simm.s32 $0x1BFF;
	s21 =	sshll.u32 s5, $0x1;
	s2 =	sadd.s32 s19, s18  }
0x9c: {  	s6 =	simm.s32 $0x0;
	s20 =	sshll.u32 s4, $0x1;
	s4 =	sadd.s32 s21, s2  }
0x9d: {  	[timem:s6], [sflag:s22] =	dma.local [hbm:s4], s20  }
0x9e: {  	_ =	swait.ge [sflag:s22], s20  }
0x9f: {  	s3 =	ssub.s32 $0x0, s20;
	[sflag:s22] =	ssyncset.done $0x0  }
0xa0: {  	[sflag:s22] =	ssyncadd.s32 s3;
	_ =	sdelay $0x1  }
0xa1: {  	s23 =	simm.s32 $0x1B8B  }
0xa2: {  	_ =	swait.ge [sflag:s23], $0x1  }
0xa3: {  	[sflag:s23] =	ssyncset.done $0x0  }
0xa4: {  	s25 =	simm.s32 $0x1B8E;
	s24 =	sld [smem:$0x3FFE];
	[sflag:s23] =	ssyncadd.s32 $0xFFFFFFFF  }
0xa5: {  	s26 =	simm.s32 $execute0_lowered;
	[smem:$0x3FD2] =	sst s25  }
0xa6: {  	s4 =	sshll.u32 s26, $0x1;
	_ =	strace $0x80000046;
	[dreg:$0x1] =	wrdreg $0xFFFFFFFF  }
0xa7: {  	s28 =	simm.s32 $_size_execute0_lowered;
	s2 =	sadd.s32 s2, s4;
	[dreg:$0x0] =	wrdreg $0x0  }
0xa8: {  	s4 =	sshll.u32 s28, $0x1;
	[dreg:$0x2] =	wrdreg s2  }
0xa9: {  	[dreg:$0x3] =	wrdreg s4  }
0xaa: {  	[dreg:$0x4] =	wrdreg $0xC0  }
0xab: {  	_ =	task [dreg:s6], $0x5FFFF  }
0xac: {  	[dreg:$0x1] =	wrdreg $0xFFFFFFFF  }
0xad: {  	[dreg:$0x0] =	wrdreg $0x60  }
0xae: {  	[dreg:$0x2] =	wrdreg s24  }
0xaf: {  	[dreg:$0x3] =	wrdreg $0x9  }
0xb0: {  	_ =	task.clear_ibuf [dreg:s6], $0x4FFFF;
	_ =	strace $0x90000046  }
0xb1: {  	s29 =	simm.s32 $0x9;
	_ =	strace $0x80000048  }
0xb2: {  	_ =	swait.ge [sflag:s29], $0x1  }
0xb3: {  	[sflag:s29] =	ssyncadd.s32 $0xFFFFFFFF  }
0xb4: {  	_ =	strace $0x90000048  }
0xb5: {  	_ =	sfence  }
0xb6: {  	s30 =	sld [smem:$0x0];
	_ =	sdelay $0x2  }
0xb7: {  	s31 =	sshll.u32 s1, $0xD;
	s1 =	sshrl.u32 s1, $0x2  }
0xb8: {  	s3 =	sand.u32 $0x4000, s31;
	s1 =	sadd.s32 s1, s30  }
0xb9: {  	s0 =	sor.u32 s3, s0;
	s1 =	sshll.u32 s1, $0x11  }
0xba: {  	s0 =	sor.u32 s1, s0  }
0xbb: {  	s0 =	sadd.s32 $0x8F2B, s0  }
0xbc: {  	[sflag:s0] =	ssyncadd.remote.s32 $0x1  }
0xbd: {  	_ =	sfence.sel $0xFFFF  }
0xbe: {  	[dreg:$0x0] =	wrdreg $0xFFFFFFFF;
	(pc) =	sbr.abs _section_cstart, $3  }
0xbf: {  	[dreg:$0x1] =	wrdreg $0xFFFFFFFF  }
0xc0: {  	_ =	task.clear_ibuf [dreg:s6], $0x2FFFF;
	_ =	strace $0x9FFFFFFF  }
0xc1: {  	(tm) =	ssettm $0x7FFFFFFF  }
tec
execute0_lowered:
.L_overlay_start_1:
0x0: {  	(tag) =	ssettag $0x1  }
0x1: {  	s0 =	rddreg [dreg:$0x0]  }
0x2: {  	s4 =	stileid.u32;
	s1 =	srdreg.scid;
	s2 =	simm.s32 $0x0  }
0x3: {  	s28 =	simm.s32 $0x4380;
	s29 =	simm.s32 $0x5B80;
	s30 =	simm.s32 $0x7380  }
0x4: {  	s31 =	simm.s32 $0x0;
	s3 =	sshll.u32 s4, $0x1;
	s1 =	sand.u32 $0x1, s1  }
0x5: {  	[smem:$0x7FF] =	sst s2;
	s6 =	sshrl.u32 s4, $0x1;
	s3 =	sand.u32 $0x2, s3  }
0x6: {  	s5 =	sshll.u32 s6, $0x8;
	s7 =	sshll.u32 s6, $0x2;
	_ =	strace $0x80000047  }
0x7: {  	s18 =	sshll.u32 s6, $0x9;
	s14 =	sshll.u32 s6, $0x3;
	s17 =	sor.u32 s1, s3  }
0x8: {  	s15 =	sshll.u32 s6, $0x4;
	s1 =	ssub.s32 $0x2, s1;
	s3 =	sshll.u32 s17, $0x6  }
0x9: {  	s4 =	sor.u32 s7, s17;
	s7 =	sadd.s32 s18, s0;
	s10 =	sshrl.u32 s1, $0x1  }
0xa: {  	s17 =	simm.s32 $0x1;
	s18 =	simm.s32 $0x1000;
	s5 =	sor.u32 s5, s3  }
0xb: {  	s4 =	smul.u32 $0x300, s4;
	s19 =	ssub.s32 s1, s10;
	s20 =	sadd.s32 $0x9600, s7  }
0xc: {  	s21 =	sadd.s32 $0xA600, s7;
	s5 =	sshrl.u32 s5, $0x3;
	[dreg:$0x2] =	wrdreg s20  }
0xd: {  	s22 =	sadd.s32 $0xB600, s7;
	[dreg:$0x3] =	wrdreg s21;
	s8 =	sadd.s32 s5, s0  }
0xe: {  	[dreg:$0x4] =	wrdreg s22;
	s16 =	smax.u32 s19, $0x1;
	s23 =	sadd.s32 $0x8E00, s8  }
0xf: {  	s19 =	simm.s32 $0x2000;
	s24 =	sadd.s32 $0x9000, s8;
	[dreg:$0x5] =	wrdreg s23  }
0x10: {  	s9 =	sadd.s32 s4, s0;
	s25 =	sadd.s32 $0x9200, s8;
	[dreg:$0x6] =	wrdreg s24  }
0x11: {  	v0 =	vlaneseq.u32;
	v1 =	vimm.s32 $0x0;
	vm0 =	vmmov $0x1;
	s4 =	sadd.s32 $0x3C600, s0;
	s26 =	sadd.s32 $0x9400, s8;
	[dreg:$0x7] =	wrdreg s25  }
0x12: {  	v2 =	vor.u32 $0x400, v0;
	v3 =	vor.u32 $0x800, v0;
	v4 =	vor.u32 $0xC00, v0;
	s5 =	sadd.s32 $0xC600, s0;
	s13 =	sadd.s32 $0x48600, s9;
	[dreg:$0x8] =	wrdreg s26  }
0x13: {  	v5 =	vor.u32 $0x1000, v0;
	v6 =	vor.u32 $0x1400, v0;
	v7 =	vor.u32 $0x10, v0;
	s24 =	simm.s32 $0x4200;
	s25 =	simm.s32 $0x4280;
	s26 =	simm.s32 $0x4300  }
.LBB2_1:
0x14: {  	s0 =	rddreg [dreg:$0x2]  }
0x15: {  	[tilespmem:s2], [sflag:$0x1] =	stream.linear.gather [hbm4b:s0+s2], $0x1000, $0x38;
	[tilespmem:$0xA380] =	vst v63  }
0x16: {  	_ =	swait.ge [sflag:s17], $0x1000  }
0x17: {  	[sflag:s17] =	ssyncset.done $0x0  }
0x18: {  	s8 =	rddreg [dreg:$0x3];
	[sflag:s17] =	ssyncadd.s32 $0xFFFFF000  }
0x19: {  	[tilespmem:s18], [sflag:$0x1] =	stream.linear.gather [hbm4b:s8+s2], $0x1000, $0x38;
	[tilespmem:$0xA380] =	vst v63  }
0x1a: {  	_ =	swait.ge [sflag:s17], $0x1000  }
0x1b: {  	[sflag:s17] =	ssyncset.done $0x0  }
0x1c: {  	s9 =	rddreg [dreg:$0x4];
	[sflag:s17] =	ssyncadd.s32 $0xFFFFF000  }
0x1d: {  	[tilespmem:s19], [sflag:$0x1] =	stream.linear.gather [hbm4b:s9+s2], $0x1000, $0x38;
	[tilespmem:$0xA380] =	vst v63  }
0x1e: {  	_ =	swait.ge [sflag:s17], $0x1000  }
0x1f: {  	[sflag:s17] =	ssyncset.done $0x0  }
0x20: {  	s1 =	simm.s32 $0x4000;
	s10 =	rddreg [dreg:$0x5];
	[sflag:s17] =	ssyncadd.s32 $0xFFFFF000  }
0x21: {  	[tilespmem:s1], [sflag:$0x1] =	stream.linear.gather [hbm4b:s10+s2], $0x40, $0x38;
	[tilespmem:$0xA380] =	vst v63  }
0x22: {  	_ =	swait.ge [sflag:s17], $0x40  }
0x23: {  	[sflag:s17] =	ssyncset.done $0x0  }
0x24: {  	s12 =	simm.s32 $0x4080;
	s11 =	rddreg [dreg:$0x6];
	[sflag:s17] =	ssyncadd.s32 $0xFFFFFFC0  }
0x25: {  	[tilespmem:s12], [sflag:$0x1] =	stream.linear.gather [hbm4b:s11+s2], $0x40, $0x38;
	[tilespmem:$0xA380] =	vst v63  }
0x26: {  	_ =	swait.ge [sflag:s17], $0x40  }
0x27: {  	[sflag:s17] =	ssyncset.done $0x0  }
0x28: {  	s21 =	simm.s32 $0x4100;
	s20 =	rddreg [dreg:$0x7];
	[sflag:s17] =	ssyncadd.s32 $0xFFFFFFC0  }
0x29: {  	[tilespmem:s21], [sflag:$0x1] =	stream.linear.gather [hbm4b:s20+s2], $0x40, $0x38;
	[tilespmem:$0xA380] =	vst v63  }
0x2a: {  	_ =	swait.ge [sflag:s17], $0x40  }
0x2b: {  	[sflag:s17] =	ssyncset.done $0x0  }
0x2c: {  	s23 =	simm.s32 $0x4180;
	s22 =	rddreg [dreg:$0x8];
	[sflag:s17] =	ssyncadd.s32 $0xFFFFFFC0  }
0x2d: {  	[tilespmem:s23], [sflag:$0x1] =	stream.linear.gather [hbm4b:s22+s2], $0x40, $0x38;
	[tilespmem:$0xA380] =	vst v63  }
0x2e: {  	_ =	swait.ge [sflag:s17], $0x40  }
0x2f: {  	[sflag:s17] =	ssyncset.done $0x0  }
0x30: {  	s0 =	simm.s32 $0x0;
	[sflag:s17] =	ssyncadd.s32 $0xFFFFFFC0  }
0x31: {  	v8 =	vld [tilespmem:s0+$0x0]  }
0x32: {  	v9 =	vld [tilespmem:s0+$0x1000]  }
0x33: {  	v10 =	vld [tilespmem:s0+$0x2000];
	_ =	sdelay $0x2  }
0x34: {  	s1 =	simm.s32 $0x10  }
0x35: {  	v11 =	vmul.f32 v8, v8;
	v9 =	vmul.f32 v9, v9;
	v8 =	vld [tilespmem:s1+$0x0]  }
0x36: {  	v12 =	vmul.f32 v10, v10;
	v10 =	vld [tilespmem:s1+$0x1000]  }
0x37: {  	v11 =	vadd.f32 v9, v11  }
0x38: {  	v9 =	vld [tilespmem:s1+$0x2000]  }
0x39: {  	s6 =	simm.s32 $0x80;
	v11 =	vadd.f32 v12, v11  }
.LBB2_2:
0x3a: {  	s7 =	sshra.s32 s6, $0x2;
	p0 =	sne.s32 s6, $0x3FC0  }
.Ltmp0:
0x3b: {  	s6 =	sadd.s32 $0x40, s6;
	v12 =	vmul.f32 v8, v8;
	v8 =	vld [tilespmem:s7+$0x0];
	v13 =	vmul.f32 v10, v10;
	[tilespmem:s0+$0x3000] =	vst v11;
	(pc) =	sbr.rel @p0 .LBB2_2-.Ltmp0, $4  }
0x3c: {  	s0 =	smov.u32 s1;
	s1 =	smov.u32 s7;
	v10 =	vld [tilespmem:s7+$0x1000]  }
0x3d: {  	v11 =	vadd.f32 v13, v12;
	v12 =	vmul.f32 v9, v9  }
0x3e: {  	v9 =	vld [tilespmem:s1+$0x2000]  }
0x3f: {  	v11 =	vadd.f32 v12, v11  }
0x40: {  	_ = 	snop  }
0x41: {  	v8 =	vmul.f32 v8, v8;
	v10 =	vmul.f32 v10, v10;
	_ =	sdelay $0x1  }
0x42: {  	v8 =	vadd.f32 v10, v8;
	v9 =	vmul.f32 v9, v9;
	_ =	sdelay $0x1  }
0x43: {  	v8 =	vadd.f32 v9, v8  }
0x44: {  	[tilespmem:s0+$0x3000] =	vst v11  }
0x45: {  	s0 =	simm.s32 $0x0;
	[tilespmem:s1+$0x3000] =	vst v8;
	s1 =	simm.s32 $0x0  }
.LBB2_4:
0x46: {  	s6 =	sand.u32 $0x30, s1  }
0x47: {  	v8 =	vld [tilespmem:s6+$0x4000]  }
0x48: {  	v9 =	vld [tilespmem:s6+$0x4080]  }
0x49: {  	s20 =	sand.u32 $0xF, s1  }
0x4a: {  	v10 =	vld [tilespmem:s6+$0x4100];
	v11 =	vmov s20  }
0x4b: {  	vm1 =	veq.s32 v11, v0  }
0x4c: {  	v8 =	vnsel vm1, $0x0, v8  }
0x4d: {  	(xrf2) =	vadd.scan.msk.f32 $0xffff, v8;
	v8 =	vnsel vm1, $0x0, v9  }
0x4e: {  	v9 =	vld [tilespmem:s6+$0x4180];
	(xrf2) =	vadd.scan.msk.f32 $0xffff, v8  }
0x4f: {  	v8 =	vnsel vm1, $0x0, v10  }
0x50: {  	(xrf2) =	vadd.scan.msk.f32 $0xffff, v8;
	_ =	sdelay $0x2  }
0x51: {  	v8 =	vnsel vm1, $0x0, v9  }
0x52: {  	(xrf2) =	vadd.scan.msk.f32 $0xffff, v8  }
0x53: {  	s22 =	simm.s32 $0x1000;
	v11 =	vld [tilespmem:s0+$0x0]  }
0x54: {  	v12 =	vld [tilespmem:s22+$0x0]  }
0x55: {  	s23 =	simm.s32 $0x2000;
	v8, _, _ =	vpop (xrf2)  }
0x56: {  	v13 =	vld [tilespmem:s23+$0x0];
	v9, _, _ =	vpop (xrf2);
	v8 =	vbroadcast v8, $0xF  }
0x57: {  	v9 =	vbroadcast v9, $0xF  }
0x58: {  	v10, _, _ =	vpop (xrf2);
	v11 =	vmul.f32 v11, v8  }
0x59: {  	s6 =	simm.s32 $0x3000;
	v10 =	vbroadcast v10, $0xF;
	v12 =	vmul.f32 v12, v9  }
0x5a: {  	v14 =	vld [tilespmem:s6+$0x0]  }
0x5b: {  	v13 =	vmul.f32 v13, v10;
	v12 =	vadd.f32 v12, v11  }
0x5c: {  	v11, _, _ =	vpop (xrf2)  }
0x5d: {  	v11 =	vbroadcast v11, $0xF;
	v12 =	vadd.f32 v13, v12;
	_ =	sdelay $0x1  }
0x5e: {  	v13 =	vadd.f32 v14, v11;
	v12 =	vadd.f32 v12, v12;
	_ =	sdelay $0x1  }
0x5f: {  	v12 =	vsub.f32 v13, v12;
	_ =	sdelay $0x1  }
0x60: {  	vm1 =	vle.f32 v12, $9.999999770e-03  }
0x61: {  	vm3 =	vle.f32 v12, $3.999999910e-02;
	v13 =	vsel vm1, $0x1, v1  }
0x62: {  	vm4 =	vle.f32 v12, $1.599999960e-01;
	v14 =	vsel vm3, $0x1, v1;
	(xrf0) =	vadd.scan.msk.s32 $0xffff, v13  }
0x63: {  	v12 =	vsel vm4, $0x1, v1;
	(xrf0) =	vadd.scan.msk.s32 $0xffff, v14  }
0x64: {  	(xrf0) =	vadd.scan.msk.s32 $0xffff, v12;
	_ =	sdelay $0x1  }
0x65: {  	v12 =	vmov s0  }
0x66: {  	v12 =	vadd.s32 $0xFFFFFFFF, v12  }
0x67: {  	v12 =	vbroadcast v12, $0x0;
	v13, _, _ =	vpop (xrf0)  }
0x68: {  	(v2sf) =	vpush v13, $0xF;
	v14, _, _ =	vpop (xrf0)  }
0x69: {  	v13 =	vadd.s32 v13, v12;
	v15 =	vadd.s32 v14, v12;
	(v2sf) =	vpush v14, $0xF;
	v16, _, _ =	vpop (xrf0)  }
0x6a: {  	vm2 =	vlt.s32 v13, $0x10;
	vm5 =	vgt.s32 v13, $0x0;
	v14 =	vadd.s32 v16, v12  }
0x6b: {  	vm2 =	vmand vm1, vm2;
	vm1 =	vlt.s32 v15, $0x20;
	vm6 =	vgt.s32 v15, $0x0  }
0x6c: {  	v12 =	vnsel vm5, $0x0, v13;
	vm3 =	vmand vm3, vm1;
	vm1 =	vlt.s32 v14, $0x80  }
0x6d: {  	v13 =	vnsel vm6, $0x0, v15;
	vm1 =	vmand vm4, vm1;
	vm4 =	vgt.s32 v14, $0x0  }
0x6e: {  	(v2sf) =	vpush v16, $0xF;
	v14 =	vnsel vm4, $0x0, v14  }
0x6f: {  	s21 =	simm.s32 $0x10;
	s11 =	simm.s32 $0x20;
	s10 =	simm.s32 $0x0  }
0x70: {  	s8 =	simm.s32 $0x0;
	s9 =	simm.s32 $0x0;
	s7 =	simm.s32 $0x0;
	v15 =	vor.u32 s0, v0  }
.LBB2_5:
0x71: {  	p0 =	sne.s32 s11, $0xFF0;
	[tilespmem:v12+s24+$0x0] =	vst.idx.msk vm2, v15  }
0x72: {  	[tilespmem:v13+s25+$0x0] =	vst.idx.msk vm3, v15  }
0x73: {  	s10 =	sadd.s32 $0x10, s10;
	[tilespmem:v14+s26+$0x0] =	vst.idx.msk vm1, v15  }
0x74: {  	s22 =	sadd.s32 $0x10, s22;
	v12 =	vld [tilespmem:s10+$0x0]  }
0x75: {  	s23 =	sadd.s32 $0x10, s23;
	v13 =	vld [tilespmem:s22+$0x0]  }
0x76: {  	s6 =	sadd.s32 $0x10, s6;
	v14 =	vld [tilespmem:s23+$0x0]  }
0x77: {  	v15 =	vld [tilespmem:s6+$0x0];
	s12 =	spop (v2sf)  }
0x78: {  	s8 =	sadd.s32 s8, s12;
	s12 =	spop (v2sf)  }
0x79: {  	s9 =	sadd.s32 s9, s12  }
0x7a: {  	v12 =	vmul.f32 v12, v8;
	v13 =	vmul.f32 v13, v9;
	_ =	sdelay $0x1  }
0x7b: {  	v12 =	vadd.f32 v13, v12;
	v13 =	vmul.f32 v14, v10  }
0x7c: {  	s12 =	spop (v2sf)  }
0x7d: {  	v12 =	vadd.f32 v13, v12;
	s7 =	sadd.s32 s7, s12;
	_ =	sdelay $0x1  }
0x7e: {  	v13 =	vadd.f32 v15, v11;
	v12 =	vadd.f32 v12, v12;
	_ =	sdelay $0x1  }
0x7f: {  	v12 =	vsub.f32 v13, v12;
	_ =	sdelay $0x1  }
0x80: {  	vm2 =	vle.f32 v12, $9.999999770e-03  }
0x81: {  	vm3 =	vle.f32 v12, $3.999999910e-02;
	v13 =	vsel vm2, $0x1, v1  }
0x82: {  	vm1 =	vle.f32 v12, $1.599999960e-01;
	v14 =	vsel vm3, $0x1, v1;
	(xrf0) =	vadd.scan.msk.s32 $0xffff, v13  }
0x83: {  	v12 =	vsel vm1, $0x1, v1;
	(xrf0) =	vadd.scan.msk.s32 $0xffff, v14  }
0x84: {  	(xrf0) =	vadd.scan.msk.s32 $0xffff, v12;
	_ =	sdelay $0x1  }
0x85: {  	v13 =	vmov s9;
	v12 =	vmov s8  }
0x86: {  	v13 =	vadd.s32 $0xFFFFFFFF, v13;
	v14 =	vmov s7;
	v12 =	vadd.s32 $0xFFFFFFFF, v12  }
0x87: {  	v13 =	vbroadcast v13, $0x0;
	v14 =	vadd.s32 $0xFFFFFFFF, v14;
	v12 =	vbroadcast v12, $0x0;
	v15, _, _ =	vpop (xrf0)  }
0x88: {  	v14 =	vbroadcast v14, $0x0;
	(v2sf) =	vpush v15, $0xF;
	v16, _, _ =	vpop (xrf0)  }
0x89: {  	v12 =	vadd.s32 v15, v12;
	v13 =	vadd.s32 v16, v13;
	(v2sf) =	vpush v16, $0xF;
	v15, _, _ =	vpop (xrf0)  }
0x8a: {  	vm4 =	vlt.s32 v12, $0x10;
	vm5 =	vgt.s32 v12, $0x0;
	v14 =	vadd.s32 v15, v14  }
0x8b: {  	vm2 =	vmand vm2, vm4;
	vm4 =	vlt.s32 v13, $0x20;
	vm6 =	vgt.s32 v13, $0x0  }
.Ltmp1:
0x8c: {  	v12 =	vnsel vm5, $0x0, v12;
	vm3 =	vmand vm3, vm4;
	vm4 =	vlt.s32 v14, $0x80;
	(pc) =	sbr.rel @p0 .LBB2_5-.Ltmp1, $3  }
0x8d: {  	v13 =	vnsel vm6, $0x0, v13;
	vm1 =	vmand vm1, vm4;
	vm4 =	vgt.s32 v14, $0x0  }
0x8e: {  	v14 =	vnsel vm4, $0x0, v14;
	(v2sf) =	vpush v15, $0xF;
	_ =	sdelay $0x1  }
0x8f: {  	v15 =	vor.u32 s21, v0;
	s21 =	smov.u32 s11;
	s11 =	sadd.s32 $0x10, s11  }
0x90: {  	_ =	sdelay $0x4  }
0x91: {  	[tilespmem:v12+s24+$0x0] =	vst.idx.msk vm2, v15  }
0x92: {  	[tilespmem:v13+s25+$0x0] =	vst.idx.msk vm3, v15  }
0x93: {  	s10 =	sadd.s32 $0x10, s10;
	[tilespmem:v14+s26+$0x0] =	vst.idx.msk vm1, v15  }
0x94: {  	s11 =	sadd.s32 $0x10, s22;
	v12 =	vld [tilespmem:s10+$0x0]  }
0x95: {  	v13 =	vld [tilespmem:s11+$0x0]  }
0x96: {  	s12 =	sadd.s32 $0x10, s23  }
0x97: {  	v14 =	vld [tilespmem:s12+$0x0];
	_ =	sdelay $0x2  }
0x98: {  	s6 =	sadd.s32 $0x10, s6;
	v12 =	vmul.f32 v12, v8;
	v13 =	vmul.f32 v13, v9  }
0x99: {  	v15 =	vld [tilespmem:s6+$0x0]  }
0x9a: {  	v12 =	vadd.f32 v13, v12;
	v13 =	vmul.f32 v14, v10;
	_ =	sdelay $0x1  }
0x9b: {  	v12 =	vadd.f32 v13, v12;
	_ =	sdelay $0x1  }
0x9c: {  	v11 =	vadd.f32 v15, v11;
	v12 =	vadd.f32 v12, v12;
	_ =	sdelay $0x1  }
0x9d: {  	v11 =	vsub.f32 v11, v12;
	_ =	sdelay $0x1  }
0x9e: {  	vm3 =	vle.f32 v11, $9.999999770e-03  }
0x9f: {  	vm2 =	vle.f32 v11, $3.999999910e-02;
	v12 =	vsel vm3, $0x1, v1  }
0xa0: {  	vm1 =	vle.f32 v11, $1.599999960e-01;
	v13 =	vsel vm2, $0x1, v1;
	(xrf0) =	vadd.scan.msk.s32 $0xffff, v12  }
0xa1: {  	s22 =	spop (v2sf);
	v11 =	vsel vm1, $0x1, v1;
	(xrf0) =	vadd.scan.msk.s32 $0xffff, v13  }
0xa2: {  	s23 =	spop (v2sf);
	(xrf0) =	vadd.scan.msk.s32 $0xffff, v11  }
0xa3: {  	s11 =	sadd.s32 s8, s22;
	s8 =	sadd.s32 s9, s23;
	s10 =	spop (v2sf)  }
0xa4: {  	s6 =	sadd.s32 s7, s10;
	v12 =	vmov s8;
	v11 =	vmov s11  }
0xa5: {  	v12 =	vadd.s32 $0xFFFFFFFF, v12;
	v13 =	vmov s6;
	v11 =	vadd.s32 $0xFFFFFFFF, v11  }
0xa6: {  	v12 =	vbroadcast v12, $0x0;
	v13 =	vadd.s32 $0xFFFFFFFF, v13;
	v11 =	vbroadcast v11, $0x0;
	v14, _, _ =	vpop (xrf0)  }
0xa7: {  	v13 =	vbroadcast v13, $0x0;
	v15, _, _ =	vpop (xrf0)  }
0xa8: {  	v11 =	vadd.s32 v14, v11;
	v12 =	vadd.s32 v15, v12;
	v16, _, _ =	vpop (xrf0)  }
0xa9: {  	vm4 =	vlt.s32 v11, $0x10;
	vm5 =	vgt.s32 v11, $0x0;
	v13 =	vadd.s32 v16, v13  }
0xaa: {  	vm3 =	vmand vm3, vm4;
	vm13 =	vlt.s32 v12, $0x20;
	vm6 =	vgt.s32 v12, $0x0  }
0xab: {  	v11 =	vnsel vm5, $0x0, v11;
	vm2 =	vmand vm2, vm13;
	vm14 =	vlt.s32 v13, $0x80  }
0xac: {  	v12 =	vnsel vm6, $0x0, v12;
	vm15 =	vgt.s32 v13, $0x0;
	vm1 =	vmand vm1, vm14  }
0xad: {  	v13 =	vnsel vm15, $0x0, v13;
	_ =	sdelay $0x1  }
0xae: {  	(v2sf) =	vpush v14, $0xF;
	v14 =	vor.u32 s21, v0  }
0xaf: {  	[tilespmem:v11+s24+$0x0] =	vst.idx.msk vm3, v14  }
0xb0: {  	[tilespmem:v12+s25+$0x0] =	vst.idx.msk vm2, v14  }
0xb1: {  	[tilespmem:v13+s26+$0x0] =	vst.idx.msk vm1, v14  }
0xb2: {  	v11 =	vld [tilespmem:$0x4200];
	_ =	sdelay $0x4  }
0xb3: {  	v12 =	vnsel vm0, $0x0, v11  }
0xb4: {  	(xrf0) =	vadd.scan.msk.s32 $0xffff, v12;
	_ =	sdelay $0x4  }
0xb5: {  	s12 =	spop (v2sf)  }
0xb6: {  	s7 =	sadd.s32 s11, s12;
	v12, _, _ =	vpop (xrf0)  }
0xb7: {  	v13 =	vmov s7;
	v12 =	vbroadcast v12, $0xF  }
0xb8: {  	vm1 =	vgt.s32 v13, v0  }
0xb9: {  	v11 =	vsel vm1, v11, v12;
	_ =	sdelay $0x1  }
0xba: {  	(v2sf) =	vpush v15, $0xF;
	_ =	sdelay $0x1  }
0xbb: {  	(v2sf) =	vpush v16, $0xF  }
0xbc: {  	v12 =	vld.idx.msk [tilespmem:v11+s2+$0x0], $0xffff  }
0xbd: {  	s21 =	sshll.u32 s1, $0x4;
	v13 =	vld.idx.msk [tilespmem:v11+s18+$0x0], $0xffff  }
0xbe: {  	v14 =	vor.u32 s21, v0;
	v11 =	vld.idx.msk [tilespmem:v11+s19+$0x0], $0xffff  }
0xbf: {  	v15 =	vor.u32 s21, v2  }
0xc0: {  	v16 =	vor.u32 s21, v3  }
0xc1: {  	v18 =	vor.u32 s21, v4;
	v17 =	vsub.f32 v12, v8  }
0xc2: {  	v20 =	vor.u32 s21, v5;
	v19 =	vsub.f32 v13, v9  }
0xc3: {  	[tilespmem:v14+s28+$0x0] =	vst.idx.msk $0xffff, v17;
	v14 =	vsub.f32 v11, v10;
	v17 =	vor.u32 s21, v6  }
0xc4: {  	[tilespmem:v15+s28+$0x0] =	vst.idx.msk $0xffff, v19  }
0xc5: {  	[tilespmem:v16+s28+$0x0] =	vst.idx.msk $0xffff, v14  }
0xc6: {  	[tilespmem:v18+s28+$0x0] =	vst.idx.msk $0xffff, v12  }
0xc7: {  	p0 =	sne.s32 s1, $0x3F;
	[tilespmem:v20+s28+$0x0] =	vst.idx.msk $0xffff, v13  }
0xc8: {  	s9 =	simm.s32 @!p0 $0x0;
	s10 =	simm.s32 @!p0 $0x4380;
	s22 =	spop (v2sf);
	[tilespmem:v17+s28+$0x0] =	vst.idx.msk $0xffff, v11  }
0xc9: {  	[hbm4b:s13+s9] =	stream.linear.scatter @!p0 [tilespmem:s10], [sflag:$0x2], $0x1800, $0x38;
	[tilespmem:$0xA380] =	vst v63  }
0xca: {  	s23 =	spop (v2sf);
	s10 =	simm.s32 @!p0 $0x2  }
0xcb: {  	_ =	swait.ge @!p0 [sflag:s10], $0x1800  }
0xcc: {  	[sflag:s10] =	ssyncset.done @!p0 $0x0  }
0xcd: {  	[sflag:s10] =	ssyncadd.s32 @!p0 $0xFFFFE800  }
0xce: {  	v11 =	vld [tilespmem:$0x4280];
	_ =	sdelay $0x4  }
0xcf: {  	v12 =	vnsel vm0, $0x0, v11  }
0xd0: {  	(xrf0) =	vadd.scan.msk.s32 $0xffff, v12;
	_ =	sdelay $0x5  }
0xd1: {  	s7 =	sadd.s32 s8, s22;
	v12, _, _ =	vpop (xrf0)  }
0xd2: {  	v13 =	vmov s7;
	v12 =	vbroadcast v12, $0xF  }
0xd3: {  	vm1 =	vgt.s32 v13, v0  }
0xd4: {  	v11 =	vsel vm1, v11, v12;
	_ =	sdelay $0x2  }
0xd5: {  	s12 =	sand.u32 $0x1F, s1  }
0xd6: {  	s21 =	sshll.u32 s12, $0x5  }
0xd7: {  	v14 =	vmov s21;
	v15 =	vld.idx.msk [tilespmem:v11+s2+$0x0], $0xffff  }
0xd8: {  	v16 =	vor.u32 s21, v0;
	v14 =	vand.u32 $0x380, v14;
	v17 =	vld.idx.msk [tilespmem:v11+s18+$0x0], $0xffff  }
0xd9: {  	v19 =	vand.u32 $0x6F, v16;
	v18 =	vor.u32 $0x400, v14;
	v11 =	vld.idx.msk [tilespmem:v11+s19+$0x0], $0xffff  }
0xda: {  	v20 =	vor.u32 $0x800, v14;
	v21 =	vor.u32 v18, v19  }
0xdb: {  	v22 =	vor.u32 $0xC00, v14;
	v23 =	vor.u32 v20, v19  }
0xdc: {  	v24 =	vor.u32 $0x1000, v14;
	v26 =	vor.u32 v22, v19;
	v25 =	vsub.f32 v15, v8  }
0xdd: {  	v14 =	vor.u32 $0x1400, v14;
	v28 =	vor.u32 v24, v19;
	v27 =	vsub.f32 v17, v9  }
0xde: {  	v19 =	vor.u32 v14, v19;
	[tilespmem:v16+s29+$0x0] =	vst.idx.msk $0xffff, v25;
	v16 =	vsub.f32 v11, v10  }
0xdf: {  	[tilespmem:v21+s29+$0x0] =	vst.idx.msk $0xffff, v27  }
0xe0: {  	[tilespmem:v23+s29+$0x0] =	vst.idx.msk $0xffff, v16  }
0xe1: {  	[tilespmem:v26+s29+$0x0] =	vst.idx.msk $0xffff, v15  }
0xe2: {  	[tilespmem:v28+s29+$0x0] =	vst.idx.msk $0xffff, v17  }
0xe3: {  	[tilespmem:v19+s29+$0x0] =	vst.idx.msk $0xffff, v11  }
0xe4: {  	v11 =	vld [tilespmem:$0x4290];
	_ =	sdelay $0x3  }
0xe5: {  	vm1 =	vgt.s32 v13, v7  }
0xe6: {  	v11 =	vsel vm1, v11, v12;
	_ =	sdelay $0x4  }
0xe7: {  	v12 =	vld.idx.msk [tilespmem:v11+s2+$0x0], $0xffff  }
0xe8: {  	v15 =	vor.u32 s21, v7;
	v13 =	vld.idx.msk [tilespmem:v11+s18+$0x0], $0xffff  }
0xe9: {  	v16 =	vand.u32 $0x7F, v15;
	v11 =	vld.idx.msk [tilespmem:v11+s19+$0x0], $0xffff  }
0xea: {  	v17 =	vor.u32 v18, v16  }
0xeb: {  	v18 =	vor.u32 v20, v16  }
0xec: {  	v20 =	vor.u32 v22, v16;
	v19 =	vsub.f32 v12, v8  }
0xed: {  	v22 =	vor.u32 v24, v16;
	v21 =	vsub.f32 v13, v9  }
0xee: {  	s7 =	sor.u32 s3, s1;
	p0 =	sne.s32 s12, $0x1F;
	v14 =	vor.u32 v14, v16;
	[tilespmem:v15+s29+$0x0] =	vst.idx.msk $0xffff, v19;
	v15 =	vsub.f32 v11, v10  }
0xef: {  	s8 =	sshrl.u32 @!p0 s7, $0x5;
	[tilespmem:v17+s29+$0x0] =	vst.idx.msk $0xffff, v21  }
0xf0: {  	s8 =	sadd.s32 @!p0 s14, s8;
	[tilespmem:v18+s29+$0x0] =	vst.idx.msk $0xffff, v15  }
0xf1: {  	s8 =	smul.u32 @!p0 $0x300, s8;
	[tilespmem:v20+s29+$0x0] =	vst.idx.msk $0xffff, v12  }
0xf2: {  	[tilespmem:v22+s29+$0x0] =	vst.idx.msk $0xffff, v13  }
0xf3: {  	s10 =	simm.s32 @!p0 $0x0;
	s11 =	simm.s32 @!p0 $0x5B80;
	s8 =	sadd.s32 @!p0 s4, s8;
	[tilespmem:v14+s29+$0x0] =	vst.idx.msk $0xffff, v11  }
0xf4: {  	[hbm4b:s8+s10] =	stream.linear.scatter @!p0 [tilespmem:s11], [sflag:$0x2], $0x1800, $0x38;
	[tilespmem:$0xA380] =	vst v63  }
0xf5: {  	s8 =	simm.s32 @!p0 $0x2  }
0xf6: {  	_ =	swait.ge @!p0 [sflag:s8], $0x1800  }
0xf7: {  	[sflag:s8] =	ssyncset.done @!p0 $0x0  }
0xf8: {  	[sflag:s8] =	ssyncadd.s32 @!p0 $0xFFFFE800  }
0xf9: {  	v11 =	vld [tilespmem:$0x4300];
	_ =	sdelay $0x4  }
0xfa: {  	v11 =	vnsel vm0, $0x0, v11  }
0xfb: {  	(xrf0) =	vadd.scan.msk.s32 $0xffff, v11;
	_ =	sdelay $0x2  }
0xfc: {  	s8 =	simm.s32 $0x4300  }
0xfd: {  	v13 =	vld [tilespmem:s8+$0x0];
	_ =	sdelay $0x1  }
0xfe: {  	s22 =	simm.s32 $0x0;
	s6 =	sadd.s32 s6, s23;
	v12, _, _ =	vpop (xrf0)  }
0xff: {  	v20 =	vor.u32 s22, v0;
	v11 =	vmov s6;
	v12 =	vbroadcast v12, $0xF  }
0x100: {  	vm1 =	vlt.s32 v20, v11  }
0x101: {  	v15 =	vsel vm1, v13, v12;
	_ =	sdelay $0x4  }
0x102: {  	s23 =	sshll.u32 s20, $0x7;
	v21 =	vld.idx.msk [tilespmem:v15+s2+$0x0], $0xffff  }
0x103: {  	v13 =	vmov s23;
	v22 =	vld.idx.msk [tilespmem:v15+s18+$0x0], $0xffff  }
0x104: {  	v14 =	vor.u32 $0x800, v13;
	v18 =	vor.u32 v13, v20;
	v19 =	vld.idx.msk [tilespmem:v15+s19+$0x0], $0xffff  }
0x105: {  	v23 =	vor.u32 v14, v20;
	v15 =	vor.u32 $0x1000, v13  }
0x106: {  	v59 =	vor.u32 v15, v20  }
0x107: {  	v60 =	vsub.f32 v21, v8  }
0x108: {  	v16 =	vor.u32 $0x1800, v13;
	v62 =	vsub.f32 v22, v9  }
0x109: {  	v17 =	vor.u32 $0x2000, v13;
	v61 =	vor.u32 v16, v20;
	[tilespmem:v18+s30+$0x0] =	vst.idx.msk $0xffff, v60;
	v18 =	vsub.f32 v19, v10  }
0x10a: {  	v63 =	vor.u32 v17, v20;
	[tilespmem:v23+s30+$0x0] =	vst.idx.msk $0xffff, v62  }
0x10b: {  	[tilespmem:v59+s30+$0x0] =	vst.idx.msk $0xffff, v18;
	v18 =	vor.u32 $0x2800, v13  }
0x10c: {  	v20 =	vor.u32 v18, v20;
	_ =	sdelay $0x1  }
0x10d: {  	[tilespmem:v61+s30+$0x0] =	vst.idx.msk $0xffff, v21  }
0x10e: {  	s6 =	simm.s32 $0x10;
	[tilespmem:v63+s30+$0x0] =	vst.idx.msk $0xffff, v22  }
.LBB2_7:
0x10f: {  	p0 =	sne.s32 s6, $0x70  }
0x110: {  	[tilespmem:v20+s30+$0x0] =	vst.idx.msk $0xffff, v19;
	s8 =	sadd.s32 $0x10, s8;
	s9 =	smov.u32 s6;
	s6 =	sadd.s32 $0x10, s6  }
0x111: {  	v19 =	vld [tilespmem:s8+$0x0];
	_ =	sdelay $0x2  }
0x112: {  	v20 =	vor.u32 s9, v0  }
0x113: {  	vm1 =	vlt.s32 v20, v11  }
0x114: {  	v19 =	vsel vm1, v19, v12;
	_ =	sdelay $0x4  }
0x115: {  	v21 =	vld.idx.msk [tilespmem:v19+s2+$0x0], $0xffff  }
0x116: {  	v22 =	vld.idx.msk [tilespmem:v19+s18+$0x0], $0xffff  }
0x117: {  	v19 =	vld.idx.msk [tilespmem:v19+s19+$0x0], $0xffff  }
0x118: {  	v23 =	vor.u32 v13, v20  }
0x119: {  	v24 =	vor.u32 v14, v20  }
0x11a: {  	v25 =	vor.u32 v15, v20  }
0x11b: {  	v27 =	vor.u32 v16, v20;
	v26 =	vsub.f32 v21, v8  }
0x11c: {  	v29 =	vor.u32 v17, v20;
	v28 =	vsub.f32 v22, v9  }
.Ltmp2:
0x11d: {  	v20 =	vor.u32 v18, v20;
	[tilespmem:v23+s30+$0x0] =	vst.idx.msk $0xffff, v26;
	v23 =	vsub.f32 v19, v10;
	(pc) =	sbr.rel @p0 .LBB2_7-.Ltmp2, $4  }
0x11e: {  	[tilespmem:v24+s30+$0x0] =	vst.idx.msk $0xffff, v28  }
0x11f: {  	[tilespmem:v25+s30+$0x0] =	vst.idx.msk $0xffff, v23  }
0x120: {  	[tilespmem:v27+s30+$0x0] =	vst.idx.msk $0xffff, v21  }
0x121: {  	[tilespmem:v29+s30+$0x0] =	vst.idx.msk $0xffff, v22  }
0x122: {  	p0 =	sne.s32 s20, $0xF  }
0x123: {  	s6 =	sshrl.u32 @!p0 s7, $0x4  }
0x124: {  	s6 =	sadd.s32 @!p0 s15, s6  }
0x125: {  	s6 =	smul.u32 @!p0 $0x600, s6  }
0x126: {  	s1 =	sadd.s32 $0x1, s1;
	s7 =	simm.s32 @!p0 $0x0  }
0x127: {  	[tilespmem:v20+s30+$0x0] =	vst.idx.msk $0xffff, v19;
	s8 =	simm.s32 @!p0 $0x7380;
	p1 =	sne.s32 s1, $0x40;
	s6 =	sadd.s32 @!p0 s5, s6  }
0x128: {  	[hbm4b:s6+s7] =	stream.linear.scatter @!p0 [tilespmem:s8], [sflag:$0x1], $0x3000, $0x38;
	[tilespmem:$0xA380] =	vst v63  }
.Ltmp3:
0x129: {  	_ = 	snop;
	(pc) =	sbr.rel @p1 .LBB2_4-.Ltmp3, $4  }
0x12a: {  	s6 =	simm.s32 @!p0 $0x1  }
0x12b: {  	_ =	swait.ge @!p0 [sflag:s6], $0x3000  }
0x12c: {  	[sflag:s6] =	ssyncset.done @!p0 $0x0  }
0x12d: {  	[sflag:s6] =	ssyncadd.s32 @!p0 $0xFFFFD000  }
0x12e: {  	s31 =	sadd.s32 $0x1, s31  }
0x12f: {  	p0 =	sne.s32 s31, s16  }
.Ltmp4:
0x130: {  	_ = 	snop;
	(pc) =	sbr.rel @p0 .LBB2_1-.Ltmp4, $1  }
0x131: {  	_ =	sdelay $0x3  }
0x132: {  	_ =	sfence.sel $0x180000  }
0x133: {  	[bflag:$0x0] =	sbarrier.arrive $0xFFFF  }
0x134: {  	_ =	strace $0x90000047  }
0x135: {  	s0 =	stileid.u32;
	[bflag:$0x2] =	sbarrier.arrive $0xFFFF  }
0x136: {  	p0 =	sne.s32 s0, $0x0;
	s0 =	rddreg [dreg:$0x1]  }
0x137: {  	s0 =	sadd.s32 @!p0 $0x100000, s0  }
0x138: {  	[sflag:s0] =	ssyncadd.tile.s32 @!p0 $0x1;
	_ =	shalt  }
.Lfunc_end2:
_tile_overlayer_lowered:
.L_overlay_start_2:
0x139: {  	(tag) =	ssettag $0x2  }
0x13a: {  	s0 =	rddreg [dreg:$0x0];
	s2 =	stileid.u32  }
0x13b: {  	s1 =	rddreg [dreg:$0x1];
	p0 =	sne.s32 s2, $0x0  }
0x13c: {  	s3 =	rddreg [dreg:$0x2];
	[bflag:$0x3] =	sbarrier.arrive $0xFFFF;
	s2 =	simm.s32 @!p0 $0x1C01  }
0x13d: {  	[timem:s3], [sflag:s2] =	dma.local @!p0 [hbm:s0], s1  }
0x13e: {  	s0 =	simm.s32 @!p0 $0x1  }
0x13f: {  	_ =	swait.ge @!p0 [sflag:s0], s1  }
0x140: {  	s1 =	ssub.s32 @!p0 $0x0, s1;
	[sflag:s0] =	ssyncset.done @!p0 $0x0  }
0x141: {  	[sflag:s0] =	ssyncadd.s32 @!p0 s1  }
0x142: {  	[bflag:$0x3] =	sbarrier.arrive $0xFFFF  }
0x143: {  	_ =	shalt  }

// kernel: kernel.22.cloned.1.call-start
scs
__scs_entry_jumppad:
0x0: {  	(pc) =	sbr.rel $0x88, $3  }
0x1: {  	(tag) =	ssettag $0x0;
	lr =	simm.s32 $0x1  }
0x2: {  	[smem:$0x3F70] =	sst lr;
	_ =	strace $0xD0000000  }
0x3: {  	_ = 	snop  }
0x4: {  	_ = 	snop  }
0x5: {  	_ = 	snop  }
0x6: {  	_ = 	snop  }
0x7: {  	_ = 	snop  }
__scs_overlays_trampoline_lowered:
0x8: {  	[smem:$0x3F7F] =	sst s0  }
0x9: {  	[smem:$0x3F80] =	sst s1  }
0xa: {  	[smem:$0x3F81] =	sst s2  }
0xb: {  	[smem:$0x3F82] =	sst s3  }
0xc: {  	[smem:$0x3F83] =	sst s4  }
0xd: {  	[smem:$0x3F84] =	sst s5  }
0xe: {  	[smem:$0x3F85] =	sst s6  }
0xf: {  	[smem:$0x3F86] =	sst s7  }
0x10: {  	[smem:$0x3F87] =	sst s8  }
0x11: {  	[smem:$0x3F88] =	sst s9;
	s0 =	simm.s32 @!p0 $0x0  }
0x12: {  	s1 =	sld [smem:$0x3F6E];
	s0 =	simm.s32 @p0 $0x1  }
0x13: {  	[smem:$0x3F89] =	sst s0;
	s0 =	simm.s32 @!p1 $0x0  }
0x14: {  	s2 =	sld [smem:$0x3F6D];
	s0 =	simm.s32 @p1 $0x1  }
0x15: {  	[smem:$0x3F8A] =	sst s0;
	s0 =	simm.s32 @!p2 $0x0  }
0x16: {  	s3 =	sld [smem:$0x3FDB];
	s0 =	simm.s32 @p2 $0x1  }
0x17: {  	s4 =	simm.s32 $0x1BF5;
	[smem:$0x3F8C] =	sst s0  }
0x18: {  	s0 =	sld [smem:$0x3F6F];
	_ =	swait.ge [sflag:s4], $0x0  }
0x19: {  	s7 =	sld [smem:$0x3F70]  }
0x1a: {  	s8 =	sadd.s32 $0xFFFFE003, lr  }
0x1b: {  	s9 =	sadd.s32 $0xFFFFFEF7, lr;
	s5 =	simm.s32 $0xFFFFFFFF;
	p2 =	slt.u32 s8, $0xFFFFF086  }
0x1c: {  	p1 =	slt.u32 s9, $0xF7A;
	s5 =	simm.s32 @!p2 $0x0  }
0x1d: {  	s5 =	simm.s32 @p1 $0x1;
	p0 =	seq.s32 s7, s2  }
0x1e: {  	s7 =	smul.u32 @!p0 $0xF7A, s2;
	p2 =	seq.s32 @!p0 s5, $0x0  }
0x1f: {  	s9 =	smul.u32 $0xF7A, s1;
	s8 =	simm.s32 @!p0 $0x1BF5;
	p2 =	por !p2, p0  }
0x20: {  	[sflag:s8] =	ssyncset.s32 @!p0 $0xFFFFF086;
	s6 =	sadd.s32 @!p0 s3, s7;
	s7 =	simm.s32 @!p0 $0x108  }
0x21: {  	s3 =	sadd.s32 s3, s9;
	s6 =	sadd.s32 @!p0 $0x88, s6;
	s7 =	simm.s32 @p2 $0x1082  }
0x22: {  	[simem:s7], [sflag:s8] =	dma.local @!p0 [hbm:s6], $0xF7A  }
0x23: {  	s9 =	sor.u32 $0xD0000000, s2;
	s6 =	simm.s32 $0x108;
	_ =	swait.ge @!p0 [sflag:s8], $0x0  }
0x24: {  	s3 =	sadd.s32 $0x88, s3;
	s6 =	simm.s32 @!p1 $0x1082;
	[sflag:s4] =	ssyncset.s32 $0xFFFFF086  }
0x25: {  	[simem:s6], [sflag:s4] =	dma.local [hbm:s3], $0xF7A  }
0x26: {  	[smem:$0x3F70] =	sst s1;
	(tag) =	ssettag s2;
	_ =	strace s9  }
0x27: {  	s1 =	sld [smem:$0x3F80]  }
0x28: {  	s2 =	sld [smem:$0x3F81]  }
0x29: {  	s4 =	sld [smem:$0x3F83]  }
0x2a: {  	p0 =	seq.s32 s5, $0x0;
	s5 =	sld [smem:$0x3F84]  }
0x2b: {  	s6 =	sld [smem:$0x3F85]  }
0x2c: {  	s7 =	sld [smem:$0x3F86]  }
0x2d: {  	s3 =	simm.s32 $0x108;
	s8 =	sld [smem:$0x3F87]  }
0x2e: {  	s3 =	simm.s32 @!p0 $0x1082;
	s9 =	sld [smem:$0x3F88]  }
0x2f: {  	lr =	sadd.s32 s0, s3;
	s0 =	sld [smem:$0x3F7F]  }
0x30: {  	s3 =	sld [smem:$0x3F82]  }
0x31: {  	[smem:$0x3F8B] =	sst s10  }
0x32: {  	s10 =	sld [smem:$0x3F89];
	_ =	sdelay $0x3  }
0x33: {  	p0 =	seq.s32 s10, $0x1;
	s10 =	sld [smem:$0x3F8B];
	_ =	sdelay $0x3  }
0x34: {  	[smem:$0x3F8B] =	sst s10  }
0x35: {  	s10 =	sld [smem:$0x3F8A];
	_ =	sdelay $0x3  }
0x36: {  	p1 =	seq.s32 s10, $0x1;
	s10 =	sld [smem:$0x3F8B];
	_ =	sdelay $0x3  }
0x37: {  	[smem:$0x3F8B] =	sst s10  }
0x38: {  	s10 =	sld [smem:$0x3F8C]  }
0x39: {  	_ = 	snop;
	(pc) =	sbr.ind lr, $3  }
0x3a: {  	_ = 	snop  }
0x3b: {  	_ = 	snop  }
0x3c: {  	p2 =	seq.s32 s10, $0x1;
	s10 =	sld [smem:$0x3F8B]  }
0x3d: {  	_ =	shalt  }
0x3e: {  	_ =	shalt  }
0x3f: {  	_ =	shalt  }
0x40: {  	_ =	shalt  }
0x41: {  	_ =	shalt  }
0x42: {  	_ =	shalt  }
0x43: {  	_ =	shalt  }
0x44: {  	_ =	shalt  }
0x45: {  	_ =	shalt  }
0x46: {  	_ =	shalt  }
0x47: {  	_ =	shalt  }
0x48: {  	_ =	shalt  }
0x49: {  	_ =	shalt  }
0x4a: {  	_ =	shalt  }
0x4b: {  	_ =	shalt  }
0x4c: {  	_ =	shalt  }
0x4d: {  	_ =	shalt  }
0x4e: {  	_ =	shalt  }
0x4f: {  	_ =	shalt  }
0x50: {  	_ =	shalt  }
0x51: {  	_ =	shalt  }
0x52: {  	_ =	shalt  }
0x53: {  	_ =	shalt  }
0x54: {  	_ =	shalt  }
0x55: {  	_ =	shalt  }
0x56: {  	_ =	shalt  }
0x57: {  	_ =	shalt  }
0x58: {  	_ =	shalt  }
0x59: {  	_ =	shalt  }
0x5a: {  	_ =	shalt  }
0x5b: {  	_ =	shalt  }
0x5c: {  	_ =	shalt  }
0x5d: {  	_ =	shalt  }
0x5e: {  	_ =	shalt  }
0x5f: {  	_ =	shalt  }
0x60: {  	_ =	shalt  }
0x61: {  	_ =	shalt  }
0x62: {  	_ =	shalt  }
0x63: {  	_ =	shalt  }
0x64: {  	_ =	shalt  }
0x65: {  	_ =	shalt  }
0x66: {  	_ =	shalt  }
0x67: {  	_ =	shalt  }
0x68: {  	_ =	shalt  }
0x69: {  	_ =	shalt  }
0x6a: {  	_ =	shalt  }
0x6b: {  	_ =	shalt  }
0x6c: {  	_ =	shalt  }
0x6d: {  	_ =	shalt  }
0x6e: {  	_ =	shalt  }
0x6f: {  	_ =	shalt  }
0x70: {  	_ =	shalt  }
0x71: {  	_ =	shalt  }
0x72: {  	_ =	shalt  }
0x73: {  	_ =	shalt  }
0x74: {  	_ =	shalt  }
0x75: {  	_ =	shalt  }
0x76: {  	_ =	shalt  }
0x77: {  	_ =	shalt  }
0x78: {  	_ =	shalt  }
0x79: {  	_ =	shalt  }
0x7a: {  	_ =	shalt  }
0x7b: {  	_ =	shalt  }
0x7c: {  	_ =	shalt  }
0x7d: {  	_ =	shalt  }
0x7e: {  	_ =	shalt  }
0x7f: {  	_ =	shalt  }
0x80: {  	_ =	shalt  }
0x81: {  	_ =	shalt  }
0x82: {  	_ =	shalt  }
0x83: {  	_ =	shalt  }
0x84: {  	_ =	shalt  }
0x85: {  	_ =	shalt  }
0x86: {  	_ =	shalt  }
0x87: {  	_ =	shalt  }
.Lfunc_end0:
.L_simem_size_0:
called_computation.1_lowered:
.L_overlay_start_0:
0x88: {  	s2 =	sld [smem:$0x3FD9]  }
0x89: {  	s3 =	sld [smem:$0x3FFE];
	_ =	sdelay $0x1  }
0x8a: {  	s1 =	srdreg.scid  }
0x8b: {  	s0 =	sand.u32 $0x1, s1  }
0x8c: {  	s17 =	sshll.u32 s0, $0xA;
	s2 =	sadd.s32 s3, s2  }
0x8d: {  	s2 =	sadd.s32 s2, s17  }
0x8e: {  	[smem:$0x3F97] =	sst s2  }
0x8f: {  	_ = 	snop  }
0x90: {  	(tm) =	ssettm $0x1  }
0x91: {  	s18 =	sld [smem:$0x3FFB];
	_ =	sdelay $0x3  }
0x92: {  	_ =	strace s18  }
0x93: {  	s2 =	sld [smem:$0x3FFC];
	_ =	sdelay $0x3  }
0x94: {  	_ =	strace s2  }
0x95: {  	s2 =	sld [smem:$0x3FFD];
	_ =	sdelay $0x3  }
0x96: {  	_ =	strace s2  }
0x97: {  	_ =	strace $0x8FFFFFFF  }
0x98: {  	s19 =	sld [smem:$0x3FDB];
	_ =	sdelay $0x1  }
0x99: {  	s20 =	simm.s32 $_scs_section_size  }
0x9a: {  	s4 =	simm.s32 $_size__tile_overlayer_lowered;
	s5 =	simm.s32 $_tile_overlayer_lowered  }
0x9b: {  	s6 =	simm.s32 $0x1BFF;
	s21 =	sshll.u32 s5, $0x1;
	s3 =	sadd.s32 s20, s19  }
0x9c: {  	s22 =	simm.s32 $0x0;
	s4 =	sshll.u32 s4, $0x1;
	s5 =	sadd.s32 s21, s3  }
0x9d: {  	[timem:s22], [sflag:s6] =	dma.local [hbm:s5], s4  }
0x9e: {  	_ =	swait.ge [sflag:s6], s4  }
0x9f: {  	s4 =	ssub.s32 $0x0, s4;
	[sflag:s6] =	ssyncset.done $0x0  }
0xa0: {  	[sflag:s6] =	ssyncadd.s32 s4;
	_ =	sdelay $0x1  }
0xa1: {  	s23 =	simm.s32 $0x1B8B  }
0xa2: {  	_ =	swait.ge [sflag:s23], $0x1  }
0xa3: {  	[sflag:s23] =	ssyncset.done $0x0  }
0xa4: {  	[sflag:s23] =	ssyncadd.s32 $0xFFFFFFFF  }
0xa5: {  	s4 =	sld [smem:$0x0]  }
0xa6: {  	s5 =	sand.u32 $0xFFFFFFFE, s1  }
0xa7: {  	p0 =	sne.s32 s1, s5  }
0xa8: {  	s5 =	sshll.u32 @p0 s5, $0xE  }
0xa9: {  	s5 =	sadd.s32 @p0 $0x11B8D, s5;
	s6 =	sshll.u32 @p0 s4, $0x11  }
0xaa: {  	s5 =	sor.u32 @p0 s6, s5  }
0xab: {  	[sflag:s5] =	ssyncadd.remote.s32 @p0 $0x1;
	_ =	sdelay $0x1  }
0xac: {  	s5 =	simm.s32 @p0 $0x1B8D  }
0xad: {  	_ =	swait.eq @p0 [sflag:s5], $0x1  }
0xae: {  	[sflag:s5] =	ssyncadd.s32 @p0 $0xFFFFFFFF  }
0xaf: {  	s6 =	sshll.u32 @!p0 s1, $0xE  }
0xb0: {  	s6 =	sor.u32 @!p0 $0x4000, s6;
	s5 =	simm.s32 @!p0 $0x1B8D  }
0xb1: {  	s4 =	sshll.u32 @!p0 s4, $0x11;
	s6 =	sadd.s32 @!p0 $0x11B8D, s6;
	_ =	swait.eq @!p0 [sflag:s5], $0x1  }
0xb2: {  	s4 =	sor.u32 @!p0 s4, s6;
	[sflag:s5] =	ssyncadd.s32 @!p0 $0xFFFFFFFF  }
0xb3: {  	s25 =	simm.s32 $0x1B8E;
	s24 =	sld [smem:$0x3FFE];
	[sflag:s4] =	ssyncadd.remote.s32 @!p0 $0x1  }
0xb4: {  	s26 =	simm.s32 $execute0_lowered;
	[smem:$0x3FD2] =	sst s25  }
0xb5: {  	s5 =	sshll.u32 s26, $0x1;
	_ =	strace $0x80000049;
	[dreg:$0x1] =	wrdreg $0xFFFFFFFF  }
0xb6: {  	s28 =	simm.s32 $_size_execute0_lowered;
	s3 =	sadd.s32 s3, s5;
	[dreg:$0x0] =	wrdreg $0x0  }
0xb7: {  	s5 =	sshll.u32 s28, $0x1;
	[dreg:$0x2] =	wrdreg s3  }
0xb8: {  	[dreg:$0x3] =	wrdreg s5  }
0xb9: {  	[dreg:$0x4] =	wrdreg $0xC0  }
0xba: {  	_ =	task [dreg:s22], $0x5FFFF  }
0xbb: {  	[dreg:$0x1] =	wrdreg $0xFFFFFFFF  }
0xbc: {  	[dreg:$0x0] =	wrdreg $0x60  }
0xbd: {  	[dreg:$0x2] =	wrdreg s24  }
0xbe: {  	[dreg:$0x3] =	wrdreg $0xA  }
0xbf: {  	_ =	task.clear_ibuf [dreg:s22], $0x4FFFF;
	_ =	strace $0x90000049  }
0xc0: {  	s29 =	simm.s32 $0xA;
	_ =	strace $0x8000004B  }
0xc1: {  	_ =	swait.ge [sflag:s29], $0x1  }
0xc2: {  	[sflag:s29] =	ssyncadd.s32 $0xFFFFFFFF  }
0xc3: {  	_ =	strace $0x9000004B  }
0xc4: {  	_ =	sfence  }
0xc5: {  	s30 =	sld [smem:$0x0];
	_ =	sdelay $0x2  }
0xc6: {  	s31 =	sshll.u32 s1, $0xD;
	s1 =	sshrl.u32 s1, $0x2  }
0xc7: {  	s4 =	sand.u32 $0x4000, s31;
	s1 =	sadd.s32 s1, s30  }
0xc8: {  	s0 =	sor.u32 s4, s0;
	s1 =	sshll.u32 s1, $0x11  }
0xc9: {  	s0 =	sor.u32 s1, s0  }
0xca: {  	s0 =	sadd.s32 $0x8F2B, s0  }
0xcb: {  	[sflag:s0] =	ssyncadd.remote.s32 $0x1  }
0xcc: {  	_ =	sfence.sel $0xFFFF  }
0xcd: {  	[dreg:$0x0] =	wrdreg $0xFFFFFFFF;
	(pc) =	sbr.abs _section_cstart, $3  }
0xce: {  	[dreg:$0x1] =	wrdreg $0xFFFFFFFF  }
0xcf: {  	_ =	task.clear_ibuf [dreg:s22], $0x2FFFF;
	_ =	strace $0x9FFFFFFF  }
0xd0: {  	(tm) =	ssettm $0x7FFFFFFF  }
0xd1: {  	_ =	shalt  }
tec
execute0_lowered:
.L_overlay_start_1:
0x0: {  	(tag) =	ssettag $0x1  }
0x1: {  	s0 =	rddreg [dreg:$0x0]  }
0x2: {  	s4 =	stileid.u32;
	s1 =	srdreg.scid;
	s2 =	simm.s32 $0x0  }
0x3: {  	s28 =	simm.s32 $0x4380;
	s29 =	simm.s32 $0x5B80;
	s30 =	simm.s32 $0x7380  }
0x4: {  	s31 =	simm.s32 $0x0;
	s3 =	sshll.u32 s4, $0x1;
	s1 =	sand.u32 $0x1, s1  }
0x5: {  	[smem:$0x7FF] =	sst s2;
	s6 =	sshrl.u32 s4, $0x1;
	s3 =	sand.u32 $0x2, s3  }
0x6: {  	s5 =	sshll.u32 s6, $0x8;
	s7 =	sshll.u32 s6, $0x2;
	_ =	strace $0x8000004A  }
0x7: {  	s18 =	sshll.u32 s6, $0x9;
	s14 =	sshll.u32 s6, $0x3;
	s17 =	sor.u32 s1, s3  }
0x8: {  	s15 =	sshll.u32 s6, $0x4;
	s1 =	ssub.s32 $0x2, s1;
	s3 =	sshll.u32 s17, $0x6  }
0x9: {  	s4 =	sor.u32 s7, s17;
	s7 =	sadd.s32 s18, s0;
	s10 =	sshrl.u32 s1, $0x1  }
0xa: {  	s17 =	simm.s32 $0x1;
	s18 =	simm.s32 $0x1000;
	s5 =	sor.u32 s5, s3  }
0xb: {  	s4 =	smul.u32 $0x300, s4;
	s19 =	ssub.s32 s1, s10;
	s20 =	sadd.s32 $0x9600, s7  }
0xc: {  	s21 =	sadd.s32 $0xA600, s7;
	s5 =	sshrl.u32 s5, $0x3;
	[dreg:$0x2] =	wrdreg s20  }
0xd: {  	s22 =	sadd.s32 $0xB600, s7;
	[dreg:$0x3] =	wrdreg s21;
	s8 =	sadd.s32 s5, s0  }
0xe: {  	[dreg:$0x4] =	wrdreg s22;
	s16 =	smax.u32 s19, $0x1;
	s23 =	sadd.s32 $0x4E600, s8  }
0xf: {  	s19 =	simm.s32 $0x2000;
	s24 =	sadd.s32 $0x4E800, s8;
	[dreg:$0x5] =	wrdreg s23  }
0x10: {  	s9 =	sadd.s32 s4, s0;
	s25 =	sadd.s32 $0x4EA00, s8;
	[dreg:$0x6] =	wrdreg s24  }
0x11: {  	v0 =	vlaneseq.u32;
	v1 =	vimm.s32 $0x0;
	vm0 =	vmmov $0x1;
	s4 =	sadd.s32 $0x7EE00, s0;
	s26 =	sadd.s32 $0x4EC00, s8;
	[dreg:$0x7] =	wrdreg s25  }
0x12: {  	v2 =	vor.u32 $0x400, v0;
	v3 =	vor.u32 $0x800, v0;
	v4 =	vor.u32 $0xC00, v0;
	s5 =	sadd.s32 $0x4EE00, s0;
	s13 =	sadd.s32 $0x8AE00, s9;
	[dreg:$0x8] =	wrdreg s26  }
0x13: {  	v5 =	vor.u32 $0x1000, v0;
	v6 =	vor.u32 $0x1400, v0;
	v7 =	vor.u32 $0x10, v0;
	s24 =	simm.s32 $0x4200;
	s25 =	simm.s32 $0x4280;
	s26 =	simm.s32 $0x4300  }
.LBB2_1:
0x14: {  	s0 =	rddreg [dreg:$0x2]  }
0x15: {  	[tilespmem:s2], [sflag:$0x1] =	stream.linear.gather [hbm4b:s0+s2], $0x1000, $0x38;
	[tilespmem:$0xA380] =	vst v63  }
0x16: {  	_ =	swait.ge [sflag:s17], $0x1000  }
0x17: {  	[sflag:s17] =	ssyncset.done $0x0  }
0x18: {  	s8 =	rddreg [dreg:$0x3];
	[sflag:s17] =	ssyncadd.s32 $0xFFFFF000  }
0x19: {  	[tilespmem:s18], [sflag:$0x1] =	stream.linear.gather [hbm4b:s8+s2], $0x1000, $0x38;
	[tilespmem:$0xA380] =	vst v63  }
0x1a: {  	_ =	swait.ge [sflag:s17], $0x1000  }
0x1b: {  	[sflag:s17] =	ssyncset.done $0x0  }
0x1c: {  	s9 =	rddreg [dreg:$0x4];
	[sflag:s17] =	ssyncadd.s32 $0xFFFFF000  }
0x1d: {  	[tilespmem:s19], [sflag:$0x1] =	stream.linear.gather [hbm4b:s9+s2], $0x1000, $0x38;
	[tilespmem:$0xA380] =	vst v63  }
0x1e: {  	_ =	swait.ge [sflag:s17], $0x1000  }
0x1f: {  	[sflag:s17] =	ssyncset.done $0x0  }
0x20: {  	s1 =	simm.s32 $0x4000;
	s10 =	rddreg [dreg:$0x5];
	[sflag:s17] =	ssyncadd.s32 $0xFFFFF000  }
0x21: {  	[tilespmem:s1], [sflag:$0x1] =	stream.linear.gather [hbm4b:s10+s2], $0x40, $0x38;
	[tilespmem:$0xA380] =	vst v63  }
0x22: {  	_ =	swait.ge [sflag:s17], $0x40  }
0x23: {  	[sflag:s17] =	ssyncset.done $0x0  }
0x24: {  	s12 =	simm.s32 $0x4080;
	s11 =	rddreg [dreg:$0x6];
	[sflag:s17] =	ssyncadd.s32 $0xFFFFFFC0  }
0x25: {  	[tilespmem:s12], [sflag:$0x1] =	stream.linear.gather [hbm4b:s11+s2], $0x40, $0x38;
	[tilespmem:$0xA380] =	vst v63  }
0x26: {  	_ =	swait.ge [sflag:s17], $0x40  }
0x27: {  	[sflag:s17] =	ssyncset.done $0x0  }
0x28: {  	s21 =	simm.s32 $0x4100;
	s20 =	rddreg [dreg:$0x7];
	[sflag:s17] =	ssyncadd.s32 $0xFFFFFFC0  }
0x29: {  	[tilespmem:s21], [sflag:$0x1] =	stream.linear.gather [hbm4b:s20+s2], $0x40, $0x38;
	[tilespmem:$0xA380] =	vst v63  }
0x2a: {  	_ =	swait.ge [sflag:s17], $0x40  }
0x2b: {  	[sflag:s17] =	ssyncset.done $0x0  }
0x2c: {  	s23 =	simm.s32 $0x4180;
	s22 =	rddreg [dreg:$0x8];
	[sflag:s17] =	ssyncadd.s32 $0xFFFFFFC0  }
0x2d: {  	[tilespmem:s23], [sflag:$0x1] =	stream.linear.gather [hbm4b:s22+s2], $0x40, $0x38;
	[tilespmem:$0xA380] =	vst v63  }
0x2e: {  	_ =	swait.ge [sflag:s17], $0x40  }
0x2f: {  	[sflag:s17] =	ssyncset.done $0x0  }
0x30: {  	s0 =	simm.s32 $0x0;
	[sflag:s17] =	ssyncadd.s32 $0xFFFFFFC0  }
0x31: {  	v8 =	vld [tilespmem:s0+$0x0]  }
0x32: {  	v9 =	vld [tilespmem:s0+$0x1000]  }
0x33: {  	v10 =	vld [tilespmem:s0+$0x2000];
	_ =	sdelay $0x2  }
0x34: {  	s1 =	simm.s32 $0x10  }
0x35: {  	v11 =	vmul.f32 v8, v8;
	v9 =	vmul.f32 v9, v9;
	v8 =	vld [tilespmem:s1+$0x0]  }
0x36: {  	v12 =	vmul.f32 v10, v10;
	v10 =	vld [tilespmem:s1+$0x1000]  }
0x37: {  	v11 =	vadd.f32 v9, v11  }
0x38: {  	v9 =	vld [tilespmem:s1+$0x2000]  }
0x39: {  	s6 =	simm.s32 $0x80;
	v11 =	vadd.f32 v12, v11  }
.LBB2_2:
0x3a: {  	s7 =	sshra.s32 s6, $0x2;
	p0 =	sne.s32 s6, $0x3FC0  }
.Ltmp0:
0x3b: {  	s6 =	sadd.s32 $0x40, s6;
	v12 =	vmul.f32 v8, v8;
	v8 =	vld [tilespmem:s7+$0x0];
	v13 =	vmul.f32 v10, v10;
	[tilespmem:s0+$0x3000] =	vst v11;
	(pc) =	sbr.rel @p0 .LBB2_2-.Ltmp0, $4  }
0x3c: {  	s0 =	smov.u32 s1;
	s1 =	smov.u32 s7;
	v10 =	vld [tilespmem:s7+$0x1000]  }
0x3d: {  	v11 =	vadd.f32 v13, v12;
	v12 =	vmul.f32 v9, v9  }
0x3e: {  	v9 =	vld [tilespmem:s1+$0x2000]  }
0x3f: {  	v11 =	vadd.f32 v12, v11  }
0x40: {  	_ = 	snop  }
0x41: {  	v8 =	vmul.f32 v8, v8;
	v10 =	vmul.f32 v10, v10;
	_ =	sdelay $0x1  }
0x42: {  	v8 =	vadd.f32 v10, v8;
	v9 =	vmul.f32 v9, v9;
	_ =	sdelay $0x1  }
0x43: {  	v8 =	vadd.f32 v9, v8  }
0x44: {  	[tilespmem:s0+$0x3000] =	vst v11  }
0x45: {  	s0 =	simm.s32 $0x0;
	[tilespmem:s1+$0x3000] =	vst v8;
	s1 =	simm.s32 $0x0  }
.LBB2_4:
0x46: {  	s6 =	sand.u32 $0x30, s1  }
0x47: {  	v8 =	vld [tilespmem:s6+$0x4000]  }
0x48: {  	v9 =	vld [tilespmem:s6+$0x4080]  }
0x49: {  	s20 =	sand.u32 $0xF, s1  }
0x4a: {  	v10 =	vld [tilespmem:s6+$0x4100];
	v11 =	vmov s20  }
0x4b: {  	vm1 =	veq.s32 v11, v0  }
0x4c: {  	v8 =	vnsel vm1, $0x0, v8  }
0x4d: {  	(xrf2) =	vadd.scan.msk.f32 $0xffff, v8;
	v8 =	vnsel vm1, $0x0, v9  }
0x4e: {  	v9 =	vld [tilespmem:s6+$0x4180];
	(xrf2) =	vadd.scan.msk.f32 $0xffff, v8  }
0x4f: {  	v8 =	vnsel vm1, $0x0, v10  }
0x50: {  	(xrf2) =	vadd.scan.msk.f32 $0xffff, v8;
	_ =	sdelay $0x2  }
0x51: {  	v8 =	vnsel vm1, $0x0, v9  }
0x52: {  	(xrf2) =	vadd.scan.msk.f32 $0xffff, v8  }
0x53: {  	s22 =	simm.s32 $0x1000;
	v11 =	vld [tilespmem:s0+$0x0]  }
0x54: {  	v12 =	vld [tilespmem:s22+$0x0]  }
0x55: {  	s23 =	simm.s32 $0x2000;
	v8, _, _ =	vpop (xrf2)  }
0x56: {  	v13 =	vld [tilespmem:s23+$0x0];
	v9, _, _ =	vpop (xrf2);
	v8 =	vbroadcast v8, $0xF  }
0x57: {  	v9 =	vbroadcast v9, $0xF  }
0x58: {  	v10, _, _ =	vpop (xrf2);
	v11 =	vmul.f32 v11, v8  }
0x59: {  	s6 =	simm.s32 $0x3000;
	v10 =	vbroadcast v10, $0xF;
	v12 =	vmul.f32 v12, v9  }
0x5a: {  	v14 =	vld [tilespmem:s6+$0x0]  }
0x5b: {  	v13 =	vmul.f32 v13, v10;
	v12 =	vadd.f32 v12, v11  }
0x5c: {  	v11, _, _ =	vpop (xrf2)  }
0x5d: {  	v11 =	vbroadcast v11, $0xF;
	v12 =	vadd.f32 v13, v12;
	_ =	sdelay $0x1  }
0x5e: {  	v13 =	vadd.f32 v14, v11;
	v12 =	vadd.f32 v12, v12;
	_ =	sdelay $0x1  }
0x5f: {  	v12 =	vsub.f32 v13, v12;
	_ =	sdelay $0x1  }
0x60: {  	vm1 =	vle.f32 v12, $9.999999770e-03  }
0x61: {  	vm3 =	vle.f32 v12, $3.999999910e-02;
	v13 =	vsel vm1, $0x1, v1  }
0x62: {  	vm4 =	vle.f32 v12, $1.599999960e-01;
	v14 =	vsel vm3, $0x1, v1;
	(xrf0) =	vadd.scan.msk.s32 $0xffff, v13  }
0x63: {  	v12 =	vsel vm4, $0x1, v1;
	(xrf0) =	vadd.scan.msk.s32 $0xffff, v14  }
0x64: {  	(xrf0) =	vadd.scan.msk.s32 $0xffff, v12;
	_ =	sdelay $0x1  }
0x65: {  	v12 =	vmov s0  }
0x66: {  	v12 =	vadd.s32 $0xFFFFFFFF, v12  }
0x67: {  	v12 =	vbroadcast v12, $0x0;
	v13, _, _ =	vpop (xrf0)  }
0x68: {  	(v2sf) =	vpush v13, $0xF;
	v14, _, _ =	vpop (xrf0)  }
0x69: {  	v13 =	vadd.s32 v13, v12;
	v15 =	vadd.s32 v14, v12;
	(v2sf) =	vpush v14, $0xF;
	v16, _, _ =	vpop (xrf0)  }
0x6a: {  	vm2 =	vlt.s32 v13, $0x10;
	vm5 =	vgt.s32 v13, $0x0;
	v14 =	vadd.s32 v16, v12  }
0x6b: {  	vm2 =	vmand vm1, vm2;
	vm1 =	vlt.s32 v15, $0x20;
	vm6 =	vgt.s32 v15, $0x0  }
0x6c: {  	v12 =	vnsel vm5, $0x0, v13;
	vm3 =	vmand vm3, vm1;
	vm1 =	vlt.s32 v14, $0x80  }
0x6d: {  	v13 =	vnsel vm6, $0x0, v15;
	vm1 =	vmand vm4, vm1;
	vm4 =	vgt.s32 v14, $0x0  }
0x6e: {  	(v2sf) =	vpush v16, $0xF;
	v14 =	vnsel vm4, $0x0, v14  }
0x6f: {  	s21 =	simm.s32 $0x10;
	s11 =	simm.s32 $0x20;
	s10 =	simm.s32 $0x0  }
0x70: {  	s8 =	simm.s32 $0x0;
	s9 =	simm.s32 $0x0;
	s7 =	simm.s32 $0x0;
	v15 =	vor.u32 s0, v0  }
.LBB2_5:
0x71: {  	p0 =	sne.s32 s11, $0xFF0;
	[tilespmem:v12+s24+$0x0] =	vst.idx.msk vm2, v15  }
0x72: {  	[tilespmem:v13+s25+$0x0] =	vst.idx.msk vm3, v15  }
0x73: {  	s10 =	sadd.s32 $0x10, s10;
	[tilespmem:v14+s26+$0x0] =	vst.idx.msk vm1, v15  }
0x74: {  	s22 =	sadd.s32 $0x10, s22;
	v12 =	vld [tilespmem:s10+$0x0]  }
0x75: {  	s23 =	sadd.s32 $0x10, s23;
	v13 =	vld [tilespmem:s22+$0x0]  }
0x76: {  	s6 =	sadd.s32 $0x10, s6;
	v14 =	vld [tilespmem:s23+$0x0]  }
0x77: {  	v15 =	vld [tilespmem:s6+$0x0];
	s12 =	spop (v2sf)  }
0x78: {  	s8 =	sadd.s32 s8, s12;
	s12 =	spop (v2sf)  }
0x79: {  	s9 =	sadd.s32 s9, s12  }
0x7a: {  	v12 =	vmul.f32 v12, v8;
	v13 =	vmul.f32 v13, v9;
	_ =	sdelay $0x1  }
0x7b: {  	v12 =	vadd.f32 v13, v12;
	v13 =	vmul.f32 v14, v10  }
0x7c: {  	s12 =	spop (v2sf)  }
0x7d: {  	v12 =	vadd.f32 v13, v12;
	s7 =	sadd.s32 s7, s12;
	_ =	sdelay $0x1  }
0x7e: {  	v13 =	vadd.f32 v15, v11;
	v12 =	vadd.f32 v12, v12;
	_ =	sdelay $0x1  }
0x7f: {  	v12 =	vsub.f32 v13, v12;
	_ =	sdelay $0x1  }
0x80: {  	vm2 =	vle.f32 v12, $9.999999770e-03  }
0x81: {  	vm3 =	vle.f32 v12, $3.999999910e-02;
	v13 =	vsel vm2, $0x1, v1  }
0x82: {  	vm1 =	vle.f32 v12, $1.599999960e-01;
	v14 =	vsel vm3, $0x1, v1;
	(xrf0) =	vadd.scan.msk.s32 $0xffff, v13  }
0x83: {  	v12 =	vsel vm1, $0x1, v1;
	(xrf0) =	vadd.scan.msk.s32 $0xffff, v14  }
0x84: {  	(xrf0) =	vadd.scan.msk.s32 $0xffff, v12;
	_ =	sdelay $0x1  }
0x85: {  	v13 =	vmov s9;
	v12 =	vmov s8  }
0x86: {  	v13 =	vadd.s32 $0xFFFFFFFF, v13;
	v14 =	vmov s7;
	v12 =	vadd.s32 $0xFFFFFFFF, v12  }
0x87: {  	v13 =	vbroadcast v13, $0x0;
	v14 =	vadd.s32 $0xFFFFFFFF, v14;
	v12 =	vbroadcast v12, $0x0;
	v15, _, _ =	vpop (xrf0)  }
0x88: {  	v14 =	vbroadcast v14, $0x0;
	(v2sf) =	vpush v15, $0xF;
	v16, _, _ =	vpop (xrf0)  }
0x89: {  	v12 =	vadd.s32 v15, v12;
	v13 =	vadd.s32 v16, v13;
	(v2sf) =	vpush v16, $0xF;
	v15, _, _ =	vpop (xrf0)  }
0x8a: {  	vm4 =	vlt.s32 v12, $0x10;
	vm5 =	vgt.s32 v12, $0x0;
	v14 =	vadd.s32 v15, v14  }
0x8b: {  	vm2 =	vmand vm2, vm4;
	vm4 =	vlt.s32 v13, $0x20;
	vm6 =	vgt.s32 v13, $0x0  }
.Ltmp1:
0x8c: {  	v12 =	vnsel vm5, $0x0, v12;
	vm3 =	vmand vm3, vm4;
	vm4 =	vlt.s32 v14, $0x80;
	(pc) =	sbr.rel @p0 .LBB2_5-.Ltmp1, $3  }
0x8d: {  	v13 =	vnsel vm6, $0x0, v13;
	vm1 =	vmand vm1, vm4;
	vm4 =	vgt.s32 v14, $0x0  }
0x8e: {  	v14 =	vnsel vm4, $0x0, v14;
	(v2sf) =	vpush v15, $0xF;
	_ =	sdelay $0x1  }
0x8f: {  	v15 =	vor.u32 s21, v0;
	s21 =	smov.u32 s11;
	s11 =	sadd.s32 $0x10, s11  }
0x90: {  	_ =	sdelay $0x4  }
0x91: {  	[tilespmem:v12+s24+$0x0] =	vst.idx.msk vm2, v15  }
0x92: {  	[tilespmem:v13+s25+$0x0] =	vst.idx.msk vm3, v15  }
0x93: {  	s10 =	sadd.s32 $0x10, s10;
	[tilespmem:v14+s26+$0x0] =	vst.idx.msk vm1, v15  }
0x94: {  	s11 =	sadd.s32 $0x10, s22;
	v12 =	vld [tilespmem:s10+$0x0]  }
0x95: {  	v13 =	vld [tilespmem:s11+$0x0]  }
0x96: {  	s12 =	sadd.s32 $0x10, s23  }
0x97: {  	v14 =	vld [tilespmem:s12+$0x0];
	_ =	sdelay $0x2  }
0x98: {  	s6 =	sadd.s32 $0x10, s6;
	v12 =	vmul.f32 v12, v8;
	v13 =	vmul.f32 v13, v9  }
0x99: {  	v15 =	vld [tilespmem:s6+$0x0]  }
0x9a: {  	v12 =	vadd.f32 v13, v12;
	v13 =	vmul.f32 v14, v10;
	_ =	sdelay $0x1  }
0x9b: {  	v12 =	vadd.f32 v13, v12;
	_ =	sdelay $0x1  }
0x9c: {  	v11 =	vadd.f32 v15, v11;
	v12 =	vadd.f32 v12, v12;
	_ =	sdelay $0x1  }
0x9d: {  	v11 =	vsub.f32 v11, v12;
	_ =	sdelay $0x1  }
0x9e: {  	vm3 =	vle.f32 v11, $9.999999770e-03  }
0x9f: {  	vm2 =	vle.f32 v11, $3.999999910e-02;
	v12 =	vsel vm3, $0x1, v1  }
0xa0: {  	vm1 =	vle.f32 v11, $1.599999960e-01;
	v13 =	vsel vm2, $0x1, v1;
	(xrf0) =	vadd.scan.msk.s32 $0xffff, v12  }
0xa1: {  	s22 =	spop (v2sf);
	v11 =	vsel vm1, $0x1, v1;
	(xrf0) =	vadd.scan.msk.s32 $0xffff, v13  }
0xa2: {  	s23 =	spop (v2sf);
	(xrf0) =	vadd.scan.msk.s32 $0xffff, v11  }
0xa3: {  	s11 =	sadd.s32 s8, s22;
	s8 =	sadd.s32 s9, s23;
	s10 =	spop (v2sf)  }
0xa4: {  	s6 =	sadd.s32 s7, s10;
	v12 =	vmov s8;
	v11 =	vmov s11  }
0xa5: {  	v12 =	vadd.s32 $0xFFFFFFFF, v12;
	v13 =	vmov s6;
	v11 =	vadd.s32 $0xFFFFFFFF, v11  }
0xa6: {  	v12 =	vbroadcast v12, $0x0;
	v13 =	vadd.s32 $0xFFFFFFFF, v13;
	v11 =	vbroadcast v11, $0x0;
	v14, _, _ =	vpop (xrf0)  }
0xa7: {  	v13 =	vbroadcast v13, $0x0;
	v15, _, _ =	vpop (xrf0)  }
0xa8: {  	v11 =	vadd.s32 v14, v11;
	v12 =	vadd.s32 v15, v12;
	v16, _, _ =	vpop (xrf0)  }
0xa9: {  	vm4 =	vlt.s32 v11, $0x10;
	vm5 =	vgt.s32 v11, $0x0;
	v13 =	vadd.s32 v16, v13  }
0xaa: {  	vm3 =	vmand vm3, vm4;
	vm13 =	vlt.s32 v12, $0x20;
	vm6 =	vgt.s32 v12, $0x0  }
0xab: {  	v11 =	vnsel vm5, $0x0, v11;
	vm2 =	vmand vm2, vm13;
	vm14 =	vlt.s32 v13, $0x80  }
0xac: {  	v12 =	vnsel vm6, $0x0, v12;
	vm15 =	vgt.s32 v13, $0x0;
	vm1 =	vmand vm1, vm14  }
0xad: {  	v13 =	vnsel vm15, $0x0, v13;
	_ =	sdelay $0x1  }
0xae: {  	(v2sf) =	vpush v14, $0xF;
	v14 =	vor.u32 s21, v0  }
0xaf: {  	[tilespmem:v11+s24+$0x0] =	vst.idx.msk vm3, v14  }
0xb0: {  	[tilespmem:v12+s25+$0x0] =	vst.idx.msk vm2, v14  }
0xb1: {  	[tilespmem:v13+s26+$0x0] =	vst.idx.msk vm1, v14  }
0xb2: {  	v11 =	vld [tilespmem:$0x4200];
	_ =	sdelay $0x4  }
0xb3: {  	v12 =	vnsel vm0, $0x0, v11  }
0xb4: {  	(xrf0) =	vadd.scan.msk.s32 $0xffff, v12;
	_ =	sdelay $0x4  }
0xb5: {  	s12 =	spop (v2sf)  }
0xb6: {  	s7 =	sadd.s32 s11, s12;
	v12, _, _ =	vpop (xrf0)  }
0xb7: {  	v13 =	vmov s7;
	v12 =	vbroadcast v12, $0xF  }
0xb8: {  	vm1 =	vgt.s32 v13, v0  }
0xb9: {  	v11 =	vsel vm1, v11, v12;
	_ =	sdelay $0x1  }
0xba: {  	(v2sf) =	vpush v15, $0xF;
	_ =	sdelay $0x1  }
0xbb: {  	(v2sf) =	vpush v16, $0xF  }
0xbc: {  	v12 =	vld.idx.msk [tilespmem:v11+s2+$0x0], $0xffff  }
0xbd: {  	s21 =	sshll.u32 s1, $0x4;
	v13 =	vld.idx.msk [tilespmem:v11+s18+$0x0], $0xffff  }
0xbe: {  	v14 =	vor.u32 s21, v0;
	v11 =	vld.idx.msk [tilespmem:v11+s19+$0x0], $0xffff  }
0xbf: {  	v15 =	vor.u32 s21, v2  }
0xc0: {  	v16 =	vor.u32 s21, v3  }
0xc1: {  	v18 =	vor.u32 s21, v4;
	v17 =	vsub.f32 v12, v8  }
0xc2: {  	v20 =	vor.u32 s21, v5;
	v19 =	vsub.f32 v13, v9  }
0xc3: {  	[tilespmem:v14+s28+$0x0] =	vst.idx.msk $0xffff, v17;
	v14 =	vsub.f32 v11, v10;
	v17 =	vor.u32 s21, v6  }
0xc4: {  	[tilespmem:v15+s28+$0x0] =	vst.idx.msk $0xffff, v19  }
0xc5: {  	[tilespmem:v16+s28+$0x0] =	vst.idx.msk $0xffff, v14  }
0xc6: {  	[tilespmem:v18+s28+$0x0] =	vst.idx.msk $0xffff, v12  }
0xc7: {  	p0 =	sne.s32 s1, $0x3F;
	[tilespmem:v20+s28+$0x0] =	vst.idx.msk $0xffff, v13  }
0xc8: {  	s9 =	simm.s32 @!p0 $0x0;
	s10 =	simm.s32 @!p0 $0x4380;
	s22 =	spop (v2sf);
	[tilespmem:v17+s28+$0x0] =	vst.idx.msk $0xffff, v11  }
0xc9: {  	[hbm4b:s13+s9] =	stream.linear.scatter @!p0 [tilespmem:s10], [sflag:$0x2], $0x1800, $0x38;
	[tilespmem:$0xA380] =	vst v63  }
0xca: {  	s23 =	spop (v2sf);
	s10 =	simm.s32 @!p0 $0x2  }
0xcb: {  	_ =	swait.ge @!p0 [sflag:s10], $0x1800  }
0xcc: {  	[sflag:s10] =	ssyncset.done @!p0 $0x0  }
0xcd: {  	[sflag:s10] =	ssyncadd.s32 @!p0 $0xFFFFE800  }
0xce: {  	v11 =	vld [tilespmem:$0x4280];
	_ =	sdelay $0x4  }
0xcf: {  	v12 =	vnsel vm0, $0x0, v11  }
0xd0: {  	(xrf0) =	vadd.scan.msk.s32 $0xffff, v12;
	_ =	sdelay $0x5  }
0xd1: {  	s7 =	sadd.s32 s8, s22;
	v12, _, _ =	vpop (xrf0)  }
0xd2: {  	v13 =	vmov s7;
	v12 =	vbroadcast v12, $0xF  }
0xd3: {  	vm1 =	vgt.s32 v13, v0  }
0xd4: {  	v11 =	vsel vm1, v11, v12;
	_ =	sdelay $0x2  }
0xd5: {  	s12 =	sand.u32 $0x1F, s1  }
0xd6: {  	s21 =	sshll.u32 s12, $0x5  }
0xd7: {  	v14 =	vmov s21;
	v15 =	vld.idx.msk [tilespmem:v11+s2+$0x0], $0xffff  }
0xd8: {  	v16 =	vor.u32 s21, v0;
	v14 =	vand.u32 $0x380, v14;
	v17 =	vld.idx.msk [tilespmem:v11+s18+$0x0], $0xffff  }
0xd9: {  	v19 =	vand.u32 $0x6F, v16;
	v18 =	vor.u32 $0x400, v14;
	v11 =	vld.idx.msk [tilespmem:v11+s19+$0x0], $0xffff  }
0xda: {  	v20 =	vor.u32 $0x800, v14;
	v21 =	vor.u32 v18, v19  }
0xdb: {  	v22 =	vor.u32 $0xC00, v14;
	v23 =	vor.u32 v20, v19  }
0xdc: {  	v24 =	vor.u32 $0x1000, v14;
	v26 =	vor.u32 v22, v19;
	v25 =	vsub.f32 v15, v8  }
0xdd: {  	v14 =	vor.u32 $0x1400, v14;
	v28 =	vor.u32 v24, v19;
	v27 =	vsub.f32 v17, v9  }
0xde: {  	v19 =	vor.u32 v14, v19;
	[tilespmem:v16+s29+$0x0] =	vst.idx.msk $0xffff, v25;
	v16 =	vsub.f32 v11, v10  }
0xdf: {  	[tilespmem:v21+s29+$0x0] =	vst.idx.msk $0xffff, v27  }
0xe0: {  	[tilespmem:v23+s29+$0x0] =	vst.idx.msk $0xffff, v16  }
0xe1: {  	[tilespmem:v26+s29+$0x0] =	vst.idx.msk $0xffff, v15  }
0xe2: {  	[tilespmem:v28+s29+$0x0] =	vst.idx.msk $0xffff, v17  }
0xe3: {  	[tilespmem:v19+s29+$0x0] =	vst.idx.msk $0xffff, v11  }
0xe4: {  	v11 =	vld [tilespmem:$0x4290];
	_ =	sdelay $0x3  }
0xe5: {  	vm1 =	vgt.s32 v13, v7  }
0xe6: {  	v11 =	vsel vm1, v11, v12;
	_ =	sdelay $0x4  }
0xe7: {  	v12 =	vld.idx.msk [tilespmem:v11+s2+$0x0], $0xffff  }
0xe8: {  	v15 =	vor.u32 s21, v7;
	v13 =	vld.idx.msk [tilespmem:v11+s18+$0x0], $0xffff  }
0xe9: {  	v16 =	vand.u32 $0x7F, v15;
	v11 =	vld.idx.msk [tilespmem:v11+s19+$0x0], $0xffff  }
0xea: {  	v17 =	vor.u32 v18, v16  }
0xeb: {  	v18 =	vor.u32 v20, v16  }
0xec: {  	v20 =	vor.u32 v22, v16;
	v19 =	vsub.f32 v12, v8  }
0xed: {  	v22 =	vor.u32 v24, v16;
	v21 =	vsub.f32 v13, v9  }
0xee: {  	s7 =	sor.u32 s3, s1;
	p0 =	sne.s32 s12, $0x1F;
	v14 =	vor.u32 v14, v16;
	[tilespmem:v15+s29+$0x0] =	vst.idx.msk $0xffff, v19;
	v15 =	vsub.f32 v11, v10  }
0xef: {  	s8 =	sshrl.u32 @!p0 s7, $0x5;
	[tilespmem:v17+s29+$0x0] =	vst.idx.msk $0xffff, v21  }
0xf0: {  	s8 =	sadd.s32 @!p0 s14, s8;
	[tilespmem:v18+s29+$0x0] =	vst.idx.msk $0xffff, v15  }
0xf1: {  	s8 =	smul.u32 @!p0 $0x300, s8;
	[tilespmem:v20+s29+$0x0] =	vst.idx.msk $0xffff, v12  }
0xf2: {  	[tilespmem:v22+s29+$0x0] =	vst.idx.msk $0xffff, v13  }
0xf3: {  	s10 =	simm.s32 @!p0 $0x0;
	s11 =	simm.s32 @!p0 $0x5B80;
	s8 =	sadd.s32 @!p0 s4, s8;
	[tilespmem:v14+s29+$0x0] =	vst.idx.msk $0xffff, v11  }
0xf4: {  	[hbm4b:s8+s10] =	stream.linear.scatter @!p0 [tilespmem:s11], [sflag:$0x2], $0x1800, $0x38;
	[tilespmem:$0xA380] =	vst v63  }
0xf5: {  	s8 =	simm.s32 @!p0 $0x2  }
0xf6: {  	_ =	swait.ge @!p0 [sflag:s8], $0x1800  }
0xf7: {  	[sflag:s8] =	ssyncset.done @!p0 $0x0  }
0xf8: {  	[sflag:s8] =	ssyncadd.s32 @!p0 $0xFFFFE800  }
0xf9: {  	v11 =	vld [tilespmem:$0x4300];
	_ =	sdelay $0x4  }
0xfa: {  	v11 =	vnsel vm0, $0x0, v11  }
0xfb: {  	(xrf0) =	vadd.scan.msk.s32 $0xffff, v11;
	_ =	sdelay $0x2  }
0xfc: {  	s8 =	simm.s32 $0x4300  }
0xfd: {  	v13 =	vld [tilespmem:s8+$0x0];
	_ =	sdelay $0x1  }
0xfe: {  	s22 =	simm.s32 $0x0;
	s6 =	sadd.s32 s6, s23;
	v12, _, _ =	vpop (xrf0)  }
0xff: {  	v20 =	vor.u32 s22, v0;
	v11 =	vmov s6;
	v12 =	vbroadcast v12, $0xF  }
0x100: {  	vm1 =	vlt.s32 v20, v11  }
0x101: {  	v15 =	vsel vm1, v13, v12;
	_ =	sdelay $0x4  }
0x102: {  	s23 =	sshll.u32 s20, $0x7;
	v21 =	vld.idx.msk [tilespmem:v15+s2+$0x0], $0xffff  }
0x103: {  	v13 =	vmov s23;
	v22 =	vld.idx.msk [tilespmem:v15+s18+$0x0], $0xffff  }
0x104: {  	v14 =	vor.u32 $0x800, v13;
	v18 =	vor.u32 v13, v20;
	v19 =	vld.idx.msk [tilespmem:v15+s19+$0x0], $0xffff  }
0x105: {  	v23 =	vor.u32 v14, v20;
	v15 =	vor.u32 $0x1000, v13  }
0x106: {  	v59 =	vor.u32 v15, v20  }
0x107: {  	v60 =	vsub.f32 v21, v8  }
0x108: {  	v16 =	vor.u32 $0x1800, v13;
	v62 =	vsub.f32 v22, v9  }
0x109: {  	v17 =	vor.u32 $0x2000, v13;
	v61 =	vor.u32 v16, v20;
	[tilespmem:v18+s30+$0x0] =	vst.idx.msk $0xffff, v60;
	v18 =	vsub.f32 v19, v10  }
0x10a: {  	v63 =	vor.u32 v17, v20;
	[tilespmem:v23+s30+$0x0] =	vst.idx.msk $0xffff, v62  }
0x10b: {  	[tilespmem:v59+s30+$0x0] =	vst.idx.msk $0xffff, v18;
	v18 =	vor.u32 $0x2800, v13  }
0x10c: {  	v20 =	vor.u32 v18, v20;
	_ =	sdelay $0x1  }
0x10d: {  	[tilespmem:v61+s30+$0x0] =	vst.idx.msk $0xffff, v21  }
0x10e: {  	s6 =	simm.s32 $0x10;
	[tilespmem:v63+s30+$0x0] =	vst.idx.msk $0xffff, v22  }
.LBB2_7:
0x10f: {  	p0 =	sne.s32 s6, $0x70  }
0x110: {  	[tilespmem:v20+s30+$0x0] =	vst.idx.msk $0xffff, v19;
	s8 =	sadd.s32 $0x10, s8;
	s9 =	smov.u32 s6;
	s6 =	sadd.s32 $0x10, s6  }
0x111: {  	v19 =	vld [tilespmem:s8+$0x0];
	_ =	sdelay $0x2  }
0x112: {  	v20 =	vor.u32 s9, v0  }
0x113: {  	vm1 =	vlt.s32 v20, v11  }
0x114: {  	v19 =	vsel vm1, v19, v12;
	_ =	sdelay $0x4  }
0x115: {  	v21 =	vld.idx.msk [tilespmem:v19+s2+$0x0], $0xffff  }
0x116: {  	v22 =	vld.idx.msk [tilespmem:v19+s18+$0x0], $0xffff  }
0x117: {  	v19 =	vld.idx.msk [tilespmem:v19+s19+$0x0], $0xffff  }
0x118: {  	v23 =	vor.u32 v13, v20  }
0x119: {  	v24 =	vor.u32 v14, v20  }
0x11a: {  	v25 =	vor.u32 v15, v20  }
0x11b: {  	v27 =	vor.u32 v16, v20;
	v26 =	vsub.f32 v21, v8  }
0x11c: {  	v29 =	vor.u32 v17, v20;
	v28 =	vsub.f32 v22, v9  }
.Ltmp2:
0x11d: {  	v20 =	vor.u32 v18, v20;
	[tilespmem:v23+s30+$0x0] =	vst.idx.msk $0xffff, v26;
	v23 =	vsub.f32 v19, v10;
	(pc) =	sbr.rel @p0 .LBB2_7-.Ltmp2, $4  }
0x11e: {  	[tilespmem:v24+s30+$0x0] =	vst.idx.msk $0xffff, v28  }
0x11f: {  	[tilespmem:v25+s30+$0x0] =	vst.idx.msk $0xffff, v23  }
0x120: {  	[tilespmem:v27+s30+$0x0] =	vst.idx.msk $0xffff, v21  }
0x121: {  	[tilespmem:v29+s30+$0x0] =	vst.idx.msk $0xffff, v22  }
0x122: {  	p0 =	sne.s32 s20, $0xF  }
0x123: {  	s6 =	sshrl.u32 @!p0 s7, $0x4  }
0x124: {  	s6 =	sadd.s32 @!p0 s15, s6  }
0x125: {  	s6 =	smul.u32 @!p0 $0x600, s6  }
0x126: {  	s1 =	sadd.s32 $0x1, s1;
	s7 =	simm.s32 @!p0 $0x0  }
0x127: {  	[tilespmem:v20+s30+$0x0] =	vst.idx.msk $0xffff, v19;
	s8 =	simm.s32 @!p0 $0x7380;
	p1 =	sne.s32 s1, $0x40;
	s6 =	sadd.s32 @!p0 s5, s6  }
0x128: {  	[hbm4b:s6+s7] =	stream.linear.scatter @!p0 [tilespmem:s8], [sflag:$0x1], $0x3000, $0x38;
	[tilespmem:$0xA380] =	vst v63  }
.Ltmp3:
0x129: {  	_ = 	snop;
	(pc) =	sbr.rel @p1 .LBB2_4-.Ltmp3, $4  }
0x12a: {  	s6 =	simm.s32 @!p0 $0x1  }
0x12b: {  	_ =	swait.ge @!p0 [sflag:s6], $0x3000  }
0x12c: {  	[sflag:s6] =	ssyncset.done @!p0 $0x0  }
0x12d: {  	[sflag:s6] =	ssyncadd.s32 @!p0 $0xFFFFD000  }
0x12e: {  	s31 =	sadd.s32 $0x1, s31  }
0x12f: {  	p0 =	sne.s32 s31, s16  }
.Ltmp4:
0x130: {  	_ = 	snop;
	(pc) =	sbr.rel @p0 .LBB2_1-.Ltmp4, $1  }
0x131: {  	_ =	sdelay $0x3  }
0x132: {  	_ =	sfence.sel $0x180000  }
0x133: {  	[bflag:$0x0] =	sbarrier.arrive $0xFFFF  }
0x134: {  	_ =	strace $0x9000004A  }
0x135: {  	s0 =	stileid.u32;
	[bflag:$0x2] =	sbarrier.arrive $0xFFFF  }
0x136: {  	p0 =	sne.s32 s0, $0x0;
	s0 =	rddreg [dreg:$0x1]  }
0x137: {  	s0 =	sadd.s32 @!p0 $0x100000, s0  }
0x138: {  	[sflag:s0] =	ssyncadd.tile.s32 @!p0 $0x1;
	_ =	shalt  }
.Lfunc_end2:
_tile_overlayer_lowered:
.L_overlay_start_2:
0x139: {  	(tag) =	ssettag $0x2  }
0x13a: {  	s0 =	rddreg [dreg:$0x0];
	s2 =	stileid.u32  }
0x13b: {  	s1 =	rddreg [dreg:$0x1];
	p0 =	sne.s32 s2, $0x0  }
0x13c: {  	s3 =	rddreg [dreg:$0x2];
	[bflag:$0x3] =	sbarrier.arrive $0xFFFF;
	s2 =	simm.s32 @!p0 $0x1C01  }
0x13d: {  	[timem:s3], [sflag:s2] =	dma.local @!p0 [hbm:s0], s1  }
0x13e: {  	s0 =	simm.s32 @!p0 $0x1  }
0x13f: {  	_ =	swait.ge @!p0 [sflag:s0], s1  }
0x140: {  	s1 =	ssub.s32 @!p0 $0x0, s1;
	[sflag:s0] =	ssyncset.done @!p0 $0x0  }
0x141: {  	[sflag:s0] =	ssyncadd.s32 @!p0 s1  }
0x142: {  	[bflag:$0x3] =	sbarrier.arrive $0xFFFF  }
0x143: {  	_ =	shalt  }

// kernel: kernel.25.cloned.1.call-start
scs
__scs_entry_jumppad:
0x0: {  	(pc) =	sbr.rel $0x88, $3  }
0x1: {  	(tag) =	ssettag $0x0;
	lr =	simm.s32 $0x1  }
0x2: {  	[smem:$0x3F70] =	sst lr;
	_ =	strace $0xD0000000  }
0x3: {  	_ = 	snop  }
0x4: {  	_ = 	snop  }
0x5: {  	_ = 	snop  }
0x6: {  	_ = 	snop  }
0x7: {  	_ = 	snop  }
__scs_overlays_trampoline_lowered:
0x8: {  	[smem:$0x3F7F] =	sst s0  }
0x9: {  	[smem:$0x3F80] =	sst s1  }
0xa: {  	[smem:$0x3F81] =	sst s2  }
0xb: {  	[smem:$0x3F82] =	sst s3  }
0xc: {  	[smem:$0x3F83] =	sst s4  }
0xd: {  	[smem:$0x3F84] =	sst s5  }
0xe: {  	[smem:$0x3F85] =	sst s6  }
0xf: {  	[smem:$0x3F86] =	sst s7  }
0x10: {  	[smem:$0x3F87] =	sst s8  }
0x11: {  	[smem:$0x3F88] =	sst s9;
	s0 =	simm.s32 @!p0 $0x0  }
0x12: {  	s1 =	sld [smem:$0x3F6E];
	s0 =	simm.s32 @p0 $0x1  }
0x13: {  	[smem:$0x3F89] =	sst s0;
	s0 =	simm.s32 @!p1 $0x0  }
0x14: {  	s2 =	sld [smem:$0x3F6D];
	s0 =	simm.s32 @p1 $0x1  }
0x15: {  	[smem:$0x3F8A] =	sst s0;
	s0 =	simm.s32 @!p2 $0x0  }
0x16: {  	s3 =	sld [smem:$0x3FDB];
	s0 =	simm.s32 @p2 $0x1  }
0x17: {  	s4 =	simm.s32 $0x1BF5;
	[smem:$0x3F8C] =	sst s0  }
0x18: {  	s0 =	sld [smem:$0x3F6F];
	_ =	swait.ge [sflag:s4], $0x0  }
0x19: {  	s7 =	sld [smem:$0x3F70]  }
0x1a: {  	s8 =	sadd.s32 $0xFFFFE003, lr  }
0x1b: {  	s9 =	sadd.s32 $0xFFFFFEF7, lr;
	s5 =	simm.s32 $0xFFFFFFFF;
	p2 =	slt.u32 s8, $0xFFFFF086  }
0x1c: {  	p1 =	slt.u32 s9, $0xF7A;
	s5 =	simm.s32 @!p2 $0x0  }
0x1d: {  	s5 =	simm.s32 @p1 $0x1;
	p0 =	seq.s32 s7, s2  }
0x1e: {  	s7 =	smul.u32 @!p0 $0xF7A, s2;
	p2 =	seq.s32 @!p0 s5, $0x0  }
0x1f: {  	s9 =	smul.u32 $0xF7A, s1;
	s8 =	simm.s32 @!p0 $0x1BF5;
	p2 =	por !p2, p0  }
0x20: {  	[sflag:s8] =	ssyncset.s32 @!p0 $0xFFFFF086;
	s6 =	sadd.s32 @!p0 s3, s7;
	s7 =	simm.s32 @!p0 $0x108  }
0x21: {  	s3 =	sadd.s32 s3, s9;
	s6 =	sadd.s32 @!p0 $0x88, s6;
	s7 =	simm.s32 @p2 $0x1082  }
0x22: {  	[simem:s7], [sflag:s8] =	dma.local @!p0 [hbm:s6], $0xF7A  }
0x23: {  	s9 =	sor.u32 $0xD0000000, s2;
	s6 =	simm.s32 $0x108;
	_ =	swait.ge @!p0 [sflag:s8], $0x0  }
0x24: {  	s3 =	sadd.s32 $0x88, s3;
	s6 =	simm.s32 @!p1 $0x1082;
	[sflag:s4] =	ssyncset.s32 $0xFFFFF086  }
0x25: {  	[simem:s6], [sflag:s4] =	dma.local [hbm:s3], $0xF7A  }
0x26: {  	[smem:$0x3F70] =	sst s1;
	(tag) =	ssettag s2;
	_ =	strace s9  }
0x27: {  	s1 =	sld [smem:$0x3F80]  }
0x28: {  	s2 =	sld [smem:$0x3F81]  }
0x29: {  	s4 =	sld [smem:$0x3F83]  }
0x2a: {  	p0 =	seq.s32 s5, $0x0;
	s5 =	sld [smem:$0x3F84]  }
0x2b: {  	s6 =	sld [smem:$0x3F85]  }
0x2c: {  	s7 =	sld [smem:$0x3F86]  }
0x2d: {  	s3 =	simm.s32 $0x108;
	s8 =	sld [smem:$0x3F87]  }
0x2e: {  	s3 =	simm.s32 @!p0 $0x1082;
	s9 =	sld [smem:$0x3F88]  }
0x2f: {  	lr =	sadd.s32 s0, s3;
	s0 =	sld [smem:$0x3F7F]  }
0x30: {  	s3 =	sld [smem:$0x3F82]  }
0x31: {  	[smem:$0x3F8B] =	sst s10  }
0x32: {  	s10 =	sld [smem:$0x3F89];
	_ =	sdelay $0x3  }
0x33: {  	p0 =	seq.s32 s10, $0x1;
	s10 =	sld [smem:$0x3F8B];
	_ =	sdelay $0x3  }
0x34: {  	[smem:$0x3F8B] =	sst s10  }
0x35: {  	s10 =	sld [smem:$0x3F8A];
	_ =	sdelay $0x3  }
0x36: {  	p1 =	seq.s32 s10, $0x1;
	s10 =	sld [smem:$0x3F8B];
	_ =	sdelay $0x3  }
0x37: {  	[smem:$0x3F8B] =	sst s10  }
0x38: {  	s10 =	sld [smem:$0x3F8C]  }
0x39: {  	_ = 	snop;
	(pc) =	sbr.ind lr, $3  }
0x3a: {  	_ = 	snop  }
0x3b: {  	_ = 	snop  }
0x3c: {  	p2 =	seq.s32 s10, $0x1;
	s10 =	sld [smem:$0x3F8B]  }
0x3d: {  	_ =	shalt  }
0x3e: {  	_ =	shalt  }
0x3f: {  	_ =	shalt  }
0x40: {  	_ =	shalt  }
0x41: {  	_ =	shalt  }
0x42: {  	_ =	shalt  }
0x43: {  	_ =	shalt  }
0x44: {  	_ =	shalt  }
0x45: {  	_ =	shalt  }
0x46: {  	_ =	shalt  }
0x47: {  	_ =	shalt  }
0x48: {  	_ =	shalt  }
0x49: {  	_ =	shalt  }
0x4a: {  	_ =	shalt  }
0x4b: {  	_ =	shalt  }
0x4c: {  	_ =	shalt  }
0x4d: {  	_ =	shalt  }
0x4e: {  	_ =	shalt  }
0x4f: {  	_ =	shalt  }
0x50: {  	_ =	shalt  }
0x51: {  	_ =	shalt  }
0x52: {  	_ =	shalt  }
0x53: {  	_ =	shalt  }
0x54: {  	_ =	shalt  }
0x55: {  	_ =	shalt  }
0x56: {  	_ =	shalt  }
0x57: {  	_ =	shalt  }
0x58: {  	_ =	shalt  }
0x59: {  	_ =	shalt  }
0x5a: {  	_ =	shalt  }
0x5b: {  	_ =	shalt  }
0x5c: {  	_ =	shalt  }
0x5d: {  	_ =	shalt  }
0x5e: {  	_ =	shalt  }
0x5f: {  	_ =	shalt  }
0x60: {  	_ =	shalt  }
0x61: {  	_ =	shalt  }
0x62: {  	_ =	shalt  }
0x63: {  	_ =	shalt  }
0x64: {  	_ =	shalt  }
0x65: {  	_ =	shalt  }
0x66: {  	_ =	shalt  }
0x67: {  	_ =	shalt  }
0x68: {  	_ =	shalt  }
0x69: {  	_ =	shalt  }
0x6a: {  	_ =	shalt  }
0x6b: {  	_ =	shalt  }
0x6c: {  	_ =	shalt  }
0x6d: {  	_ =	shalt  }
0x6e: {  	_ =	shalt  }
0x6f: {  	_ =	shalt  }
0x70: {  	_ =	shalt  }
0x71: {  	_ =	shalt  }
0x72: {  	_ =	shalt  }
0x73: {  	_ =	shalt  }
0x74: {  	_ =	shalt  }
0x75: {  	_ =	shalt  }
0x76: {  	_ =	shalt  }
0x77: {  	_ =	shalt  }
0x78: {  	_ =	shalt  }
0x79: {  	_ =	shalt  }
0x7a: {  	_ =	shalt  }
0x7b: {  	_ =	shalt  }
0x7c: {  	_ =	shalt  }
0x7d: {  	_ =	shalt  }
0x7e: {  	_ =	shalt  }
0x7f: {  	_ =	shalt  }
0x80: {  	_ =	shalt  }
0x81: {  	_ =	shalt  }
0x82: {  	_ =	shalt  }
0x83: {  	_ =	shalt  }
0x84: {  	_ =	shalt  }
0x85: {  	_ =	shalt  }
0x86: {  	_ =	shalt  }
0x87: {  	_ =	shalt  }
.Lfunc_end0:
.L_simem_size_0:
called_computation.2_lowered:
.L_overlay_start_0:
0x88: {  	s2 =	sld [smem:$0x3FD9]  }
0x89: {  	s3 =	sld [smem:$0x3FFE];
	_ =	sdelay $0x1  }
0x8a: {  	s1 =	srdreg.scid  }
0x8b: {  	s0 =	sand.u32 $0x1, s1  }
0x8c: {  	s17 =	sshll.u32 s0, $0xA;
	s2 =	sadd.s32 s3, s2  }
0x8d: {  	s2 =	sadd.s32 s2, s17  }
0x8e: {  	[smem:$0x3F97] =	sst s2  }
0x8f: {  	_ = 	snop  }
0x90: {  	s18 =	sld [smem:$0x3FD0];
	(tm) =	ssettm $0x1  }
0x91: {  	s19 =	sld [smem:$0x3FFB];
	_ =	sdelay $0x3  }
0x92: {  	_ =	strace s19  }
0x93: {  	s2 =	sld [smem:$0x3FFC];
	_ =	sdelay $0x3  }
0x94: {  	_ =	strace s2  }
0x95: {  	s2 =	sld [smem:$0x3FFD];
	_ =	sdelay $0x3  }
0x96: {  	_ =	strace s2  }
0x97: {  	_ =	strace $0x8FFFFFFF  }
0x98: {  	s20 =	sld [smem:$0x3FDB];
	_ =	sdelay $0x1  }
0x99: {  	s4 =	simm.s32 $_scs_section_size  }
0x9a: {  	s5 =	simm.s32 $_size__tile_overlayer_lowered;
	s6 =	simm.s32 $_tile_overlayer_lowered  }
0x9b: {  	s7 =	simm.s32 $0x1BFF;
	s21 =	sshll.u32 s6, $0x1;
	s4 =	sadd.s32 s4, s20  }
0x9c: {  	s22 =	simm.s32 $0x0;
	s5 =	sshll.u32 s5, $0x1;
	s6 =	sadd.s32 s21, s4  }
0x9d: {  	[timem:s22], [sflag:s7] =	dma.local [hbm:s6], s5  }
0x9e: {  	_ =	swait.ge [sflag:s7], s5  }
0x9f: {  	s5 =	ssub.s32 $0x0, s5;
	[sflag:s7] =	ssyncset.done $0x0  }
0xa0: {  	[sflag:s7] =	ssyncadd.s32 s5;
	_ =	sdelay $0x1  }
0xa1: {  	s23 =	simm.s32 $0x1B8B  }
0xa2: {  	_ =	swait.ge [sflag:s23], $0x1  }
0xa3: {  	[sflag:s23] =	ssyncset.done $0x0  }
0xa4: {  	[sflag:s23] =	ssyncadd.s32 $0xFFFFFFFF  }
0xa5: {  	s5 =	sld [smem:$0x0]  }
0xa6: {  	s6 =	sand.u32 $0xFFFFFFFE, s1  }
0xa7: {  	p0 =	sne.s32 s1, s6  }
0xa8: {  	s6 =	sshll.u32 @p0 s6, $0xE  }
0xa9: {  	s6 =	sadd.s32 @p0 $0x11B8D, s6;
	s7 =	sshll.u32 @p0 s5, $0x11  }
0xaa: {  	s6 =	sor.u32 @p0 s7, s6  }
0xab: {  	[sflag:s6] =	ssyncadd.remote.s32 @p0 $0x1;
	_ =	sdelay $0x1  }
0xac: {  	s6 =	simm.s32 @p0 $0x1B8D  }
0xad: {  	_ =	swait.eq @p0 [sflag:s6], $0x1  }
0xae: {  	[sflag:s6] =	ssyncadd.s32 @p0 $0xFFFFFFFF  }
0xaf: {  	s7 =	sshll.u32 @!p0 s1, $0xE  }
0xb0: {  	s7 =	sor.u32 @!p0 $0x4000, s7;
	s6 =	simm.s32 @!p0 $0x1B8D  }
0xb1: {  	s5 =	sshll.u32 @!p0 s5, $0x11;
	s7 =	sadd.s32 @!p0 $0x11B8D, s7;
	_ =	swait.eq @!p0 [sflag:s6], $0x1  }
0xb2: {  	s5 =	sor.u32 @!p0 s5, s7;
	[sflag:s6] =	ssyncadd.s32 @!p0 $0xFFFFFFFF  }
0xb3: {  	s25 =	simm.s32 $0x1B8E;
	s24 =	sld [smem:$0x3FFE];
	[sflag:s5] =	ssyncadd.remote.s32 @!p0 $0x1  }
0xb4: {  	s26 =	simm.s32 $execute0_lowered;
	[smem:$0x3FD2] =	sst s25  }
0xb5: {  	s6 =	sshll.u32 s26, $0x1;
	_ =	strace $0x8000004C;
	[dreg:$0x1] =	wrdreg $0xFFFFFFFF  }
0xb6: {  	s28 =	simm.s32 $_size_execute0_lowered;
	s4 =	sadd.s32 s4, s6;
	[dreg:$0x0] =	wrdreg $0x0  }
0xb7: {  	s6 =	sshll.u32 s28, $0x1;
	[dreg:$0x2] =	wrdreg s4  }
0xb8: {  	[dreg:$0x3] =	wrdreg s6  }
0xb9: {  	[dreg:$0x4] =	wrdreg $0xC0  }
0xba: {  	_ =	task [dreg:s22], $0x5FFFF  }
0xbb: {  	[dreg:$0x1] =	wrdreg $0xFFFFFFFF  }
0xbc: {  	[dreg:$0x0] =	wrdreg $0x60  }
0xbd: {  	[dreg:$0x2] =	wrdreg s24  }
0xbe: {  	[dreg:$0x3] =	wrdreg s18  }
0xbf: {  	[dreg:$0x4] =	wrdreg $0xB  }
0xc0: {  	_ =	task.clear_ibuf [dreg:s22], $0x5FFFF;
	_ =	strace $0x9000004C  }
0xc1: {  	s29 =	simm.s32 $0xB;
	_ =	strace $0x8000004E  }
0xc2: {  	_ =	swait.ge [sflag:s29], $0x1  }
0xc3: {  	[sflag:s29] =	ssyncadd.s32 $0xFFFFFFFF  }
0xc4: {  	_ =	strace $0x9000004E  }
0xc5: {  	_ =	sfence  }
0xc6: {  	s30 =	sld [smem:$0x0];
	_ =	sdelay $0x2  }
0xc7: {  	s31 =	sshll.u32 s1, $0xD;
	s1 =	sshrl.u32 s1, $0x2  }
0xc8: {  	s4 =	sand.u32 $0x4000, s31;
	s1 =	sadd.s32 s1, s30  }
0xc9: {  	s0 =	sor.u32 s4, s0;
	s1 =	sshll.u32 s1, $0x11  }
0xca: {  	s0 =	sor.u32 s1, s0  }
0xcb: {  	s0 =	sadd.s32 $0x8F2B, s0  }
0xcc: {  	[sflag:s0] =	ssyncadd.remote.s32 $0x1  }
0xcd: {  	_ =	sfence.sel $0xFFFF  }
0xce: {  	[dreg:$0x0] =	wrdreg $0xFFFFFFFF;
	(pc) =	sbr.abs _section_cstart, $3  }
0xcf: {  	[dreg:$0x1] =	wrdreg $0xFFFFFFFF  }
0xd0: {  	_ =	task.clear_ibuf [dreg:s22], $0x2FFFF;
	_ =	strace $0x9FFFFFFF  }
0xd1: {  	(tm) =	ssettm $0x7FFFFFFF  }
tec
execute0_lowered:
.L_overlay_start_1:
0x0: {  	(tag) =	ssettag $0x1  }
0x1: {  	s3 =	stileid.u32;
	s0 =	rddreg [dreg:$0x0]  }
0x2: {  	s1 =	srdreg.scid;
	s10 =	rddreg [dreg:$0x1]  }
0x3: {  	s15 =	simm.s32 $0x1;
	s21 =	simm.s32 $0x980;
	s22 =	simm.s32 $0xA00  }
0x4: {  	s23 =	simm.s32 $0xA80;
	s24 =	simm.s32 $0xB00;
	s25 =	simm.s32 $0x0  }
0x5: {  	s26 =	simm.s32 $0x0;
	s2 =	sshll.u32 s3, $0x1;
	s1 =	sand.u32 $0x1, s1  }
0x6: {  	s4 =	sshrl.u32 s3, $0x1;
	s6 =	sadd.s32 $0x91A00, s0;
	s2 =	sand.u32 $0x2, s2  }
0x7: {  	s5 =	sshll.u32 s4, $0x7;
	s4 =	sshll.u32 s4, $0x6;
	s30 =	sor.u32 s1, s2  }
0x8: {  	s2 =	simm.s32 $0x0;
	s9 =	sadd.s32 s4, s0;
	s1 =	ssub.s32 $0x2, s1  }
0x9: {  	s4 =	sadd.s32 $0x97A00, s0;
	s3 =	sshll.u32 s30, $0x5;
	[smem:$0x7FF] =	sst s2  }
0xa: {  	s7 =	sshrl.u32 s1, $0x1;
	s8 =	sadd.s32 $0x91600, s9;
	s3 =	sor.u32 s5, s3  }
0xb: {  	_ =	strace $0x8000004D;
	s5 =	sadd.s32 $0x95A00, s0;
	s31 =	ssub.s32 s1, s7  }
0xc: {  	s7 =	sadd.s32 $0x91400, s9;
	s9 =	sadd.s32 $0x91800, s9;
	s11 =	sshrl.u32 s3, $0x3  }
0xd: {  	v0 =	vlaneseq.u32;
	v1 =	vimm.s32 $0x0;
	vm0 =	vmmov $0x1;
	s14 =	smax.u32 s31, $0x1;
	s13 =	sadd.s32 s11, s0;
	s10 =	sadd.s32 s10, s11  }
0xe: {  	v2 =	vor.u32 $0x10, v0;
	v3 =	vor.u32 $0x20, v0;
	v4 =	vor.u32 $0x30, v0;
	s11 =	sadd.s32 $0x90E00, s13;
	s12 =	sadd.s32 $0x91000, s13;
	s13 =	sadd.s32 $0x91200, s13  }
.LBB2_1:
0xf: {  	[tilespmem:s2], [sflag:$0x1] =	stream.linear.gather [hbm4b:s7+s2], $0x200, $0x38;
	[tilespmem:$0xB80] =	vst v63  }
0x10: {  	_ =	swait.ge [sflag:s15], $0x200  }
0x11: {  	[sflag:s15] =	ssyncset.done $0x0  }
0x12: {  	s0 =	simm.s32 $0x200;
	[sflag:s15] =	ssyncadd.s32 $0xFFFFFE00  }
0x13: {  	[tilespmem:s0], [sflag:$0x1] =	stream.linear.gather [hbm4b:s8+s2], $0x200, $0x38;
	[tilespmem:$0xB80] =	vst v63  }
0x14: {  	_ =	swait.ge [sflag:s15], $0x200  }
0x15: {  	[sflag:s15] =	ssyncset.done $0x0  }
0x16: {  	s28 =	simm.s32 $0x400;
	[sflag:s15] =	ssyncadd.s32 $0xFFFFFE00  }
0x17: {  	[tilespmem:s28], [sflag:$0x1] =	stream.linear.gather [hbm4b:s9+s2], $0x200, $0x38;
	[tilespmem:$0xB80] =	vst v63  }
0x18: {  	_ =	swait.ge [sflag:s15], $0x200  }
0x19: {  	[sflag:s15] =	ssyncset.done $0x0  }
0x1a: {  	s29 =	simm.s32 $0x800;
	[sflag:s15] =	ssyncadd.s32 $0xFFFFFE00  }
0x1b: {  	[tilespmem:s29], [sflag:$0x1] =	stream.linear.gather [hbm4b:s10+s2], $0x20, $0x38;
	[tilespmem:$0xB80] =	vst v63  }
0x1c: {  	_ =	swait.ge [sflag:s15], $0x20  }
0x1d: {  	[sflag:s15] =	ssyncset.done $0x0  }
0x1e: {  	s30 =	simm.s32 $0x880;
	[sflag:s15] =	ssyncadd.s32 $0xFFFFFFE0  }
0x1f: {  	[tilespmem:s30], [sflag:$0x1] =	stream.linear.gather [hbm4b:s11+s2], $0x20, $0x38;
	[tilespmem:$0xB80] =	vst v63  }
0x20: {  	_ =	swait.ge [sflag:s15], $0x20  }
0x21: {  	[sflag:s15] =	ssyncset.done $0x0  }
0x22: {  	s31 =	simm.s32 $0x900;
	[sflag:s15] =	ssyncadd.s32 $0xFFFFFFE0  }
0x23: {  	[tilespmem:s31], [sflag:$0x1] =	stream.linear.gather [hbm4b:s12+s2], $0x20, $0x38;
	[tilespmem:$0xB80] =	vst v63  }
0x24: {  	_ =	swait.ge [sflag:s15], $0x20  }
0x25: {  	[sflag:s15] =	ssyncset.done $0x0  }
0x26: {  	[sflag:s15] =	ssyncadd.s32 $0xFFFFFFE0  }
0x27: {  	[tilespmem:s21], [sflag:$0x1] =	stream.linear.gather [hbm4b:s13+s2], $0x20, $0x38;
	[tilespmem:$0xB80] =	vst v63  }
0x28: {  	_ =	swait.ge [sflag:s15], $0x20  }
0x29: {  	[sflag:s15] =	ssyncset.done $0x0  }
0x2a: {  	s0 =	simm.s32 $0x0;
	[sflag:s15] =	ssyncadd.s32 $0xFFFFFFE0  }
0x2b: {  	v5 =	vld [tilespmem:s0+$0x0]  }
0x2c: {  	v6 =	vld [tilespmem:s0+$0x200]  }
0x2d: {  	v7 =	vld [tilespmem:s0+$0x400];
	_ =	sdelay $0x2  }
0x2e: {  	s1 =	simm.s32 $0x10  }
0x2f: {  	v8 =	vmul.f32 v5, v5;
	v6 =	vmul.f32 v6, v6;
	v5 =	vld [tilespmem:s1+$0x0]  }
0x30: {  	v9 =	vmul.f32 v7, v7;
	v7 =	vld [tilespmem:s1+$0x200]  }
0x31: {  	v8 =	vadd.f32 v6, v8  }
0x32: {  	v6 =	vld [tilespmem:s1+$0x400]  }
0x33: {  	s16 =	simm.s32 $0x80;
	v8 =	vadd.f32 v9, v8  }
.LBB2_2:
0x34: {  	s17 =	sshra.s32 s16, $0x2;
	p0 =	sne.s32 s16, $0x7C0  }
.Ltmp0:
0x35: {  	s16 =	sadd.s32 $0x40, s16;
	v9 =	vmul.f32 v5, v5;
	v5 =	vld [tilespmem:s17+$0x0];
	v10 =	vmul.f32 v7, v7;
	[tilespmem:s0+$0x600] =	vst v8;
	(pc) =	sbr.rel @p0 .LBB2_2-.Ltmp0, $4  }
0x36: {  	s0 =	smov.u32 s1;
	s1 =	smov.u32 s17;
	v7 =	vld [tilespmem:s17+$0x200]  }
0x37: {  	v8 =	vadd.f32 v10, v9;
	v9 =	vmul.f32 v6, v6  }
0x38: {  	v6 =	vld [tilespmem:s1+$0x400]  }
0x39: {  	v8 =	vadd.f32 v9, v8  }
0x3a: {  	_ = 	snop  }
0x3b: {  	v5 =	vmul.f32 v5, v5;
	v7 =	vmul.f32 v7, v7;
	_ =	sdelay $0x1  }
0x3c: {  	v5 =	vadd.f32 v7, v5;
	v6 =	vmul.f32 v6, v6;
	_ =	sdelay $0x1  }
0x3d: {  	v5 =	vadd.f32 v6, v5  }
0x3e: {  	[tilespmem:s0+$0x600] =	vst v8  }
0x3f: {  	s28 =	simm.s32 $0x0;
	[tilespmem:s1+$0x600] =	vst v5  }
.LBB2_4:
0x40: {  	s0 =	sand.u32 $0x10, s28  }
0x41: {  	v5 =	vld [tilespmem:s0+$0x800]  }
0x42: {  	v6 =	vld [tilespmem:s0+$0x880]  }
0x43: {  	s1 =	sand.u32 $0xF, s28  }
0x44: {  	v7 =	vld [tilespmem:s0+$0x900];
	v8 =	vmov s1  }
0x45: {  	vm1 =	veq.s32 v8, v0  }
0x46: {  	v5 =	vnsel vm1, $0x0, v5  }
0x47: {  	(xrf2) =	vadd.scan.msk.f32 $0xffff, v5;
	v5 =	vnsel vm1, $0x0, v6  }
0x48: {  	v6 =	vld [tilespmem:s0+$0x980];
	(xrf2) =	vadd.scan.msk.f32 $0xffff, v5  }
0x49: {  	v5 =	vnsel vm1, $0x0, v7  }
0x4a: {  	(xrf2) =	vadd.scan.msk.f32 $0xffff, v5;
	_ =	sdelay $0x2  }
0x4b: {  	v5 =	vnsel vm1, $0x0, v6  }
0x4c: {  	(xrf2) =	vadd.scan.msk.f32 $0xffff, v5  }
0x4d: {  	s30 =	simm.s32 $0x200;
	v8 =	vld [tilespmem:s26+$0x0]  }
0x4e: {  	v9 =	vld [tilespmem:s30+$0x0]  }
0x4f: {  	s31 =	simm.s32 $0x400;
	v5, _, _ =	vpop (xrf2)  }
0x50: {  	v10 =	vld [tilespmem:s31+$0x0];
	v7, _, _ =	vpop (xrf2);
	v6 =	vbroadcast v5, $0xF  }
0x51: {  	v7 =	vbroadcast v7, $0xF  }
0x52: {  	v11, _, _ =	vpop (xrf2);
	v8 =	vmul.f32 v8, v6  }
0x53: {  	s1 =	simm.s32 $0x600;
	v5 =	vbroadcast v11, $0xF;
	v9 =	vmul.f32 v9, v7  }
0x54: {  	v11 =	vld [tilespmem:s1+$0x0]  }
0x55: {  	v10 =	vmul.f32 v10, v5;
	v9 =	vadd.f32 v9, v8  }
0x56: {  	v8, _, _ =	vpop (xrf2)  }
0x57: {  	v8 =	vbroadcast v8, $0xF;
	v9 =	vadd.f32 v10, v9;
	_ =	sdelay $0x1  }
0x58: {  	v10 =	vadd.f32 v11, v8;
	v9 =	vadd.f32 v9, v9;
	_ =	sdelay $0x1  }
0x59: {  	v9 =	vsub.f32 v10, v9;
	_ =	sdelay $0x1  }
0x5a: {  	vm1 =	vle.f32 v9, $3.999999910e-02  }
0x5b: {  	vm3 =	vle.f32 v9, $1.599999960e-01;
	v10 =	vsel vm1, $0x1, v1  }
0x5c: {  	vm4 =	vle.f32 v9, $6.399999860e-01;
	v11 =	vsel vm3, $0x1, v1;
	(xrf0) =	vadd.scan.msk.s32 $0xffff, v10  }
0x5d: {  	v9 =	vsel vm4, $0x1, v1;
	(xrf0) =	vadd.scan.msk.s32 $0xffff, v11  }
0x5e: {  	(xrf0) =	vadd.scan.msk.s32 $0xffff, v9;
	_ =	sdelay $0x1  }
0x5f: {  	v9 =	vmov s26  }
0x60: {  	v9 =	vadd.s32 $0xFFFFFFFF, v9  }
0x61: {  	v9 =	vbroadcast v9, $0x0;
	v10, _, _ =	vpop (xrf0)  }
0x62: {  	(v2sf) =	vpush v10, $0xF;
	v11, _, _ =	vpop (xrf0)  }
0x63: {  	v10 =	vadd.s32 v10, v9;
	v12 =	vadd.s32 v11, v9;
	(v2sf) =	vpush v11, $0xF;
	v13, _, _ =	vpop (xrf0)  }
0x64: {  	vm2 =	vlt.s32 v10, $0x20;
	vm5 =	vgt.s32 v10, $0x0;
	v11 =	vadd.s32 v13, v9  }
0x65: {  	vm2 =	vmand vm1, vm2;
	vm1 =	vlt.s32 v12, $0x40;
	vm6 =	vgt.s32 v12, $0x0  }
0x66: {  	v9 =	vnsel vm5, $0x0, v10;
	vm3 =	vmand vm3, vm1;
	vm1 =	vlt.s32 v11, $0x80  }
0x67: {  	v10 =	vnsel vm6, $0x0, v12;
	vm1 =	vmand vm4, vm1;
	vm4 =	vgt.s32 v11, $0x0  }
0x68: {  	(v2sf) =	vpush v13, $0xF;
	v11 =	vnsel vm4, $0x0, v11  }
0x69: {  	s29 =	simm.s32 $0x10;
	s19 =	simm.s32 $0x20;
	s18 =	simm.s32 $0x0  }
0x6a: {  	s16 =	simm.s32 $0x0;
	s17 =	simm.s32 $0x0;
	s0 =	simm.s32 $0x0;
	v12 =	vor.u32 s26, v0  }
.LBB2_5:
0x6b: {  	p0 =	sne.s32 s19, $0x1F0;
	[tilespmem:v9+s22+$0x0] =	vst.idx.msk vm2, v12  }
0x6c: {  	[tilespmem:v10+s23+$0x0] =	vst.idx.msk vm3, v12  }
0x6d: {  	s18 =	sadd.s32 $0x10, s18;
	[tilespmem:v11+s24+$0x0] =	vst.idx.msk vm1, v12  }
0x6e: {  	s30 =	sadd.s32 $0x10, s30;
	v9 =	vld [tilespmem:s18+$0x0]  }
0x6f: {  	s31 =	sadd.s32 $0x10, s31;
	v10 =	vld [tilespmem:s30+$0x0]  }
0x70: {  	s1 =	sadd.s32 $0x10, s1;
	v11 =	vld [tilespmem:s31+$0x0]  }
0x71: {  	v12 =	vld [tilespmem:s1+$0x0];
	s20 =	spop (v2sf)  }
0x72: {  	s16 =	sadd.s32 s16, s20;
	s20 =	spop (v2sf)  }
0x73: {  	s17 =	sadd.s32 s17, s20  }
0x74: {  	v9 =	vmul.f32 v9, v6;
	v10 =	vmul.f32 v10, v7;
	_ =	sdelay $0x1  }
0x75: {  	v9 =	vadd.f32 v10, v9;
	v10 =	vmul.f32 v11, v5  }
0x76: {  	s20 =	spop (v2sf)  }
0x77: {  	v9 =	vadd.f32 v10, v9;
	s0 =	sadd.s32 s0, s20;
	_ =	sdelay $0x1  }
0x78: {  	v10 =	vadd.f32 v12, v8;
	v9 =	vadd.f32 v9, v9;
	_ =	sdelay $0x1  }
0x79: {  	v9 =	vsub.f32 v10, v9;
	_ =	sdelay $0x1  }
0x7a: {  	vm2 =	vle.f32 v9, $3.999999910e-02  }
0x7b: {  	vm3 =	vle.f32 v9, $1.599999960e-01;
	v10 =	vsel vm2, $0x1, v1  }
0x7c: {  	vm1 =	vle.f32 v9, $6.399999860e-01;
	v11 =	vsel vm3, $0x1, v1;
	(xrf0) =	vadd.scan.msk.s32 $0xffff, v10  }
0x7d: {  	v9 =	vsel vm1, $0x1, v1;
	(xrf0) =	vadd.scan.msk.s32 $0xffff, v11  }
0x7e: {  	(xrf0) =	vadd.scan.msk.s32 $0xffff, v9;
	_ =	sdelay $0x1  }
0x7f: {  	v10 =	vmov s17;
	v9 =	vmov s16  }
0x80: {  	v10 =	vadd.s32 $0xFFFFFFFF, v10;
	v11 =	vmov s0;
	v9 =	vadd.s32 $0xFFFFFFFF, v9  }
0x81: {  	v10 =	vbroadcast v10, $0x0;
	v11 =	vadd.s32 $0xFFFFFFFF, v11;
	v9 =	vbroadcast v9, $0x0;
	v12, _, _ =	vpop (xrf0)  }
0x82: {  	v11 =	vbroadcast v11, $0x0;
	(v2sf) =	vpush v12, $0xF;
	v13, _, _ =	vpop (xrf0)  }
0x83: {  	v9 =	vadd.s32 v12, v9;
	v10 =	vadd.s32 v13, v10;
	(v2sf) =	vpush v13, $0xF;
	v12, _, _ =	vpop (xrf0)  }
0x84: {  	vm4 =	vlt.s32 v9, $0x20;
	vm5 =	vgt.s32 v9, $0x0;
	v11 =	vadd.s32 v12, v11  }
0x85: {  	vm2 =	vmand vm2, vm4;
	vm4 =	vlt.s32 v10, $0x40;
	vm6 =	vgt.s32 v10, $0x0  }
.Ltmp1:
0x86: {  	v9 =	vnsel vm5, $0x0, v9;
	vm3 =	vmand vm3, vm4;
	vm4 =	vlt.s32 v11, $0x80;
	(pc) =	sbr.rel @p0 .LBB2_5-.Ltmp1, $3  }
0x87: {  	v10 =	vnsel vm6, $0x0, v10;
	vm1 =	vmand vm1, vm4;
	vm4 =	vgt.s32 v11, $0x0  }
0x88: {  	v11 =	vnsel vm4, $0x0, v11;
	(v2sf) =	vpush v12, $0xF;
	_ =	sdelay $0x1  }
0x89: {  	v12 =	vor.u32 s29, v0;
	s29 =	smov.u32 s19;
	s19 =	sadd.s32 $0x10, s19  }
0x8a: {  	_ =	sdelay $0x4  }
0x8b: {  	[tilespmem:v9+s22+$0x0] =	vst.idx.msk vm2, v12  }
0x8c: {  	[tilespmem:v10+s23+$0x0] =	vst.idx.msk vm3, v12  }
0x8d: {  	s18 =	sadd.s32 $0x10, s18;
	[tilespmem:v11+s24+$0x0] =	vst.idx.msk vm1, v12  }
0x8e: {  	s30 =	sadd.s32 $0x10, s30;
	v9 =	vld [tilespmem:s18+$0x0]  }
0x8f: {  	v10 =	vld [tilespmem:s30+$0x0]  }
0x90: {  	s19 =	sadd.s32 $0x10, s31  }
0x91: {  	v11 =	vld [tilespmem:s19+$0x0];
	_ =	sdelay $0x2  }
0x92: {  	s1 =	sadd.s32 $0x10, s1;
	v6 =	vmul.f32 v9, v6;
	v7 =	vmul.f32 v10, v7  }
0x93: {  	v59 =	vld [tilespmem:s1+$0x0]  }
0x94: {  	v5 =	vmul.f32 v11, v5;
	v6 =	vadd.f32 v7, v6;
	_ =	sdelay $0x1  }
0x95: {  	v5 =	vadd.f32 v5, v6;
	_ =	sdelay $0x1  }
0x96: {  	v6 =	vadd.f32 v59, v8;
	v5 =	vadd.f32 v5, v5;
	_ =	sdelay $0x1  }
0x97: {  	v5 =	vsub.f32 v6, v5;
	_ =	sdelay $0x1  }
0x98: {  	vm3 =	vle.f32 v5, $3.999999910e-02  }
0x99: {  	vm2 =	vle.f32 v5, $1.599999960e-01;
	v6 =	vsel vm3, $0x1, v1  }
0x9a: {  	vm1 =	vle.f32 v5, $6.399999860e-01;
	v7 =	vsel vm2, $0x1, v1;
	(xrf0) =	vadd.scan.msk.s32 $0xffff, v6  }
0x9b: {  	s20 =	spop (v2sf);
	v5 =	vsel vm1, $0x1, v1;
	(xrf0) =	vadd.scan.msk.s32 $0xffff, v7  }
0x9c: {  	s30 =	spop (v2sf);
	(xrf0) =	vadd.scan.msk.s32 $0xffff, v5  }
0x9d: {  	s1 =	sadd.s32 s16, s20;
	s31 =	sadd.s32 s17, s30;
	s18 =	spop (v2sf)  }
0x9e: {  	s0 =	sadd.s32 s0, s18;
	v6 =	vmov s31;
	v5 =	vmov s1  }
0x9f: {  	v6 =	vadd.s32 $0xFFFFFFFF, v6;
	v7 =	vmov s0;
	v5 =	vadd.s32 $0xFFFFFFFF, v5  }
0xa0: {  	v6 =	vbroadcast v6, $0x0;
	v7 =	vadd.s32 $0xFFFFFFFF, v7;
	v5 =	vbroadcast v5, $0x0;
	v8, _, _ =	vpop (xrf0)  }
0xa1: {  	v7 =	vbroadcast v7, $0x0;
	v60, _, _ =	vpop (xrf0)  }
0xa2: {  	v5 =	vadd.s32 v8, v5;
	v6 =	vadd.s32 v60, v6;
	v61, _, _ =	vpop (xrf0)  }
0xa3: {  	vm4 =	vlt.s32 v5, $0x20;
	vm5 =	vgt.s32 v5, $0x0;
	v7 =	vadd.s32 v61, v7  }
0xa4: {  	vm3 =	vmand vm3, vm4;
	vm12 =	vlt.s32 v6, $0x40;
	v5 =	vnsel vm5, $0x0, v5  }
0xa5: {  	vm13 =	vgt.s32 v6, $0x0;
	vm2 =	vmand vm2, vm12;
	vm14 =	vlt.s32 v7, $0x80  }
0xa6: {  	v6 =	vnsel vm13, $0x0, v6;
	vm15 =	vgt.s32 v7, $0x0;
	vm1 =	vmand vm1, vm14  }
0xa7: {  	v7 =	vnsel vm15, $0x0, v7;
	_ =	sdelay $0x1  }
0xa8: {  	(v2sf) =	vpush v8, $0xF;
	v8 =	vor.u32 s29, v0  }
0xa9: {  	[tilespmem:v5+s22+$0x0] =	vst.idx.msk vm3, v8  }
0xaa: {  	[tilespmem:v6+s23+$0x0] =	vst.idx.msk vm2, v8  }
0xab: {  	[tilespmem:v7+s24+$0x0] =	vst.idx.msk vm1, v8  }
0xac: {  	v5 =	vld [tilespmem:$0xA00]  }
0xad: {  	(v2sf) =	vpush v60, $0xF  }
0xae: {  	(v2sf) =	vpush v61, $0xF;
	_ =	sdelay $0x2  }
0xaf: {  	v6 =	vnsel vm0, $0x0, v5  }
0xb0: {  	(xrf0) =	vadd.scan.msk.s32 $0xffff, v6;
	_ =	sdelay $0x4  }
0xb1: {  	s19 =	spop (v2sf);
	v6 =	vld [tilespmem:$0xA10]  }
0xb2: {  	s1 =	sadd.s32 s1, s19;
	v7, _, _ =	vpop (xrf0)  }
0xb3: {  	v8 =	vmov s1;
	v7 =	vbroadcast v7, $0xF  }
0xb4: {  	s1 =	sor.u32 s28, s3;
	vm1 =	vgt.s32 v8, v0  }
0xb5: {  	s20 =	sshll.u32 s1, $0x2;
	v5 =	vsel vm1, v5, v7;
	vm1 =	vgt.s32 v8, v2  }
0xb6: {  	s29 =	spop (v2sf);
	s17 =	sand.u32 $0x1FFFFFFC, s20;
	[tilespmem:$0xA00] =	vst v5;
	v5 =	vsel vm1, v6, v7  }
0xb7: {  	s19 =	spop (v2sf);
	s20 =	sadd.s32 s4, s17;
	s17 =	simm.s32 $0x0;
	[tilespmem:$0xA10] =	vst v5  }
0xb8: {  	[hbm4b:s20+s17] =	stream.linear.scatter [tilespmem:s22], [sflag:$0x1], $0x20, $0x38;
	[tilespmem:$0xB80] =	vst v63  }
0xb9: {  	_ =	swait.ge [sflag:s15], $0x20  }
0xba: {  	[sflag:s15] =	ssyncset.done $0x0  }
0xbb: {  	[sflag:s15] =	ssyncadd.s32 $0xFFFFFFE0  }
0xbc: {  	v5 =	vld [tilespmem:$0xA80];
	_ =	sdelay $0x4  }
0xbd: {  	v6 =	vnsel vm0, $0x0, v5  }
0xbe: {  	(xrf0) =	vadd.scan.msk.s32 $0xffff, v6;
	_ =	sdelay $0x4  }
0xbf: {  	v6 =	vld [tilespmem:$0xA90]  }
0xc0: {  	s16 =	sadd.s32 s31, s29;
	v8 =	vld [tilespmem:$0xAA0];
	v7, _, _ =	vpop (xrf0)  }
0xc1: {  	v62 =	vmov s16;
	v63 =	vld [tilespmem:$0xAB0];
	v7 =	vbroadcast v7, $0xF  }
0xc2: {  	vm1 =	vgt.s32 v62, v0  }
0xc3: {  	v5 =	vsel vm1, v5, v7;
	vm1 =	vgt.s32 v62, v2  }
0xc4: {  	[tilespmem:$0xA80] =	vst v5;
	v5 =	vsel vm1, v6, v7;
	vm1 =	vgt.s32 v62, v3  }
0xc5: {  	s30 =	sshll.u32 s1, $0x3;
	[tilespmem:$0xA90] =	vst v5;
	v5 =	vsel vm1, v8, v7;
	vm1 =	vgt.s32 v62, v4  }
0xc6: {  	s16 =	sand.u32 $0x1FFFFFF8, s30;
	[tilespmem:$0xAA0] =	vst v5;
	v5 =	vsel vm1, v63, v7  }
0xc7: {  	s16 =	sadd.s32 s5, s16;
	[tilespmem:$0xAB0] =	vst v5  }
0xc8: {  	[hbm4b:s16+s17] =	stream.linear.scatter [tilespmem:s23], [sflag:$0x1], $0x40, $0x38;
	[tilespmem:$0xB80] =	vst v63  }
0xc9: {  	_ =	swait.ge [sflag:s15], $0x40  }
0xca: {  	[sflag:s15] =	ssyncset.done $0x0  }
0xcb: {  	[sflag:s15] =	ssyncadd.s32 $0xFFFFFFC0  }
0xcc: {  	v5 =	vld [tilespmem:$0xB00];
	_ =	sdelay $0x4  }
0xcd: {  	v5 =	vnsel vm0, $0x0, v5  }
0xce: {  	(xrf0) =	vadd.scan.msk.s32 $0xffff, v5;
	_ =	sdelay $0x5  }
0xcf: {  	s31 =	sadd.s32 s0, s19;
	s0 =	simm.s32 $0xB00;
	v5, _, _ =	vpop (xrf0)  }
0xd0: {  	v6 =	vmov s31;
	s16 =	simm.s32 $0x10;
	v7 =	vld [tilespmem:s0+$0x0];
	v5 =	vbroadcast v5, $0xF  }
.LBB2_7:
0xd1: {  	p0 =	sne.s32 s16, $0x70;
	_ =	sdelay $0x1  }
.Ltmp2:
0xd2: {  	v8 =	vor.u32 s17, v0;
	s17 =	smov.u32 s16;
	(pc) =	sbr.rel @p0 .LBB2_7-.Ltmp2, $4  }
0xd3: {  	vm1 =	vlt.s32 v8, v6  }
0xd4: {  	v7 =	vsel vm1, v7, v5  }
0xd5: {  	[tilespmem:s0+$0x0] =	vst v7;
	s0 =	sadd.s32 $0x10, s0  }
0xd6: {  	s16 =	sadd.s32 $0x10, s16;
	v7 =	vld [tilespmem:s0+$0x0]  }
0xd7: {  	_ =	sdelay $0x1  }
0xd8: {  	v8 =	vor.u32 s17, v0  }
0xd9: {  	s1 =	sshll.u32 s1, $0x4;
	s28 =	sadd.s32 $0x1, s28;
	vm1 =	vlt.s32 v8, v6  }
0xda: {  	s1 =	sand.u32 $0x1FFFFFF0, s1;
	p0 =	sne.s32 s28, $0x20;
	v5 =	vsel vm1, v7, v5  }
.Ltmp3:
0xdb: {  	s31 =	sadd.s32 s6, s1;
	[tilespmem:s0+$0x0] =	vst v5;
	(pc) =	sbr.rel @p0 .LBB2_4-.Ltmp3, $4  }
0xdc: {  	[hbm4b:s31+s2] =	stream.linear.scatter [tilespmem:s24], [sflag:$0x1], $0x80, $0x38;
	[tilespmem:$0xB80] =	vst v63  }
0xdd: {  	_ =	swait.ge [sflag:s15], $0x80  }
0xde: {  	[sflag:s15] =	ssyncset.done $0x0  }
0xdf: {  	[sflag:s15] =	ssyncadd.s32 $0xFFFFFF80  }
0xe0: {  	s25 =	sadd.s32 $0x1, s25  }
0xe1: {  	p0 =	sne.s32 s25, s14  }
.Ltmp4:
0xe2: {  	_ = 	snop;
	(pc) =	sbr.rel @p0 .LBB2_1-.Ltmp4, $1  }
0xe3: {  	_ =	sdelay $0x3  }
0xe4: {  	_ =	sfence.sel $0x180000  }
0xe5: {  	[bflag:$0x0] =	sbarrier.arrive $0xFFFF  }
0xe6: {  	_ =	strace $0x9000004D  }
0xe7: {  	s0 =	stileid.u32;
	[bflag:$0x2] =	sbarrier.arrive $0xFFFF  }
0xe8: {  	p0 =	sne.s32 s0, $0x0;
	s0 =	rddreg [dreg:$0x2]  }
0xe9: {  	s0 =	sadd.s32 @!p0 $0x100000, s0  }
0xea: {  	[sflag:s0] =	ssyncadd.tile.s32 @!p0 $0x1;
	_ =	shalt  }
.Lfunc_end2:
_tile_overlayer_lowered:
.L_overlay_start_2:
0xeb: {  	(tag) =	ssettag $0x2  }
0xec: {  	s0 =	rddreg [dreg:$0x0];
	s2 =	stileid.u32  }
0xed: {  	s1 =	rddreg [dreg:$0x1];
	p0 =	sne.s32 s2, $0x0  }
0xee: {  	s3 =	rddreg [dreg:$0x2];
	[bflag:$0x3] =	sbarrier.arrive $0xFFFF;
	s2 =	simm.s32 @!p0 $0x1C01  }
0xef: {  	[timem:s3], [sflag:s2] =	dma.local @!p0 [hbm:s0], s1  }
0xf0: {  	s0 =	simm.s32 @!p0 $0x1  }
0xf1: {  	_ =	swait.ge @!p0 [sflag:s0], s1  }
0xf2: {  	s1 =	ssub.s32 @!p0 $0x0, s1;
	[sflag:s0] =	ssyncset.done @!p0 $0x0  }
0xf3: {  	[sflag:s0] =	ssyncadd.s32 @!p0 s1  }
0xf4: {  	[bflag:$0x3] =	sbarrier.arrive $0xFFFF  }
0xf5: {  	_ =	shalt  }

</sc_bundles>
